<compile_context>
chip_gen: v7x
topology: tpu7x:2x2x1
jax: 0.10.2.dev20260603
libtpu: 0.0.44.dev20260713+nightly
codegen_flags: <defaults>
</compile_context>

<pallas_src>
import functools

import jax
import jax.numpy as jnp
from jax import lax
from jax.experimental import pallas as pl
from jax.experimental.pallas import tpu as pltpu
from jax.experimental.pallas import tpu_sc as plsc

N = 10000
E = 320000
D_IN = 128
D_H = 256

NC = 2
NS = 16
NW = NC * NS

N_PAD = 10240
ROWS_PER_TILE = N_PAD // NS

CHUNK = 32
NB = 8
KMAX = 320
E_PAD = KMAX * NW * CHUNK


def _sc_mesh():
  return plsc.VectorSubcoreMesh(
      core_axis_name="c", subcore_axis_name="s",
      num_cores=NC, num_subcores=NS)


def _edge_pipeline(nworkers, wid, table_at, src_h, dst_h, acc_sh, deg_sh,
                   src_v, dst_v, rows_v, ones_v, sem_i, sem_g, sem_s,
                   with_deg):
  nchunks = E_PAD // (nworkers * CHUNK)

  def idx_start(j, p, s):
    off = ((j * NB + s) * nworkers + wid) * CHUNK
    pltpu.async_copy(src_h.at[pl.ds(off, CHUNK)], src_v.at[p, s], sem_i[s])
    pltpu.async_copy(dst_h.at[pl.ds(off, CHUNK)], dst_v.at[p, s], sem_i[s])

  def idx_wait(p, s):
    pltpu.make_async_copy(
        src_h.at[pl.ds(0, CHUNK)], src_v.at[p, s], sem_i[s]).wait()
    pltpu.make_async_copy(
        dst_h.at[pl.ds(0, CHUNK)], dst_v.at[p, s], sem_i[s]).wait()

  def gath_start(p, s):
    pltpu.async_copy(table_at(src_v.at[p, s]), rows_v.at[s], sem_g[s])

  def gath_wait(p, s):
    pltpu.make_async_copy(
        table_at(src_v.at[p, s]), rows_v.at[s], sem_g[s]).wait()

  def scat_start(p, s):
    pltpu.async_copy(rows_v.at[s], acc_sh.at[dst_v.at[p, s]], sem_s[s],
                     add=True)
    if with_deg:
      pltpu.async_copy(ones_v, deg_sh.at[dst_v.at[p, s]], sem_s[s],
                       add=True)

  def scat_wait(p, s):
    pltpu.make_async_copy(
        rows_v.at[s], acc_sh.at[dst_v.at[p, s]], sem_s[s]).wait()
    if with_deg:
      pltpu.make_async_copy(
          ones_v, deg_sh.at[dst_v.at[p, s]], sem_s[s]).wait()

  nj = nchunks // NB
  assert nj % 2 == 0
  for s in range(NB):
    idx_start(0, 0, s)
  for s in range(NB):
    idx_wait(0, s)
    gath_start(0, s)

  def block(j, p):
    for s in range(NB):
      gath_wait(p, s)
      scat_start(p, s)

      @pl.when(j + 1 < nj)
      def _():
        idx_start(j + 1, 1 - p, s)
    for s in range(NB):

      @pl.when(j + 1 < nj)
      def _():
        scat_wait(p, s)
        idx_wait(1 - p, s)
        gath_start(1 - p, s)

  def step(i, _):
    block(2 * i, 0)
    block(2 * i + 1, 1)
    return None

  lax.fori_loop(0, nj // 2, step, None)
  for s in range(NB):
    scat_wait(1, s)


def _sc_scratch():
  return [
      pltpu.VMEM((2, NB, CHUNK), jnp.int32),
      pltpu.VMEM((2, NB, CHUNK), jnp.int32),
      pltpu.VMEM((NB, CHUNK, D_IN), jnp.float32),
      pltpu.VMEM((CHUNK,), jnp.float32),
      pltpu.VMEM_SHARED((N_PAD, D_IN), jnp.float32),
      pltpu.VMEM_SHARED((N_PAD,), jnp.float32),
      [pltpu.SemaphoreType.DMA] * NB,
      [pltpu.SemaphoreType.DMA] * NB,
      [pltpu.SemaphoreType.DMA] * NB,
  ]


@jax.jit
def _sc_agg_layer1(table, src, dst, zrows, zvec):
  out_type = [
      jax.ShapeDtypeStruct((NC, N_PAD, D_IN), jnp.float32),
      jax.ShapeDtypeStruct((NC, N_PAD), jnp.float32),
  ]

  def body(table_h, src_h, dst_h, zrows_h, zvec_h, acc_out, deg_out,
           src_v, dst_v, rows_v, ones_v, acc_sh, deg_sh,
           sem_i, sem_g, sem_s):
    cid = lax.axis_index("c")
    sid = lax.axis_index("s")
    row0 = sid * ROWS_PER_TILE
    pltpu.sync_copy(zrows_h, acc_sh.at[pl.ds(row0, ROWS_PER_TILE)])
    pltpu.sync_copy(zvec_h, deg_sh.at[pl.ds(row0, ROWS_PER_TILE)])
    for i in range(CHUNK // 16):
      ones_v[pl.ds(i * 16, 16)] = jnp.full((16,), 1.0, jnp.float32)
    plsc.subcore_barrier()

    _edge_pipeline(NW, sid * NC + cid, lambda idx: table_h.at[idx],
                   src_h, dst_h, acc_sh, deg_sh,
                   src_v, dst_v, rows_v, ones_v, sem_i, sem_g, sem_s,
                   with_deg=True)
    plsc.subcore_barrier()

    pltpu.sync_copy(acc_sh.at[pl.ds(row0, ROWS_PER_TILE)],
                    acc_out.at[cid, pl.ds(row0, ROWS_PER_TILE)])
    pltpu.sync_copy(deg_sh.at[pl.ds(row0, ROWS_PER_TILE)],
                    deg_out.at[cid, pl.ds(row0, ROWS_PER_TILE)])

  fn = pl.kernel(body, out_type=out_type, mesh=_sc_mesh(),
                 scratch_types=_sc_scratch())
  return fn(table, src, dst, zrows, zvec)


@jax.jit
def _sc_agg_layer2(h1, src, dst, zrows):
  out_type = [jax.ShapeDtypeStruct((NC, N_PAD, D_IN), jnp.float32)]

  def body(h1_h, src_h, dst_h, zrows_h, y_out,
           src_v, dst_v, rows_v, ones_v, acc_sh, deg_sh,
           sem_i, sem_g, sem_s):
    cid = lax.axis_index("c")
    sid = lax.axis_index("s")
    row0 = sid * ROWS_PER_TILE
    pltpu.sync_copy(zrows_h, acc_sh.at[pl.ds(row0, ROWS_PER_TILE)])
    plsc.subcore_barrier()

    _edge_pipeline(NS, sid, lambda idx: h1_h.at[cid].at[idx],
                   src_h, dst_h, acc_sh, deg_sh,
                   src_v, dst_v, rows_v, ones_v, sem_i, sem_g, sem_s,
                   with_deg=False)
    plsc.subcore_barrier()

    pltpu.sync_copy(acc_sh.at[pl.ds(row0, ROWS_PER_TILE)],
                    y_out.at[cid, pl.ds(row0, ROWS_PER_TILE)])

  fn = pl.kernel(body, out_type=out_type, mesh=_sc_mesh(),
                 scratch_types=_sc_scratch())
  return fn(h1, src, dst, zrows)[0]



RBLK = 2000
NBLKS = N // RBLK


def _tc1_body(acc, x, deg3, w0, b0, h1):
  deg = deg3[0] + deg3[1] + 1.0
  agg = (acc[0] + acc[1] + x[...]) / deg
  h1[0] = jnp.maximum(
      jnp.dot(agg, w0[0], preferred_element_type=jnp.float32) + b0[0], 0.0)
  h1[1] = jnp.maximum(
      jnp.dot(agg, w0[1], preferred_element_type=jnp.float32) + b0[1], 0.0)


@jax.jit
def _tc_layer1(acc0, x, deg3, w0s, b0s):
  return pl.pallas_call(
      _tc1_body,
      grid=(NBLKS,),
      in_specs=[pl.BlockSpec((NC, RBLK, D_IN), lambda i: (0, i, 0)),
                pl.BlockSpec((RBLK, D_IN), lambda i: (i, 0)),
                pl.BlockSpec((NC, RBLK, 1), lambda i: (0, i, 0)),
                pl.BlockSpec((NC, D_IN, D_IN), lambda i: (0, 0, 0)),
                pl.BlockSpec((NC, 1, D_IN), lambda i: (0, 0, 0))],
      out_specs=[pl.BlockSpec((NC, RBLK, D_IN), lambda i: (0, i, 0))],
      out_shape=[jax.ShapeDtypeStruct((NC, N_PAD, D_IN), jnp.float32)],
  )(acc0, x, deg3, w0s, b0s)[0]


def _tc2_body(y, h1, deg3, orig, al,
              w1, b1, wa1, ba1, wa2, ba2, out):
  deg = deg3[0] + deg3[1] + 1.0
  agga = (y[0] + h1[0]) / deg
  aggb = (y[1] + h1[1]) / deg
  h2 = jnp.dot(agga, w1[...][:D_IN],
               preferred_element_type=jnp.float32)
  h2 = h2 + jnp.dot(aggb, w1[...][D_IN:],
                    preferred_element_type=jnp.float32)
  h2 = jnp.maximum(h2 + b1[...], 0.0)
  a1 = jnp.maximum(
      jnp.dot(h2, wa1[...], preferred_element_type=jnp.float32) + ba1[...],
      0.0)
  adj = jnp.dot(a1, wa2[...], preferred_element_type=jnp.float32) + ba2[...]
  alpha = 1.0 / (1.0 + jnp.exp(-al[...]))
  out[...] = alpha * orig[...] + (1.0 - alpha) * adj


@jax.jit
def _tc_layer2(y, h1, deg3, orig, al, w1, b1, wa1, ba1, wa2, ba2):
  full = lambda r, c: pl.BlockSpec((r, c), lambda i: (0, 0))
  return pl.pallas_call(
      _tc2_body,
      grid=(NBLKS,),
      in_specs=[pl.BlockSpec((NC, RBLK, D_IN), lambda i: (0, i, 0)),
                pl.BlockSpec((NC, RBLK, D_IN), lambda i: (0, i, 0)),
                pl.BlockSpec((NC, RBLK, 1), lambda i: (0, i, 0)),
                pl.BlockSpec((RBLK, 1), lambda i: (i, 0)), full(1, 1),
                full(D_H, D_H), full(1, D_H),
                full(D_H, D_IN), full(1, D_IN),
                full(D_IN, 1), full(1, 1)],
      out_specs=[pl.BlockSpec((RBLK, 1), lambda i: (i, 0))],
      out_shape=[jax.ShapeDtypeStruct((N, 1), jnp.float32)],
  )(y, h1, deg3, orig, al, w1, b1, wa1, ba1, wa2, ba2)[0]


def kernel(x, edge_index, original_scores, W0, b0, W1, b1, Wa1, ba1, Wa2,
           ba2, alpha_logit):
  extra = jnp.arange(E_PAD - E, dtype=jnp.int32)
  src = jnp.concatenate([edge_index[0], extra % N])
  dst = jnp.concatenate([edge_index[1], N + extra % (N_PAD - N)])
  zrows = jnp.zeros((ROWS_PER_TILE, D_IN), jnp.float32)
  zvec = jnp.zeros((ROWS_PER_TILE,), jnp.float32)
  w0s = jnp.stack([W0[:, :D_IN], W0[:, D_IN:]])
  b0s = jnp.stack([b0[None, :D_IN], b0[None, D_IN:]])

  acc0, deg = _sc_agg_layer1(x, src, dst, zrows, zvec)
  deg3 = deg[:, :, None]

  h1 = _tc_layer1(acc0, x, deg3, w0s, b0s)
  y = _sc_agg_layer2(h1, src, dst, zrows)

  refined = _tc_layer2(y, h1, deg3, original_scores[:, None],
                       alpha_logit[None, None],
                       W1, b1[None, :], Wa1, ba1[None, :], Wa2,
                       ba2.reshape(1, 1))
  return refined[:, 0]

# --- scband reference (transcript-rebuilt; emitter-appended) ---
"""Pipeline reference for scband-graph-reranker-gnn-21251498180624 (READ-ONLY COPY).

The authoritative reference and input builder live on the scoring server;
editing this copy changes nothing except your own understanding.
"""

import jax, jax.numpy as jnp
import numpy as np
import math

N = 10000
E = 320000
D_IN = 128
D_H = 256


def setup_inputs(seed: int = 0) -> dict:
    key = jax.random.key(seed)
    ks = jax.random.split(key, 12)
    x = jax.random.normal(ks[0], (N, D_IN), dtype=jnp.float32)
    edge_index = jax.random.randint(ks[1], (2, E), 0, N, dtype=jnp.int32)
    original_scores = jax.random.normal(ks[2], (N,), dtype=jnp.float32)
    # Encoder GCN layers (num_layers=2): 128->256, 256->256
    W0 = jax.random.normal(ks[3], (D_IN, D_H), dtype=jnp.float32) * (1.0 / math.sqrt(D_IN))
    b0 = jnp.zeros((D_H,), dtype=jnp.float32)
    W1 = jax.random.normal(ks[4], (D_H, D_H), dtype=jnp.float32) * (1.0 / math.sqrt(D_H))
    b1 = jnp.zeros((D_H,), dtype=jnp.float32)
    # Adjustment head: Linear(256,128) -> ReLU -> Linear(128,1)
    Wa1 = jax.random.normal(ks[5], (D_H, D_H // 2), dtype=jnp.float32) * (1.0 / math.sqrt(D_H))
    ba1 = jnp.zeros((D_H // 2,), dtype=jnp.float32)
    Wa2 = jax.random.normal(ks[6], (D_H // 2, 1), dtype=jnp.float32) * (1.0 / math.sqrt(D_H // 2))
    ba2 = jnp.zeros((1,), dtype=jnp.float32)
    # learnable alpha logit, alpha_init=0.7 -> logit(0.7)
    alpha_logit = jnp.asarray(math.log(0.7 / 0.3), dtype=jnp.float32)
    return {
        "x": x,
        "edge_index": edge_index,
        "original_scores": original_scores,
        "W0": W0, "b0": b0, "W1": W1, "b1": b1,
        "Wa1": Wa1, "ba1": ba1, "Wa2": Wa2, "ba2": ba2,
        "alpha_logit": alpha_logit,
    }


def reference(x, edge_index, original_scores, W0, b0, W1, b1, Wa1, ba1, Wa2, ba2, alpha_logit):
    src = edge_index[0]
    dst = edge_index[1]
    ones_e = jnp.ones((E,), dtype=jnp.float32)
    deg = jax.ops.segment_sum(ones_e, dst, num_segments=N) + 1.0  # +1 self-loop

    def gcn_layer(h, W, b):
        msg = h[src]  # gather from source nodes
        agg = jax.ops.segment_sum(msg, dst, num_segments=N) + h  # scatter-add + self
        agg = agg / deg[:, None]  # mean normalization
        return jax.nn.relu(agg @ W + b)

    h = gcn_layer(x, W0, b0)
    h = gcn_layer(h, W1, b1)  # node_emb [N, 256]

    # adjustment head (dropout is identity at inference)
    a = jax.nn.relu(h @ Wa1 + ba1)
    adjustment = (a @ Wa2 + ba2).squeeze(-1)  # [N]

    alpha = jax.nn.sigmoid(alpha_logit)
    refined = alpha * original_scores + (1.0 - alpha) * adjustment
    return refined

if __name__ == "__main__":
    import jax
    _d = setup_inputs()
    print(jax.jit(kernel)(*tuple(_d.values())))

</pallas_src>

<mosaic_0001>
#map = affine_map<(d0, d1) -> (0, 0)>
#map1 = affine_map<(d0, d1) -> (0)>
#map2 = affine_map<(d0, d1) -> (0, 0, 0)>
module attributes {stable_mosaic.version = 14 : i64} {
  func.func @body(%arg0: i32, %arg1: i32, %arg2: memref<10000x128xf32, #tpu.memory_space<hbm>>, %arg3: memref<327680xi32, #tpu.memory_space<hbm>>, %arg4: memref<327680xi32, #tpu.memory_space<hbm>>, %arg5: memref<640x128xf32, #tpu.memory_space<hbm>>, %arg6: memref<640xf32, #tpu.memory_space<hbm>>, %arg7: memref<2x10240x128xf32, #tpu.memory_space<hbm>>, %arg8: memref<2x10240xf32, #tpu.memory_space<hbm>>, %arg9: memref<2x8x32xi32, #tpu.memory_space<vmem>>, %arg10: memref<2x8x32xi32, #tpu.memory_space<vmem>>, %arg11: memref<8x32x128xf32, #tpu.memory_space<vmem>>, %arg12: memref<32xf32, #tpu.memory_space<vmem>>, %arg13: memref<10240x128xf32, #tpu.memory_space<vmem_shared>>, %arg14: memref<10240xf32, #tpu.memory_space<vmem_shared>>, %arg15: memref<!tpu.dma_semaphore, #tpu.memory_space<semaphore_mem>>, %arg16: memref<!tpu.dma_semaphore, #tpu.memory_space<semaphore_mem>>, %arg17: memref<!tpu.dma_semaphore, #tpu.memory_space<semaphore_mem>>, %arg18: memref<!tpu.dma_semaphore, #tpu.memory_space<semaphore_mem>>, %arg19: memref<!tpu.dma_semaphore, #tpu.memory_space<semaphore_mem>>, %arg20: memref<!tpu.dma_semaphore, #tpu.memory_space<semaphore_mem>>, %arg21: memref<!tpu.dma_semaphore, #tpu.memory_space<semaphore_mem>>, %arg22: memref<!tpu.dma_semaphore, #tpu.memory_space<semaphore_mem>>, %arg23: memref<!tpu.dma_semaphore, #tpu.memory_space<semaphore_mem>>, %arg24: memref<!tpu.dma_semaphore, #tpu.memory_space<semaphore_mem>>, %arg25: memref<!tpu.dma_semaphore, #tpu.memory_space<semaphore_mem>>, %arg26: memref<!tpu.dma_semaphore, #tpu.memory_space<semaphore_mem>>, %arg27: memref<!tpu.dma_semaphore, #tpu.memory_space<semaphore_mem>>, %arg28: memref<!tpu.dma_semaphore, #tpu.memory_space<semaphore_mem>>, %arg29: memref<!tpu.dma_semaphore, #tpu.memory_space<semaphore_mem>>, %arg30: memref<!tpu.dma_semaphore, #tpu.memory_space<semaphore_mem>>, %arg31: memref<!tpu.dma_semaphore, #tpu.memory_space<semaphore_mem>>, %arg32: memref<!tpu.dma_semaphore, #tpu.memory_space<semaphore_mem>>, %arg33: memref<!tpu.dma_semaphore, #tpu.memory_space<semaphore_mem>>, %arg34: memref<!tpu.dma_semaphore, #tpu.memory_space<semaphore_mem>>, %arg35: memref<!tpu.dma_semaphore, #tpu.memory_space<semaphore_mem>>, %arg36: memref<!tpu.dma_semaphore, #tpu.memory_space<semaphore_mem>>, %arg37: memref<!tpu.dma_semaphore, #tpu.memory_space<semaphore_mem>>, %arg38: memref<!tpu.dma_semaphore, #tpu.memory_space<semaphore_mem>>) attributes {dimension_semantics = [#tpu.dimension_semantics<core_parallel>, #tpu.dimension_semantics<subcore_parallel>], iteration_bounds = array<i64: 2, 16>, scalar_prefetch = 0 : i64, scratch_operands = 30 : i64, tpu.core_type = #tpu.core_type<sc_vector_subcore>, window_params = [{transform_indices = #map}, {transform_indices = #map1}, {transform_indices = #map1}, {transform_indices = #map}, {transform_indices = #map1}, {transform_indices = #map2}, {transform_indices = #map}]} {
    %mul3A = arith.constant 640 : i32
    %mul3A_0 = arith.muli %arg1, %mul3A : i32
    "tpu.region"() ({
      %run_scoped3A = tpu.sem_alloc : memref<!tpu.dma_semaphore, #tpu.memory_space<semaphore_mem>>
      %dma_start3A_664 = arith.constant 0 : i32
      %dma_start3A_665 = tpu.memref_slice %arg13[%mul3A_0, %dma_start3A_664] : memref<10240x128xf32, #tpu.memory_space<vmem_shared>> -> memref<640x128xf32, #tpu.memory_space<vmem_shared>>
      tpu.enqueue_dma source(%arg5 : memref<640x128xf32, #tpu.memory_space<hbm>>) target(%dma_start3A_665 : memref<640x128xf32, #tpu.memory_space<vmem_shared>>) target_semaphore(%run_scoped3A : memref<!tpu.dma_semaphore, #tpu.memory_space<semaphore_mem>>)
      %dma_wait3A_666 = arith.constant 0 : i32
      %dma_wait3A_667 = tpu.memref_slice %arg13[%mul3A_0, %dma_wait3A_666] : memref<10240x128xf32, #tpu.memory_space<vmem_shared>> -> memref<640x128xf32, #tpu.memory_space<vmem_shared>>
      tpu.wait_dma2 semaphore(%run_scoped3A : memref<!tpu.dma_semaphore, #tpu.memory_space<semaphore_mem>>) src(%arg5 : memref<640x128xf32, #tpu.memory_space<hbm>>) dst(%dma_wait3A_667 : memref<640x128xf32, #tpu.memory_space<vmem_shared>>)
      tpu.yield
    }) : () -> ()
    "tpu.region"() ({
      %run_scoped3A = tpu.sem_alloc : memref<!tpu.dma_semaphore, #tpu.memory_space<semaphore_mem>>
      %dma_start3A_664 = tpu.memref_slice %arg14[%mul3A_0] : memref<10240xf32, #tpu.memory_space<vmem_shared>> -> memref<640xf32, #tpu.memory_space<vmem_shared>>
      tpu.enqueue_dma source(%arg6 : memref<640xf32, #tpu.memory_space<hbm>>) target(%dma_start3A_664 : memref<640xf32, #tpu.memory_space<vmem_shared>>) target_semaphore(%run_scoped3A : memref<!tpu.dma_semaphore, #tpu.memory_space<semaphore_mem>>)
      %dma_wait3A_665 = tpu.memref_slice %arg14[%mul3A_0] : memref<10240xf32, #tpu.memory_space<vmem_shared>> -> memref<640xf32, #tpu.memory_space<vmem_shared>>
      tpu.wait_dma2 semaphore(%run_scoped3A : memref<!tpu.dma_semaphore, #tpu.memory_space<semaphore_mem>>) src(%arg6 : memref<640xf32, #tpu.memory_space<hbm>>) dst(%dma_wait3A_665 : memref<640xf32, #tpu.memory_space<vmem_shared>>)
      tpu.yield
    }) : () -> ()
    %broadcast_in_dim3A = arith.constant 1.000000e+00 : f32
    %broadcast_in_dim3A_1 = vector.broadcast %broadcast_in_dim3A : f32 to vector<16xf32>
    %swap3A = arith.constant 0 : index
    %swap3A_2 = tpu.vector_load %arg12[%swap3A] {strides = array<i32>} : memref<32xf32, #tpu.memory_space<vmem>>, vector<16xf32>,
    %swap3A_3 = vector.shape_cast %swap3A_2 : vector<16xf32> to vector<16xf32>
    %swap3A_4 = vector.shape_cast %broadcast_in_dim3A_1 : vector<16xf32> to vector<16xf32>
    tpu.vector_store %arg12[%swap3A], %swap3A_4 {strides = array<i32>} : memref<32xf32, #tpu.memory_space<vmem>>, vector<16xf32>,
    %broadcast_in_dim3A_5 = arith.constant 1.000000e+00 : f32
    %broadcast_in_dim3A_6 = vector.broadcast %broadcast_in_dim3A_5 : f32 to vector<16xf32>
    %swap3A_7 = arith.constant 16 : index
    %swap3A_8 = tpu.vector_load %arg12[%swap3A_7] {strides = array<i32>} : memref<32xf32, #tpu.memory_space<vmem>>, vector<16xf32>,
    %swap3A_9 = vector.shape_cast %swap3A_8 : vector<16xf32> to vector<16xf32>
    %swap3A_10 = vector.shape_cast %broadcast_in_dim3A_6 : vector<16xf32> to vector<16xf32>
    tpu.vector_store %arg12[%swap3A_7], %swap3A_10 {strides = array<i32>} : memref<32xf32, #tpu.memory_space<vmem>>, vector<16xf32>,
    %barrier3A = arith.constant 0 : index
    tpu.barrier barrier_id(%barrier3A)
    %mul3A_11 = arith.constant 2 : i32
    %mul3A_12 = arith.muli %arg1, %mul3A_11 : i32
    %add3A = arith.addi %mul3A_12, %arg0 : i32
    %add3A_13 = arith.constant 0 : i32
    %add3A_14 = arith.addi %add3A_13, %add3A : i32
    %mul3A_15 = arith.constant 32 : i32
    %mul3A_16 = arith.muli %add3A_14, %mul3A_15 : i32
    %dma_start3A = arith.constant 0 : i32
    %dma_start3A_17 = arith.constant 0 : i32
    %dma_start3A_18 = arith.constant 0 : i32
    %dma_start3A_19 = tpu.memref_slice %arg9[%dma_start3A, %dma_start3A_17, %dma_start3A_18] : memref<2x8x32xi32, #tpu.memory_space<vmem>> -> memref<1x1x32xi32, #tpu.memory_space<vmem>>
    %dma_start3A_20 = tpu.memref_squeeze %dma_start3A_19 : memref<1x1x32xi32, #tpu.memory_space<vmem>> -> memref<32xi32, #tpu.memory_space<vmem>>
    %dma_start3A_21 = tpu.memref_slice %arg3[%mul3A_16] : memref<327680xi32, #tpu.memory_space<hbm>> -> memref<32xi32, #tpu.memory_space<hbm>>
    %dma_start3A_22 = arith.constant 0 : i32
    %dma_start3A_23 = tpu.memref_slice %arg9[%dma_start3A, %dma_start3A_17, %dma_start3A_22] : memref<2x8x32xi32, #tpu.memory_space<vmem>> -> memref<1x1x32xi32, #tpu.memory_space<vmem>>
    %dma_start3A_24 = tpu.memref_squeeze %dma_start3A_23 : memref<1x1x32xi32, #tpu.memory_space<vmem>> -> memref<32xi32, #tpu.memory_space<vmem>>
    %dma_start3A_25 = tpu.memref_slice %arg3[%mul3A_16] : memref<327680xi32, #tpu.memory_space<hbm>> -> memref<32xi32, #tpu.memory_space<hbm>>
    tpu.enqueue_dma source(%dma_start3A_25 : memref<32xi32, #tpu.memory_space<hbm>>) target(%dma_start3A_24 : memref<32xi32, #tpu.memory_space<vmem>>) target_semaphore(%arg15 : memref<!tpu.dma_semaphore, #tpu.memory_space<semaphore_mem>>)
    %dma_start3A_26 = arith.constant 0 : i32
    %dma_start3A_27 = arith.constant 0 : i32
    %dma_start3A_28 = arith.constant 0 : i32
    %dma_start3A_29 = tpu.memref_slice %arg10[%dma_start3A_26, %dma_start3A_27, %dma_start3A_28] : memref<2x8x32xi32, #tpu.memory_space<vmem>> -> memref<1x1x32xi32, #tpu.memory_space<vmem>>
    %dma_start3A_30 = tpu.memref_squeeze %dma_start3A_29 : memref<1x1x32xi32, #tpu.memory_space<vmem>> -> memref<32xi32, #tpu.memory_space<vmem>>
    %dma_start3A_31 = tpu.memref_slice %arg4[%mul3A_16] : memref<327680xi32, #tpu.memory_space<hbm>> -> memref<32xi32, #tpu.memory_space<hbm>>
    %dma_start3A_32 = arith.constant 0 : i32
    %dma_start3A_33 = tpu.memref_slice %arg10[%dma_start3A_26, %dma_start3A_27, %dma_start3A_32] : memref<2x8x32xi32, #tpu.memory_space<vmem>> -> memref<1x1x32xi32, #tpu.memory_space<vmem>>
    %dma_start3A_34 = tpu.memref_squeeze %dma_start3A_33 : memref<1x1x32xi32, #tpu.memory_space<vmem>> -> memref<32xi32, #tpu.memory_space<vmem>>
    %dma_start3A_35 = tpu.memref_slice %arg4[%mul3A_16] : memref<327680xi32, #tpu.memory_space<hbm>> -> memref<32xi32, #tpu.memory_space<hbm>>
    tpu.enqueue_dma source(%dma_start3A_35 : memref<32xi32, #tpu.memory_space<hbm>>) target(%dma_start3A_34 : memref<32xi32, #tpu.memory_space<vmem>>) target_semaphore(%arg15 : memref<!tpu.dma_semaphore, #tpu.memory_space<semaphore_mem>>)
    %add3A_36 = arith.constant 32 : i32
    %add3A_37 = arith.addi %add3A_36, %add3A : i32
    %mul3A_38 = arith.constant 32 : i32
    %mul3A_39 = arith.muli %add3A_37, %mul3A_38 : i32
    %dma_start3A_40 = arith.constant 0 : i32
    %dma_start3A_41 = arith.constant 1 : i32
    %dma_start3A_42 = arith.constant 0 : i32
    %dma_start3A_43 = tpu.memref_slice %arg9[%dma_start3A_40, %dma_start3A_41, %dma_start3A_42] : memref<2x8x32xi32, #tpu.memory_space<vmem>> -> memref<1x1x32xi32, #tpu.memory_space<vmem>>
    %dma_start3A_44 = tpu.memref_squeeze %dma_start3A_43 : memref<1x1x32xi32, #tpu.memory_space<vmem>> -> memref<32xi32, #tpu.memory_space<vmem>>
    %dma_start3A_45 = tpu.memref_slice %arg3[%mul3A_39] : memref<327680xi32, #tpu.memory_space<hbm>> -> memref<32xi32, #tpu.memory_space<hbm>>
    %dma_start3A_46 = arith.constant 0 : i32
    %dma_start3A_47 = tpu.memref_slice %arg9[%dma_start3A_40, %dma_start3A_41, %dma_start3A_46] : memref<2x8x32xi32, #tpu.memory_space<vmem>> -> memref<1x1x32xi32, #tpu.memory_space<vmem>>
    %dma_start3A_48 = tpu.memref_squeeze %dma_start3A_47 : memref<1x1x32xi32, #tpu.memory_space<vmem>> -> memref<32xi32, #tpu.memory_space<vmem>>
    %dma_start3A_49 = tpu.memref_slice %arg3[%mul3A_39] : memref<327680xi32, #tpu.memory_space<hbm>> -> memref<32xi32, #tpu.memory_space<hbm>>
    tpu.enqueue_dma source(%dma_start3A_49 : memref<32xi32, #tpu.memory_space<hbm>>) target(%dma_start3A_48 : memref<32xi32, #tpu.memory_space<vmem>>) target_semaphore(%arg16 : memref<!tpu.dma_semaphore, #tpu.memory_space<semaphore_mem>>)
    %dma_start3A_50 = arith.constant 0 : i32
    %dma_start3A_51 = arith.constant 1 : i32
    %dma_start3A_52 = arith.constant 0 : i32
    %dma_start3A_53 = tpu.memref_slice %arg10[%dma_start3A_50, %dma_start3A_51, %dma_start3A_52] : memref<2x8x32xi32, #tpu.memory_space<vmem>> -> memref<1x1x32xi32, #tpu.memory_space<vmem>>
    %dma_start3A_54 = tpu.memref_squeeze %dma_start3A_53 : memref<1x1x32xi32, #tpu.memory_space<vmem>> -> memref<32xi32, #tpu.memory_space<vmem>>
    %dma_start3A_55 = tpu.memref_slice %arg4[%mul3A_39] : memref<327680xi32, #tpu.memory_space<hbm>> -> memref<32xi32, #tpu.memory_space<hbm>>
    %dma_start3A_56 = arith.constant 0 : i32
    %dma_start3A_57 = tpu.memref_slice %arg10[%dma_start3A_50, %dma_start3A_51, %dma_start3A_56] : memref<2x8x32xi32, #tpu.memory_space<vmem>> -> memref<1x1x32xi32, #tpu.memory_space<vmem>>
    %dma_start3A_58 = tpu.memref_squeeze %dma_start3A_57 : memref<1x1x32xi32, #tpu.memory_space<vmem>> -> memref<32xi32, #tpu.memory_space<vmem>>
    %dma_start3A_59 = tpu.memref_slice %arg4[%mul3A_39] : memref<327680xi32, #tpu.memory_space<hbm>> -> memref<32xi32, #tpu.memory_space<hbm>>
    tpu.enqueue_dma source(%dma_start3A_59 : memref<32xi32, #tpu.memory_space<hbm>>) target(%dma_start3A_58 : memref<32xi32, #tpu.memory_space<vmem>>) target_semaphore(%arg16 : memref<!tpu.dma_semaphore, #tpu.memory_space<semaphore_mem>>)
    %add3A_60 = arith.constant 64 : i32
    %add3A_61 = arith.addi %add3A_60, %add3A : i32
    %mul3A_62 = arith.constant 32 : i32
    %mul3A_63 = arith.muli %add3A_61, %mul3A_62 : i32
    %dma_start3A_64 = arith.constant 0 : i32
    %dma_start3A_65 = arith.constant 2 : i32
    %dma_start3A_66 = arith.constant 0 : i32
    %dma_start3A_67 = tpu.memref_slice %arg9[%dma_start3A_64, %dma_start3A_65, %dma_start3A_66] : memref<2x8x32xi32, #tpu.memory_space<vmem>> -> memref<1x1x32xi32, #tpu.memory_space<vmem>>
    %dma_start3A_68 = tpu.memref_squeeze %dma_start3A_67 : memref<1x1x32xi32, #tpu.memory_space<vmem>> -> memref<32xi32, #tpu.memory_space<vmem>>
    %dma_start3A_69 = tpu.memref_slice %arg3[%mul3A_63] : memref<327680xi32, #tpu.memory_space<hbm>> -> memref<32xi32, #tpu.memory_space<hbm>>
    %dma_start3A_70 = arith.constant 0 : i32
    %dma_start3A_71 = tpu.memref_slice %arg9[%dma_start3A_64, %dma_start3A_65, %dma_start3A_70] : memref<2x8x32xi32, #tpu.memory_space<vmem>> -> memref<1x1x32xi32, #tpu.memory_space<vmem>>
    %dma_start3A_72 = tpu.memref_squeeze %dma_start3A_71 : memref<1x1x32xi32, #tpu.memory_space<vmem>> -> memref<32xi32, #tpu.memory_space<vmem>>
    %dma_start3A_73 = tpu.memref_slice %arg3[%mul3A_63] : memref<327680xi32, #tpu.memory_space<hbm>> -> memref<32xi32, #tpu.memory_space<hbm>>
    tpu.enqueue_dma source(%dma_start3A_73 : memref<32xi32, #tpu.memory_space<hbm>>) target(%dma_start3A_72 : memref<32xi32, #tpu.memory_space<vmem>>) target_semaphore(%arg17 : memref<!tpu.dma_semaphore, #tpu.memory_space<semaphore_mem>>)
    %dma_start3A_74 = arith.constant 0 : i32
    %dma_start3A_75 = arith.constant 2 : i32
    %dma_start3A_76 = arith.constant 0 : i32
    %dma_start3A_77 = tpu.memref_slice %arg10[%dma_start3A_74, %dma_start3A_75, %dma_start3A_76] : memref<2x8x32xi32, #tpu.memory_space<vmem>> -> memref<1x1x32xi32, #tpu.memory_space<vmem>>
    %dma_start3A_78 = tpu.memref_squeeze %dma_start3A_77 : memref<1x1x32xi32, #tpu.memory_space<vmem>> -> memref<32xi32, #tpu.memory_space<vmem>>
    %dma_start3A_79 = tpu.memref_slice %arg4[%mul3A_63] : memref<327680xi32, #tpu.memory_space<hbm>> -> memref<32xi32, #tpu.memory_space<hbm>>
    %dma_start3A_80 = arith.constant 0 : i32
    %dma_start3A_81 = tpu.memref_slice %arg10[%dma_start3A_74, %dma_start3A_75, %dma_start3A_80] : memref<2x8x32xi32, #tpu.memory_space<vmem>> -> memref<1x1x32xi32, #tpu.memory_space<vmem>>
    %dma_start3A_82 = tpu.memref_squeeze %dma_start3A_81 : memref<1x1x32xi32, #tpu.memory_space<vmem>> -> memref<32xi32, #tpu.memory_space<vmem>>
    %dma_start3A_83 = tpu.memref_slice %arg4[%mul3A_63] : memref<327680xi32, #tpu.memory_space<hbm>> -> memref<32xi32, #tpu.memory_space<hbm>>
    tpu.enqueue_dma source(%dma_start3A_83 : memref<32xi32, #tpu.memory_space<hbm>>) target(%dma_start3A_82 : memref<32xi32, #tpu.memory_space<vmem>>) target_semaphore(%arg17 : memref<!tpu.dma_semaphore, #tpu.memory_space<semaphore_mem>>)
    %add3A_84 = arith.constant 96 : i32
    %add3A_85 = arith.addi %add3A_84, %add3A : i32
    %mul3A_86 = arith.constant 32 : i32
    %mul3A_87 = arith.muli %add3A_85, %mul3A_86 : i32
    %dma_start3A_88 = arith.constant 0 : i32
    %dma_start3A_89 = arith.constant 3 : i32
    %dma_start3A_90 = arith.constant 0 : i32
    %dma_start3A_91 = tpu.memref_slice %arg9[%dma_start3A_88, %dma_start3A_89, %dma_start3A_90] : memref<2x8x32xi32, #tpu.memory_space<vmem>> -> memref<1x1x32xi32, #tpu.memory_space<vmem>>
    %dma_start3A_92 = tpu.memref_squeeze %dma_start3A_91 : memref<1x1x32xi32, #tpu.memory_space<vmem>> -> memref<32xi32, #tpu.memory_space<vmem>>
    %dma_start3A_93 = tpu.memref_slice %arg3[%mul3A_87] : memref<327680xi32, #tpu.memory_space<hbm>> -> memref<32xi32, #tpu.memory_space<hbm>>
    %dma_start3A_94 = arith.constant 0 : i32
    %dma_start3A_95 = tpu.memref_slice %arg9[%dma_start3A_88, %dma_start3A_89, %dma_start3A_94] : memref<2x8x32xi32, #tpu.memory_space<vmem>> -> memref<1x1x32xi32, #tpu.memory_space<vmem>>
    %dma_start3A_96 = tpu.memref_squeeze %dma_start3A_95 : memref<1x1x32xi32, #tpu.memory_space<vmem>> -> memref<32xi32, #tpu.memory_space<vmem>>
    %dma_start3A_97 = tpu.memref_slice %arg3[%mul3A_87] : memref<327680xi32, #tpu.memory_space<hbm>> -> memref<32xi32, #tpu.memory_space<hbm>>
    tpu.enqueue_dma source(%dma_start3A_97 : memref<32xi32, #tpu.memory_space<hbm>>) target(%dma_start3A_96 : memref<32xi32, #tpu.memory_space<vmem>>) target_semaphore(%arg18 : memref<!tpu.dma_semaphore, #tpu.memory_space<semaphore_mem>>)
    %dma_start3A_98 = arith.constant 0 : i32
    %dma_start3A_99 = arith.constant 3 : i32
    %dma_start3A_100 = arith.constant 0 : i32
    %dma_start3A_101 = tpu.memref_slice %arg10[%dma_start3A_98, %dma_start3A_99, %dma_start3A_100] : memref<2x8x32xi32, #tpu.memory_space<vmem>> -> memref<1x1x32xi32, #tpu.memory_space<vmem>>
    %dma_start3A_102 = tpu.memref_squeeze %dma_start3A_101 : memref<1x1x32xi32, #tpu.memory_space<vmem>> -> memref<32xi32, #tpu.memory_space<vmem>>
    %dma_start3A_103 = tpu.memref_slice %arg4[%mul3A_87] : memref<327680xi32, #tpu.memory_space<hbm>> -> memref<32xi32, #tpu.memory_space<hbm>>
    %dma_start3A_104 = arith.constant 0 : i32
    %dma_start3A_105 = tpu.memref_slice %arg10[%dma_start3A_98, %dma_start3A_99, %dma_start3A_104] : memref<2x8x32xi32, #tpu.memory_space<vmem>> -> memref<1x1x32xi32, #tpu.memory_space<vmem>>
    %dma_start3A_106 = tpu.memref_squeeze %dma_start3A_105 : memref<1x1x32xi32, #tpu.memory_space<vmem>> -> memref<32xi32, #tpu.memory_space<vmem>>
    %dma_start3A_107 = tpu.memref_slice %arg4[%mul3A_87] : memref<327680xi32, #tpu.memory_space<hbm>> -> memref<32xi32, #tpu.memory_space<hbm>>
    tpu.enqueue_dma source(%dma_start3A_107 : memref<32xi32, #tpu.memory_space<hbm>>) target(%dma_start3A_106 : memref<32xi32, #tpu.memory_space<vmem>>) target_semaphore(%arg18 : memref<!tpu.dma_semaphore, #tpu.memory_space<semaphore_mem>>)
    %add3A_108 = arith.constant 128 : i32
    %add3A_109 = arith.addi %add3A_108, %add3A : i32
    %mul3A_110 = arith.constant 32 : i32
    %mul3A_111 = arith.muli %add3A_109, %mul3A_110 : i32
    %dma_start3A_112 = arith.constant 0 : i32
    %dma_start3A_113 = arith.constant 4 : i32
    %dma_start3A_114 = arith.constant 0 : i32
    %dma_start3A_115 = tpu.memref_slice %arg9[%dma_start3A_112, %dma_start3A_113, %dma_start3A_114] : memref<2x8x32xi32, #tpu.memory_space<vmem>> -> memref<1x1x32xi32, #tpu.memory_space<vmem>>
    %dma_start3A_116 = tpu.memref_squeeze %dma_start3A_115 : memref<1x1x32xi32, #tpu.memory_space<vmem>> -> memref<32xi32, #tpu.memory_space<vmem>>
    %dma_start3A_117 = tpu.memref_slice %arg3[%mul3A_111] : memref<327680xi32, #tpu.memory_space<hbm>> -> memref<32xi32, #tpu.memory_space<hbm>>
    %dma_start3A_118 = arith.constant 0 : i32
    %dma_start3A_119 = tpu.memref_slice %arg9[%dma_start3A_112, %dma_start3A_113, %dma_start3A_118] : memref<2x8x32xi32, #tpu.memory_space<vmem>> -> memref<1x1x32xi32, #tpu.memory_space<vmem>>
    %dma_start3A_120 = tpu.memref_squeeze %dma_start3A_119 : memref<1x1x32xi32, #tpu.memory_space<vmem>> -> memref<32xi32, #tpu.memory_space<vmem>>
    %dma_start3A_121 = tpu.memref_slice %arg3[%mul3A_111] : memref<327680xi32, #tpu.memory_space<hbm>> -> memref<32xi32, #tpu.memory_space<hbm>>
    tpu.enqueue_dma source(%dma_start3A_121 : memref<32xi32, #tpu.memory_space<hbm>>) target(%dma_start3A_120 : memref<32xi32, #tpu.memory_space<vmem>>) target_semaphore(%arg19 : memref<!tpu.dma_semaphore, #tpu.memory_space<semaphore_mem>>)
    %dma_start3A_122 = arith.constant 0 : i32
    %dma_start3A_123 = arith.constant 4 : i32
    %dma_start3A_124 = arith.constant 0 : i32
    %dma_start3A_125 = tpu.memref_slice %arg10[%dma_start3A_122, %dma_start3A_123, %dma_start3A_124] : memref<2x8x32xi32, #tpu.memory_space<vmem>> -> memref<1x1x32xi32, #tpu.memory_space<vmem>>
    %dma_start3A_126 = tpu.memref_squeeze %dma_start3A_125 : memref<1x1x32xi32, #tpu.memory_space<vmem>> -> memref<32xi32, #tpu.memory_space<vmem>>
    %dma_start3A_127 = tpu.memref_slice %arg4[%mul3A_111] : memref<327680xi32, #tpu.memory_space<hbm>> -> memref<32xi32, #tpu.memory_space<hbm>>
    %dma_start3A_128 = arith.constant 0 : i32
    %dma_start3A_129 = tpu.memref_slice %arg10[%dma_start3A_122, %dma_start3A_123, %dma_start3A_128] : memref<2x8x32xi32, #tpu.memory_space<vmem>> -> memref<1x1x32xi32, #tpu.memory_space<vmem>>
    %dma_start3A_130 = tpu.memref_squeeze %dma_start3A_129 : memref<1x1x32xi32, #tpu.memory_space<vmem>> -> memref<32xi32, #tpu.memory_space<vmem>>
    %dma_start3A_131 = tpu.memref_slice %arg4[%mul3A_111] : memref<327680xi32, #tpu.memory_space<hbm>> -> memref<32xi32, #tpu.memory_space<hbm>>
    tpu.enqueue_dma source(%dma_start3A_131 : memref<32xi32, #tpu.memory_space<hbm>>) target(%dma_start3A_130 : memref<32xi32, #tpu.memory_space<vmem>>) target_semaphore(%arg19 : memref<!tpu.dma_semaphore, #tpu.memory_space<semaphore_mem>>)
    %add3A_132 = arith.constant 160 : i32
    %add3A_133 = arith.addi %add3A_132, %add3A : i32
    %mul3A_134 = arith.constant 32 : i32
    %mul3A_135 = arith.muli %add3A_133, %mul3A_134 : i32
    %dma_start3A_136 = arith.constant 0 : i32
    %dma_start3A_137 = arith.constant 5 : i32
    %dma_start3A_138 = arith.constant 0 : i32
    %dma_start3A_139 = tpu.memref_slice %arg9[%dma_start3A_136, %dma_start3A_137, %dma_start3A_138] : memref<2x8x32xi32, #tpu.memory_space<vmem>> -> memref<1x1x32xi32, #tpu.memory_space<vmem>>
    %dma_start3A_140 = tpu.memref_squeeze %dma_start3A_139 : memref<1x1x32xi32, #tpu.memory_space<vmem>> -> memref<32xi32, #tpu.memory_space<vmem>>
    %dma_start3A_141 = tpu.memref_slice %arg3[%mul3A_135] : memref<327680xi32, #tpu.memory_space<hbm>> -> memref<32xi32, #tpu.memory_space<hbm>>
    %dma_start3A_142 = arith.constant 0 : i32
    %dma_start3A_143 = tpu.memref_slice %arg9[%dma_start3A_136, %dma_start3A_137, %dma_start3A_142] : memref<2x8x32xi32, #tpu.memory_space<vmem>> -> memref<1x1x32xi32, #tpu.memory_space<vmem>>
    %dma_start3A_144 = tpu.memref_squeeze %dma_start3A_143 : memref<1x1x32xi32, #tpu.memory_space<vmem>> -> memref<32xi32, #tpu.memory_space<vmem>>
    %dma_start3A_145 = tpu.memref_slice %arg3[%mul3A_135] : memref<327680xi32, #tpu.memory_space<hbm>> -> memref<32xi32, #tpu.memory_space<hbm>>
    tpu.enqueue_dma source(%dma_start3A_145 : memref<32xi32, #tpu.memory_space<hbm>>) target(%dma_start3A_144 : memref<32xi32, #tpu.memory_space<vmem>>) target_semaphore(%arg20 : memref<!tpu.dma_semaphore, #tpu.memory_space<semaphore_mem>>)
    %dma_start3A_146 = arith.constant 0 : i32
    %dma_start3A_147 = arith.constant 5 : i32
    %dma_start3A_148 = arith.constant 0 : i32
    %dma_start3A_149 = tpu.memref_slice %arg10[%dma_start3A_146, %dma_start3A_147, %dma_start3A_148] : memref<2x8x32xi32, #tpu.memory_space<vmem>> -> memref<1x1x32xi32, #tpu.memory_space<vmem>>
    %dma_start3A_150 = tpu.memref_squeeze %dma_start3A_149 : memref<1x1x32xi32, #tpu.memory_space<vmem>> -> memref<32xi32, #tpu.memory_space<vmem>>
    %dma_start3A_151 = tpu.memref_slice %arg4[%mul3A_135] : memref<327680xi32, #tpu.memory_space<hbm>> -> memref<32xi32, #tpu.memory_space<hbm>>
    %dma_start3A_152 = arith.constant 0 : i32
    %dma_start3A_153 = tpu.memref_slice %arg10[%dma_start3A_146, %dma_start3A_147, %dma_start3A_152] : memref<2x8x32xi32, #tpu.memory_space<vmem>> -> memref<1x1x32xi32, #tpu.memory_space<vmem>>
    %dma_start3A_154 = tpu.memref_squeeze %dma_start3A_153 : memref<1x1x32xi32, #tpu.memory_space<vmem>> -> memref<32xi32, #tpu.memory_space<vmem>>
    %dma_start3A_155 = tpu.memref_slice %arg4[%mul3A_135] : memref<327680xi32, #tpu.memory_space<hbm>> -> memref<32xi32, #tpu.memory_space<hbm>>
    tpu.enqueue_dma source(%dma_start3A_155 : memref<32xi32, #tpu.memory_space<hbm>>) target(%dma_start3A_154 : memref<32xi32, #tpu.memory_space<vmem>>) target_semaphore(%arg20 : memref<!tpu.dma_semaphore, #tpu.memory_space<semaphore_mem>>)
    %add3A_156 = arith.constant 192 : i32
    %add3A_157 = arith.addi %add3A_156, %add3A : i32
    %mul3A_158 = arith.constant 32 : i32
    %mul3A_159 = arith.muli %add3A_157, %mul3A_158 : i32
    %dma_start3A_160 = arith.constant 0 : i32
    %dma_start3A_161 = arith.constant 6 : i32
    %dma_start3A_162 = arith.constant 0 : i32
    %dma_start3A_163 = tpu.memref_slice %arg9[%dma_start3A_160, %dma_start3A_161, %dma_start3A_162] : memref<2x8x32xi32, #tpu.memory_space<vmem>> -> memref<1x1x32xi32, #tpu.memory_space<vmem>>
    %dma_start3A_164 = tpu.memref_squeeze %dma_start3A_163 : memref<1x1x32xi32, #tpu.memory_space<vmem>> -> memref<32xi32, #tpu.memory_space<vmem>>
    %dma_start3A_165 = tpu.memref_slice %arg3[%mul3A_159] : memref<327680xi32, #tpu.memory_space<hbm>> -> memref<32xi32, #tpu.memory_space<hbm>>
    %dma_start3A_166 = arith.constant 0 : i32
    %dma_start3A_167 = tpu.memref_slice %arg9[%dma_start3A_160, %dma_start3A_161, %dma_start3A_166] : memref<2x8x32xi32, #tpu.memory_space<vmem>> -> memref<1x1x32xi32, #tpu.memory_space<vmem>>
    %dma_start3A_168 = tpu.memref_squeeze %dma_start3A_167 : memref<1x1x32xi32, #tpu.memory_space<vmem>> -> memref<32xi32, #tpu.memory_space<vmem>>
    %dma_start3A_169 = tpu.memref_slice %arg3[%mul3A_159] : memref<327680xi32, #tpu.memory_space<hbm>> -> memref<32xi32, #tpu.memory_space<hbm>>
    tpu.enqueue_dma source(%dma_start3A_169 : memref<32xi32, #tpu.memory_space<hbm>>) target(%dma_start3A_168 : memref<32xi32, #tpu.memory_space<vmem>>) target_semaphore(%arg21 : memref<!tpu.dma_semaphore, #tpu.memory_space<semaphore_mem>>)
    %dma_start3A_170 = arith.constant 0 : i32
    %dma_start3A_171 = arith.constant 6 : i32
    %dma_start3A_172 = arith.constant 0 : i32
    %dma_start3A_173 = tpu.memref_slice %arg10[%dma_start3A_170, %dma_start3A_171, %dma_start3A_172] : memref<2x8x32xi32, #tpu.memory_space<vmem>> -> memref<1x1x32xi32, #tpu.memory_space<vmem>>
    %dma_start3A_174 = tpu.memref_squeeze %dma_start3A_173 : memref<1x1x32xi32, #tpu.memory_space<vmem>> -> memref<32xi32, #tpu.memory_space<vmem>>
    %dma_start3A_175 = tpu.memref_slice %arg4[%mul3A_159] : memref<327680xi32, #tpu.memory_space<hbm>> -> memref<32xi32, #tpu.memory_space<hbm>>
    %dma_start3A_176 = arith.constant 0 : i32
    %dma_start3A_177 = tpu.memref_slice %arg10[%dma_start3A_170, %dma_start3A_171, %dma_start3A_176] : memref<2x8x32xi32, #tpu.memory_space<vmem>> -> memref<1x1x32xi32, #tpu.memory_space<vmem>>
    %dma_start3A_178 = tpu.memref_squeeze %dma_start3A_177 : memref<1x1x32xi32, #tpu.memory_space<vmem>> -> memref<32xi32, #tpu.memory_space<vmem>>
    %dma_start3A_179 = tpu.memref_slice %arg4[%mul3A_159] : memref<327680xi32, #tpu.memory_space<hbm>> -> memref<32xi32, #tpu.memory_space<hbm>>
    tpu.enqueue_dma source(%dma_start3A_179 : memref<32xi32, #tpu.memory_space<hbm>>) target(%dma_start3A_178 : memref<32xi32, #tpu.memory_space<vmem>>) target_semaphore(%arg21 : memref<!tpu.dma_semaphore, #tpu.memory_space<semaphore_mem>>)
    %add3A_180 = arith.constant 224 : i32
    %add3A_181 = arith.addi %add3A_180, %add3A : i32
    %mul3A_182 = arith.constant 32 : i32
    %mul3A_183 = arith.muli %add3A_181, %mul3A_182 : i32
    %dma_start3A_184 = arith.constant 0 : i32
    %dma_start3A_185 = arith.constant 7 : i32
    %dma_start3A_186 = arith.constant 0 : i32
    %dma_start3A_187 = tpu.memref_slice %arg9[%dma_start3A_184, %dma_start3A_185, %dma_start3A_186] : memref<2x8x32xi32, #tpu.memory_space<vmem>> -> memref<1x1x32xi32, #tpu.memory_space<vmem>>
    %dma_start3A_188 = tpu.memref_squeeze %dma_start3A_187 : memref<1x1x32xi32, #tpu.memory_space<vmem>> -> memref<32xi32, #tpu.memory_space<vmem>>
    %dma_start3A_189 = tpu.memref_slice %arg3[%mul3A_183] : memref<327680xi32, #tpu.memory_space<hbm>> -> memref<32xi32, #tpu.memory_space<hbm>>
    %dma_start3A_190 = arith.constant 0 : i32
    %dma_start3A_191 = tpu.memref_slice %arg9[%dma_start3A_184, %dma_start3A_185, %dma_start3A_190] : memref<2x8x32xi32, #tpu.memory_space<vmem>> -> memref<1x1x32xi32, #tpu.memory_space<vmem>>
    %dma_start3A_192 = tpu.memref_squeeze %dma_start3A_191 : memref<1x1x32xi32, #tpu.memory_space<vmem>> -> memref<32xi32, #tpu.memory_space<vmem>>
    %dma_start3A_193 = tpu.memref_slice %arg3[%mul3A_183] : memref<327680xi32, #tpu.memory_space<hbm>> -> memref<32xi32, #tpu.memory_space<hbm>>
    tpu.enqueue_dma source(%dma_start3A_193 : memref<32xi32, #tpu.memory_space<hbm>>) target(%dma_start3A_192 : memref<32xi32, #tpu.memory_space<vmem>>) target_semaphore(%arg22 : memref<!tpu.dma_semaphore, #tpu.memory_space<semaphore_mem>>)
    %dma_start3A_194 = arith.constant 0 : i32
    %dma_start3A_195 = arith.constant 7 : i32
    %dma_start3A_196 = arith.constant 0 : i32
    %dma_start3A_197 = tpu.memref_slice %arg10[%dma_start3A_194, %dma_start3A_195, %dma_start3A_196] : memref<2x8x32xi32, #tpu.memory_space<vmem>> -> memref<1x1x32xi32, #tpu.memory_space<vmem>>
    %dma_start3A_198 = tpu.memref_squeeze %dma_start3A_197 : memref<1x1x32xi32, #tpu.memory_space<vmem>> -> memref<32xi32, #tpu.memory_space<vmem>>
    %dma_start3A_199 = tpu.memref_slice %arg4[%mul3A_183] : memref<327680xi32, #tpu.memory_space<hbm>> -> memref<32xi32, #tpu.memory_space<hbm>>
    %dma_start3A_200 = arith.constant 0 : i32
    %dma_start3A_201 = tpu.memref_slice %arg10[%dma_start3A_194, %dma_start3A_195, %dma_start3A_200] : memref<2x8x32xi32, #tpu.memory_space<vmem>> -> memref<1x1x32xi32, #tpu.memory_space<vmem>>
    %dma_start3A_202 = tpu.memref_squeeze %dma_start3A_201 : memref<1x1x32xi32, #tpu.memory_space<vmem>> -> memref<32xi32, #tpu.memory_space<vmem>>
    %dma_start3A_203 = tpu.memref_slice %arg4[%mul3A_183] : memref<327680xi32, #tpu.memory_space<hbm>> -> memref<32xi32, #tpu.memory_space<hbm>>
    tpu.enqueue_dma source(%dma_start3A_203 : memref<32xi32, #tpu.memory_space<hbm>>) target(%dma_start3A_202 : memref<32xi32, #tpu.memory_space<vmem>>) target_semaphore(%arg22 : memref<!tpu.dma_semaphore, #tpu.memory_space<semaphore_mem>>)
    %dma_wait3A = arith.constant 0 : i32
    %dma_wait3A_204 = arith.constant 0 : i32
    %dma_wait3A_205 = arith.constant 0 : i32
    %dma_wait3A_206 = tpu.memref_slice %arg9[%dma_wait3A, %dma_wait3A_204, %dma_wait3A_205] : memref<2x8x32xi32, #tpu.memory_space<vmem>> -> memref<1x1x32xi32, #tpu.memory_space<vmem>>
    %dma_wait3A_207 = tpu.memref_squeeze %dma_wait3A_206 : memref<1x1x32xi32, #tpu.memory_space<vmem>> -> memref<32xi32, #tpu.memory_space<vmem>>
    %dma_wait3A_208 = arith.constant 0 : i32
    %dma_wait3A_209 = tpu.memref_slice %arg3[%dma_wait3A_208] : memref<327680xi32, #tpu.memory_space<hbm>> -> memref<32xi32, #tpu.memory_space<hbm>>
    %dma_wait3A_210 = arith.constant 0 : i32
    %dma_wait3A_211 = tpu.memref_slice %arg9[%dma_wait3A, %dma_wait3A_204, %dma_wait3A_210] : memref<2x8x32xi32, #tpu.memory_space<vmem>> -> memref<1x1x32xi32, #tpu.memory_space<vmem>>
    %dma_wait3A_212 = tpu.memref_squeeze %dma_wait3A_211 : memref<1x1x32xi32, #tpu.memory_space<vmem>> -> memref<32xi32, #tpu.memory_space<vmem>>
    %dma_wait3A_213 = arith.constant 0 : i32
    %dma_wait3A_214 = tpu.memref_slice %arg3[%dma_wait3A_213] : memref<327680xi32, #tpu.memory_space<hbm>> -> memref<32xi32, #tpu.memory_space<hbm>>
    tpu.wait_dma2 semaphore(%arg15 : memref<!tpu.dma_semaphore, #tpu.memory_space<semaphore_mem>>) src(%dma_wait3A_214 : memref<32xi32, #tpu.memory_space<hbm>>) dst(%dma_wait3A_212 : memref<32xi32, #tpu.memory_space<vmem>>)
    %dma_wait3A_215 = arith.constant 0 : i32
    %dma_wait3A_216 = arith.constant 0 : i32
    %dma_wait3A_217 = arith.constant 0 : i32
    %dma_wait3A_218 = tpu.memref_slice %arg10[%dma_wait3A_215, %dma_wait3A_216, %dma_wait3A_217] : memref<2x8x32xi32, #tpu.memory_space<vmem>> -> memref<1x1x32xi32, #tpu.memory_space<vmem>>
    %dma_wait3A_219 = tpu.memref_squeeze %dma_wait3A_218 : memref<1x1x32xi32, #tpu.memory_space<vmem>> -> memref<32xi32, #tpu.memory_space<vmem>>
    %dma_wait3A_220 = arith.constant 0 : i32
    %dma_wait3A_221 = tpu.memref_slice %arg4[%dma_wait3A_220] : memref<327680xi32, #tpu.memory_space<hbm>> -> memref<32xi32, #tpu.memory_space<hbm>>
    %dma_wait3A_222 = arith.constant 0 : i32
    %dma_wait3A_223 = tpu.memref_slice %arg10[%dma_wait3A_215, %dma_wait3A_216, %dma_wait3A_222] : memref<2x8x32xi32, #tpu.memory_space<vmem>> -> memref<1x1x32xi32, #tpu.memory_space<vmem>>
    %dma_wait3A_224 = tpu.memref_squeeze %dma_wait3A_223 : memref<1x1x32xi32, #tpu.memory_space<vmem>> -> memref<32xi32, #tpu.memory_space<vmem>>
    %dma_wait3A_225 = arith.constant 0 : i32
    %dma_wait3A_226 = tpu.memref_slice %arg4[%dma_wait3A_225] : memref<327680xi32, #tpu.memory_space<hbm>> -> memref<32xi32, #tpu.memory_space<hbm>>
    tpu.wait_dma2 semaphore(%arg15 : memref<!tpu.dma_semaphore, #tpu.memory_space<semaphore_mem>>) src(%dma_wait3A_226 : memref<32xi32, #tpu.memory_space<hbm>>) dst(%dma_wait3A_224 : memref<32xi32, #tpu.memory_space<vmem>>)
    %dma_start3A_227 = arith.constant 0 : i32
    %dma_start3A_228 = arith.constant 0 : i32
    %dma_start3A_229 = arith.constant 0 : i32
    %dma_start3A_230 = arith.constant 0 : i32
    %dma_start3A_231 = arith.constant 0 : i32
    %dma_start3A_232 = tpu.memref_slice %arg11[%dma_start3A_229, %dma_start3A_230, %dma_start3A_231] : memref<8x32x128xf32, #tpu.memory_space<vmem>> -> memref<1x32x128xf32, #tpu.memory_space<vmem>>
    %dma_start3A_233 = tpu.memref_squeeze %dma_start3A_232 : memref<1x32x128xf32, #tpu.memory_space<vmem>> -> memref<32x128xf32, #tpu.memory_space<vmem>>
    %dma_start3A_234 = arith.constant 0 : i32
    %dma_start3A_235 = tpu.memref_slice %arg9[%dma_start3A_227, %dma_start3A_228, %dma_start3A_234] : memref<2x8x32xi32, #tpu.memory_space<vmem>> -> memref<1x1x32xi32, #tpu.memory_space<vmem>>
    %dma_start3A_236 = tpu.memref_squeeze %dma_start3A_235 : memref<1x1x32xi32, #tpu.memory_space<vmem>> -> memref<32xi32, #tpu.memory_space<vmem>>
    %dma_start3A_237 = arith.constant 0 : i32
    %dma_start3A_238 = arith.constant 0 : i32
    %dma_start3A_239 = tpu.memref_slice %arg2[%dma_start3A_237, %dma_start3A_238] : memref<10000x128xf32, #tpu.memory_space<hbm>> -> memref<10000x128xf32, #tpu.memory_space<hbm>>
    tpu.enqueue_indirect_dma source(%dma_start3A_239 : memref<10000x128xf32, #tpu.memory_space<hbm>>) target(%dma_start3A_233 : memref<32x128xf32, #tpu.memory_space<vmem>>) offsets(%dma_start3A_236 : memref<32xi32, #tpu.memory_space<vmem>>) semaphore(%arg23 : memref<!tpu.dma_semaphore, #tpu.memory_space<semaphore_mem>>)
    %dma_wait3A_240 = arith.constant 0 : i32
    %dma_wait3A_241 = arith.constant 1 : i32
    %dma_wait3A_242 = arith.constant 0 : i32
    %dma_wait3A_243 = tpu.memref_slice %arg9[%dma_wait3A_240, %dma_wait3A_241, %dma_wait3A_242] : memref<2x8x32xi32, #tpu.memory_space<vmem>> -> memref<1x1x32xi32, #tpu.memory_space<vmem>>
    %dma_wait3A_244 = tpu.memref_squeeze %dma_wait3A_243 : memref<1x1x32xi32, #tpu.memory_space<vmem>> -> memref<32xi32, #tpu.memory_space<vmem>>
    %dma_wait3A_245 = arith.constant 0 : i32
    %dma_wait3A_246 = tpu.memref_slice %arg3[%dma_wait3A_245] : memref<327680xi32, #tpu.memory_space<hbm>> -> memref<32xi32, #tpu.memory_space<hbm>>
    %dma_wait3A_247 = arith.constant 0 : i32
    %dma_wait3A_248 = tpu.memref_slice %arg9[%dma_wait3A_240, %dma_wait3A_241, %dma_wait3A_247] : memref<2x8x32xi32, #tpu.memory_space<vmem>> -> memref<1x1x32xi32, #tpu.memory_space<vmem>>
    %dma_wait3A_249 = tpu.memref_squeeze %dma_wait3A_248 : memref<1x1x32xi32, #tpu.memory_space<vmem>> -> memref<32xi32, #tpu.memory_space<vmem>>
    %dma_wait3A_250 = arith.constant 0 : i32
    %dma_wait3A_251 = tpu.memref_slice %arg3[%dma_wait3A_250] : memref<327680xi32, #tpu.memory_space<hbm>> -> memref<32xi32, #tpu.memory_space<hbm>>
    tpu.wait_dma2 semaphore(%arg16 : memref<!tpu.dma_semaphore, #tpu.memory_space<semaphore_mem>>) src(%dma_wait3A_251 : memref<32xi32, #tpu.memory_space<hbm>>) dst(%dma_wait3A_249 : memref<32xi32, #tpu.memory_space<vmem>>)
    %dma_wait3A_252 = arith.constant 0 : i32
    %dma_wait3A_253 = arith.constant 1 : i32
    %dma_wait3A_254 = arith.constant 0 : i32
    %dma_wait3A_255 = tpu.memref_slice %arg10[%dma_wait3A_252, %dma_wait3A_253, %dma_wait3A_254] : memref<2x8x32xi32, #tpu.memory_space<vmem>> -> memref<1x1x32xi32, #tpu.memory_space<vmem>>
    %dma_wait3A_256 = tpu.memref_squeeze %dma_wait3A_255 : memref<1x1x32xi32, #tpu.memory_space<vmem>> -> memref<32xi32, #tpu.memory_space<vmem>>
    %dma_wait3A_257 = arith.constant 0 : i32
    %dma_wait3A_258 = tpu.memref_slice %arg4[%dma_wait3A_257] : memref<327680xi32, #tpu.memory_space<hbm>> -> memref<32xi32, #tpu.memory_space<hbm>>
    %dma_wait3A_259 = arith.constant 0 : i32
    %dma_wait3A_260 = tpu.memref_slice %arg10[%dma_wait3A_252, %dma_wait3A_253, %dma_wait3A_259] : memref<2x8x32xi32, #tpu.memory_space<vmem>> -> memref<1x1x32xi32, #tpu.memory_space<vmem>>
    %dma_wait3A_261 = tpu.memref_squeeze %dma_wait3A_260 : memref<1x1x32xi32, #tpu.memory_space<vmem>> -> memref<32xi32, #tpu.memory_space<vmem>>
    %dma_wait3A_262 = arith.constant 0 : i32
    %dma_wait3A_263 = tpu.memref_slice %arg4[%dma_wait3A_262] : memref<327680xi32, #tpu.memory_space<hbm>> -> memref<32xi32, #tpu.memory_space<hbm>>
    tpu.wait_dma2 semaphore(%arg16 : memref<!tpu.dma_semaphore, #tpu.memory_space<semaphore_mem>>) src(%dma_wait3A_263 : memref<32xi32, #tpu.memory_space<hbm>>) dst(%dma_wait3A_261 : memref<32xi32, #tpu.memory_space<vmem>>)
    %dma_start3A_264 = arith.constant 0 : i32
    %dma_start3A_265 = arith.constant 1 : i32
    %dma_start3A_266 = arith.constant 1 : i32
    %dma_start3A_267 = arith.constant 0 : i32
    %dma_start3A_268 = arith.constant 0 : i32
    %dma_start3A_269 = tpu.memref_slice %arg11[%dma_start3A_266, %dma_start3A_267, %dma_start3A_268] : memref<8x32x128xf32, #tpu.memory_space<vmem>> -> memref<1x32x128xf32, #tpu.memory_space<vmem>>
    %dma_start3A_270 = tpu.memref_squeeze %dma_start3A_269 : memref<1x32x128xf32, #tpu.memory_space<vmem>> -> memref<32x128xf32, #tpu.memory_space<vmem>>
    %dma_start3A_271 = arith.constant 0 : i32
    %dma_start3A_272 = tpu.memref_slice %arg9[%dma_start3A_264, %dma_start3A_265, %dma_start3A_271] : memref<2x8x32xi32, #tpu.memory_space<vmem>> -> memref<1x1x32xi32, #tpu.memory_space<vmem>>
    %dma_start3A_273 = tpu.memref_squeeze %dma_start3A_272 : memref<1x1x32xi32, #tpu.memory_space<vmem>> -> memref<32xi32, #tpu.memory_space<vmem>>
    %dma_start3A_274 = arith.constant 0 : i32
    %dma_start3A_275 = arith.constant 0 : i32
    %dma_start3A_276 = tpu.memref_slice %arg2[%dma_start3A_274, %dma_start3A_275] : memref<10000x128xf32, #tpu.memory_space<hbm>> -> memref<10000x128xf32, #tpu.memory_space<hbm>>
    tpu.enqueue_indirect_dma source(%dma_start3A_276 : memref<10000x128xf32, #tpu.memory_space<hbm>>) target(%dma_start3A_270 : memref<32x128xf32, #tpu.memory_space<vmem>>) offsets(%dma_start3A_273 : memref<32xi32, #tpu.memory_space<vmem>>) semaphore(%arg24 : memref<!tpu.dma_semaphore, #tpu.memory_space<semaphore_mem>>)
    %dma_wait3A_277 = arith.constant 0 : i32
    %dma_wait3A_278 = arith.constant 2 : i32
    %dma_wait3A_279 = arith.constant 0 : i32
    %dma_wait3A_280 = tpu.memref_slice %arg9[%dma_wait3A_277, %dma_wait3A_278, %dma_wait3A_279] : memref<2x8x32xi32, #tpu.memory_space<vmem>> -> memref<1x1x32xi32, #tpu.memory_space<vmem>>
    %dma_wait3A_281 = tpu.memref_squeeze %dma_wait3A_280 : memref<1x1x32xi32, #tpu.memory_space<vmem>> -> memref<32xi32, #tpu.memory_space<vmem>>
    %dma_wait3A_282 = arith.constant 0 : i32
    %dma_wait3A_283 = tpu.memref_slice %arg3[%dma_wait3A_282] : memref<327680xi32, #tpu.memory_space<hbm>> -> memref<32xi32, #tpu.memory_space<hbm>>
    %dma_wait3A_284 = arith.constant 0 : i32
    %dma_wait3A_285 = tpu.memref_slice %arg9[%dma_wait3A_277, %dma_wait3A_278, %dma_wait3A_284] : memref<2x8x32xi32, #tpu.memory_space<vmem>> -> memref<1x1x32xi32, #tpu.memory_space<vmem>>
    %dma_wait3A_286 = tpu.memref_squeeze %dma_wait3A_285 : memref<1x1x32xi32, #tpu.memory_space<vmem>> -> memref<32xi32, #tpu.memory_space<vmem>>
    %dma_wait3A_287 = arith.constant 0 : i32
    %dma_wait3A_288 = tpu.memref_slice %arg3[%dma_wait3A_287] : memref<327680xi32, #tpu.memory_space<hbm>> -> memref<32xi32, #tpu.memory_space<hbm>>
    tpu.wait_dma2 semaphore(%arg17 : memref<!tpu.dma_semaphore, #tpu.memory_space<semaphore_mem>>) src(%dma_wait3A_288 : memref<32xi32, #tpu.memory_space<hbm>>) dst(%dma_wait3A_286 : memref<32xi32, #tpu.memory_space<vmem>>)
    %dma_wait3A_289 = arith.constant 0 : i32
    %dma_wait3A_290 = arith.constant 2 : i32
    %dma_wait3A_291 = arith.constant 0 : i32
    %dma_wait3A_292 = tpu.memref_slice %arg10[%dma_wait3A_289, %dma_wait3A_290, %dma_wait3A_291] : memref<2x8x32xi32, #tpu.memory_space<vmem>> -> memref<1x1x32xi32, #tpu.memory_space<vmem>>
    %dma_wait3A_293 = tpu.memref_squeeze %dma_wait3A_292 : memref<1x1x32xi32, #tpu.memory_space<vmem>> -> memref<32xi32, #tpu.memory_space<vmem>>
    %dma_wait3A_294 = arith.constant 0 : i32
    %dma_wait3A_295 = tpu.memref_slice %arg4[%dma_wait3A_294] : memref<327680xi32, #tpu.memory_space<hbm>> -> memref<32xi32, #tpu.memory_space<hbm>>
    %dma_wait3A_296 = arith.constant 0 : i32
    %dma_wait3A_297 = tpu.memref_slice %arg10[%dma_wait3A_289, %dma_wait3A_290, %dma_wait3A_296] : memref<2x8x32xi32, #tpu.memory_space<vmem>> -> memref<1x1x32xi32, #tpu.memory_space<vmem>>
    %dma_wait3A_298 = tpu.memref_squeeze %dma_wait3A_297 : memref<1x1x32xi32, #tpu.memory_space<vmem>> -> memref<32xi32, #tpu.memory_space<vmem>>
    %dma_wait3A_299 = arith.constant 0 : i32
    %dma_wait3A_300 = tpu.memref_slice %arg4[%dma_wait3A_299] : memref<327680xi32, #tpu.memory_space<hbm>> -> memref<32xi32, #tpu.memory_space<hbm>>
    tpu.wait_dma2 semaphore(%arg17 : memref<!tpu.dma_semaphore, #tpu.memory_space<semaphore_mem>>) src(%dma_wait3A_300 : memref<32xi32, #tpu.memory_space<hbm>>) dst(%dma_wait3A_298 : memref<32xi32, #tpu.memory_space<vmem>>)
    %dma_start3A_301 = arith.constant 0 : i32
    %dma_start3A_302 = arith.constant 2 : i32
    %dma_start3A_303 = arith.constant 2 : i32
    %dma_start3A_304 = arith.constant 0 : i32
    %dma_start3A_305 = arith.constant 0 : i32
    %dma_start3A_306 = tpu.memref_slice %arg11[%dma_start3A_303, %dma_start3A_304, %dma_start3A_305] : memref<8x32x128xf32, #tpu.memory_space<vmem>> -> memref<1x32x128xf32, #tpu.memory_space<vmem>>
    %dma_start3A_307 = tpu.memref_squeeze %dma_start3A_306 : memref<1x32x128xf32, #tpu.memory_space<vmem>> -> memref<32x128xf32, #tpu.memory_space<vmem>>
    %dma_start3A_308 = arith.constant 0 : i32
    %dma_start3A_309 = tpu.memref_slice %arg9[%dma_start3A_301, %dma_start3A_302, %dma_start3A_308] : memref<2x8x32xi32, #tpu.memory_space<vmem>> -> memref<1x1x32xi32, #tpu.memory_space<vmem>>
    %dma_start3A_310 = tpu.memref_squeeze %dma_start3A_309 : memref<1x1x32xi32, #tpu.memory_space<vmem>> -> memref<32xi32, #tpu.memory_space<vmem>>
    %dma_start3A_311 = arith.constant 0 : i32
    %dma_start3A_312 = arith.constant 0 : i32
    %dma_start3A_313 = tpu.memref_slice %arg2[%dma_start3A_311, %dma_start3A_312] : memref<10000x128xf32, #tpu.memory_space<hbm>> -> memref<10000x128xf32, #tpu.memory_space<hbm>>
    tpu.enqueue_indirect_dma source(%dma_start3A_313 : memref<10000x128xf32, #tpu.memory_space<hbm>>) target(%dma_start3A_307 : memref<32x128xf32, #tpu.memory_space<vmem>>) offsets(%dma_start3A_310 : memref<32xi32, #tpu.memory_space<vmem>>) semaphore(%arg25 : memref<!tpu.dma_semaphore, #tpu.memory_space<semaphore_mem>>)
    %dma_wait3A_314 = arith.constant 0 : i32
    %dma_wait3A_315 = arith.constant 3 : i32
    %dma_wait3A_316 = arith.constant 0 : i32
    %dma_wait3A_317 = tpu.memref_slice %arg9[%dma_wait3A_314, %dma_wait3A_315, %dma_wait3A_316] : memref<2x8x32xi32, #tpu.memory_space<vmem>> -> memref<1x1x32xi32, #tpu.memory_space<vmem>>
    %dma_wait3A_318 = tpu.memref_squeeze %dma_wait3A_317 : memref<1x1x32xi32, #tpu.memory_space<vmem>> -> memref<32xi32, #tpu.memory_space<vmem>>
    %dma_wait3A_319 = arith.constant 0 : i32
    %dma_wait3A_320 = tpu.memref_slice %arg3[%dma_wait3A_319] : memref<327680xi32, #tpu.memory_space<hbm>> -> memref<32xi32, #tpu.memory_space<hbm>>
    %dma_wait3A_321 = arith.constant 0 : i32
    %dma_wait3A_322 = tpu.memref_slice %arg9[%dma_wait3A_314, %dma_wait3A_315, %dma_wait3A_321] : memref<2x8x32xi32, #tpu.memory_space<vmem>> -> memref<1x1x32xi32, #tpu.memory_space<vmem>>
    %dma_wait3A_323 = tpu.memref_squeeze %dma_wait3A_322 : memref<1x1x32xi32, #tpu.memory_space<vmem>> -> memref<32xi32, #tpu.memory_space<vmem>>
    %dma_wait3A_324 = arith.constant 0 : i32
    %dma_wait3A_325 = tpu.memref_slice %arg3[%dma_wait3A_324] : memref<327680xi32, #tpu.memory_space<hbm>> -> memref<32xi32, #tpu.memory_space<hbm>>
    tpu.wait_dma2 semaphore(%arg18 : memref<!tpu.dma_semaphore, #tpu.memory_space<semaphore_mem>>) src(%dma_wait3A_325 : memref<32xi32, #tpu.memory_space<hbm>>) dst(%dma_wait3A_323 : memref<32xi32, #tpu.memory_space<vmem>>)
    %dma_wait3A_326 = arith.constant 0 : i32
    %dma_wait3A_327 = arith.constant 3 : i32
    %dma_wait3A_328 = arith.constant 0 : i32
    %dma_wait3A_329 = tpu.memref_slice %arg10[%dma_wait3A_326, %dma_wait3A_327, %dma_wait3A_328] : memref<2x8x32xi32, #tpu.memory_space<vmem>> -> memref<1x1x32xi32, #tpu.memory_space<vmem>>
    %dma_wait3A_330 = tpu.memref_squeeze %dma_wait3A_329 : memref<1x1x32xi32, #tpu.memory_space<vmem>> -> memref<32xi32, #tpu.memory_space<vmem>>
    %dma_wait3A_331 = arith.constant 0 : i32
    %dma_wait3A_332 = tpu.memref_slice %arg4[%dma_wait3A_331] : memref<327680xi32, #tpu.memory_space<hbm>> -> memref<32xi32, #tpu.memory_space<hbm>>
    %dma_wait3A_333 = arith.constant 0 : i32
    %dma_wait3A_334 = tpu.memref_slice %arg10[%dma_wait3A_326, %dma_wait3A_327, %dma_wait3A_333] : memref<2x8x32xi32, #tpu.memory_space<vmem>> -> memref<1x1x32xi32, #tpu.memory_space<vmem>>
    %dma_wait3A_335 = tpu.memref_squeeze %dma_wait3A_334 : memref<1x1x32xi32, #tpu.memory_space<vmem>> -> memref<32xi32, #tpu.memory_space<vmem>>
    %dma_wait3A_336 = arith.constant 0 : i32
    %dma_wait3A_337 = tpu.memref_slice %arg4[%dma_wait3A_336] : memref<327680xi32, #tpu.memory_space<hbm>> -> memref<32xi32, #tpu.memory_space<hbm>>
    tpu.wait_dma2 semaphore(%arg18 : memref<!tpu.dma_semaphore, #tpu.memory_space<semaphore_mem>>) src(%dma_wait3A_337 : memref<32xi32, #tpu.memory_space<hbm>>) dst(%dma_wait3A_335 : memref<32xi32, #tpu.memory_space<vmem>>)
    %dma_start3A_338 = arith.constant 0 : i32
    %dma_start3A_339 = arith.constant 3 : i32
    %dma_start3A_340 = arith.constant 3 : i32
    %dma_start3A_341 = arith.constant 0 : i32
    %dma_start3A_342 = arith.constant 0 : i32
    %dma_start3A_343 = tpu.memref_slice %arg11[%dma_start3A_340, %dma_start3A_341, %dma_start3A_342] : memref<8x32x128xf32, #tpu.memory_space<vmem>> -> memref<1x32x128xf32, #tpu.memory_space<vmem>>
    %dma_start3A_344 = tpu.memref_squeeze %dma_start3A_343 : memref<1x32x128xf32, #tpu.memory_space<vmem>> -> memref<32x128xf32, #tpu.memory_space<vmem>>
    %dma_start3A_345 = arith.constant 0 : i32
    %dma_start3A_346 = tpu.memref_slice %arg9[%dma_start3A_338, %dma_start3A_339, %dma_start3A_345] : memref<2x8x32xi32, #tpu.memory_space<vmem>> -> memref<1x1x32xi32, #tpu.memory_space<vmem>>
    %dma_start3A_347 = tpu.memref_squeeze %dma_start3A_346 : memref<1x1x32xi32, #tpu.memory_space<vmem>> -> memref<32xi32, #tpu.memory_space<vmem>>
    %dma_start3A_348 = arith.constant 0 : i32
    %dma_start3A_349 = arith.constant 0 : i32
    %dma_start3A_350 = tpu.memref_slice %arg2[%dma_start3A_348, %dma_start3A_349] : memref<10000x128xf32, #tpu.memory_space<hbm>> -> memref<10000x128xf32, #tpu.memory_space<hbm>>
    tpu.enqueue_indirect_dma source(%dma_start3A_350 : memref<10000x128xf32, #tpu.memory_space<hbm>>) target(%dma_start3A_344 : memref<32x128xf32, #tpu.memory_space<vmem>>) offsets(%dma_start3A_347 : memref<32xi32, #tpu.memory_space<vmem>>) semaphore(%arg26 : memref<!tpu.dma_semaphore, #tpu.memory_space<semaphore_mem>>)
    %dma_wait3A_351 = arith.constant 0 : i32
    %dma_wait3A_352 = arith.constant 4 : i32
    %dma_wait3A_353 = arith.constant 0 : i32
    %dma_wait3A_354 = tpu.memref_slice %arg9[%dma_wait3A_351, %dma_wait3A_352, %dma_wait3A_353] : memref<2x8x32xi32, #tpu.memory_space<vmem>> -> memref<1x1x32xi32, #tpu.memory_space<vmem>>
    %dma_wait3A_355 = tpu.memref_squeeze %dma_wait3A_354 : memref<1x1x32xi32, #tpu.memory_space<vmem>> -> memref<32xi32, #tpu.memory_space<vmem>>
    %dma_wait3A_356 = arith.constant 0 : i32
    %dma_wait3A_357 = tpu.memref_slice %arg3[%dma_wait3A_356] : memref<327680xi32, #tpu.memory_space<hbm>> -> memref<32xi32, #tpu.memory_space<hbm>>
    %dma_wait3A_358 = arith.constant 0 : i32
    %dma_wait3A_359 = tpu.memref_slice %arg9[%dma_wait3A_351, %dma_wait3A_352, %dma_wait3A_358] : memref<2x8x32xi32, #tpu.memory_space<vmem>> -> memref<1x1x32xi32, #tpu.memory_space<vmem>>
    %dma_wait3A_360 = tpu.memref_squeeze %dma_wait3A_359 : memref<1x1x32xi32, #tpu.memory_space<vmem>> -> memref<32xi32, #tpu.memory_space<vmem>>
    %dma_wait3A_361 = arith.constant 0 : i32
    %dma_wait3A_362 = tpu.memref_slice %arg3[%dma_wait3A_361] : memref<327680xi32, #tpu.memory_space<hbm>> -> memref<32xi32, #tpu.memory_space<hbm>>
    tpu.wait_dma2 semaphore(%arg19 : memref<!tpu.dma_semaphore, #tpu.memory_space<semaphore_mem>>) src(%dma_wait3A_362 : memref<32xi32, #tpu.memory_space<hbm>>) dst(%dma_wait3A_360 : memref<32xi32, #tpu.memory_space<vmem>>)
    %dma_wait3A_363 = arith.constant 0 : i32
    %dma_wait3A_364 = arith.constant 4 : i32
    %dma_wait3A_365 = arith.constant 0 : i32
    %dma_wait3A_366 = tpu.memref_slice %arg10[%dma_wait3A_363, %dma_wait3A_364, %dma_wait3A_365] : memref<2x8x32xi32, #tpu.memory_space<vmem>> -> memref<1x1x32xi32, #tpu.memory_space<vmem>>
    %dma_wait3A_367 = tpu.memref_squeeze %dma_wait3A_366 : memref<1x1x32xi32, #tpu.memory_space<vmem>> -> memref<32xi32, #tpu.memory_space<vmem>>
    %dma_wait3A_368 = arith.constant 0 : i32
    %dma_wait3A_369 = tpu.memref_slice %arg4[%dma_wait3A_368] : memref<327680xi32, #tpu.memory_space<hbm>> -> memref<32xi32, #tpu.memory_space<hbm>>
    %dma_wait3A_370 = arith.constant 0 : i32
    %dma_wait3A_371 = tpu.memref_slice %arg10[%dma_wait3A_363, %dma_wait3A_364, %dma_wait3A_370] : memref<2x8x32xi32, #tpu.memory_space<vmem>> -> memref<1x1x32xi32, #tpu.memory_space<vmem>>
    %dma_wait3A_372 = tpu.memref_squeeze %dma_wait3A_371 : memref<1x1x32xi32, #tpu.memory_space<vmem>> -> memref<32xi32, #tpu.memory_space<vmem>>
    %dma_wait3A_373 = arith.constant 0 : i32
    %dma_wait3A_374 = tpu.memref_slice %arg4[%dma_wait3A_373] : memref<327680xi32, #tpu.memory_space<hbm>> -> memref<32xi32, #tpu.memory_space<hbm>>
    tpu.wait_dma2 semaphore(%arg19 : memref<!tpu.dma_semaphore, #tpu.memory_space<semaphore_mem>>) src(%dma_wait3A_374 : memref<32xi32, #tpu.memory_space<hbm>>) dst(%dma_wait3A_372 : memref<32xi32, #tpu.memory_space<vmem>>)
    %dma_start3A_375 = arith.constant 0 : i32
    %dma_start3A_376 = arith.constant 4 : i32
    %dma_start3A_377 = arith.constant 4 : i32
    %dma_start3A_378 = arith.constant 0 : i32
    %dma_start3A_379 = arith.constant 0 : i32
    %dma_start3A_380 = tpu.memref_slice %arg11[%dma_start3A_377, %dma_start3A_378, %dma_start3A_379] : memref<8x32x128xf32, #tpu.memory_space<vmem>> -> memref<1x32x128xf32, #tpu.memory_space<vmem>>
    %dma_start3A_381 = tpu.memref_squeeze %dma_start3A_380 : memref<1x32x128xf32, #tpu.memory_space<vmem>> -> memref<32x128xf32, #tpu.memory_space<vmem>>
    %dma_start3A_382 = arith.constant 0 : i32
    %dma_start3A_383 = tpu.memref_slice %arg9[%dma_start3A_375, %dma_start3A_376, %dma_start3A_382] : memref<2x8x32xi32, #tpu.memory_space<vmem>> -> memref<1x1x32xi32, #tpu.memory_space<vmem>>
    %dma_start3A_384 = tpu.memref_squeeze %dma_start3A_383 : memref<1x1x32xi32, #tpu.memory_space<vmem>> -> memref<32xi32, #tpu.memory_space<vmem>>
    %dma_start3A_385 = arith.constant 0 : i32
    %dma_start3A_386 = arith.constant 0 : i32
    %dma_start3A_387 = tpu.memref_slice %arg2[%dma_start3A_385, %dma_start3A_386] : memref<10000x128xf32, #tpu.memory_space<hbm>> -> memref<10000x128xf32, #tpu.memory_space<hbm>>
    tpu.enqueue_indirect_dma source(%dma_start3A_387 : memref<10000x128xf32, #tpu.memory_space<hbm>>) target(%dma_start3A_381 : memref<32x128xf32, #tpu.memory_space<vmem>>) offsets(%dma_start3A_384 : memref<32xi32, #tpu.memory_space<vmem>>) semaphore(%arg27 : memref<!tpu.dma_semaphore, #tpu.memory_space<semaphore_mem>>)
    %dma_wait3A_388 = arith.constant 0 : i32
    %dma_wait3A_389 = arith.constant 5 : i32
    %dma_wait3A_390 = arith.constant 0 : i32
    %dma_wait3A_391 = tpu.memref_slice %arg9[%dma_wait3A_388, %dma_wait3A_389, %dma_wait3A_390] : memref<2x8x32xi32, #tpu.memory_space<vmem>> -> memref<1x1x32xi32, #tpu.memory_space<vmem>>
    %dma_wait3A_392 = tpu.memref_squeeze %dma_wait3A_391 : memref<1x1x32xi32, #tpu.memory_space<vmem>> -> memref<32xi32, #tpu.memory_space<vmem>>
    %dma_wait3A_393 = arith.constant 0 : i32
    %dma_wait3A_394 = tpu.memref_slice %arg3[%dma_wait3A_393] : memref<327680xi32, #tpu.memory_space<hbm>> -> memref<32xi32, #tpu.memory_space<hbm>>
    %dma_wait3A_395 = arith.constant 0 : i32
    %dma_wait3A_396 = tpu.memref_slice %arg9[%dma_wait3A_388, %dma_wait3A_389, %dma_wait3A_395] : memref<2x8x32xi32, #tpu.memory_space<vmem>> -> memref<1x1x32xi32, #tpu.memory_space<vmem>>
    %dma_wait3A_397 = tpu.memref_squeeze %dma_wait3A_396 : memref<1x1x32xi32, #tpu.memory_space<vmem>> -> memref<32xi32, #tpu.memory_space<vmem>>
    %dma_wait3A_398 = arith.constant 0 : i32
    %dma_wait3A_399 = tpu.memref_slice %arg3[%dma_wait3A_398] : memref<327680xi32, #tpu.memory_space<hbm>> -> memref<32xi32, #tpu.memory_space<hbm>>
    tpu.wait_dma2 semaphore(%arg20 : memref<!tpu.dma_semaphore, #tpu.memory_space<semaphore_mem>>) src(%dma_wait3A_399 : memref<32xi32, #tpu.memory_space<hbm>>) dst(%dma_wait3A_397 : memref<32xi32, #tpu.memory_space<vmem>>)
    %dma_wait3A_400 = arith.constant 0 : i32
    %dma_wait3A_401 = arith.constant 5 : i32
    %dma_wait3A_402 = arith.constant 0 : i32
    %dma_wait3A_403 = tpu.memref_slice %arg10[%dma_wait3A_400, %dma_wait3A_401, %dma_wait3A_402] : memref<2x8x32xi32, #tpu.memory_space<vmem>> -> memref<1x1x32xi32, #tpu.memory_space<vmem>>
    %dma_wait3A_404 = tpu.memref_squeeze %dma_wait3A_403 : memref<1x1x32xi32, #tpu.memory_space<vmem>> -> memref<32xi32, #tpu.memory_space<vmem>>
    %dma_wait3A_405 = arith.constant 0 : i32
    %dma_wait3A_406 = tpu.memref_slice %arg4[%dma_wait3A_405] : memref<327680xi32, #tpu.memory_space<hbm>> -> memref<32xi32, #tpu.memory_space<hbm>>
    %dma_wait3A_407 = arith.constant 0 : i32
    %dma_wait3A_408 = tpu.memref_slice %arg10[%dma_wait3A_400, %dma_wait3A_401, %dma_wait3A_407] : memref<2x8x32xi32, #tpu.memory_space<vmem>> -> memref<1x1x32xi32, #tpu.memory_space<vmem>>
    %dma_wait3A_409 = tpu.memref_squeeze %dma_wait3A_408 : memref<1x1x32xi32, #tpu.memory_space<vmem>> -> memref<32xi32, #tpu.memory_space<vmem>>
    %dma_wait3A_410 = arith.constant 0 : i32
    %dma_wait3A_411 = tpu.memref_slice %arg4[%dma_wait3A_410] : memref<327680xi32, #tpu.memory_space<hbm>> -> memref<32xi32, #tpu.memory_space<hbm>>
    tpu.wait_dma2 semaphore(%arg20 : memref<!tpu.dma_semaphore, #tpu.memory_space<semaphore_mem>>) src(%dma_wait3A_411 : memref<32xi32, #tpu.memory_space<hbm>>) dst(%dma_wait3A_409 : memref<32xi32, #tpu.memory_space<vmem>>)
    %dma_start3A_412 = arith.constant 0 : i32
    %dma_start3A_413 = arith.constant 5 : i32
    %dma_start3A_414 = arith.constant 5 : i32
    %dma_start3A_415 = arith.constant 0 : i32
    %dma_start3A_416 = arith.constant 0 : i32
    %dma_start3A_417 = tpu.memref_slice %arg11[%dma_start3A_414, %dma_start3A_415, %dma_start3A_416] : memref<8x32x128xf32, #tpu.memory_space<vmem>> -> memref<1x32x128xf32, #tpu.memory_space<vmem>>
    %dma_start3A_418 = tpu.memref_squeeze %dma_start3A_417 : memref<1x32x128xf32, #tpu.memory_space<vmem>> -> memref<32x128xf32, #tpu.memory_space<vmem>>
    %dma_start3A_419 = arith.constant 0 : i32
    %dma_start3A_420 = tpu.memref_slice %arg9[%dma_start3A_412, %dma_start3A_413, %dma_start3A_419] : memref<2x8x32xi32, #tpu.memory_space<vmem>> -> memref<1x1x32xi32, #tpu.memory_space<vmem>>
    %dma_start3A_421 = tpu.memref_squeeze %dma_start3A_420 : memref<1x1x32xi32, #tpu.memory_space<vmem>> -> memref<32xi32, #tpu.memory_space<vmem>>
    %dma_start3A_422 = arith.constant 0 : i32
    %dma_start3A_423 = arith.constant 0 : i32
    %dma_start3A_424 = tpu.memref_slice %arg2[%dma_start3A_422, %dma_start3A_423] : memref<10000x128xf32, #tpu.memory_space<hbm>> -> memref<10000x128xf32, #tpu.memory_space<hbm>>
    tpu.enqueue_indirect_dma source(%dma_start3A_424 : memref<10000x128xf32, #tpu.memory_space<hbm>>) target(%dma_start3A_418 : memref<32x128xf32, #tpu.memory_space<vmem>>) offsets(%dma_start3A_421 : memref<32xi32, #tpu.memory_space<vmem>>) semaphore(%arg28 : memref<!tpu.dma_semaphore, #tpu.memory_space<semaphore_mem>>)
    %dma_wait3A_425 = arith.constant 0 : i32
    %dma_wait3A_426 = arith.constant 6 : i32
    %dma_wait3A_427 = arith.constant 0 : i32
    %dma_wait3A_428 = tpu.memref_slice %arg9[%dma_wait3A_425, %dma_wait3A_426, %dma_wait3A_427] : memref<2x8x32xi32, #tpu.memory_space<vmem>> -> memref<1x1x32xi32, #tpu.memory_space<vmem>>
    %dma_wait3A_429 = tpu.memref_squeeze %dma_wait3A_428 : memref<1x1x32xi32, #tpu.memory_space<vmem>> -> memref<32xi32, #tpu.memory_space<vmem>>
    %dma_wait3A_430 = arith.constant 0 : i32
    %dma_wait3A_431 = tpu.memref_slice %arg3[%dma_wait3A_430] : memref<327680xi32, #tpu.memory_space<hbm>> -> memref<32xi32, #tpu.memory_space<hbm>>
    %dma_wait3A_432 = arith.constant 0 : i32
    %dma_wait3A_433 = tpu.memref_slice %arg9[%dma_wait3A_425, %dma_wait3A_426, %dma_wait3A_432] : memref<2x8x32xi32, #tpu.memory_space<vmem>> -> memref<1x1x32xi32, #tpu.memory_space<vmem>>
    %dma_wait3A_434 = tpu.memref_squeeze %dma_wait3A_433 : memref<1x1x32xi32, #tpu.memory_space<vmem>> -> memref<32xi32, #tpu.memory_space<vmem>>
    %dma_wait3A_435 = arith.constant 0 : i32
    %dma_wait3A_436 = tpu.memref_slice %arg3[%dma_wait3A_435] : memref<327680xi32, #tpu.memory_space<hbm>> -> memref<32xi32, #tpu.memory_space<hbm>>
    tpu.wait_dma2 semaphore(%arg21 : memref<!tpu.dma_semaphore, #tpu.memory_space<semaphore_mem>>) src(%dma_wait3A_436 : memref<32xi32, #tpu.memory_space<hbm>>) dst(%dma_wait3A_434 : memref<32xi32, #tpu.memory_space<vmem>>)
    %dma_wait3A_437 = arith.constant 0 : i32
    %dma_wait3A_438 = arith.constant 6 : i32
    %dma_wait3A_439 = arith.constant 0 : i32
    %dma_wait3A_440 = tpu.memref_slice %arg10[%dma_wait3A_437, %dma_wait3A_438, %dma_wait3A_439] : memref<2x8x32xi32, #tpu.memory_space<vmem>> -> memref<1x1x32xi32, #tpu.memory_space<vmem>>
    %dma_wait3A_441 = tpu.memref_squeeze %dma_wait3A_440 : memref<1x1x32xi32, #tpu.memory_space<vmem>> -> memref<32xi32, #tpu.memory_space<vmem>>
    %dma_wait3A_442 = arith.constant 0 : i32
    %dma_wait3A_443 = tpu.memref_slice %arg4[%dma_wait3A_442] : memref<327680xi32, #tpu.memory_space<hbm>> -> memref<32xi32, #tpu.memory_space<hbm>>
    %dma_wait3A_444 = arith.constant 0 : i32
    %dma_wait3A_445 = tpu.memref_slice %arg10[%dma_wait3A_437, %dma_wait3A_438, %dma_wait3A_444] : memref<2x8x32xi32, #tpu.memory_space<vmem>> -> memref<1x1x32xi32, #tpu.memory_space<vmem>>
    %dma_wait3A_446 = tpu.memref_squeeze %dma_wait3A_445 : memref<1x1x32xi32, #tpu.memory_space<vmem>> -> memref<32xi32, #tpu.memory_space<vmem>>
    %dma_wait3A_447 = arith.constant 0 : i32
    %dma_wait3A_448 = tpu.memref_slice %arg4[%dma_wait3A_447] : memref<327680xi32, #tpu.memory_space<hbm>> -> memref<32xi32, #tpu.memory_space<hbm>>
    tpu.wait_dma2 semaphore(%arg21 : memref<!tpu.dma_semaphore, #tpu.memory_space<semaphore_mem>>) src(%dma_wait3A_448 : memref<32xi32, #tpu.memory_space<hbm>>) dst(%dma_wait3A_446 : memref<32xi32, #tpu.memory_space<vmem>>)
    %dma_start3A_449 = arith.constant 0 : i32
    %dma_start3A_450 = arith.constant 6 : i32
    %dma_start3A_451 = arith.constant 6 : i32
    %dma_start3A_452 = arith.constant 0 : i32
    %dma_start3A_453 = arith.constant 0 : i32
    %dma_start3A_454 = tpu.memref_slice %arg11[%dma_start3A_451, %dma_start3A_452, %dma_start3A_453] : memref<8x32x128xf32, #tpu.memory_space<vmem>> -> memref<1x32x128xf32, #tpu.memory_space<vmem>>
    %dma_start3A_455 = tpu.memref_squeeze %dma_start3A_454 : memref<1x32x128xf32, #tpu.memory_space<vmem>> -> memref<32x128xf32, #tpu.memory_space<vmem>>
    %dma_start3A_456 = arith.constant 0 : i32
    %dma_start3A_457 = tpu.memref_slice %arg9[%dma_start3A_449, %dma_start3A_450, %dma_start3A_456] : memref<2x8x32xi32, #tpu.memory_space<vmem>> -> memref<1x1x32xi32, #tpu.memory_space<vmem>>
    %dma_start3A_458 = tpu.memref_squeeze %dma_start3A_457 : memref<1x1x32xi32, #tpu.memory_space<vmem>> -> memref<32xi32, #tpu.memory_space<vmem>>
    %dma_start3A_459 = arith.constant 0 : i32
    %dma_start3A_460 = arith.constant 0 : i32
    %dma_start3A_461 = tpu.memref_slice %arg2[%dma_start3A_459, %dma_start3A_460] : memref<10000x128xf32, #tpu.memory_space<hbm>> -> memref<10000x128xf32, #tpu.memory_space<hbm>>
    tpu.enqueue_indirect_dma source(%dma_start3A_461 : memref<10000x128xf32, #tpu.memory_space<hbm>>) target(%dma_start3A_455 : memref<32x128xf32, #tpu.memory_space<vmem>>) offsets(%dma_start3A_458 : memref<32xi32, #tpu.memory_space<vmem>>) semaphore(%arg29 : memref<!tpu.dma_semaphore, #tpu.memory_space<semaphore_mem>>)
    %dma_wait3A_462 = arith.constant 0 : i32
    %dma_wait3A_463 = arith.constant 7 : i32
    %dma_wait3A_464 = arith.constant 0 : i32
    %dma_wait3A_465 = tpu.memref_slice %arg9[%dma_wait3A_462, %dma_wait3A_463, %dma_wait3A_464] : memref<2x8x32xi32, #tpu.memory_space<vmem>> -> memref<1x1x32xi32, #tpu.memory_space<vmem>>
    %dma_wait3A_466 = tpu.memref_squeeze %dma_wait3A_465 : memref<1x1x32xi32, #tpu.memory_space<vmem>> -> memref<32xi32, #tpu.memory_space<vmem>>
    %dma_wait3A_467 = arith.constant 0 : i32
    %dma_wait3A_468 = tpu.memref_slice %arg3[%dma_wait3A_467] : memref<327680xi32, #tpu.memory_space<hbm>> -> memref<32xi32, #tpu.memory_space<hbm>>
    %dma_wait3A_469 = arith.constant 0 : i32
    %dma_wait3A_470 = tpu.memref_slice %arg9[%dma_wait3A_462, %dma_wait3A_463, %dma_wait3A_469] : memref<2x8x32xi32, #tpu.memory_space<vmem>> -> memref<1x1x32xi32, #tpu.memory_space<vmem>>
    %dma_wait3A_471 = tpu.memref_squeeze %dma_wait3A_470 : memref<1x1x32xi32, #tpu.memory_space<vmem>> -> memref<32xi32, #tpu.memory_space<vmem>>
    %dma_wait3A_472 = arith.constant 0 : i32
    %dma_wait3A_473 = tpu.memref_slice %arg3[%dma_wait3A_472] : memref<327680xi32, #tpu.memory_space<hbm>> -> memref<32xi32, #tpu.memory_space<hbm>>
    tpu.wait_dma2 semaphore(%arg22 : memref<!tpu.dma_semaphore, #tpu.memory_space<semaphore_mem>>) src(%dma_wait3A_473 : memref<32xi32, #tpu.memory_space<hbm>>) dst(%dma_wait3A_471 : memref<32xi32, #tpu.memory_space<vmem>>)
    %dma_wait3A_474 = arith.constant 0 : i32
    %dma_wait3A_475 = arith.constant 7 : i32
    %dma_wait3A_476 = arith.constant 0 : i32
    %dma_wait3A_477 = tpu.memref_slice %arg10[%dma_wait3A_474, %dma_wait3A_475, %dma_wait3A_476] : memref<2x8x32xi32, #tpu.memory_space<vmem>> -> memref<1x1x32xi32, #tpu.memory_space<vmem>>
    %dma_wait3A_478 = tpu.memref_squeeze %dma_wait3A_477 : memref<1x1x32xi32, #tpu.memory_space<vmem>> -> memref<32xi32, #tpu.memory_space<vmem>>
    %dma_wait3A_479 = arith.constant 0 : i32
    %dma_wait3A_480 = tpu.memref_slice %arg4[%dma_wait3A_479] : memref<327680xi32, #tpu.memory_space<hbm>> -> memref<32xi32, #tpu.memory_space<hbm>>
    %dma_wait3A_481 = arith.constant 0 : i32
    %dma_wait3A_482 = tpu.memref_slice %arg10[%dma_wait3A_474, %dma_wait3A_475, %dma_wait3A_481] : memref<2x8x32xi32, #tpu.memory_space<vmem>> -> memref<1x1x32xi32, #tpu.memory_space<vmem>>
    %dma_wait3A_483 = tpu.memref_squeeze %dma_wait3A_482 : memref<1x1x32xi32, #tpu.memory_space<vmem>> -> memref<32xi32, #tpu.memory_space<vmem>>
    %dma_wait3A_484 = arith.constant 0 : i32
    %dma_wait3A_485 = tpu.memref_slice %arg4[%dma_wait3A_484] : memref<327680xi32, #tpu.memory_space<hbm>> -> memref<32xi32, #tpu.memory_space<hbm>>
    tpu.wait_dma2 semaphore(%arg22 : memref<!tpu.dma_semaphore, #tpu.memory_space<semaphore_mem>>) src(%dma_wait3A_485 : memref<32xi32, #tpu.memory_space<hbm>>) dst(%dma_wait3A_483 : memref<32xi32, #tpu.memory_space<vmem>>)
    %dma_start3A_486 = arith.constant 0 : i32
    %dma_start3A_487 = arith.constant 7 : i32
    %dma_start3A_488 = arith.constant 7 : i32
    %dma_start3A_489 = arith.constant 0 : i32
    %dma_start3A_490 = arith.constant 0 : i32
    %dma_start3A_491 = tpu.memref_slice %arg11[%dma_start3A_488, %dma_start3A_489, %dma_start3A_490] : memref<8x32x128xf32, #tpu.memory_space<vmem>> -> memref<1x32x128xf32, #tpu.memory_space<vmem>>
    %dma_start3A_492 = tpu.memref_squeeze %dma_start3A_491 : memref<1x32x128xf32, #tpu.memory_space<vmem>> -> memref<32x128xf32, #tpu.memory_space<vmem>>
    %dma_start3A_493 = arith.constant 0 : i32
    %dma_start3A_494 = tpu.memref_slice %arg9[%dma_start3A_486, %dma_start3A_487, %dma_start3A_493] : memref<2x8x32xi32, #tpu.memory_space<vmem>> -> memref<1x1x32xi32, #tpu.memory_space<vmem>>
    %dma_start3A_495 = tpu.memref_squeeze %dma_start3A_494 : memref<1x1x32xi32, #tpu.memory_space<vmem>> -> memref<32xi32, #tpu.memory_space<vmem>>
    %dma_start3A_496 = arith.constant 0 : i32
    %dma_start3A_497 = arith.constant 0 : i32
    %dma_start3A_498 = tpu.memref_slice %arg2[%dma_start3A_496, %dma_start3A_497] : memref<10000x128xf32, #tpu.memory_space<hbm>> -> memref<10000x128xf32, #tpu.memory_space<hbm>>
    tpu.enqueue_indirect_dma source(%dma_start3A_498 : memref<10000x128xf32, #tpu.memory_space<hbm>>) target(%dma_start3A_492 : memref<32x128xf32, #tpu.memory_space<vmem>>) offsets(%dma_start3A_495 : memref<32xi32, #tpu.memory_space<vmem>>) semaphore(%arg30 : memref<!tpu.dma_semaphore, #tpu.memory_space<semaphore_mem>>)
    %scan3A = arith.constant 0 : i32
    %scan3A_499 = arith.constant 20 : i32
    %scan3A_500 = arith.addi %scan3A, %scan3A_499 : i32
    %scan3A_501 = arith.constant 1 : i32
    scf.for %scan3A_664 = %scan3A to %scan3A_500 step %scan3A_501  : i32 {
      %mul3A_665 = arith.constant 2 : i32
      %mul3A_666 = arith.muli %mul3A_665, %scan3A_664 : i32
      %dma_wait3A_667 = arith.constant 0 : i32
      %dma_wait3A_668 = arith.constant 0 : i32
      %dma_wait3A_669 = arith.constant 0 : i32
      %dma_wait3A_670 = arith.constant 0 : i32
      %dma_wait3A_671 = arith.constant 0 : i32
      %dma_wait3A_672 = tpu.memref_slice %arg11[%dma_wait3A_669, %dma_wait3A_670, %dma_wait3A_671] : memref<8x32x128xf32, #tpu.memory_space<vmem>> -> memref<1x32x128xf32, #tpu.memory_space<vmem>>
      %dma_wait3A_673 = tpu.memref_squeeze %dma_wait3A_672 : memref<1x32x128xf32, #tpu.memory_space<vmem>> -> memref<32x128xf32, #tpu.memory_space<vmem>>
      %dma_wait3A_674 = arith.constant 0 : i32
      %dma_wait3A_675 = tpu.memref_slice %arg9[%dma_wait3A_667, %dma_wait3A_668, %dma_wait3A_674] : memref<2x8x32xi32, #tpu.memory_space<vmem>> -> memref<1x1x32xi32, #tpu.memory_space<vmem>>
      %dma_wait3A_676 = tpu.memref_squeeze %dma_wait3A_675 : memref<1x1x32xi32, #tpu.memory_space<vmem>> -> memref<32xi32, #tpu.memory_space<vmem>>
      %dma_wait3A_677 = arith.constant 0 : i32
      %dma_wait3A_678 = arith.constant 0 : i32
      %dma_wait3A_679 = tpu.memref_slice %arg2[%dma_wait3A_677, %dma_wait3A_678] : memref<10000x128xf32, #tpu.memory_space<hbm>> -> memref<10000x128xf32, #tpu.memory_space<hbm>>
      tpu.wait_indirect_dma semaphore(%arg23 : memref<!tpu.dma_semaphore, #tpu.memory_space<semaphore_mem>>) src(%dma_wait3A_679 : memref<10000x128xf32, #tpu.memory_space<hbm>>) dst(%dma_wait3A_673 : memref<32x128xf32, #tpu.memory_space<vmem>>)
      %dma_start3A_680 = arith.constant 0 : i32
      %dma_start3A_681 = arith.constant 0 : i32
      %dma_start3A_682 = arith.constant 0 : i32
      %dma_start3A_683 = arith.constant 0 : i32
      %dma_start3A_684 = arith.constant 0 : i32
      %dma_start3A_685 = tpu.memref_slice %arg11[%dma_start3A_680, %dma_start3A_683, %dma_start3A_684] : memref<8x32x128xf32, #tpu.memory_space<vmem>> -> memref<1x32x128xf32, #tpu.memory_space<vmem>>
      %dma_start3A_686 = tpu.memref_squeeze %dma_start3A_685 : memref<1x32x128xf32, #tpu.memory_space<vmem>> -> memref<32x128xf32, #tpu.memory_space<vmem>>
      %dma_start3A_687 = arith.constant 0 : i32
      %dma_start3A_688 = tpu.memref_slice %arg10[%dma_start3A_681, %dma_start3A_682, %dma_start3A_687] : memref<2x8x32xi32, #tpu.memory_space<vmem>> -> memref<1x1x32xi32, #tpu.memory_space<vmem>>
      %dma_start3A_689 = tpu.memref_squeeze %dma_start3A_688 : memref<1x1x32xi32, #tpu.memory_space<vmem>> -> memref<32xi32, #tpu.memory_space<vmem>>
      %dma_start3A_690 = arith.constant 0 : i32
      %dma_start3A_691 = arith.constant 0 : i32
      %dma_start3A_692 = tpu.memref_slice %arg13[%dma_start3A_690, %dma_start3A_691] : memref<10240x128xf32, #tpu.memory_space<vmem_shared>> -> memref<10240x128xf32, #tpu.memory_space<vmem_shared>>
      tpu.enqueue_indirect_dma source(%dma_start3A_686 : memref<32x128xf32, #tpu.memory_space<vmem>>) target(%dma_start3A_692 : memref<10240x128xf32, #tpu.memory_space<vmem_shared>>) offsets(%dma_start3A_689 : memref<32xi32, #tpu.memory_space<vmem>>) semaphore(%arg31 : memref<!tpu.dma_semaphore, #tpu.memory_space<semaphore_mem>>) {add = true}
      %dma_start3A_693 = arith.constant 0 : i32
      %dma_start3A_694 = arith.constant 0 : i32
      %dma_start3A_695 = arith.constant 0 : i32
      %dma_start3A_696 = tpu.memref_slice %arg10[%dma_start3A_693, %dma_start3A_694, %dma_start3A_695] : memref<2x8x32xi32, #tpu.memory_space<vmem>> -> memref<1x1x32xi32, #tpu.memory_space<vmem>>
      %dma_start3A_697 = tpu.memref_squeeze %dma_start3A_696 : memref<1x1x32xi32, #tpu.memory_space<vmem>> -> memref<32xi32, #tpu.memory_space<vmem>>
      %dma_start3A_698 = arith.constant 0 : i32
      %dma_start3A_699 = tpu.memref_slice %arg14[%dma_start3A_698] : memref<10240xf32, #tpu.memory_space<vmem_shared>> -> memref<10240xf32, #tpu.memory_space<vmem_shared>>
      tpu.enqueue_indirect_dma source(%arg12 : memref<32xf32, #tpu.memory_space<vmem>>) target(%dma_start3A_699 : memref<10240xf32, #tpu.memory_space<vmem_shared>>) offsets(%dma_start3A_697 : memref<32xi32, #tpu.memory_space<vmem>>) semaphore(%arg31 : memref<!tpu.dma_semaphore, #tpu.memory_space<semaphore_mem>>) {add = true}
      %add3A_700 = arith.constant 1 : i32
      %add3A_701 = arith.addi %mul3A_666, %add3A_700 : i32
      %lt3A = arith.constant 40 : i32
      %lt3A_702 = arith.cmpi slt, %add3A_701, %lt3A : i32
      %convert_element_type3A = arith.extui %lt3A_702 : i1 to i32
      %cond3A = arith.constant 0 : i32
      %cond3A_703 = arith.cmpi ne, %convert_element_type3A, %cond3A : i32
      scf.if %cond3A_703 {
        %add3A_1420 = arith.constant 1 : i32
        %add3A_1421 = arith.addi %mul3A_666, %add3A_1420 : i32
        %mul3A_1422 = arith.constant 8 : i32
        %mul3A_1423 = arith.muli %add3A_1421, %mul3A_1422 : i32
        %add3A_1424 = arith.constant 0 : i32
        %add3A_1425 = arith.addi %mul3A_1423, %add3A_1424 : i32
        %mul3A_1426 = arith.constant 32 : i32
        %mul3A_1427 = arith.muli %add3A_1425, %mul3A_1426 : i32
        %add3A_1428 = arith.addi %mul3A_1427, %add3A : i32
        %mul3A_1429 = arith.constant 32 : i32
        %mul3A_1430 = arith.muli %add3A_1428, %mul3A_1429 : i32
        %dma_start3A_1431 = arith.constant 1 : i32
        %dma_start3A_1432 = arith.constant 0 : i32
        %dma_start3A_1433 = arith.constant 0 : i32
        %dma_start3A_1434 = tpu.memref_slice %arg9[%dma_start3A_1431, %dma_start3A_1432, %dma_start3A_1433] : memref<2x8x32xi32, #tpu.memory_space<vmem>> -> memref<1x1x32xi32, #tpu.memory_space<vmem>>
        %dma_start3A_1435 = tpu.memref_squeeze %dma_start3A_1434 : memref<1x1x32xi32, #tpu.memory_space<vmem>> -> memref<32xi32, #tpu.memory_space<vmem>>
        %dma_start3A_1436 = tpu.memref_slice %arg3[%mul3A_1430] : memref<327680xi32, #tpu.memory_space<hbm>> -> memref<32xi32, #tpu.memory_space<hbm>>
        %dma_start3A_1437 = arith.constant 0 : i32
        %dma_start3A_1438 = tpu.memref_slice %arg9[%dma_start3A_1431, %dma_start3A_1432, %dma_start3A_1437] : memref<2x8x32xi32, #tpu.memory_space<vmem>> -> memref<1x1x32xi32, #tpu.memory_space<vmem>>
        %dma_start3A_1439 = tpu.memref_squeeze %dma_start3A_1438 : memref<1x1x32xi32, #tpu.memory_space<vmem>> -> memref<32xi32, #tpu.memory_space<vmem>>
        %dma_start3A_1440 = tpu.memref_slice %arg3[%mul3A_1430] : memref<327680xi32, #tpu.memory_space<hbm>> -> memref<32xi32, #tpu.memory_space<hbm>>
        tpu.enqueue_dma source(%dma_start3A_1440 : memref<32xi32, #tpu.memory_space<hbm>>) target(%dma_start3A_1439 : memref<32xi32, #tpu.memory_space<vmem>>) target_semaphore(%arg15 : memref<!tpu.dma_semaphore, #tpu.memory_space<semaphore_mem>>)
        %dma_start3A_1441 = arith.constant 1 : i32
        %dma_start3A_1442 = arith.constant 0 : i32
        %dma_start3A_1443 = arith.constant 0 : i32
        %dma_start3A_1444 = tpu.memref_slice %arg10[%dma_start3A_1441, %dma_start3A_1442, %dma_start3A_1443] : memref<2x8x32xi32, #tpu.memory_space<vmem>> -> memref<1x1x32xi32, #tpu.memory_space<vmem>>
        %dma_start3A_1445 = tpu.memref_squeeze %dma_start3A_1444 : memref<1x1x32xi32, #tpu.memory_space<vmem>> -> memref<32xi32, #tpu.memory_space<vmem>>
        %dma_start3A_1446 = tpu.memref_slice %arg4[%mul3A_1430] : memref<327680xi32, #tpu.memory_space<hbm>> -> memref<32xi32, #tpu.memory_space<hbm>>
        %dma_start3A_1447 = arith.constant 0 : i32
        %dma_start3A_1448 = tpu.memref_slice %arg10[%dma_start3A_1441, %dma_start3A_1442, %dma_start3A_1447] : memref<2x8x32xi32, #tpu.memory_space<vmem>> -> memref<1x1x32xi32, #tpu.memory_space<vmem>>
        %dma_start3A_1449 = tpu.memref_squeeze %dma_start3A_1448 : memref<1x1x32xi32, #tpu.memory_space<vmem>> -> memref<32xi32, #tpu.memory_space<vmem>>
        %dma_start3A_1450 = tpu.memref_slice %arg4[%mul3A_1430] : memref<327680xi32, #tpu.memory_space<hbm>> -> memref<32xi32, #tpu.memory_space<hbm>>
        tpu.enqueue_dma source(%dma_start3A_1450 : memref<32xi32, #tpu.memory_space<hbm>>) target(%dma_start3A_1449 : memref<32xi32, #tpu.memory_space<vmem>>) target_semaphore(%arg15 : memref<!tpu.dma_semaphore, #tpu.memory_space<semaphore_mem>>)
      } else {
      }
      %dma_wait3A_704 = arith.constant 0 : i32
      %dma_wait3A_705 = arith.constant 1 : i32
      %dma_wait3A_706 = arith.constant 1 : i32
      %dma_wait3A_707 = arith.constant 0 : i32
      %dma_wait3A_708 = arith.constant 0 : i32
      %dma_wait3A_709 = tpu.memref_slice %arg11[%dma_wait3A_706, %dma_wait3A_707, %dma_wait3A_708] : memref<8x32x128xf32, #tpu.memory_space<vmem>> -> memref<1x32x128xf32, #tpu.memory_space<vmem>>
      %dma_wait3A_710 = tpu.memref_squeeze %dma_wait3A_709 : memref<1x32x128xf32, #tpu.memory_space<vmem>> -> memref<32x128xf32, #tpu.memory_space<vmem>>
      %dma_wait3A_711 = arith.constant 0 : i32
      %dma_wait3A_712 = tpu.memref_slice %arg9[%dma_wait3A_704, %dma_wait3A_705, %dma_wait3A_711] : memref<2x8x32xi32, #tpu.memory_space<vmem>> -> memref<1x1x32xi32, #tpu.memory_space<vmem>>
      %dma_wait3A_713 = tpu.memref_squeeze %dma_wait3A_712 : memref<1x1x32xi32, #tpu.memory_space<vmem>> -> memref<32xi32, #tpu.memory_space<vmem>>
      %dma_wait3A_714 = arith.constant 0 : i32
      %dma_wait3A_715 = arith.constant 0 : i32
      %dma_wait3A_716 = tpu.memref_slice %arg2[%dma_wait3A_714, %dma_wait3A_715] : memref<10000x128xf32, #tpu.memory_space<hbm>> -> memref<10000x128xf32, #tpu.memory_space<hbm>>
      tpu.wait_indirect_dma semaphore(%arg24 : memref<!tpu.dma_semaphore, #tpu.memory_space<semaphore_mem>>) src(%dma_wait3A_716 : memref<10000x128xf32, #tpu.memory_space<hbm>>) dst(%dma_wait3A_710 : memref<32x128xf32, #tpu.memory_space<vmem>>)
      %dma_start3A_717 = arith.constant 1 : i32
      %dma_start3A_718 = arith.constant 0 : i32
      %dma_start3A_719 = arith.constant 1 : i32
      %dma_start3A_720 = arith.constant 0 : i32
      %dma_start3A_721 = arith.constant 0 : i32
      %dma_start3A_722 = tpu.memref_slice %arg11[%dma_start3A_717, %dma_start3A_720, %dma_start3A_721] : memref<8x32x128xf32, #tpu.memory_space<vmem>> -> memref<1x32x128xf32, #tpu.memory_space<vmem>>
      %dma_start3A_723 = tpu.memref_squeeze %dma_start3A_722 : memref<1x32x128xf32, #tpu.memory_space<vmem>> -> memref<32x128xf32, #tpu.memory_space<vmem>>
      %dma_start3A_724 = arith.constant 0 : i32
      %dma_start3A_725 = tpu.memref_slice %arg10[%dma_start3A_718, %dma_start3A_719, %dma_start3A_724] : memref<2x8x32xi32, #tpu.memory_space<vmem>> -> memref<1x1x32xi32, #tpu.memory_space<vmem>>
      %dma_start3A_726 = tpu.memref_squeeze %dma_start3A_725 : memref<1x1x32xi32, #tpu.memory_space<vmem>> -> memref<32xi32, #tpu.memory_space<vmem>>
      %dma_start3A_727 = arith.constant 0 : i32
      %dma_start3A_728 = arith.constant 0 : i32
      %dma_start3A_729 = tpu.memref_slice %arg13[%dma_start3A_727, %dma_start3A_728] : memref<10240x128xf32, #tpu.memory_space<vmem_shared>> -> memref<10240x128xf32, #tpu.memory_space<vmem_shared>>
      tpu.enqueue_indirect_dma source(%dma_start3A_723 : memref<32x128xf32, #tpu.memory_space<vmem>>) target(%dma_start3A_729 : memref<10240x128xf32, #tpu.memory_space<vmem_shared>>) offsets(%dma_start3A_726 : memref<32xi32, #tpu.memory_space<vmem>>) semaphore(%arg32 : memref<!tpu.dma_semaphore, #tpu.memory_space<semaphore_mem>>) {add = true}
      %dma_start3A_730 = arith.constant 0 : i32
      %dma_start3A_731 = arith.constant 1 : i32
      %dma_start3A_732 = arith.constant 0 : i32
      %dma_start3A_733 = tpu.memref_slice %arg10[%dma_start3A_730, %dma_start3A_731, %dma_start3A_732] : memref<2x8x32xi32, #tpu.memory_space<vmem>> -> memref<1x1x32xi32, #tpu.memory_space<vmem>>
      %dma_start3A_734 = tpu.memref_squeeze %dma_start3A_733 : memref<1x1x32xi32, #tpu.memory_space<vmem>> -> memref<32xi32, #tpu.memory_space<vmem>>
      %dma_start3A_735 = arith.constant 0 : i32
      %dma_start3A_736 = tpu.memref_slice %arg14[%dma_start3A_735] : memref<10240xf32, #tpu.memory_space<vmem_shared>> -> memref<10240xf32, #tpu.memory_space<vmem_shared>>
      tpu.enqueue_indirect_dma source(%arg12 : memref<32xf32, #tpu.memory_space<vmem>>) target(%dma_start3A_736 : memref<10240xf32, #tpu.memory_space<vmem_shared>>) offsets(%dma_start3A_734 : memref<32xi32, #tpu.memory_space<vmem>>) semaphore(%arg32 : memref<!tpu.dma_semaphore, #tpu.memory_space<semaphore_mem>>) {add = true}
      %add3A_737 = arith.constant 1 : i32
      %add3A_738 = arith.addi %mul3A_666, %add3A_737 : i32
      %lt3A_739 = arith.constant 40 : i32
      %lt3A_740 = arith.cmpi slt, %add3A_738, %lt3A_739 : i32
      %convert_element_type3A_741 = arith.extui %lt3A_740 : i1 to i32
      %cond3A_742 = arith.constant 0 : i32
      %cond3A_743 = arith.cmpi ne, %convert_element_type3A_741, %cond3A_742 : i32
      scf.if %cond3A_743 {
        %add3A_1420 = arith.constant 1 : i32
        %add3A_1421 = arith.addi %mul3A_666, %add3A_1420 : i32
        %mul3A_1422 = arith.constant 8 : i32
        %mul3A_1423 = arith.muli %add3A_1421, %mul3A_1422 : i32
        %add3A_1424 = arith.constant 1 : i32
        %add3A_1425 = arith.addi %mul3A_1423, %add3A_1424 : i32
        %mul3A_1426 = arith.constant 32 : i32
        %mul3A_1427 = arith.muli %add3A_1425, %mul3A_1426 : i32
        %add3A_1428 = arith.addi %mul3A_1427, %add3A : i32
        %mul3A_1429 = arith.constant 32 : i32
        %mul3A_1430 = arith.muli %add3A_1428, %mul3A_1429 : i32
        %dma_start3A_1431 = arith.constant 1 : i32
        %dma_start3A_1432 = arith.constant 1 : i32
        %dma_start3A_1433 = arith.constant 0 : i32
        %dma_start3A_1434 = tpu.memref_slice %arg9[%dma_start3A_1431, %dma_start3A_1432, %dma_start3A_1433] : memref<2x8x32xi32, #tpu.memory_space<vmem>> -> memref<1x1x32xi32, #tpu.memory_space<vmem>>
        %dma_start3A_1435 = tpu.memref_squeeze %dma_start3A_1434 : memref<1x1x32xi32, #tpu.memory_space<vmem>> -> memref<32xi32, #tpu.memory_space<vmem>>
        %dma_start3A_1436 = tpu.memref_slice %arg3[%mul3A_1430] : memref<327680xi32, #tpu.memory_space<hbm>> -> memref<32xi32, #tpu.memory_space<hbm>>
        %dma_start3A_1437 = arith.constant 0 : i32
        %dma_start3A_1438 = tpu.memref_slice %arg9[%dma_start3A_1431, %dma_start3A_1432, %dma_start3A_1437] : memref<2x8x32xi32, #tpu.memory_space<vmem>> -> memref<1x1x32xi32, #tpu.memory_space<vmem>>
        %dma_start3A_1439 = tpu.memref_squeeze %dma_start3A_1438 : memref<1x1x32xi32, #tpu.memory_space<vmem>> -> memref<32xi32, #tpu.memory_space<vmem>>
        %dma_start3A_1440 = tpu.memref_slice %arg3[%mul3A_1430] : memref<327680xi32, #tpu.memory_space<hbm>> -> memref<32xi32, #tpu.memory_space<hbm>>
        tpu.enqueue_dma source(%dma_start3A_1440 : memref<32xi32, #tpu.memory_space<hbm>>) target(%dma_start3A_1439 : memref<32xi32, #tpu.memory_space<vmem>>) target_semaphore(%arg16 : memref<!tpu.dma_semaphore, #tpu.memory_space<semaphore_mem>>)
        %dma_start3A_1441 = arith.constant 1 : i32
        %dma_start3A_1442 = arith.constant 1 : i32
        %dma_start3A_1443 = arith.constant 0 : i32
        %dma_start3A_1444 = tpu.memref_slice %arg10[%dma_start3A_1441, %dma_start3A_1442, %dma_start3A_1443] : memref<2x8x32xi32, #tpu.memory_space<vmem>> -> memref<1x1x32xi32, #tpu.memory_space<vmem>>
        %dma_start3A_1445 = tpu.memref_squeeze %dma_start3A_1444 : memref<1x1x32xi32, #tpu.memory_space<vmem>> -> memref<32xi32, #tpu.memory_space<vmem>>
        %dma_start3A_1446 = tpu.memref_slice %arg4[%mul3A_1430] : memref<327680xi32, #tpu.memory_space<hbm>> -> memref<32xi32, #tpu.memory_space<hbm>>
        %dma_start3A_1447 = arith.constant 0 : i32
        %dma_start3A_1448 = tpu.memref_slice %arg10[%dma_start3A_1441, %dma_start3A_1442, %dma_start3A_1447] : memref<2x8x32xi32, #tpu.memory_space<vmem>> -> memref<1x1x32xi32, #tpu.memory_space<vmem>>
        %dma_start3A_1449 = tpu.memref_squeeze %dma_start3A_1448 : memref<1x1x32xi32, #tpu.memory_space<vmem>> -> memref<32xi32, #tpu.memory_space<vmem>>
        %dma_start3A_1450 = tpu.memref_slice %arg4[%mul3A_1430] : memref<327680xi32, #tpu.memory_space<hbm>> -> memref<32xi32, #tpu.memory_space<hbm>>
        tpu.enqueue_dma source(%dma_start3A_1450 : memref<32xi32, #tpu.memory_space<hbm>>) target(%dma_start3A_1449 : memref<32xi32, #tpu.memory_space<vmem>>) target_semaphore(%arg16 : memref<!tpu.dma_semaphore, #tpu.memory_space<semaphore_mem>>)
      } else {
      }
      %dma_wait3A_744 = arith.constant 0 : i32
      %dma_wait3A_745 = arith.constant 2 : i32
      %dma_wait3A_746 = arith.constant 2 : i32
      %dma_wait3A_747 = arith.constant 0 : i32
      %dma_wait3A_748 = arith.constant 0 : i32
      %dma_wait3A_749 = tpu.memref_slice %arg11[%dma_wait3A_746, %dma_wait3A_747, %dma_wait3A_748] : memref<8x32x128xf32, #tpu.memory_space<vmem>> -> memref<1x32x128xf32, #tpu.memory_space<vmem>>
      %dma_wait3A_750 = tpu.memref_squeeze %dma_wait3A_749 : memref<1x32x128xf32, #tpu.memory_space<vmem>> -> memref<32x128xf32, #tpu.memory_space<vmem>>
      %dma_wait3A_751 = arith.constant 0 : i32
      %dma_wait3A_752 = tpu.memref_slice %arg9[%dma_wait3A_744, %dma_wait3A_745, %dma_wait3A_751] : memref<2x8x32xi32, #tpu.memory_space<vmem>> -> memref<1x1x32xi32, #tpu.memory_space<vmem>>
      %dma_wait3A_753 = tpu.memref_squeeze %dma_wait3A_752 : memref<1x1x32xi32, #tpu.memory_space<vmem>> -> memref<32xi32, #tpu.memory_space<vmem>>
      %dma_wait3A_754 = arith.constant 0 : i32
      %dma_wait3A_755 = arith.constant 0 : i32
      %dma_wait3A_756 = tpu.memref_slice %arg2[%dma_wait3A_754, %dma_wait3A_755] : memref<10000x128xf32, #tpu.memory_space<hbm>> -> memref<10000x128xf32, #tpu.memory_space<hbm>>
      tpu.wait_indirect_dma semaphore(%arg25 : memref<!tpu.dma_semaphore, #tpu.memory_space<semaphore_mem>>) src(%dma_wait3A_756 : memref<10000x128xf32, #tpu.memory_space<hbm>>) dst(%dma_wait3A_750 : memref<32x128xf32, #tpu.memory_space<vmem>>)
      %dma_start3A_757 = arith.constant 2 : i32
      %dma_start3A_758 = arith.constant 0 : i32
      %dma_start3A_759 = arith.constant 2 : i32
      %dma_start3A_760 = arith.constant 0 : i32
      %dma_start3A_761 = arith.constant 0 : i32
      %dma_start3A_762 = tpu.memref_slice %arg11[%dma_start3A_757, %dma_start3A_760, %dma_start3A_761] : memref<8x32x128xf32, #tpu.memory_space<vmem>> -> memref<1x32x128xf32, #tpu.memory_space<vmem>>
      %dma_start3A_763 = tpu.memref_squeeze %dma_start3A_762 : memref<1x32x128xf32, #tpu.memory_space<vmem>> -> memref<32x128xf32, #tpu.memory_space<vmem>>
      %dma_start3A_764 = arith.constant 0 : i32
      %dma_start3A_765 = tpu.memref_slice %arg10[%dma_start3A_758, %dma_start3A_759, %dma_start3A_764] : memref<2x8x32xi32, #tpu.memory_space<vmem>> -> memref<1x1x32xi32, #tpu.memory_space<vmem>>
      %dma_start3A_766 = tpu.memref_squeeze %dma_start3A_765 : memref<1x1x32xi32, #tpu.memory_space<vmem>> -> memref<32xi32, #tpu.memory_space<vmem>>
      %dma_start3A_767 = arith.constant 0 : i32
      %dma_start3A_768 = arith.constant 0 : i32
      %dma_start3A_769 = tpu.memref_slice %arg13[%dma_start3A_767, %dma_start3A_768] : memref<10240x128xf32, #tpu.memory_space<vmem_shared>> -> memref<10240x128xf32, #tpu.memory_space<vmem_shared>>
      tpu.enqueue_indirect_dma source(%dma_start3A_763 : memref<32x128xf32, #tpu.memory_space<vmem>>) target(%dma_start3A_769 : memref<10240x128xf32, #tpu.memory_space<vmem_shared>>) offsets(%dma_start3A_766 : memref<32xi32, #tpu.memory_space<vmem>>) semaphore(%arg33 : memref<!tpu.dma_semaphore, #tpu.memory_space<semaphore_mem>>) {add = true}
      %dma_start3A_770 = arith.constant 0 : i32
      %dma_start3A_771 = arith.constant 2 : i32
      %dma_start3A_772 = arith.constant 0 : i32
      %dma_start3A_773 = tpu.memref_slice %arg10[%dma_start3A_770, %dma_start3A_771, %dma_start3A_772] : memref<2x8x32xi32, #tpu.memory_space<vmem>> -> memref<1x1x32xi32, #tpu.memory_space<vmem>>
      %dma_start3A_774 = tpu.memref_squeeze %dma_start3A_773 : memref<1x1x32xi32, #tpu.memory_space<vmem>> -> memref<32xi32, #tpu.memory_space<vmem>>
      %dma_start3A_775 = arith.constant 0 : i32
      %dma_start3A_776 = tpu.memref_slice %arg14[%dma_start3A_775] : memref<10240xf32, #tpu.memory_space<vmem_shared>> -> memref<10240xf32, #tpu.memory_space<vmem_shared>>
      tpu.enqueue_indirect_dma source(%arg12 : memref<32xf32, #tpu.memory_space<vmem>>) target(%dma_start3A_776 : memref<10240xf32, #tpu.memory_space<vmem_shared>>) offsets(%dma_start3A_774 : memref<32xi32, #tpu.memory_space<vmem>>) semaphore(%arg33 : memref<!tpu.dma_semaphore, #tpu.memory_space<semaphore_mem>>) {add = true}
      %add3A_777 = arith.constant 1 : i32
      %add3A_778 = arith.addi %mul3A_666, %add3A_777 : i32
      %lt3A_779 = arith.constant 40 : i32
      %lt3A_780 = arith.cmpi slt, %add3A_778, %lt3A_779 : i32
      %convert_element_type3A_781 = arith.extui %lt3A_780 : i1 to i32
      %cond3A_782 = arith.constant 0 : i32
      %cond3A_783 = arith.cmpi ne, %convert_element_type3A_781, %cond3A_782 : i32
      scf.if %cond3A_783 {
        %add3A_1420 = arith.constant 1 : i32
        %add3A_1421 = arith.addi %mul3A_666, %add3A_1420 : i32
        %mul3A_1422 = arith.constant 8 : i32
        %mul3A_1423 = arith.muli %add3A_1421, %mul3A_1422 : i32
        %add3A_1424 = arith.constant 2 : i32
        %add3A_1425 = arith.addi %mul3A_1423, %add3A_1424 : i32
        %mul3A_1426 = arith.constant 32 : i32
        %mul3A_1427 = arith.muli %add3A_1425, %mul3A_1426 : i32
        %add3A_1428 = arith.addi %mul3A_1427, %add3A : i32
        %mul3A_1429 = arith.constant 32 : i32
        %mul3A_1430 = arith.muli %add3A_1428, %mul3A_1429 : i32
        %dma_start3A_1431 = arith.constant 1 : i32
        %dma_start3A_1432 = arith.constant 2 : i32
        %dma_start3A_1433 = arith.constant 0 : i32
        %dma_start3A_1434 = tpu.memref_slice %arg9[%dma_start3A_1431, %dma_start3A_1432, %dma_start3A_1433] : memref<2x8x32xi32, #tpu.memory_space<vmem>> -> memref<1x1x32xi32, #tpu.memory_space<vmem>>
        %dma_start3A_1435 = tpu.memref_squeeze %dma_start3A_1434 : memref<1x1x32xi32, #tpu.memory_space<vmem>> -> memref<32xi32, #tpu.memory_space<vmem>>
        %dma_start3A_1436 = tpu.memref_slice %arg3[%mul3A_1430] : memref<327680xi32, #tpu.memory_space<hbm>> -> memref<32xi32, #tpu.memory_space<hbm>>
        %dma_start3A_1437 = arith.constant 0 : i32
        %dma_start3A_1438 = tpu.memref_slice %arg9[%dma_start3A_1431, %dma_start3A_1432, %dma_start3A_1437] : memref<2x8x32xi32, #tpu.memory_space<vmem>> -> memref<1x1x32xi32, #tpu.memory_space<vmem>>
        %dma_start3A_1439 = tpu.memref_squeeze %dma_start3A_1438 : memref<1x1x32xi32, #tpu.memory_space<vmem>> -> memref<32xi32, #tpu.memory_space<vmem>>
        %dma_start3A_1440 = tpu.memref_slice %arg3[%mul3A_1430] : memref<327680xi32, #tpu.memory_space<hbm>> -> memref<32xi32, #tpu.memory_space<hbm>>
        tpu.enqueue_dma source(%dma_start3A_1440 : memref<32xi32, #tpu.memory_space<hbm>>) target(%dma_start3A_1439 : memref<32xi32, #tpu.memory_space<vmem>>) target_semaphore(%arg17 : memref<!tpu.dma_semaphore, #tpu.memory_space<semaphore_mem>>)
        %dma_start3A_1441 = arith.constant 1 : i32
        %dma_start3A_1442 = arith.constant 2 : i32
        %dma_start3A_1443 = arith.constant 0 : i32
        %dma_start3A_1444 = tpu.memref_slice %arg10[%dma_start3A_1441, %dma_start3A_1442, %dma_start3A_1443] : memref<2x8x32xi32, #tpu.memory_space<vmem>> -> memref<1x1x32xi32, #tpu.memory_space<vmem>>
        %dma_start3A_1445 = tpu.memref_squeeze %dma_start3A_1444 : memref<1x1x32xi32, #tpu.memory_space<vmem>> -> memref<32xi32, #tpu.memory_space<vmem>>
        %dma_start3A_1446 = tpu.memref_slice %arg4[%mul3A_1430] : memref<327680xi32, #tpu.memory_space<hbm>> -> memref<32xi32, #tpu.memory_space<hbm>>
        %dma_start3A_1447 = arith.constant 0 : i32
        %dma_start3A_1448 = tpu.memref_slice %arg10[%dma_start3A_1441, %dma_start3A_1442, %dma_start3A_1447] : memref<2x8x32xi32, #tpu.memory_space<vmem>> -> memref<1x1x32xi32, #tpu.memory_space<vmem>>
        %dma_start3A_1449 = tpu.memref_squeeze %dma_start3A_1448 : memref<1x1x32xi32, #tpu.memory_space<vmem>> -> memref<32xi32, #tpu.memory_space<vmem>>
        %dma_start3A_1450 = tpu.memref_slice %arg4[%mul3A_1430] : memref<327680xi32, #tpu.memory_space<hbm>> -> memref<32xi32, #tpu.memory_space<hbm>>
        tpu.enqueue_dma source(%dma_start3A_1450 : memref<32xi32, #tpu.memory_space<hbm>>) target(%dma_start3A_1449 : memref<32xi32, #tpu.memory_space<vmem>>) target_semaphore(%arg17 : memref<!tpu.dma_semaphore, #tpu.memory_space<semaphore_mem>>)
      } else {
      }
      %dma_wait3A_784 = arith.constant 0 : i32
      %dma_wait3A_785 = arith.constant 3 : i32
      %dma_wait3A_786 = arith.constant 3 : i32
      %dma_wait3A_787 = arith.constant 0 : i32
      %dma_wait3A_788 = arith.constant 0 : i32
      %dma_wait3A_789 = tpu.memref_slice %arg11[%dma_wait3A_786, %dma_wait3A_787, %dma_wait3A_788] : memref<8x32x128xf32, #tpu.memory_space<vmem>> -> memref<1x32x128xf32, #tpu.memory_space<vmem>>
      %dma_wait3A_790 = tpu.memref_squeeze %dma_wait3A_789 : memref<1x32x128xf32, #tpu.memory_space<vmem>> -> memref<32x128xf32, #tpu.memory_space<vmem>>
      %dma_wait3A_791 = arith.constant 0 : i32
      %dma_wait3A_792 = tpu.memref_slice %arg9[%dma_wait3A_784, %dma_wait3A_785, %dma_wait3A_791] : memref<2x8x32xi32, #tpu.memory_space<vmem>> -> memref<1x1x32xi32, #tpu.memory_space<vmem>>
      %dma_wait3A_793 = tpu.memref_squeeze %dma_wait3A_792 : memref<1x1x32xi32, #tpu.memory_space<vmem>> -> memref<32xi32, #tpu.memory_space<vmem>>
      %dma_wait3A_794 = arith.constant 0 : i32
      %dma_wait3A_795 = arith.constant 0 : i32
      %dma_wait3A_796 = tpu.memref_slice %arg2[%dma_wait3A_794, %dma_wait3A_795] : memref<10000x128xf32, #tpu.memory_space<hbm>> -> memref<10000x128xf32, #tpu.memory_space<hbm>>
      tpu.wait_indirect_dma semaphore(%arg26 : memref<!tpu.dma_semaphore, #tpu.memory_space<semaphore_mem>>) src(%dma_wait3A_796 : memref<10000x128xf32, #tpu.memory_space<hbm>>) dst(%dma_wait3A_790 : memref<32x128xf32, #tpu.memory_space<vmem>>)
      %dma_start3A_797 = arith.constant 3 : i32
      %dma_start3A_798 = arith.constant 0 : i32
      %dma_start3A_799 = arith.constant 3 : i32
      %dma_start3A_800 = arith.constant 0 : i32
      %dma_start3A_801 = arith.constant 0 : i32
      %dma_start3A_802 = tpu.memref_slice %arg11[%dma_start3A_797, %dma_start3A_800, %dma_start3A_801] : memref<8x32x128xf32, #tpu.memory_space<vmem>> -> memref<1x32x128xf32, #tpu.memory_space<vmem>>
      %dma_start3A_803 = tpu.memref_squeeze %dma_start3A_802 : memref<1x32x128xf32, #tpu.memory_space<vmem>> -> memref<32x128xf32, #tpu.memory_space<vmem>>
      %dma_start3A_804 = arith.constant 0 : i32
      %dma_start3A_805 = tpu.memref_slice %arg10[%dma_start3A_798, %dma_start3A_799, %dma_start3A_804] : memref<2x8x32xi32, #tpu.memory_space<vmem>> -> memref<1x1x32xi32, #tpu.memory_space<vmem>>
      %dma_start3A_806 = tpu.memref_squeeze %dma_start3A_805 : memref<1x1x32xi32, #tpu.memory_space<vmem>> -> memref<32xi32, #tpu.memory_space<vmem>>
      %dma_start3A_807 = arith.constant 0 : i32
      %dma_start3A_808 = arith.constant 0 : i32
      %dma_start3A_809 = tpu.memref_slice %arg13[%dma_start3A_807, %dma_start3A_808] : memref<10240x128xf32, #tpu.memory_space<vmem_shared>> -> memref<10240x128xf32, #tpu.memory_space<vmem_shared>>
      tpu.enqueue_indirect_dma source(%dma_start3A_803 : memref<32x128xf32, #tpu.memory_space<vmem>>) target(%dma_start3A_809 : memref<10240x128xf32, #tpu.memory_space<vmem_shared>>) offsets(%dma_start3A_806 : memref<32xi32, #tpu.memory_space<vmem>>) semaphore(%arg34 : memref<!tpu.dma_semaphore, #tpu.memory_space<semaphore_mem>>) {add = true}
      %dma_start3A_810 = arith.constant 0 : i32
      %dma_start3A_811 = arith.constant 3 : i32
      %dma_start3A_812 = arith.constant 0 : i32
      %dma_start3A_813 = tpu.memref_slice %arg10[%dma_start3A_810, %dma_start3A_811, %dma_start3A_812] : memref<2x8x32xi32, #tpu.memory_space<vmem>> -> memref<1x1x32xi32, #tpu.memory_space<vmem>>
      %dma_start3A_814 = tpu.memref_squeeze %dma_start3A_813 : memref<1x1x32xi32, #tpu.memory_space<vmem>> -> memref<32xi32, #tpu.memory_space<vmem>>
      %dma_start3A_815 = arith.constant 0 : i32
      %dma_start3A_816 = tpu.memref_slice %arg14[%dma_start3A_815] : memref<10240xf32, #tpu.memory_space<vmem_shared>> -> memref<10240xf32, #tpu.memory_space<vmem_shared>>
      tpu.enqueue_indirect_dma source(%arg12 : memref<32xf32, #tpu.memory_space<vmem>>) target(%dma_start3A_816 : memref<10240xf32, #tpu.memory_space<vmem_shared>>) offsets(%dma_start3A_814 : memref<32xi32, #tpu.memory_space<vmem>>) semaphore(%arg34 : memref<!tpu.dma_semaphore, #tpu.memory_space<semaphore_mem>>) {add = true}
      %add3A_817 = arith.constant 1 : i32
      %add3A_818 = arith.addi %mul3A_666, %add3A_817 : i32
      %lt3A_819 = arith.constant 40 : i32
      %lt3A_820 = arith.cmpi slt, %add3A_818, %lt3A_819 : i32
      %convert_element_type3A_821 = arith.extui %lt3A_820 : i1 to i32
      %cond3A_822 = arith.constant 0 : i32
      %cond3A_823 = arith.cmpi ne, %convert_element_type3A_821, %cond3A_822 : i32
      scf.if %cond3A_823 {
        %add3A_1420 = arith.constant 1 : i32
        %add3A_1421 = arith.addi %mul3A_666, %add3A_1420 : i32
        %mul3A_1422 = arith.constant 8 : i32
        %mul3A_1423 = arith.muli %add3A_1421, %mul3A_1422 : i32
        %add3A_1424 = arith.constant 3 : i32
        %add3A_1425 = arith.addi %mul3A_1423, %add3A_1424 : i32
        %mul3A_1426 = arith.constant 32 : i32
        %mul3A_1427 = arith.muli %add3A_1425, %mul3A_1426 : i32
        %add3A_1428 = arith.addi %mul3A_1427, %add3A : i32
        %mul3A_1429 = arith.constant 32 : i32
        %mul3A_1430 = arith.muli %add3A_1428, %mul3A_1429 : i32
        %dma_start3A_1431 = arith.constant 1 : i32
        %dma_start3A_1432 = arith.constant 3 : i32
        %dma_start3A_1433 = arith.constant 0 : i32
        %dma_start3A_1434 = tpu.memref_slice %arg9[%dma_start3A_1431, %dma_start3A_1432, %dma_start3A_1433] : memref<2x8x32xi32, #tpu.memory_space<vmem>> -> memref<1x1x32xi32, #tpu.memory_space<vmem>>
        %dma_start3A_1435 = tpu.memref_squeeze %dma_start3A_1434 : memref<1x1x32xi32, #tpu.memory_space<vmem>> -> memref<32xi32, #tpu.memory_space<vmem>>
        %dma_start3A_1436 = tpu.memref_slice %arg3[%mul3A_1430] : memref<327680xi32, #tpu.memory_space<hbm>> -> memref<32xi32, #tpu.memory_space<hbm>>
        %dma_start3A_1437 = arith.constant 0 : i32
        %dma_start3A_1438 = tpu.memref_slice %arg9[%dma_start3A_1431, %dma_start3A_1432, %dma_start3A_1437] : memref<2x8x32xi32, #tpu.memory_space<vmem>> -> memref<1x1x32xi32, #tpu.memory_space<vmem>>
        %dma_start3A_1439 = tpu.memref_squeeze %dma_start3A_1438 : memref<1x1x32xi32, #tpu.memory_space<vmem>> -> memref<32xi32, #tpu.memory_space<vmem>>
        %dma_start3A_1440 = tpu.memref_slice %arg3[%mul3A_1430] : memref<327680xi32, #tpu.memory_space<hbm>> -> memref<32xi32, #tpu.memory_space<hbm>>
        tpu.enqueue_dma source(%dma_start3A_1440 : memref<32xi32, #tpu.memory_space<hbm>>) target(%dma_start3A_1439 : memref<32xi32, #tpu.memory_space<vmem>>) target_semaphore(%arg18 : memref<!tpu.dma_semaphore, #tpu.memory_space<semaphore_mem>>)
        %dma_start3A_1441 = arith.constant 1 : i32
        %dma_start3A_1442 = arith.constant 3 : i32
        %dma_start3A_1443 = arith.constant 0 : i32
        %dma_start3A_1444 = tpu.memref_slice %arg10[%dma_start3A_1441, %dma_start3A_1442, %dma_start3A_1443] : memref<2x8x32xi32, #tpu.memory_space<vmem>> -> memref<1x1x32xi32, #tpu.memory_space<vmem>>
        %dma_start3A_1445 = tpu.memref_squeeze %dma_start3A_1444 : memref<1x1x32xi32, #tpu.memory_space<vmem>> -> memref<32xi32, #tpu.memory_space<vmem>>
        %dma_start3A_1446 = tpu.memref_slice %arg4[%mul3A_1430] : memref<327680xi32, #tpu.memory_space<hbm>> -> memref<32xi32, #tpu.memory_space<hbm>>
        %dma_start3A_1447 = arith.constant 0 : i32
        %dma_start3A_1448 = tpu.memref_slice %arg10[%dma_start3A_1441, %dma_start3A_1442, %dma_start3A_1447] : memref<2x8x32xi32, #tpu.memory_space<vmem>> -> memref<1x1x32xi32, #tpu.memory_space<vmem>>
        %dma_start3A_1449 = tpu.memref_squeeze %dma_start3A_1448 : memref<1x1x32xi32, #tpu.memory_space<vmem>> -> memref<32xi32, #tpu.memory_space<vmem>>
        %dma_start3A_1450 = tpu.memref_slice %arg4[%mul3A_1430] : memref<327680xi32, #tpu.memory_space<hbm>> -> memref<32xi32, #tpu.memory_space<hbm>>
        tpu.enqueue_dma source(%dma_start3A_1450 : memref<32xi32, #tpu.memory_space<hbm>>) target(%dma_start3A_1449 : memref<32xi32, #tpu.memory_space<vmem>>) target_semaphore(%arg18 : memref<!tpu.dma_semaphore, #tpu.memory_space<semaphore_mem>>)
      } else {
      }
      %dma_wait3A_824 = arith.constant 0 : i32
      %dma_wait3A_825 = arith.constant 4 : i32
      %dma_wait3A_826 = arith.constant 4 : i32
      %dma_wait3A_827 = arith.constant 0 : i32
      %dma_wait3A_828 = arith.constant 0 : i32
      %dma_wait3A_829 = tpu.memref_slice %arg11[%dma_wait3A_826, %dma_wait3A_827, %dma_wait3A_828] : memref<8x32x128xf32, #tpu.memory_space<vmem>> -> memref<1x32x128xf32, #tpu.memory_space<vmem>>
      %dma_wait3A_830 = tpu.memref_squeeze %dma_wait3A_829 : memref<1x32x128xf32, #tpu.memory_space<vmem>> -> memref<32x128xf32, #tpu.memory_space<vmem>>
      %dma_wait3A_831 = arith.constant 0 : i32
      %dma_wait3A_832 = tpu.memref_slice %arg9[%dma_wait3A_824, %dma_wait3A_825, %dma_wait3A_831] : memref<2x8x32xi32, #tpu.memory_space<vmem>> -> memref<1x1x32xi32, #tpu.memory_space<vmem>>
      %dma_wait3A_833 = tpu.memref_squeeze %dma_wait3A_832 : memref<1x1x32xi32, #tpu.memory_space<vmem>> -> memref<32xi32, #tpu.memory_space<vmem>>
      %dma_wait3A_834 = arith.constant 0 : i32
      %dma_wait3A_835 = arith.constant 0 : i32
      %dma_wait3A_836 = tpu.memref_slice %arg2[%dma_wait3A_834, %dma_wait3A_835] : memref<10000x128xf32, #tpu.memory_space<hbm>> -> memref<10000x128xf32, #tpu.memory_space<hbm>>
      tpu.wait_indirect_dma semaphore(%arg27 : memref<!tpu.dma_semaphore, #tpu.memory_space<semaphore_mem>>) src(%dma_wait3A_836 : memref<10000x128xf32, #tpu.memory_space<hbm>>) dst(%dma_wait3A_830 : memref<32x128xf32, #tpu.memory_space<vmem>>)
      %dma_start3A_837 = arith.constant 4 : i32
      %dma_start3A_838 = arith.constant 0 : i32
      %dma_start3A_839 = arith.constant 4 : i32
      %dma_start3A_840 = arith.constant 0 : i32
      %dma_start3A_841 = arith.constant 0 : i32
      %dma_start3A_842 = tpu.memref_slice %arg11[%dma_start3A_837, %dma_start3A_840, %dma_start3A_841] : memref<8x32x128xf32, #tpu.memory_space<vmem>> -> memref<1x32x128xf32, #tpu.memory_space<vmem>>
      %dma_start3A_843 = tpu.memref_squeeze %dma_start3A_842 : memref<1x32x128xf32, #tpu.memory_space<vmem>> -> memref<32x128xf32, #tpu.memory_space<vmem>>
      %dma_start3A_844 = arith.constant 0 : i32
      %dma_start3A_845 = tpu.memref_slice %arg10[%dma_start3A_838, %dma_start3A_839, %dma_start3A_844] : memref<2x8x32xi32, #tpu.memory_space<vmem>> -> memref<1x1x32xi32, #tpu.memory_space<vmem>>
      %dma_start3A_846 = tpu.memref_squeeze %dma_start3A_845 : memref<1x1x32xi32, #tpu.memory_space<vmem>> -> memref<32xi32, #tpu.memory_space<vmem>>
      %dma_start3A_847 = arith.constant 0 : i32
      %dma_start3A_848 = arith.constant 0 : i32
      %dma_start3A_849 = tpu.memref_slice %arg13[%dma_start3A_847, %dma_start3A_848] : memref<10240x128xf32, #tpu.memory_space<vmem_shared>> -> memref<10240x128xf32, #tpu.memory_space<vmem_shared>>
      tpu.enqueue_indirect_dma source(%dma_start3A_843 : memref<32x128xf32, #tpu.memory_space<vmem>>) target(%dma_start3A_849 : memref<10240x128xf32, #tpu.memory_space<vmem_shared>>) offsets(%dma_start3A_846 : memref<32xi32, #tpu.memory_space<vmem>>) semaphore(%arg35 : memref<!tpu.dma_semaphore, #tpu.memory_space<semaphore_mem>>) {add = true}
      %dma_start3A_850 = arith.constant 0 : i32
      %dma_start3A_851 = arith.constant 4 : i32
      %dma_start3A_852 = arith.constant 0 : i32
      %dma_start3A_853 = tpu.memref_slice %arg10[%dma_start3A_850, %dma_start3A_851, %dma_start3A_852] : memref<2x8x32xi32, #tpu.memory_space<vmem>> -> memref<1x1x32xi32, #tpu.memory_space<vmem>>
      %dma_start3A_854 = tpu.memref_squeeze %dma_start3A_853 : memref<1x1x32xi32, #tpu.memory_space<vmem>> -> memref<32xi32, #tpu.memory_space<vmem>>
      %dma_start3A_855 = arith.constant 0 : i32
      %dma_start3A_856 = tpu.memref_slice %arg14[%dma_start3A_855] : memref<10240xf32, #tpu.memory_space<vmem_shared>> -> memref<10240xf32, #tpu.memory_space<vmem_shared>>
      tpu.enqueue_indirect_dma source(%arg12 : memref<32xf32, #tpu.memory_space<vmem>>) target(%dma_start3A_856 : memref<10240xf32, #tpu.memory_space<vmem_shared>>) offsets(%dma_start3A_854 : memref<32xi32, #tpu.memory_space<vmem>>) semaphore(%arg35 : memref<!tpu.dma_semaphore, #tpu.memory_space<semaphore_mem>>) {add = true}
      %add3A_857 = arith.constant 1 : i32
      %add3A_858 = arith.addi %mul3A_666, %add3A_857 : i32
      %lt3A_859 = arith.constant 40 : i32
      %lt3A_860 = arith.cmpi slt, %add3A_858, %lt3A_859 : i32
      %convert_element_type3A_861 = arith.extui %lt3A_860 : i1 to i32
      %cond3A_862 = arith.constant 0 : i32
      %cond3A_863 = arith.cmpi ne, %convert_element_type3A_861, %cond3A_862 : i32
      scf.if %cond3A_863 {
        %add3A_1420 = arith.constant 1 : i32
        %add3A_1421 = arith.addi %mul3A_666, %add3A_1420 : i32
        %mul3A_1422 = arith.constant 8 : i32
        %mul3A_1423 = arith.muli %add3A_1421, %mul3A_1422 : i32
        %add3A_1424 = arith.constant 4 : i32
        %add3A_1425 = arith.addi %mul3A_1423, %add3A_1424 : i32
        %mul3A_1426 = arith.constant 32 : i32
        %mul3A_1427 = arith.muli %add3A_1425, %mul3A_1426 : i32
        %add3A_1428 = arith.addi %mul3A_1427, %add3A : i32
        %mul3A_1429 = arith.constant 32 : i32
        %mul3A_1430 = arith.muli %add3A_1428, %mul3A_1429 : i32
        %dma_start3A_1431 = arith.constant 1 : i32
        %dma_start3A_1432 = arith.constant 4 : i32
        %dma_start3A_1433 = arith.constant 0 : i32
        %dma_start3A_1434 = tpu.memref_slice %arg9[%dma_start3A_1431, %dma_start3A_1432, %dma_start3A_1433] : memref<2x8x32xi32, #tpu.memory_space<vmem>> -> memref<1x1x32xi32, #tpu.memory_space<vmem>>
        %dma_start3A_1435 = tpu.memref_squeeze %dma_start3A_1434 : memref<1x1x32xi32, #tpu.memory_space<vmem>> -> memref<32xi32, #tpu.memory_space<vmem>>
        %dma_start3A_1436 = tpu.memref_slice %arg3[%mul3A_1430] : memref<327680xi32, #tpu.memory_space<hbm>> -> memref<32xi32, #tpu.memory_space<hbm>>
        %dma_start3A_1437 = arith.constant 0 : i32
        %dma_start3A_1438 = tpu.memref_slice %arg9[%dma_start3A_1431, %dma_start3A_1432, %dma_start3A_1437] : memref<2x8x32xi32, #tpu.memory_space<vmem>> -> memref<1x1x32xi32, #tpu.memory_space<vmem>>
        %dma_start3A_1439 = tpu.memref_squeeze %dma_start3A_1438 : memref<1x1x32xi32, #tpu.memory_space<vmem>> -> memref<32xi32, #tpu.memory_space<vmem>>
        %dma_start3A_1440 = tpu.memref_slice %arg3[%mul3A_1430] : memref<327680xi32, #tpu.memory_space<hbm>> -> memref<32xi32, #tpu.memory_space<hbm>>
        tpu.enqueue_dma source(%dma_start3A_1440 : memref<32xi32, #tpu.memory_space<hbm>>) target(%dma_start3A_1439 : memref<32xi32, #tpu.memory_space<vmem>>) target_semaphore(%arg19 : memref<!tpu.dma_semaphore, #tpu.memory_space<semaphore_mem>>)
        %dma_start3A_1441 = arith.constant 1 : i32
        %dma_start3A_1442 = arith.constant 4 : i32
        %dma_start3A_1443 = arith.constant 0 : i32
        %dma_start3A_1444 = tpu.memref_slice %arg10[%dma_start3A_1441, %dma_start3A_1442, %dma_start3A_1443] : memref<2x8x32xi32, #tpu.memory_space<vmem>> -> memref<1x1x32xi32, #tpu.memory_space<vmem>>
        %dma_start3A_1445 = tpu.memref_squeeze %dma_start3A_1444 : memref<1x1x32xi32, #tpu.memory_space<vmem>> -> memref<32xi32, #tpu.memory_space<vmem>>
        %dma_start3A_1446 = tpu.memref_slice %arg4[%mul3A_1430] : memref<327680xi32, #tpu.memory_space<hbm>> -> memref<32xi32, #tpu.memory_space<hbm>>
        %dma_start3A_1447 = arith.constant 0 : i32
        %dma_start3A_1448 = tpu.memref_slice %arg10[%dma_start3A_1441, %dma_start3A_1442, %dma_start3A_1447] : memref<2x8x32xi32, #tpu.memory_space<vmem>> -> memref<1x1x32xi32, #tpu.memory_space<vmem>>
        %dma_start3A_1449 = tpu.memref_squeeze %dma_start3A_1448 : memref<1x1x32xi32, #tpu.memory_space<vmem>> -> memref<32xi32, #tpu.memory_space<vmem>>
        %dma_start3A_1450 = tpu.memref_slice %arg4[%mul3A_1430] : memref<327680xi32, #tpu.memory_space<hbm>> -> memref<32xi32, #tpu.memory_space<hbm>>
        tpu.enqueue_dma source(%dma_start3A_1450 : memref<32xi32, #tpu.memory_space<hbm>>) target(%dma_start3A_1449 : memref<32xi32, #tpu.memory_space<vmem>>) target_semaphore(%arg19 : memref<!tpu.dma_semaphore, #tpu.memory_space<semaphore_mem>>)
      } else {
      }
      %dma_wait3A_864 = arith.constant 0 : i32
      %dma_wait3A_865 = arith.constant 5 : i32
      %dma_wait3A_866 = arith.constant 5 : i32
      %dma_wait3A_867 = arith.constant 0 : i32
      %dma_wait3A_868 = arith.constant 0 : i32
      %dma_wait3A_869 = tpu.memref_slice %arg11[%dma_wait3A_866, %dma_wait3A_867, %dma_wait3A_868] : memref<8x32x128xf32, #tpu.memory_space<vmem>> -> memref<1x32x128xf32, #tpu.memory_space<vmem>>
      %dma_wait3A_870 = tpu.memref_squeeze %dma_wait3A_869 : memref<1x32x128xf32, #tpu.memory_space<vmem>> -> memref<32x128xf32, #tpu.memory_space<vmem>>
      %dma_wait3A_871 = arith.constant 0 : i32
      %dma_wait3A_872 = tpu.memref_slice %arg9[%dma_wait3A_864, %dma_wait3A_865, %dma_wait3A_871] : memref<2x8x32xi32, #tpu.memory_space<vmem>> -> memref<1x1x32xi32, #tpu.memory_space<vmem>>
      %dma_wait3A_873 = tpu.memref_squeeze %dma_wait3A_872 : memref<1x1x32xi32, #tpu.memory_space<vmem>> -> memref<32xi32, #tpu.memory_space<vmem>>
      %dma_wait3A_874 = arith.constant 0 : i32
      %dma_wait3A_875 = arith.constant 0 : i32
      %dma_wait3A_876 = tpu.memref_slice %arg2[%dma_wait3A_874, %dma_wait3A_875] : memref<10000x128xf32, #tpu.memory_space<hbm>> -> memref<10000x128xf32, #tpu.memory_space<hbm>>
      tpu.wait_indirect_dma semaphore(%arg28 : memref<!tpu.dma_semaphore, #tpu.memory_space<semaphore_mem>>) src(%dma_wait3A_876 : memref<10000x128xf32, #tpu.memory_space<hbm>>) dst(%dma_wait3A_870 : memref<32x128xf32, #tpu.memory_space<vmem>>)
      %dma_start3A_877 = arith.constant 5 : i32
      %dma_start3A_878 = arith.constant 0 : i32
      %dma_start3A_879 = arith.constant 5 : i32
      %dma_start3A_880 = arith.constant 0 : i32
      %dma_start3A_881 = arith.constant 0 : i32
      %dma_start3A_882 = tpu.memref_slice %arg11[%dma_start3A_877, %dma_start3A_880, %dma_start3A_881] : memref<8x32x128xf32, #tpu.memory_space<vmem>> -> memref<1x32x128xf32, #tpu.memory_space<vmem>>
      %dma_start3A_883 = tpu.memref_squeeze %dma_start3A_882 : memref<1x32x128xf32, #tpu.memory_space<vmem>> -> memref<32x128xf32, #tpu.memory_space<vmem>>
      %dma_start3A_884 = arith.constant 0 : i32
      %dma_start3A_885 = tpu.memref_slice %arg10[%dma_start3A_878, %dma_start3A_879, %dma_start3A_884] : memref<2x8x32xi32, #tpu.memory_space<vmem>> -> memref<1x1x32xi32, #tpu.memory_space<vmem>>
      %dma_start3A_886 = tpu.memref_squeeze %dma_start3A_885 : memref<1x1x32xi32, #tpu.memory_space<vmem>> -> memref<32xi32, #tpu.memory_space<vmem>>
      %dma_start3A_887 = arith.constant 0 : i32
      %dma_start3A_888 = arith.constant 0 : i32
      %dma_start3A_889 = tpu.memref_slice %arg13[%dma_start3A_887, %dma_start3A_888] : memref<10240x128xf32, #tpu.memory_space<vmem_shared>> -> memref<10240x128xf32, #tpu.memory_space<vmem_shared>>
      tpu.enqueue_indirect_dma source(%dma_start3A_883 : memref<32x128xf32, #tpu.memory_space<vmem>>) target(%dma_start3A_889 : memref<10240x128xf32, #tpu.memory_space<vmem_shared>>) offsets(%dma_start3A_886 : memref<32xi32, #tpu.memory_space<vmem>>) semaphore(%arg36 : memref<!tpu.dma_semaphore, #tpu.memory_space<semaphore_mem>>) {add = true}
      %dma_start3A_890 = arith.constant 0 : i32
      %dma_start3A_891 = arith.constant 5 : i32
      %dma_start3A_892 = arith.constant 0 : i32
      %dma_start3A_893 = tpu.memref_slice %arg10[%dma_start3A_890, %dma_start3A_891, %dma_start3A_892] : memref<2x8x32xi32, #tpu.memory_space<vmem>> -> memref<1x1x32xi32, #tpu.memory_space<vmem>>
      %dma_start3A_894 = tpu.memref_squeeze %dma_start3A_893 : memref<1x1x32xi32, #tpu.memory_space<vmem>> -> memref<32xi32, #tpu.memory_space<vmem>>
      %dma_start3A_895 = arith.constant 0 : i32
      %dma_start3A_896 = tpu.memref_slice %arg14[%dma_start3A_895] : memref<10240xf32, #tpu.memory_space<vmem_shared>> -> memref<10240xf32, #tpu.memory_space<vmem_shared>>
      tpu.enqueue_indirect_dma source(%arg12 : memref<32xf32, #tpu.memory_space<vmem>>) target(%dma_start3A_896 : memref<10240xf32, #tpu.memory_space<vmem_shared>>) offsets(%dma_start3A_894 : memref<32xi32, #tpu.memory_space<vmem>>) semaphore(%arg36 : memref<!tpu.dma_semaphore, #tpu.memory_space<semaphore_mem>>) {add = true}
      %add3A_897 = arith.constant 1 : i32
      %add3A_898 = arith.addi %mul3A_666, %add3A_897 : i32
      %lt3A_899 = arith.constant 40 : i32
      %lt3A_900 = arith.cmpi slt, %add3A_898, %lt3A_899 : i32
      %convert_element_type3A_901 = arith.extui %lt3A_900 : i1 to i32
      %cond3A_902 = arith.constant 0 : i32
      %cond3A_903 = arith.cmpi ne, %convert_element_type3A_901, %cond3A_902 : i32
      scf.if %cond3A_903 {
        %add3A_1420 = arith.constant 1 : i32
        %add3A_1421 = arith.addi %mul3A_666, %add3A_1420 : i32
        %mul3A_1422 = arith.constant 8 : i32
        %mul3A_1423 = arith.muli %add3A_1421, %mul3A_1422 : i32
        %add3A_1424 = arith.constant 5 : i32
        %add3A_1425 = arith.addi %mul3A_1423, %add3A_1424 : i32
        %mul3A_1426 = arith.constant 32 : i32
        %mul3A_1427 = arith.muli %add3A_1425, %mul3A_1426 : i32
        %add3A_1428 = arith.addi %mul3A_1427, %add3A : i32
        %mul3A_1429 = arith.constant 32 : i32
        %mul3A_1430 = arith.muli %add3A_1428, %mul3A_1429 : i32
        %dma_start3A_1431 = arith.constant 1 : i32
        %dma_start3A_1432 = arith.constant 5 : i32
        %dma_start3A_1433 = arith.constant 0 : i32
        %dma_start3A_1434 = tpu.memref_slice %arg9[%dma_start3A_1431, %dma_start3A_1432, %dma_start3A_1433] : memref<2x8x32xi32, #tpu.memory_space<vmem>> -> memref<1x1x32xi32, #tpu.memory_space<vmem>>
        %dma_start3A_1435 = tpu.memref_squeeze %dma_start3A_1434 : memref<1x1x32xi32, #tpu.memory_space<vmem>> -> memref<32xi32, #tpu.memory_space<vmem>>
        %dma_start3A_1436 = tpu.memref_slice %arg3[%mul3A_1430] : memref<327680xi32, #tpu.memory_space<hbm>> -> memref<32xi32, #tpu.memory_space<hbm>>
        %dma_start3A_1437 = arith.constant 0 : i32
        %dma_start3A_1438 = tpu.memref_slice %arg9[%dma_start3A_1431, %dma_start3A_1432, %dma_start3A_1437] : memref<2x8x32xi32, #tpu.memory_space<vmem>> -> memref<1x1x32xi32, #tpu.memory_space<vmem>>
        %dma_start3A_1439 = tpu.memref_squeeze %dma_start3A_1438 : memref<1x1x32xi32, #tpu.memory_space<vmem>> -> memref<32xi32, #tpu.memory_space<vmem>>
        %dma_start3A_1440 = tpu.memref_slice %arg3[%mul3A_1430] : memref<327680xi32, #tpu.memory_space<hbm>> -> memref<32xi32, #tpu.memory_space<hbm>>
        tpu.enqueue_dma source(%dma_start3A_1440 : memref<32xi32, #tpu.memory_space<hbm>>) target(%dma_start3A_1439 : memref<32xi32, #tpu.memory_space<vmem>>) target_semaphore(%arg20 : memref<!tpu.dma_semaphore, #tpu.memory_space<semaphore_mem>>)
        %dma_start3A_1441 = arith.constant 1 : i32
        %dma_start3A_1442 = arith.constant 5 : i32
        %dma_start3A_1443 = arith.constant 0 : i32
        %dma_start3A_1444 = tpu.memref_slice %arg10[%dma_start3A_1441, %dma_start3A_1442, %dma_start3A_1443] : memref<2x8x32xi32, #tpu.memory_space<vmem>> -> memref<1x1x32xi32, #tpu.memory_space<vmem>>
        %dma_start3A_1445 = tpu.memref_squeeze %dma_start3A_1444 : memref<1x1x32xi32, #tpu.memory_space<vmem>> -> memref<32xi32, #tpu.memory_space<vmem>>
        %dma_start3A_1446 = tpu.memref_slice %arg4[%mul3A_1430] : memref<327680xi32, #tpu.memory_space<hbm>> -> memref<32xi32, #tpu.memory_space<hbm>>
        %dma_start3A_1447 = arith.constant 0 : i32
        %dma_start3A_1448 = tpu.memref_slice %arg10[%dma_start3A_1441, %dma_start3A_1442, %dma_start3A_1447] : memref<2x8x32xi32, #tpu.memory_space<vmem>> -> memref<1x1x32xi32, #tpu.memory_space<vmem>>
        %dma_start3A_1449 = tpu.memref_squeeze %dma_start3A_1448 : memref<1x1x32xi32, #tpu.memory_space<vmem>> -> memref<32xi32, #tpu.memory_space<vmem>>
        %dma_start3A_1450 = tpu.memref_slice %arg4[%mul3A_1430] : memref<327680xi32, #tpu.memory_space<hbm>> -> memref<32xi32, #tpu.memory_space<hbm>>
        tpu.enqueue_dma source(%dma_start3A_1450 : memref<32xi32, #tpu.memory_space<hbm>>) target(%dma_start3A_1449 : memref<32xi32, #tpu.memory_space<vmem>>) target_semaphore(%arg20 : memref<!tpu.dma_semaphore, #tpu.memory_space<semaphore_mem>>)
      } else {
      }
      %dma_wait3A_904 = arith.constant 0 : i32
      %dma_wait3A_905 = arith.constant 6 : i32
      %dma_wait3A_906 = arith.constant 6 : i32
      %dma_wait3A_907 = arith.constant 0 : i32
      %dma_wait3A_908 = arith.constant 0 : i32
      %dma_wait3A_909 = tpu.memref_slice %arg11[%dma_wait3A_906, %dma_wait3A_907, %dma_wait3A_908] : memref<8x32x128xf32, #tpu.memory_space<vmem>> -> memref<1x32x128xf32, #tpu.memory_space<vmem>>
      %dma_wait3A_910 = tpu.memref_squeeze %dma_wait3A_909 : memref<1x32x128xf32, #tpu.memory_space<vmem>> -> memref<32x128xf32, #tpu.memory_space<vmem>>
      %dma_wait3A_911 = arith.constant 0 : i32
      %dma_wait3A_912 = tpu.memref_slice %arg9[%dma_wait3A_904, %dma_wait3A_905, %dma_wait3A_911] : memref<2x8x32xi32, #tpu.memory_space<vmem>> -> memref<1x1x32xi32, #tpu.memory_space<vmem>>
      %dma_wait3A_913 = tpu.memref_squeeze %dma_wait3A_912 : memref<1x1x32xi32, #tpu.memory_space<vmem>> -> memref<32xi32, #tpu.memory_space<vmem>>
      %dma_wait3A_914 = arith.constant 0 : i32
      %dma_wait3A_915 = arith.constant 0 : i32
      %dma_wait3A_916 = tpu.memref_slice %arg2[%dma_wait3A_914, %dma_wait3A_915] : memref<10000x128xf32, #tpu.memory_space<hbm>> -> memref<10000x128xf32, #tpu.memory_space<hbm>>
      tpu.wait_indirect_dma semaphore(%arg29 : memref<!tpu.dma_semaphore, #tpu.memory_space<semaphore_mem>>) src(%dma_wait3A_916 : memref<10000x128xf32, #tpu.memory_space<hbm>>) dst(%dma_wait3A_910 : memref<32x128xf32, #tpu.memory_space<vmem>>)
      %dma_start3A_917 = arith.constant 6 : i32
      %dma_start3A_918 = arith.constant 0 : i32
      %dma_start3A_919 = arith.constant 6 : i32
      %dma_start3A_920 = arith.constant 0 : i32
      %dma_start3A_921 = arith.constant 0 : i32
      %dma_start3A_922 = tpu.memref_slice %arg11[%dma_start3A_917, %dma_start3A_920, %dma_start3A_921] : memref<8x32x128xf32, #tpu.memory_space<vmem>> -> memref<1x32x128xf32, #tpu.memory_space<vmem>>
      %dma_start3A_923 = tpu.memref_squeeze %dma_start3A_922 : memref<1x32x128xf32, #tpu.memory_space<vmem>> -> memref<32x128xf32, #tpu.memory_space<vmem>>
      %dma_start3A_924 = arith.constant 0 : i32
      %dma_start3A_925 = tpu.memref_slice %arg10[%dma_start3A_918, %dma_start3A_919, %dma_start3A_924] : memref<2x8x32xi32, #tpu.memory_space<vmem>> -> memref<1x1x32xi32, #tpu.memory_space<vmem>>
      %dma_start3A_926 = tpu.memref_squeeze %dma_start3A_925 : memref<1x1x32xi32, #tpu.memory_space<vmem>> -> memref<32xi32, #tpu.memory_space<vmem>>
      %dma_start3A_927 = arith.constant 0 : i32
      %dma_start3A_928 = arith.constant 0 : i32
      %dma_start3A_929 = tpu.memref_slice %arg13[%dma_start3A_927, %dma_start3A_928] : memref<10240x128xf32, #tpu.memory_space<vmem_shared>> -> memref<10240x128xf32, #tpu.memory_space<vmem_shared>>
      tpu.enqueue_indirect_dma source(%dma_start3A_923 : memref<32x128xf32, #tpu.memory_space<vmem>>) target(%dma_start3A_929 : memref<10240x128xf32, #tpu.memory_space<vmem_shared>>) offsets(%dma_start3A_926 : memref<32xi32, #tpu.memory_space<vmem>>) semaphore(%arg37 : memref<!tpu.dma_semaphore, #tpu.memory_space<semaphore_mem>>) {add = true}
      %dma_start3A_930 = arith.constant 0 : i32
      %dma_start3A_931 = arith.constant 6 : i32
      %dma_start3A_932 = arith.constant 0 : i32
      %dma_start3A_933 = tpu.memref_slice %arg10[%dma_start3A_930, %dma_start3A_931, %dma_start3A_932] : memref<2x8x32xi32, #tpu.memory_space<vmem>> -> memref<1x1x32xi32, #tpu.memory_space<vmem>>
      %dma_start3A_934 = tpu.memref_squeeze %dma_start3A_933 : memref<1x1x32xi32, #tpu.memory_space<vmem>> -> memref<32xi32, #tpu.memory_space<vmem>>
      %dma_start3A_935 = arith.constant 0 : i32
      %dma_start3A_936 = tpu.memref_slice %arg14[%dma_start3A_935] : memref<10240xf32, #tpu.memory_space<vmem_shared>> -> memref<10240xf32, #tpu.memory_space<vmem_shared>>
      tpu.enqueue_indirect_dma source(%arg12 : memref<32xf32, #tpu.memory_space<vmem>>) target(%dma_start3A_936 : memref<10240xf32, #tpu.memory_space<vmem_shared>>) offsets(%dma_start3A_934 : memref<32xi32, #tpu.memory_space<vmem>>) semaphore(%arg37 : memref<!tpu.dma_semaphore, #tpu.memory_space<semaphore_mem>>) {add = true}
      %add3A_937 = arith.constant 1 : i32
      %add3A_938 = arith.addi %mul3A_666, %add3A_937 : i32
      %lt3A_939 = arith.constant 40 : i32
      %lt3A_940 = arith.cmpi slt, %add3A_938, %lt3A_939 : i32
      %convert_element_type3A_941 = arith.extui %lt3A_940 : i1 to i32
      %cond3A_942 = arith.constant 0 : i32
      %cond3A_943 = arith.cmpi ne, %convert_element_type3A_941, %cond3A_942 : i32
      scf.if %cond3A_943 {
        %add3A_1420 = arith.constant 1 : i32
        %add3A_1421 = arith.addi %mul3A_666, %add3A_1420 : i32
        %mul3A_1422 = arith.constant 8 : i32
        %mul3A_1423 = arith.muli %add3A_1421, %mul3A_1422 : i32
        %add3A_1424 = arith.constant 6 : i32
        %add3A_1425 = arith.addi %mul3A_1423, %add3A_1424 : i32
        %mul3A_1426 = arith.constant 32 : i32
        %mul3A_1427 = arith.muli %add3A_1425, %mul3A_1426 : i32
        %add3A_1428 = arith.addi %mul3A_1427, %add3A : i32
        %mul3A_1429 = arith.constant 32 : i32
        %mul3A_1430 = arith.muli %add3A_1428, %mul3A_1429 : i32
        %dma_start3A_1431 = arith.constant 1 : i32
        %dma_start3A_1432 = arith.constant 6 : i32
        %dma_start3A_1433 = arith.constant 0 : i32
        %dma_start3A_1434 = tpu.memref_slice %arg9[%dma_start3A_1431, %dma_start3A_1432, %dma_start3A_1433] : memref<2x8x32xi32, #tpu.memory_space<vmem>> -> memref<1x1x32xi32, #tpu.memory_space<vmem>>
        %dma_start3A_1435 = tpu.memref_squeeze %dma_start3A_1434 : memref<1x1x32xi32, #tpu.memory_space<vmem>> -> memref<32xi32, #tpu.memory_space<vmem>>
        %dma_start3A_1436 = tpu.memref_slice %arg3[%mul3A_1430] : memref<327680xi32, #tpu.memory_space<hbm>> -> memref<32xi32, #tpu.memory_space<hbm>>
        %dma_start3A_1437 = arith.constant 0 : i32
        %dma_start3A_1438 = tpu.memref_slice %arg9[%dma_start3A_1431, %dma_start3A_1432, %dma_start3A_1437] : memref<2x8x32xi32, #tpu.memory_space<vmem>> -> memref<1x1x32xi32, #tpu.memory_space<vmem>>
        %dma_start3A_1439 = tpu.memref_squeeze %dma_start3A_1438 : memref<1x1x32xi32, #tpu.memory_space<vmem>> -> memref<32xi32, #tpu.memory_space<vmem>>
        %dma_start3A_1440 = tpu.memref_slice %arg3[%mul3A_1430] : memref<327680xi32, #tpu.memory_space<hbm>> -> memref<32xi32, #tpu.memory_space<hbm>>
        tpu.enqueue_dma source(%dma_start3A_1440 : memref<32xi32, #tpu.memory_space<hbm>>) target(%dma_start3A_1439 : memref<32xi32, #tpu.memory_space<vmem>>) target_semaphore(%arg21 : memref<!tpu.dma_semaphore, #tpu.memory_space<semaphore_mem>>)
        %dma_start3A_1441 = arith.constant 1 : i32
        %dma_start3A_1442 = arith.constant 6 : i32
        %dma_start3A_1443 = arith.constant 0 : i32
        %dma_start3A_1444 = tpu.memref_slice %arg10[%dma_start3A_1441, %dma_start3A_1442, %dma_start3A_1443] : memref<2x8x32xi32, #tpu.memory_space<vmem>> -> memref<1x1x32xi32, #tpu.memory_space<vmem>>
        %dma_start3A_1445 = tpu.memref_squeeze %dma_start3A_1444 : memref<1x1x32xi32, #tpu.memory_space<vmem>> -> memref<32xi32, #tpu.memory_space<vmem>>
        %dma_start3A_1446 = tpu.memref_slice %arg4[%mul3A_1430] : memref<327680xi32, #tpu.memory_space<hbm>> -> memref<32xi32, #tpu.memory_space<hbm>>
        %dma_start3A_1447 = arith.constant 0 : i32
        %dma_start3A_1448 = tpu.memref_slice %arg10[%dma_start3A_1441, %dma_start3A_1442, %dma_start3A_1447] : memref<2x8x32xi32, #tpu.memory_space<vmem>> -> memref<1x1x32xi32, #tpu.memory_space<vmem>>
        %dma_start3A_1449 = tpu.memref_squeeze %dma_start3A_1448 : memref<1x1x32xi32, #tpu.memory_space<vmem>> -> memref<32xi32, #tpu.memory_space<vmem>>
        %dma_start3A_1450 = tpu.memref_slice %arg4[%mul3A_1430] : memref<327680xi32, #tpu.memory_space<hbm>> -> memref<32xi32, #tpu.memory_space<hbm>>
        tpu.enqueue_dma source(%dma_start3A_1450 : memref<32xi32, #tpu.memory_space<hbm>>) target(%dma_start3A_1449 : memref<32xi32, #tpu.memory_space<vmem>>) target_semaphore(%arg21 : memref<!tpu.dma_semaphore, #tpu.memory_space<semaphore_mem>>)
      } else {
      }
      %dma_wait3A_944 = arith.constant 0 : i32
      %dma_wait3A_945 = arith.constant 7 : i32
      %dma_wait3A_946 = arith.constant 7 : i32
      %dma_wait3A_947 = arith.constant 0 : i32
      %dma_wait3A_948 = arith.constant 0 : i32
      %dma_wait3A_949 = tpu.memref_slice %arg11[%dma_wait3A_946, %dma_wait3A_947, %dma_wait3A_948] : memref<8x32x128xf32, #tpu.memory_space<vmem>> -> memref<1x32x128xf32, #tpu.memory_space<vmem>>
      %dma_wait3A_950 = tpu.memref_squeeze %dma_wait3A_949 : memref<1x32x128xf32, #tpu.memory_space<vmem>> -> memref<32x128xf32, #tpu.memory_space<vmem>>
      %dma_wait3A_951 = arith.constant 0 : i32
      %dma_wait3A_952 = tpu.memref_slice %arg9[%dma_wait3A_944, %dma_wait3A_945, %dma_wait3A_951] : memref<2x8x32xi32, #tpu.memory_space<vmem>> -> memref<1x1x32xi32, #tpu.memory_space<vmem>>
      %dma_wait3A_953 = tpu.memref_squeeze %dma_wait3A_952 : memref<1x1x32xi32, #tpu.memory_space<vmem>> -> memref<32xi32, #tpu.memory_space<vmem>>
      %dma_wait3A_954 = arith.constant 0 : i32
      %dma_wait3A_955 = arith.constant 0 : i32
      %dma_wait3A_956 = tpu.memref_slice %arg2[%dma_wait3A_954, %dma_wait3A_955] : memref<10000x128xf32, #tpu.memory_space<hbm>> -> memref<10000x128xf32, #tpu.memory_space<hbm>>
      tpu.wait_indirect_dma semaphore(%arg30 : memref<!tpu.dma_semaphore, #tpu.memory_space<semaphore_mem>>) src(%dma_wait3A_956 : memref<10000x128xf32, #tpu.memory_space<hbm>>) dst(%dma_wait3A_950 : memref<32x128xf32, #tpu.memory_space<vmem>>)
      %dma_start3A_957 = arith.constant 7 : i32
      %dma_start3A_958 = arith.constant 0 : i32
      %dma_start3A_959 = arith.constant 7 : i32
      %dma_start3A_960 = arith.constant 0 : i32
      %dma_start3A_961 = arith.constant 0 : i32
      %dma_start3A_962 = tpu.memref_slice %arg11[%dma_start3A_957, %dma_start3A_960, %dma_start3A_961] : memref<8x32x128xf32, #tpu.memory_space<vmem>> -> memref<1x32x128xf32, #tpu.memory_space<vmem>>
      %dma_start3A_963 = tpu.memref_squeeze %dma_start3A_962 : memref<1x32x128xf32, #tpu.memory_space<vmem>> -> memref<32x128xf32, #tpu.memory_space<vmem>>
      %dma_start3A_964 = arith.constant 0 : i32
      %dma_start3A_965 = tpu.memref_slice %arg10[%dma_start3A_958, %dma_start3A_959, %dma_start3A_964] : memref<2x8x32xi32, #tpu.memory_space<vmem>> -> memref<1x1x32xi32, #tpu.memory_space<vmem>>
      %dma_start3A_966 = tpu.memref_squeeze %dma_start3A_965 : memref<1x1x32xi32, #tpu.memory_space<vmem>> -> memref<32xi32, #tpu.memory_space<vmem>>
      %dma_start3A_967 = arith.constant 0 : i32
      %dma_start3A_968 = arith.constant 0 : i32
      %dma_start3A_969 = tpu.memref_slice %arg13[%dma_start3A_967, %dma_start3A_968] : memref<10240x128xf32, #tpu.memory_space<vmem_shared>> -> memref<10240x128xf32, #tpu.memory_space<vmem_shared>>
      tpu.enqueue_indirect_dma source(%dma_start3A_963 : memref<32x128xf32, #tpu.memory_space<vmem>>) target(%dma_start3A_969 : memref<10240x128xf32, #tpu.memory_space<vmem_shared>>) offsets(%dma_start3A_966 : memref<32xi32, #tpu.memory_space<vmem>>) semaphore(%arg38 : memref<!tpu.dma_semaphore, #tpu.memory_space<semaphore_mem>>) {add = true}
      %dma_start3A_970 = arith.constant 0 : i32
      %dma_start3A_971 = arith.constant 7 : i32
      %dma_start3A_972 = arith.constant 0 : i32
      %dma_start3A_973 = tpu.memref_slice %arg10[%dma_start3A_970, %dma_start3A_971, %dma_start3A_972] : memref<2x8x32xi32, #tpu.memory_space<vmem>> -> memref<1x1x32xi32, #tpu.memory_space<vmem>>
      %dma_start3A_974 = tpu.memref_squeeze %dma_start3A_973 : memref<1x1x32xi32, #tpu.memory_space<vmem>> -> memref<32xi32, #tpu.memory_space<vmem>>
      %dma_start3A_975 = arith.constant 0 : i32
      %dma_start3A_976 = tpu.memref_slice %arg14[%dma_start3A_975] : memref<10240xf32, #tpu.memory_space<vmem_shared>> -> memref<10240xf32, #tpu.memory_space<vmem_shared>>
      tpu.enqueue_indirect_dma source(%arg12 : memref<32xf32, #tpu.memory_space<vmem>>) target(%dma_start3A_976 : memref<10240xf32, #tpu.memory_space<vmem_shared>>) offsets(%dma_start3A_974 : memref<32xi32, #tpu.memory_space<vmem>>) semaphore(%arg38 : memref<!tpu.dma_semaphore, #tpu.memory_space<semaphore_mem>>) {add = true}
      %add3A_977 = arith.constant 1 : i32
      %add3A_978 = arith.addi %mul3A_666, %add3A_977 : i32
      %lt3A_979 = arith.constant 40 : i32
      %lt3A_980 = arith.cmpi slt, %add3A_978, %lt3A_979 : i32
      %convert_element_type3A_981 = arith.extui %lt3A_980 : i1 to i32
      %cond3A_982 = arith.constant 0 : i32
      %cond3A_983 = arith.cmpi ne, %convert_element_type3A_981, %cond3A_982 : i32
      scf.if %cond3A_983 {
        %add3A_1420 = arith.constant 1 : i32
        %add3A_1421 = arith.addi %mul3A_666, %add3A_1420 : i32
        %mul3A_1422 = arith.constant 8 : i32
        %mul3A_1423 = arith.muli %add3A_1421, %mul3A_1422 : i32
        %add3A_1424 = arith.constant 7 : i32
        %add3A_1425 = arith.addi %mul3A_1423, %add3A_1424 : i32
        %mul3A_1426 = arith.constant 32 : i32
        %mul3A_1427 = arith.muli %add3A_1425, %mul3A_1426 : i32
        %add3A_1428 = arith.addi %mul3A_1427, %add3A : i32
        %mul3A_1429 = arith.constant 32 : i32
        %mul3A_1430 = arith.muli %add3A_1428, %mul3A_1429 : i32
        %dma_start3A_1431 = arith.constant 1 : i32
        %dma_start3A_1432 = arith.constant 7 : i32
        %dma_start3A_1433 = arith.constant 0 : i32
        %dma_start3A_1434 = tpu.memref_slice %arg9[%dma_start3A_1431, %dma_start3A_1432, %dma_start3A_1433] : memref<2x8x32xi32, #tpu.memory_space<vmem>> -> memref<1x1x32xi32, #tpu.memory_space<vmem>>
        %dma_start3A_1435 = tpu.memref_squeeze %dma_start3A_1434 : memref<1x1x32xi32, #tpu.memory_space<vmem>> -> memref<32xi32, #tpu.memory_space<vmem>>
        %dma_start3A_1436 = tpu.memref_slice %arg3[%mul3A_1430] : memref<327680xi32, #tpu.memory_space<hbm>> -> memref<32xi32, #tpu.memory_space<hbm>>
        %dma_start3A_1437 = arith.constant 0 : i32
        %dma_start3A_1438 = tpu.memref_slice %arg9[%dma_start3A_1431, %dma_start3A_1432, %dma_start3A_1437] : memref<2x8x32xi32, #tpu.memory_space<vmem>> -> memref<1x1x32xi32, #tpu.memory_space<vmem>>
        %dma_start3A_1439 = tpu.memref_squeeze %dma_start3A_1438 : memref<1x1x32xi32, #tpu.memory_space<vmem>> -> memref<32xi32, #tpu.memory_space<vmem>>
        %dma_start3A_1440 = tpu.memref_slice %arg3[%mul3A_1430] : memref<327680xi32, #tpu.memory_space<hbm>> -> memref<32xi32, #tpu.memory_space<hbm>>
        tpu.enqueue_dma source(%dma_start3A_1440 : memref<32xi32, #tpu.memory_space<hbm>>) target(%dma_start3A_1439 : memref<32xi32, #tpu.memory_space<vmem>>) target_semaphore(%arg22 : memref<!tpu.dma_semaphore, #tpu.memory_space<semaphore_mem>>)
        %dma_start3A_1441 = arith.constant 1 : i32
        %dma_start3A_1442 = arith.constant 7 : i32
        %dma_start3A_1443 = arith.constant 0 : i32
        %dma_start3A_1444 = tpu.memref_slice %arg10[%dma_start3A_1441, %dma_start3A_1442, %dma_start3A_1443] : memref<2x8x32xi32, #tpu.memory_space<vmem>> -> memref<1x1x32xi32, #tpu.memory_space<vmem>>
        %dma_start3A_1445 = tpu.memref_squeeze %dma_start3A_1444 : memref<1x1x32xi32, #tpu.memory_space<vmem>> -> memref<32xi32, #tpu.memory_space<vmem>>
        %dma_start3A_1446 = tpu.memref_slice %arg4[%mul3A_1430] : memref<327680xi32, #tpu.memory_space<hbm>> -> memref<32xi32, #tpu.memory_space<hbm>>
        %dma_start3A_1447 = arith.constant 0 : i32
        %dma_start3A_1448 = tpu.memref_slice %arg10[%dma_start3A_1441, %dma_start3A_1442, %dma_start3A_1447] : memref<2x8x32xi32, #tpu.memory_space<vmem>> -> memref<1x1x32xi32, #tpu.memory_space<vmem>>
        %dma_start3A_1449 = tpu.memref_squeeze %dma_start3A_1448 : memref<1x1x32xi32, #tpu.memory_space<vmem>> -> memref<32xi32, #tpu.memory_space<vmem>>
        %dma_start3A_1450 = tpu.memref_slice %arg4[%mul3A_1430] : memref<327680xi32, #tpu.memory_space<hbm>> -> memref<32xi32, #tpu.memory_space<hbm>>
        tpu.enqueue_dma source(%dma_start3A_1450 : memref<32xi32, #tpu.memory_space<hbm>>) target(%dma_start3A_1449 : memref<32xi32, #tpu.memory_space<vmem>>) target_semaphore(%arg22 : memref<!tpu.dma_semaphore, #tpu.memory_space<semaphore_mem>>)
      } else {
      }
      %add3A_984 = arith.constant 1 : i32
      %add3A_985 = arith.addi %mul3A_666, %add3A_984 : i32
      %lt3A_986 = arith.constant 40 : i32
      %lt3A_987 = arith.cmpi slt, %add3A_985, %lt3A_986 : i32
      %convert_element_type3A_988 = arith.extui %lt3A_987 : i1 to i32
      %cond3A_989 = arith.constant 0 : i32
      %cond3A_990 = arith.cmpi ne, %convert_element_type3A_988, %cond3A_989 : i32
      scf.if %cond3A_990 {
        %dma_wait3A_1420 = arith.constant 0 : i32
        %dma_wait3A_1421 = arith.constant 0 : i32
        %dma_wait3A_1422 = arith.constant 0 : i32
        %dma_wait3A_1423 = arith.constant 0 : i32
        %dma_wait3A_1424 = arith.constant 0 : i32
        %dma_wait3A_1425 = tpu.memref_slice %arg11[%dma_wait3A_1420, %dma_wait3A_1423, %dma_wait3A_1424] : memref<8x32x128xf32, #tpu.memory_space<vmem>> -> memref<1x32x128xf32, #tpu.memory_space<vmem>>
        %dma_wait3A_1426 = tpu.memref_squeeze %dma_wait3A_1425 : memref<1x32x128xf32, #tpu.memory_space<vmem>> -> memref<32x128xf32, #tpu.memory_space<vmem>>
        %dma_wait3A_1427 = arith.constant 0 : i32
        %dma_wait3A_1428 = tpu.memref_slice %arg10[%dma_wait3A_1421, %dma_wait3A_1422, %dma_wait3A_1427] : memref<2x8x32xi32, #tpu.memory_space<vmem>> -> memref<1x1x32xi32, #tpu.memory_space<vmem>>
        %dma_wait3A_1429 = tpu.memref_squeeze %dma_wait3A_1428 : memref<1x1x32xi32, #tpu.memory_space<vmem>> -> memref<32xi32, #tpu.memory_space<vmem>>
        %dma_wait3A_1430 = arith.constant 0 : i32
        %dma_wait3A_1431 = arith.constant 0 : i32
        %dma_wait3A_1432 = tpu.memref_slice %arg13[%dma_wait3A_1430, %dma_wait3A_1431] : memref<10240x128xf32, #tpu.memory_space<vmem_shared>> -> memref<10240x128xf32, #tpu.memory_space<vmem_shared>>
        tpu.wait_indirect_dma semaphore(%arg31 : memref<!tpu.dma_semaphore, #tpu.memory_space<semaphore_mem>>) src(%dma_wait3A_1426 : memref<32x128xf32, #tpu.memory_space<vmem>>) dst(%dma_wait3A_1432 : memref<10240x128xf32, #tpu.memory_space<vmem_shared>>)
        %dma_wait3A_1433 = arith.constant 0 : i32
        %dma_wait3A_1434 = arith.constant 0 : i32
        %dma_wait3A_1435 = arith.constant 0 : i32
        %dma_wait3A_1436 = tpu.memref_slice %arg10[%dma_wait3A_1433, %dma_wait3A_1434, %dma_wait3A_1435] : memref<2x8x32xi32, #tpu.memory_space<vmem>> -> memref<1x1x32xi32, #tpu.memory_space<vmem>>
        %dma_wait3A_1437 = tpu.memref_squeeze %dma_wait3A_1436 : memref<1x1x32xi32, #tpu.memory_space<vmem>> -> memref<32xi32, #tpu.memory_space<vmem>>
        %dma_wait3A_1438 = arith.constant 0 : i32
        %dma_wait3A_1439 = tpu.memref_slice %arg14[%dma_wait3A_1438] : memref<10240xf32, #tpu.memory_space<vmem_shared>> -> memref<10240xf32, #tpu.memory_space<vmem_shared>>
        tpu.wait_indirect_dma semaphore(%arg31 : memref<!tpu.dma_semaphore, #tpu.memory_space<semaphore_mem>>) src(%arg12 : memref<32xf32, #tpu.memory_space<vmem>>) dst(%dma_wait3A_1439 : memref<10240xf32, #tpu.memory_space<vmem_shared>>)
        %dma_wait3A_1440 = arith.constant 1 : i32
        %dma_wait3A_1441 = arith.constant 0 : i32
        %dma_wait3A_1442 = arith.constant 0 : i32
        %dma_wait3A_1443 = tpu.memref_slice %arg9[%dma_wait3A_1440, %dma_wait3A_1441, %dma_wait3A_1442] : memref<2x8x32xi32, #tpu.memory_space<vmem>> -> memref<1x1x32xi32, #tpu.memory_space<vmem>>
        %dma_wait3A_1444 = tpu.memref_squeeze %dma_wait3A_1443 : memref<1x1x32xi32, #tpu.memory_space<vmem>> -> memref<32xi32, #tpu.memory_space<vmem>>
        %dma_wait3A_1445 = arith.constant 0 : i32
        %dma_wait3A_1446 = tpu.memref_slice %arg3[%dma_wait3A_1445] : memref<327680xi32, #tpu.memory_space<hbm>> -> memref<32xi32, #tpu.memory_space<hbm>>
        %dma_wait3A_1447 = arith.constant 0 : i32
        %dma_wait3A_1448 = tpu.memref_slice %arg9[%dma_wait3A_1440, %dma_wait3A_1441, %dma_wait3A_1447] : memref<2x8x32xi32, #tpu.memory_space<vmem>> -> memref<1x1x32xi32, #tpu.memory_space<vmem>>
        %dma_wait3A_1449 = tpu.memref_squeeze %dma_wait3A_1448 : memref<1x1x32xi32, #tpu.memory_space<vmem>> -> memref<32xi32, #tpu.memory_space<vmem>>
        %dma_wait3A_1450 = arith.constant 0 : i32
        %dma_wait3A_1451 = tpu.memref_slice %arg3[%dma_wait3A_1450] : memref<327680xi32, #tpu.memory_space<hbm>> -> memref<32xi32, #tpu.memory_space<hbm>>
        tpu.wait_dma2 semaphore(%arg15 : memref<!tpu.dma_semaphore, #tpu.memory_space<semaphore_mem>>) src(%dma_wait3A_1451 : memref<32xi32, #tpu.memory_space<hbm>>) dst(%dma_wait3A_1449 : memref<32xi32, #tpu.memory_space<vmem>>)
        %dma_wait3A_1452 = arith.constant 1 : i32
        %dma_wait3A_1453 = arith.constant 0 : i32
        %dma_wait3A_1454 = arith.constant 0 : i32
        %dma_wait3A_1455 = tpu.memref_slice %arg10[%dma_wait3A_1452, %dma_wait3A_1453, %dma_wait3A_1454] : memref<2x8x32xi32, #tpu.memory_space<vmem>> -> memref<1x1x32xi32, #tpu.memory_space<vmem>>
        %dma_wait3A_1456 = tpu.memref_squeeze %dma_wait3A_1455 : memref<1x1x32xi32, #tpu.memory_space<vmem>> -> memref<32xi32, #tpu.memory_space<vmem>>
        %dma_wait3A_1457 = arith.constant 0 : i32
        %dma_wait3A_1458 = tpu.memref_slice %arg4[%dma_wait3A_1457] : memref<327680xi32, #tpu.memory_space<hbm>> -> memref<32xi32, #tpu.memory_space<hbm>>
        %dma_wait3A_1459 = arith.constant 0 : i32
        %dma_wait3A_1460 = tpu.memref_slice %arg10[%dma_wait3A_1452, %dma_wait3A_1453, %dma_wait3A_1459] : memref<2x8x32xi32, #tpu.memory_space<vmem>> -> memref<1x1x32xi32, #tpu.memory_space<vmem>>
        %dma_wait3A_1461 = tpu.memref_squeeze %dma_wait3A_1460 : memref<1x1x32xi32, #tpu.memory_space<vmem>> -> memref<32xi32, #tpu.memory_space<vmem>>
        %dma_wait3A_1462 = arith.constant 0 : i32
        %dma_wait3A_1463 = tpu.memref_slice %arg4[%dma_wait3A_1462] : memref<327680xi32, #tpu.memory_space<hbm>> -> memref<32xi32, #tpu.memory_space<hbm>>
        tpu.wait_dma2 semaphore(%arg15 : memref<!tpu.dma_semaphore, #tpu.memory_space<semaphore_mem>>) src(%dma_wait3A_1463 : memref<32xi32, #tpu.memory_space<hbm>>) dst(%dma_wait3A_1461 : memref<32xi32, #tpu.memory_space<vmem>>)
        %dma_start3A_1464 = arith.constant 1 : i32
        %dma_start3A_1465 = arith.constant 0 : i32
        %dma_start3A_1466 = arith.constant 0 : i32
        %dma_start3A_1467 = arith.constant 0 : i32
        %dma_start3A_1468 = arith.constant 0 : i32
        %dma_start3A_1469 = tpu.memref_slice %arg11[%dma_start3A_1466, %dma_start3A_1467, %dma_start3A_1468] : memref<8x32x128xf32, #tpu.memory_space<vmem>> -> memref<1x32x128xf32, #tpu.memory_space<vmem>>
        %dma_start3A_1470 = tpu.memref_squeeze %dma_start3A_1469 : memref<1x32x128xf32, #tpu.memory_space<vmem>> -> memref<32x128xf32, #tpu.memory_space<vmem>>
        %dma_start3A_1471 = arith.constant 0 : i32
        %dma_start3A_1472 = tpu.memref_slice %arg9[%dma_start3A_1464, %dma_start3A_1465, %dma_start3A_1471] : memref<2x8x32xi32, #tpu.memory_space<vmem>> -> memref<1x1x32xi32, #tpu.memory_space<vmem>>
        %dma_start3A_1473 = tpu.memref_squeeze %dma_start3A_1472 : memref<1x1x32xi32, #tpu.memory_space<vmem>> -> memref<32xi32, #tpu.memory_space<vmem>>
        %dma_start3A_1474 = arith.constant 0 : i32
        %dma_start3A_1475 = arith.constant 0 : i32
        %dma_start3A_1476 = tpu.memref_slice %arg2[%dma_start3A_1474, %dma_start3A_1475] : memref<10000x128xf32, #tpu.memory_space<hbm>> -> memref<10000x128xf32, #tpu.memory_space<hbm>>
        tpu.enqueue_indirect_dma source(%dma_start3A_1476 : memref<10000x128xf32, #tpu.memory_space<hbm>>) target(%dma_start3A_1470 : memref<32x128xf32, #tpu.memory_space<vmem>>) offsets(%dma_start3A_1473 : memref<32xi32, #tpu.memory_space<vmem>>) semaphore(%arg23 : memref<!tpu.dma_semaphore, #tpu.memory_space<semaphore_mem>>)
      } else {
      }
      %add3A_991 = arith.constant 1 : i32
      %add3A_992 = arith.addi %mul3A_666, %add3A_991 : i32
      %lt3A_993 = arith.constant 40 : i32
      %lt3A_994 = arith.cmpi slt, %add3A_992, %lt3A_993 : i32
      %convert_element_type3A_995 = arith.extui %lt3A_994 : i1 to i32
      %cond3A_996 = arith.constant 0 : i32
      %cond3A_997 = arith.cmpi ne, %convert_element_type3A_995, %cond3A_996 : i32
      scf.if %cond3A_997 {
        %dma_wait3A_1420 = arith.constant 1 : i32
        %dma_wait3A_1421 = arith.constant 0 : i32
        %dma_wait3A_1422 = arith.constant 1 : i32
        %dma_wait3A_1423 = arith.constant 0 : i32
        %dma_wait3A_1424 = arith.constant 0 : i32
        %dma_wait3A_1425 = tpu.memref_slice %arg11[%dma_wait3A_1420, %dma_wait3A_1423, %dma_wait3A_1424] : memref<8x32x128xf32, #tpu.memory_space<vmem>> -> memref<1x32x128xf32, #tpu.memory_space<vmem>>
        %dma_wait3A_1426 = tpu.memref_squeeze %dma_wait3A_1425 : memref<1x32x128xf32, #tpu.memory_space<vmem>> -> memref<32x128xf32, #tpu.memory_space<vmem>>
        %dma_wait3A_1427 = arith.constant 0 : i32
        %dma_wait3A_1428 = tpu.memref_slice %arg10[%dma_wait3A_1421, %dma_wait3A_1422, %dma_wait3A_1427] : memref<2x8x32xi32, #tpu.memory_space<vmem>> -> memref<1x1x32xi32, #tpu.memory_space<vmem>>
        %dma_wait3A_1429 = tpu.memref_squeeze %dma_wait3A_1428 : memref<1x1x32xi32, #tpu.memory_space<vmem>> -> memref<32xi32, #tpu.memory_space<vmem>>
        %dma_wait3A_1430 = arith.constant 0 : i32
        %dma_wait3A_1431 = arith.constant 0 : i32
        %dma_wait3A_1432 = tpu.memref_slice %arg13[%dma_wait3A_1430, %dma_wait3A_1431] : memref<10240x128xf32, #tpu.memory_space<vmem_shared>> -> memref<10240x128xf32, #tpu.memory_space<vmem_shared>>
        tpu.wait_indirect_dma semaphore(%arg32 : memref<!tpu.dma_semaphore, #tpu.memory_space<semaphore_mem>>) src(%dma_wait3A_1426 : memref<32x128xf32, #tpu.memory_space<vmem>>) dst(%dma_wait3A_1432 : memref<10240x128xf32, #tpu.memory_space<vmem_shared>>)
        %dma_wait3A_1433 = arith.constant 0 : i32
        %dma_wait3A_1434 = arith.constant 1 : i32
        %dma_wait3A_1435 = arith.constant 0 : i32
        %dma_wait3A_1436 = tpu.memref_slice %arg10[%dma_wait3A_1433, %dma_wait3A_1434, %dma_wait3A_1435] : memref<2x8x32xi32, #tpu.memory_space<vmem>> -> memref<1x1x32xi32, #tpu.memory_space<vmem>>
        %dma_wait3A_1437 = tpu.memref_squeeze %dma_wait3A_1436 : memref<1x1x32xi32, #tpu.memory_space<vmem>> -> memref<32xi32, #tpu.memory_space<vmem>>
        %dma_wait3A_1438 = arith.constant 0 : i32
        %dma_wait3A_1439 = tpu.memref_slice %arg14[%dma_wait3A_1438] : memref<10240xf32, #tpu.memory_space<vmem_shared>> -> memref<10240xf32, #tpu.memory_space<vmem_shared>>
        tpu.wait_indirect_dma semaphore(%arg32 : memref<!tpu.dma_semaphore, #tpu.memory_space<semaphore_mem>>) src(%arg12 : memref<32xf32, #tpu.memory_space<vmem>>) dst(%dma_wait3A_1439 : memref<10240xf32, #tpu.memory_space<vmem_shared>>)
        %dma_wait3A_1440 = arith.constant 1 : i32
        %dma_wait3A_1441 = arith.constant 1 : i32
        %dma_wait3A_1442 = arith.constant 0 : i32
        %dma_wait3A_1443 = tpu.memref_slice %arg9[%dma_wait3A_1440, %dma_wait3A_1441, %dma_wait3A_1442] : memref<2x8x32xi32, #tpu.memory_space<vmem>> -> memref<1x1x32xi32, #tpu.memory_space<vmem>>
        %dma_wait3A_1444 = tpu.memref_squeeze %dma_wait3A_1443 : memref<1x1x32xi32, #tpu.memory_space<vmem>> -> memref<32xi32, #tpu.memory_space<vmem>>
        %dma_wait3A_1445 = arith.constant 0 : i32
        %dma_wait3A_1446 = tpu.memref_slice %arg3[%dma_wait3A_1445] : memref<327680xi32, #tpu.memory_space<hbm>> -> memref<32xi32, #tpu.memory_space<hbm>>
        %dma_wait3A_1447 = arith.constant 0 : i32
        %dma_wait3A_1448 = tpu.memref_slice %arg9[%dma_wait3A_1440, %dma_wait3A_1441, %dma_wait3A_1447] : memref<2x8x32xi32, #tpu.memory_space<vmem>> -> memref<1x1x32xi32, #tpu.memory_space<vmem>>
        %dma_wait3A_1449 = tpu.memref_squeeze %dma_wait3A_1448 : memref<1x1x32xi32, #tpu.memory_space<vmem>> -> memref<32xi32, #tpu.memory_space<vmem>>
        %dma_wait3A_1450 = arith.constant 0 : i32
        %dma_wait3A_1451 = tpu.memref_slice %arg3[%dma_wait3A_1450] : memref<327680xi32, #tpu.memory_space<hbm>> -> memref<32xi32, #tpu.memory_space<hbm>>
        tpu.wait_dma2 semaphore(%arg16 : memref<!tpu.dma_semaphore, #tpu.memory_space<semaphore_mem>>) src(%dma_wait3A_1451 : memref<32xi32, #tpu.memory_space<hbm>>) dst(%dma_wait3A_1449 : memref<32xi32, #tpu.memory_space<vmem>>)
        %dma_wait3A_1452 = arith.constant 1 : i32
        %dma_wait3A_1453 = arith.constant 1 : i32
        %dma_wait3A_1454 = arith.constant 0 : i32
        %dma_wait3A_1455 = tpu.memref_slice %arg10[%dma_wait3A_1452, %dma_wait3A_1453, %dma_wait3A_1454] : memref<2x8x32xi32, #tpu.memory_space<vmem>> -> memref<1x1x32xi32, #tpu.memory_space<vmem>>
        %dma_wait3A_1456 = tpu.memref_squeeze %dma_wait3A_1455 : memref<1x1x32xi32, #tpu.memory_space<vmem>> -> memref<32xi32, #tpu.memory_space<vmem>>
        %dma_wait3A_1457 = arith.constant 0 : i32
        %dma_wait3A_1458 = tpu.memref_slice %arg4[%dma_wait3A_1457] : memref<327680xi32, #tpu.memory_space<hbm>> -> memref<32xi32, #tpu.memory_space<hbm>>
        %dma_wait3A_1459 = arith.constant 0 : i32
        %dma_wait3A_1460 = tpu.memref_slice %arg10[%dma_wait3A_1452, %dma_wait3A_1453, %dma_wait3A_1459] : memref<2x8x32xi32, #tpu.memory_space<vmem>> -> memref<1x1x32xi32, #tpu.memory_space<vmem>>
        %dma_wait3A_1461 = tpu.memref_squeeze %dma_wait3A_1460 : memref<1x1x32xi32, #tpu.memory_space<vmem>> -> memref<32xi32, #tpu.memory_space<vmem>>
        %dma_wait3A_1462 = arith.constant 0 : i32
        %dma_wait3A_1463 = tpu.memref_slice %arg4[%dma_wait3A_1462] : memref<327680xi32, #tpu.memory_space<hbm>> -> memref<32xi32, #tpu.memory_space<hbm>>
        tpu.wait_dma2 semaphore(%arg16 : memref<!tpu.dma_semaphore, #tpu.memory_space<semaphore_mem>>) src(%dma_wait3A_1463 : memref<32xi32, #tpu.memory_space<hbm>>) dst(%dma_wait3A_1461 : memref<32xi32, #tpu.memory_space<vmem>>)
        %dma_start3A_1464 = arith.constant 1 : i32
        %dma_start3A_1465 = arith.constant 1 : i32
        %dma_start3A_1466 = arith.constant 1 : i32
        %dma_start3A_1467 = arith.constant 0 : i32
        %dma_start3A_1468 = arith.constant 0 : i32
        %dma_start3A_1469 = tpu.memref_slice %arg11[%dma_start3A_1466, %dma_start3A_1467, %dma_start3A_1468] : memref<8x32x128xf32, #tpu.memory_space<vmem>> -> memref<1x32x128xf32, #tpu.memory_space<vmem>>
        %dma_start3A_1470 = tpu.memref_squeeze %dma_start3A_1469 : memref<1x32x128xf32, #tpu.memory_space<vmem>> -> memref<32x128xf32, #tpu.memory_space<vmem>>
        %dma_start3A_1471 = arith.constant 0 : i32
        %dma_start3A_1472 = tpu.memref_slice %arg9[%dma_start3A_1464, %dma_start3A_1465, %dma_start3A_1471] : memref<2x8x32xi32, #tpu.memory_space<vmem>> -> memref<1x1x32xi32, #tpu.memory_space<vmem>>
        %dma_start3A_1473 = tpu.memref_squeeze %dma_start3A_1472 : memref<1x1x32xi32, #tpu.memory_space<vmem>> -> memref<32xi32, #tpu.memory_space<vmem>>
        %dma_start3A_1474 = arith.constant 0 : i32
        %dma_start3A_1475 = arith.constant 0 : i32
        %dma_start3A_1476 = tpu.memref_slice %arg2[%dma_start3A_1474, %dma_start3A_1475] : memref<10000x128xf32, #tpu.memory_space<hbm>> -> memref<10000x128xf32, #tpu.memory_space<hbm>>
        tpu.enqueue_indirect_dma source(%dma_start3A_1476 : memref<10000x128xf32, #tpu.memory_space<hbm>>) target(%dma_start3A_1470 : memref<32x128xf32, #tpu.memory_space<vmem>>) offsets(%dma_start3A_1473 : memref<32xi32, #tpu.memory_space<vmem>>) semaphore(%arg24 : memref<!tpu.dma_semaphore, #tpu.memory_space<semaphore_mem>>)
      } else {
      }
      %add3A_998 = arith.constant 1 : i32
      %add3A_999 = arith.addi %mul3A_666, %add3A_998 : i32
      %lt3A_1000 = arith.constant 40 : i32
      %lt3A_1001 = arith.cmpi slt, %add3A_999, %lt3A_1000 : i32
      %convert_element_type3A_1002 = arith.extui %lt3A_1001 : i1 to i32
      %cond3A_1003 = arith.constant 0 : i32
      %cond3A_1004 = arith.cmpi ne, %convert_element_type3A_1002, %cond3A_1003 : i32
      scf.if %cond3A_1004 {
        %dma_wait3A_1420 = arith.constant 2 : i32
        %dma_wait3A_1421 = arith.constant 0 : i32
        %dma_wait3A_1422 = arith.constant 2 : i32
        %dma_wait3A_1423 = arith.constant 0 : i32
        %dma_wait3A_1424 = arith.constant 0 : i32
        %dma_wait3A_1425 = tpu.memref_slice %arg11[%dma_wait3A_1420, %dma_wait3A_1423, %dma_wait3A_1424] : memref<8x32x128xf32, #tpu.memory_space<vmem>> -> memref<1x32x128xf32, #tpu.memory_space<vmem>>
        %dma_wait3A_1426 = tpu.memref_squeeze %dma_wait3A_1425 : memref<1x32x128xf32, #tpu.memory_space<vmem>> -> memref<32x128xf32, #tpu.memory_space<vmem>>
        %dma_wait3A_1427 = arith.constant 0 : i32
        %dma_wait3A_1428 = tpu.memref_slice %arg10[%dma_wait3A_1421, %dma_wait3A_1422, %dma_wait3A_1427] : memref<2x8x32xi32, #tpu.memory_space<vmem>> -> memref<1x1x32xi32, #tpu.memory_space<vmem>>
        %dma_wait3A_1429 = tpu.memref_squeeze %dma_wait3A_1428 : memref<1x1x32xi32, #tpu.memory_space<vmem>> -> memref<32xi32, #tpu.memory_space<vmem>>
        %dma_wait3A_1430 = arith.constant 0 : i32
        %dma_wait3A_1431 = arith.constant 0 : i32
        %dma_wait3A_1432 = tpu.memref_slice %arg13[%dma_wait3A_1430, %dma_wait3A_1431] : memref<10240x128xf32, #tpu.memory_space<vmem_shared>> -> memref<10240x128xf32, #tpu.memory_space<vmem_shared>>
        tpu.wait_indirect_dma semaphore(%arg33 : memref<!tpu.dma_semaphore, #tpu.memory_space<semaphore_mem>>) src(%dma_wait3A_1426 : memref<32x128xf32, #tpu.memory_space<vmem>>) dst(%dma_wait3A_1432 : memref<10240x128xf32, #tpu.memory_space<vmem_shared>>)
        %dma_wait3A_1433 = arith.constant 0 : i32
        %dma_wait3A_1434 = arith.constant 2 : i32
        %dma_wait3A_1435 = arith.constant 0 : i32
        %dma_wait3A_1436 = tpu.memref_slice %arg10[%dma_wait3A_1433, %dma_wait3A_1434, %dma_wait3A_1435] : memref<2x8x32xi32, #tpu.memory_space<vmem>> -> memref<1x1x32xi32, #tpu.memory_space<vmem>>
        %dma_wait3A_1437 = tpu.memref_squeeze %dma_wait3A_1436 : memref<1x1x32xi32, #tpu.memory_space<vmem>> -> memref<32xi32, #tpu.memory_space<vmem>>
        %dma_wait3A_1438 = arith.constant 0 : i32
        %dma_wait3A_1439 = tpu.memref_slice %arg14[%dma_wait3A_1438] : memref<10240xf32, #tpu.memory_space<vmem_shared>> -> memref<10240xf32, #tpu.memory_space<vmem_shared>>
        tpu.wait_indirect_dma semaphore(%arg33 : memref<!tpu.dma_semaphore, #tpu.memory_space<semaphore_mem>>) src(%arg12 : memref<32xf32, #tpu.memory_space<vmem>>) dst(%dma_wait3A_1439 : memref<10240xf32, #tpu.memory_space<vmem_shared>>)
        %dma_wait3A_1440 = arith.constant 1 : i32
        %dma_wait3A_1441 = arith.constant 2 : i32
        %dma_wait3A_1442 = arith.constant 0 : i32
        %dma_wait3A_1443 = tpu.memref_slice %arg9[%dma_wait3A_1440, %dma_wait3A_1441, %dma_wait3A_1442] : memref<2x8x32xi32, #tpu.memory_space<vmem>> -> memref<1x1x32xi32, #tpu.memory_space<vmem>>
        %dma_wait3A_1444 = tpu.memref_squeeze %dma_wait3A_1443 : memref<1x1x32xi32, #tpu.memory_space<vmem>> -> memref<32xi32, #tpu.memory_space<vmem>>
        %dma_wait3A_1445 = arith.constant 0 : i32
        %dma_wait3A_1446 = tpu.memref_slice %arg3[%dma_wait3A_1445] : memref<327680xi32, #tpu.memory_space<hbm>> -> memref<32xi32, #tpu.memory_space<hbm>>
        %dma_wait3A_1447 = arith.constant 0 : i32
        %dma_wait3A_1448 = tpu.memref_slice %arg9[%dma_wait3A_1440, %dma_wait3A_1441, %dma_wait3A_1447] : memref<2x8x32xi32, #tpu.memory_space<vmem>> -> memref<1x1x32xi32, #tpu.memory_space<vmem>>
        %dma_wait3A_1449 = tpu.memref_squeeze %dma_wait3A_1448 : memref<1x1x32xi32, #tpu.memory_space<vmem>> -> memref<32xi32, #tpu.memory_space<vmem>>
        %dma_wait3A_1450 = arith.constant 0 : i32
        %dma_wait3A_1451 = tpu.memref_slice %arg3[%dma_wait3A_1450] : memref<327680xi32, #tpu.memory_space<hbm>> -> memref<32xi32, #tpu.memory_space<hbm>>
        tpu.wait_dma2 semaphore(%arg17 : memref<!tpu.dma_semaphore, #tpu.memory_space<semaphore_mem>>) src(%dma_wait3A_1451 : memref<32xi32, #tpu.memory_space<hbm>>) dst(%dma_wait3A_1449 : memref<32xi32, #tpu.memory_space<vmem>>)
        %dma_wait3A_1452 = arith.constant 1 : i32
        %dma_wait3A_1453 = arith.constant 2 : i32
        %dma_wait3A_1454 = arith.constant 0 : i32
        %dma_wait3A_1455 = tpu.memref_slice %arg10[%dma_wait3A_1452, %dma_wait3A_1453, %dma_wait3A_1454] : memref<2x8x32xi32, #tpu.memory_space<vmem>> -> memref<1x1x32xi32, #tpu.memory_space<vmem>>
        %dma_wait3A_1456 = tpu.memref_squeeze %dma_wait3A_1455 : memref<1x1x32xi32, #tpu.memory_space<vmem>> -> memref<32xi32, #tpu.memory_space<vmem>>
        %dma_wait3A_1457 = arith.constant 0 : i32
        %dma_wait3A_1458 = tpu.memref_slice %arg4[%dma_wait3A_1457] : memref<327680xi32, #tpu.memory_space<hbm>> -> memref<32xi32, #tpu.memory_space<hbm>>
        %dma_wait3A_1459 = arith.constant 0 : i32
        %dma_wait3A_1460 = tpu.memref_slice %arg10[%dma_wait3A_1452, %dma_wait3A_1453, %dma_wait3A_1459] : memref<2x8x32xi32, #tpu.memory_space<vmem>> -> memref<1x1x32xi32, #tpu.memory_space<vmem>>
        %dma_wait3A_1461 = tpu.memref_squeeze %dma_wait3A_1460 : memref<1x1x32xi32, #tpu.memory_space<vmem>> -> memref<32xi32, #tpu.memory_space<vmem>>
        %dma_wait3A_1462 = arith.constant 0 : i32
        %dma_wait3A_1463 = tpu.memref_slice %arg4[%dma_wait3A_1462] : memref<327680xi32, #tpu.memory_space<hbm>> -> memref<32xi32, #tpu.memory_space<hbm>>
        tpu.wait_dma2 semaphore(%arg17 : memref<!tpu.dma_semaphore, #tpu.memory_space<semaphore_mem>>) src(%dma_wait3A_1463 : memref<32xi32, #tpu.memory_space<hbm>>) dst(%dma_wait3A_1461 : memref<32xi32, #tpu.memory_space<vmem>>)
        %dma_start3A_1464 = arith.constant 1 : i32
        %dma_start3A_1465 = arith.constant 2 : i32
        %dma_start3A_1466 = arith.constant 2 : i32
        %dma_start3A_1467 = arith.constant 0 : i32
        %dma_start3A_1468 = arith.constant 0 : i32
        %dma_start3A_1469 = tpu.memref_slice %arg11[%dma_start3A_1466, %dma_start3A_1467, %dma_start3A_1468] : memref<8x32x128xf32, #tpu.memory_space<vmem>> -> memref<1x32x128xf32, #tpu.memory_space<vmem>>
        %dma_start3A_1470 = tpu.memref_squeeze %dma_start3A_1469 : memref<1x32x128xf32, #tpu.memory_space<vmem>> -> memref<32x128xf32, #tpu.memory_space<vmem>>
        %dma_start3A_1471 = arith.constant 0 : i32
        %dma_start3A_1472 = tpu.memref_slice %arg9[%dma_start3A_1464, %dma_start3A_1465, %dma_start3A_1471] : memref<2x8x32xi32, #tpu.memory_space<vmem>> -> memref<1x1x32xi32, #tpu.memory_space<vmem>>
        %dma_start3A_1473 = tpu.memref_squeeze %dma_start3A_1472 : memref<1x1x32xi32, #tpu.memory_space<vmem>> -> memref<32xi32, #tpu.memory_space<vmem>>
        %dma_start3A_1474 = arith.constant 0 : i32
        %dma_start3A_1475 = arith.constant 0 : i32
        %dma_start3A_1476 = tpu.memref_slice %arg2[%dma_start3A_1474, %dma_start3A_1475] : memref<10000x128xf32, #tpu.memory_space<hbm>> -> memref<10000x128xf32, #tpu.memory_space<hbm>>
        tpu.enqueue_indirect_dma source(%dma_start3A_1476 : memref<10000x128xf32, #tpu.memory_space<hbm>>) target(%dma_start3A_1470 : memref<32x128xf32, #tpu.memory_space<vmem>>) offsets(%dma_start3A_1473 : memref<32xi32, #tpu.memory_space<vmem>>) semaphore(%arg25 : memref<!tpu.dma_semaphore, #tpu.memory_space<semaphore_mem>>)
      } else {
      }
      %add3A_1005 = arith.constant 1 : i32
      %add3A_1006 = arith.addi %mul3A_666, %add3A_1005 : i32
      %lt3A_1007 = arith.constant 40 : i32
      %lt3A_1008 = arith.cmpi slt, %add3A_1006, %lt3A_1007 : i32
      %convert_element_type3A_1009 = arith.extui %lt3A_1008 : i1 to i32
      %cond3A_1010 = arith.constant 0 : i32
      %cond3A_1011 = arith.cmpi ne, %convert_element_type3A_1009, %cond3A_1010 : i32
      scf.if %cond3A_1011 {
        %dma_wait3A_1420 = arith.constant 3 : i32
        %dma_wait3A_1421 = arith.constant 0 : i32
        %dma_wait3A_1422 = arith.constant 3 : i32
        %dma_wait3A_1423 = arith.constant 0 : i32
        %dma_wait3A_1424 = arith.constant 0 : i32
        %dma_wait3A_1425 = tpu.memref_slice %arg11[%dma_wait3A_1420, %dma_wait3A_1423, %dma_wait3A_1424] : memref<8x32x128xf32, #tpu.memory_space<vmem>> -> memref<1x32x128xf32, #tpu.memory_space<vmem>>
        %dma_wait3A_1426 = tpu.memref_squeeze %dma_wait3A_1425 : memref<1x32x128xf32, #tpu.memory_space<vmem>> -> memref<32x128xf32, #tpu.memory_space<vmem>>
        %dma_wait3A_1427 = arith.constant 0 : i32
        %dma_wait3A_1428 = tpu.memref_slice %arg10[%dma_wait3A_1421, %dma_wait3A_1422, %dma_wait3A_1427] : memref<2x8x32xi32, #tpu.memory_space<vmem>> -> memref<1x1x32xi32, #tpu.memory_space<vmem>>
        %dma_wait3A_1429 = tpu.memref_squeeze %dma_wait3A_1428 : memref<1x1x32xi32, #tpu.memory_space<vmem>> -> memref<32xi32, #tpu.memory_space<vmem>>
        %dma_wait3A_1430 = arith.constant 0 : i32
        %dma_wait3A_1431 = arith.constant 0 : i32
        %dma_wait3A_1432 = tpu.memref_slice %arg13[%dma_wait3A_1430, %dma_wait3A_1431] : memref<10240x128xf32, #tpu.memory_space<vmem_shared>> -> memref<10240x128xf32, #tpu.memory_space<vmem_shared>>
        tpu.wait_indirect_dma semaphore(%arg34 : memref<!tpu.dma_semaphore, #tpu.memory_space<semaphore_mem>>) src(%dma_wait3A_1426 : memref<32x128xf32, #tpu.memory_space<vmem>>) dst(%dma_wait3A_1432 : memref<10240x128xf32, #tpu.memory_space<vmem_shared>>)
        %dma_wait3A_1433 = arith.constant 0 : i32
        %dma_wait3A_1434 = arith.constant 3 : i32
        %dma_wait3A_1435 = arith.constant 0 : i32
        %dma_wait3A_1436 = tpu.memref_slice %arg10[%dma_wait3A_1433, %dma_wait3A_1434, %dma_wait3A_1435] : memref<2x8x32xi32, #tpu.memory_space<vmem>> -> memref<1x1x32xi32, #tpu.memory_space<vmem>>
        %dma_wait3A_1437 = tpu.memref_squeeze %dma_wait3A_1436 : memref<1x1x32xi32, #tpu.memory_space<vmem>> -> memref<32xi32, #tpu.memory_space<vmem>>
        %dma_wait3A_1438 = arith.constant 0 : i32
        %dma_wait3A_1439 = tpu.memref_slice %arg14[%dma_wait3A_1438] : memref<10240xf32, #tpu.memory_space<vmem_shared>> -> memref<10240xf32, #tpu.memory_space<vmem_shared>>
        tpu.wait_indirect_dma semaphore(%arg34 : memref<!tpu.dma_semaphore, #tpu.memory_space<semaphore_mem>>) src(%arg12 : memref<32xf32, #tpu.memory_space<vmem>>) dst(%dma_wait3A_1439 : memref<10240xf32, #tpu.memory_space<vmem_shared>>)
        %dma_wait3A_1440 = arith.constant 1 : i32
        %dma_wait3A_1441 = arith.constant 3 : i32
        %dma_wait3A_1442 = arith.constant 0 : i32
        %dma_wait3A_1443 = tpu.memref_slice %arg9[%dma_wait3A_1440, %dma_wait3A_1441, %dma_wait3A_1442] : memref<2x8x32xi32, #tpu.memory_space<vmem>> -> memref<1x1x32xi32, #tpu.memory_space<vmem>>
        %dma_wait3A_1444 = tpu.memref_squeeze %dma_wait3A_1443 : memref<1x1x32xi32, #tpu.memory_space<vmem>> -> memref<32xi32, #tpu.memory_space<vmem>>
        %dma_wait3A_1445 = arith.constant 0 : i32
        %dma_wait3A_1446 = tpu.memref_slice %arg3[%dma_wait3A_1445] : memref<327680xi32, #tpu.memory_space<hbm>> -> memref<32xi32, #tpu.memory_space<hbm>>
        %dma_wait3A_1447 = arith.constant 0 : i32
        %dma_wait3A_1448 = tpu.memref_slice %arg9[%dma_wait3A_1440, %dma_wait3A_1441, %dma_wait3A_1447] : memref<2x8x32xi32, #tpu.memory_space<vmem>> -> memref<1x1x32xi32, #tpu.memory_space<vmem>>
        %dma_wait3A_1449 = tpu.memref_squeeze %dma_wait3A_1448 : memref<1x1x32xi32, #tpu.memory_space<vmem>> -> memref<32xi32, #tpu.memory_space<vmem>>
        %dma_wait3A_1450 = arith.constant 0 : i32
        %dma_wait3A_1451 = tpu.memref_slice %arg3[%dma_wait3A_1450] : memref<327680xi32, #tpu.memory_space<hbm>> -> memref<32xi32, #tpu.memory_space<hbm>>
        tpu.wait_dma2 semaphore(%arg18 : memref<!tpu.dma_semaphore, #tpu.memory_space<semaphore_mem>>) src(%dma_wait3A_1451 : memref<32xi32, #tpu.memory_space<hbm>>) dst(%dma_wait3A_1449 : memref<32xi32, #tpu.memory_space<vmem>>)
        %dma_wait3A_1452 = arith.constant 1 : i32
        %dma_wait3A_1453 = arith.constant 3 : i32
        %dma_wait3A_1454 = arith.constant 0 : i32
        %dma_wait3A_1455 = tpu.memref_slice %arg10[%dma_wait3A_1452, %dma_wait3A_1453, %dma_wait3A_1454] : memref<2x8x32xi32, #tpu.memory_space<vmem>> -> memref<1x1x32xi32, #tpu.memory_space<vmem>>
        %dma_wait3A_1456 = tpu.memref_squeeze %dma_wait3A_1455 : memref<1x1x32xi32, #tpu.memory_space<vmem>> -> memref<32xi32, #tpu.memory_space<vmem>>
        %dma_wait3A_1457 = arith.constant 0 : i32
        %dma_wait3A_1458 = tpu.memref_slice %arg4[%dma_wait3A_1457] : memref<327680xi32, #tpu.memory_space<hbm>> -> memref<32xi32, #tpu.memory_space<hbm>>
        %dma_wait3A_1459 = arith.constant 0 : i32
        %dma_wait3A_1460 = tpu.memref_slice %arg10[%dma_wait3A_1452, %dma_wait3A_1453, %dma_wait3A_1459] : memref<2x8x32xi32, #tpu.memory_space<vmem>> -> memref<1x1x32xi32, #tpu.memory_space<vmem>>
        %dma_wait3A_1461 = tpu.memref_squeeze %dma_wait3A_1460 : memref<1x1x32xi32, #tpu.memory_space<vmem>> -> memref<32xi32, #tpu.memory_space<vmem>>
        %dma_wait3A_1462 = arith.constant 0 : i32
        %dma_wait3A_1463 = tpu.memref_slice %arg4[%dma_wait3A_1462] : memref<327680xi32, #tpu.memory_space<hbm>> -> memref<32xi32, #tpu.memory_space<hbm>>
        tpu.wait_dma2 semaphore(%arg18 : memref<!tpu.dma_semaphore, #tpu.memory_space<semaphore_mem>>) src(%dma_wait3A_1463 : memref<32xi32, #tpu.memory_space<hbm>>) dst(%dma_wait3A_1461 : memref<32xi32, #tpu.memory_space<vmem>>)
        %dma_start3A_1464 = arith.constant 1 : i32
        %dma_start3A_1465 = arith.constant 3 : i32
        %dma_start3A_1466 = arith.constant 3 : i32
        %dma_start3A_1467 = arith.constant 0 : i32
        %dma_start3A_1468 = arith.constant 0 : i32
        %dma_start3A_1469 = tpu.memref_slice %arg11[%dma_start3A_1466, %dma_start3A_1467, %dma_start3A_1468] : memref<8x32x128xf32, #tpu.memory_space<vmem>> -> memref<1x32x128xf32, #tpu.memory_space<vmem>>
        %dma_start3A_1470 = tpu.memref_squeeze %dma_start3A_1469 : memref<1x32x128xf32, #tpu.memory_space<vmem>> -> memref<32x128xf32, #tpu.memory_space<vmem>>
        %dma_start3A_1471 = arith.constant 0 : i32
        %dma_start3A_1472 = tpu.memref_slice %arg9[%dma_start3A_1464, %dma_start3A_1465, %dma_start3A_1471] : memref<2x8x32xi32, #tpu.memory_space<vmem>> -> memref<1x1x32xi32, #tpu.memory_space<vmem>>
        %dma_start3A_1473 = tpu.memref_squeeze %dma_start3A_1472 : memref<1x1x32xi32, #tpu.memory_space<vmem>> -> memref<32xi32, #tpu.memory_space<vmem>>
        %dma_start3A_1474 = arith.constant 0 : i32
        %dma_start3A_1475 = arith.constant 0 : i32
        %dma_start3A_1476 = tpu.memref_slice %arg2[%dma_start3A_1474, %dma_start3A_1475] : memref<10000x128xf32, #tpu.memory_space<hbm>> -> memref<10000x128xf32, #tpu.memory_space<hbm>>
        tpu.enqueue_indirect_dma source(%dma_start3A_1476 : memref<10000x128xf32, #tpu.memory_space<hbm>>) target(%dma_start3A_1470 : memref<32x128xf32, #tpu.memory_space<vmem>>) offsets(%dma_start3A_1473 : memref<32xi32, #tpu.memory_space<vmem>>) semaphore(%arg26 : memref<!tpu.dma_semaphore, #tpu.memory_space<semaphore_mem>>)
      } else {
      }
      %add3A_1012 = arith.constant 1 : i32
      %add3A_1013 = arith.addi %mul3A_666, %add3A_1012 : i32
      %lt3A_1014 = arith.constant 40 : i32
      %lt3A_1015 = arith.cmpi slt, %add3A_1013, %lt3A_1014 : i32
      %convert_element_type3A_1016 = arith.extui %lt3A_1015 : i1 to i32
      %cond3A_1017 = arith.constant 0 : i32
      %cond3A_1018 = arith.cmpi ne, %convert_element_type3A_1016, %cond3A_1017 : i32
      scf.if %cond3A_1018 {
        %dma_wait3A_1420 = arith.constant 4 : i32
        %dma_wait3A_1421 = arith.constant 0 : i32
        %dma_wait3A_1422 = arith.constant 4 : i32
        %dma_wait3A_1423 = arith.constant 0 : i32
        %dma_wait3A_1424 = arith.constant 0 : i32
        %dma_wait3A_1425 = tpu.memref_slice %arg11[%dma_wait3A_1420, %dma_wait3A_1423, %dma_wait3A_1424] : memref<8x32x128xf32, #tpu.memory_space<vmem>> -> memref<1x32x128xf32, #tpu.memory_space<vmem>>
        %dma_wait3A_1426 = tpu.memref_squeeze %dma_wait3A_1425 : memref<1x32x128xf32, #tpu.memory_space<vmem>> -> memref<32x128xf32, #tpu.memory_space<vmem>>
        %dma_wait3A_1427 = arith.constant 0 : i32
        %dma_wait3A_1428 = tpu.memref_slice %arg10[%dma_wait3A_1421, %dma_wait3A_1422, %dma_wait3A_1427] : memref<2x8x32xi32, #tpu.memory_space<vmem>> -> memref<1x1x32xi32, #tpu.memory_space<vmem>>
        %dma_wait3A_1429 = tpu.memref_squeeze %dma_wait3A_1428 : memref<1x1x32xi32, #tpu.memory_space<vmem>> -> memref<32xi32, #tpu.memory_space<vmem>>
        %dma_wait3A_1430 = arith.constant 0 : i32
        %dma_wait3A_1431 = arith.constant 0 : i32
        %dma_wait3A_1432 = tpu.memref_slice %arg13[%dma_wait3A_1430, %dma_wait3A_1431] : memref<10240x128xf32, #tpu.memory_space<vmem_shared>> -> memref<10240x128xf32, #tpu.memory_space<vmem_shared>>
        tpu.wait_indirect_dma semaphore(%arg35 : memref<!tpu.dma_semaphore, #tpu.memory_space<semaphore_mem>>) src(%dma_wait3A_1426 : memref<32x128xf32, #tpu.memory_space<vmem>>) dst(%dma_wait3A_1432 : memref<10240x128xf32, #tpu.memory_space<vmem_shared>>)
        %dma_wait3A_1433 = arith.constant 0 : i32
        %dma_wait3A_1434 = arith.constant 4 : i32
        %dma_wait3A_1435 = arith.constant 0 : i32
        %dma_wait3A_1436 = tpu.memref_slice %arg10[%dma_wait3A_1433, %dma_wait3A_1434, %dma_wait3A_1435] : memref<2x8x32xi32, #tpu.memory_space<vmem>> -> memref<1x1x32xi32, #tpu.memory_space<vmem>>
        %dma_wait3A_1437 = tpu.memref_squeeze %dma_wait3A_1436 : memref<1x1x32xi32, #tpu.memory_space<vmem>> -> memref<32xi32, #tpu.memory_space<vmem>>
        %dma_wait3A_1438 = arith.constant 0 : i32
        %dma_wait3A_1439 = tpu.memref_slice %arg14[%dma_wait3A_1438] : memref<10240xf32, #tpu.memory_space<vmem_shared>> -> memref<10240xf32, #tpu.memory_space<vmem_shared>>
        tpu.wait_indirect_dma semaphore(%arg35 : memref<!tpu.dma_semaphore, #tpu.memory_space<semaphore_mem>>) src(%arg12 : memref<32xf32, #tpu.memory_space<vmem>>) dst(%dma_wait3A_1439 : memref<10240xf32, #tpu.memory_space<vmem_shared>>)
        %dma_wait3A_1440 = arith.constant 1 : i32
        %dma_wait3A_1441 = arith.constant 4 : i32
        %dma_wait3A_1442 = arith.constant 0 : i32
        %dma_wait3A_1443 = tpu.memref_slice %arg9[%dma_wait3A_1440, %dma_wait3A_1441, %dma_wait3A_1442] : memref<2x8x32xi32, #tpu.memory_space<vmem>> -> memref<1x1x32xi32, #tpu.memory_space<vmem>>
        %dma_wait3A_1444 = tpu.memref_squeeze %dma_wait3A_1443 : memref<1x1x32xi32, #tpu.memory_space<vmem>> -> memref<32xi32, #tpu.memory_space<vmem>>
        %dma_wait3A_1445 = arith.constant 0 : i32
        %dma_wait3A_1446 = tpu.memref_slice %arg3[%dma_wait3A_1445] : memref<327680xi32, #tpu.memory_space<hbm>> -> memref<32xi32, #tpu.memory_space<hbm>>
        %dma_wait3A_1447 = arith.constant 0 : i32
        %dma_wait3A_1448 = tpu.memref_slice %arg9[%dma_wait3A_1440, %dma_wait3A_1441, %dma_wait3A_1447] : memref<2x8x32xi32, #tpu.memory_space<vmem>> -> memref<1x1x32xi32, #tpu.memory_space<vmem>>
        %dma_wait3A_1449 = tpu.memref_squeeze %dma_wait3A_1448 : memref<1x1x32xi32, #tpu.memory_space<vmem>> -> memref<32xi32, #tpu.memory_space<vmem>>
        %dma_wait3A_1450 = arith.constant 0 : i32
        %dma_wait3A_1451 = tpu.memref_slice %arg3[%dma_wait3A_1450] : memref<327680xi32, #tpu.memory_space<hbm>> -> memref<32xi32, #tpu.memory_space<hbm>>
        tpu.wait_dma2 semaphore(%arg19 : memref<!tpu.dma_semaphore, #tpu.memory_space<semaphore_mem>>) src(%dma_wait3A_1451 : memref<32xi32, #tpu.memory_space<hbm>>) dst(%dma_wait3A_1449 : memref<32xi32, #tpu.memory_space<vmem>>)
        %dma_wait3A_1452 = arith.constant 1 : i32
        %dma_wait3A_1453 = arith.constant 4 : i32
        %dma_wait3A_1454 = arith.constant 0 : i32
        %dma_wait3A_1455 = tpu.memref_slice %arg10[%dma_wait3A_1452, %dma_wait3A_1453, %dma_wait3A_1454] : memref<2x8x32xi32, #tpu.memory_space<vmem>> -> memref<1x1x32xi32, #tpu.memory_space<vmem>>
        %dma_wait3A_1456 = tpu.memref_squeeze %dma_wait3A_1455 : memref<1x1x32xi32, #tpu.memory_space<vmem>> -> memref<32xi32, #tpu.memory_space<vmem>>
        %dma_wait3A_1457 = arith.constant 0 : i32
        %dma_wait3A_1458 = tpu.memref_slice %arg4[%dma_wait3A_1457] : memref<327680xi32, #tpu.memory_space<hbm>> -> memref<32xi32, #tpu.memory_space<hbm>>
        %dma_wait3A_1459 = arith.constant 0 : i32
        %dma_wait3A_1460 = tpu.memref_slice %arg10[%dma_wait3A_1452, %dma_wait3A_1453, %dma_wait3A_1459] : memref<2x8x32xi32, #tpu.memory_space<vmem>> -> memref<1x1x32xi32, #tpu.memory_space<vmem>>
        %dma_wait3A_1461 = tpu.memref_squeeze %dma_wait3A_1460 : memref<1x1x32xi32, #tpu.memory_space<vmem>> -> memref<32xi32, #tpu.memory_space<vmem>>
        %dma_wait3A_1462 = arith.constant 0 : i32
        %dma_wait3A_1463 = tpu.memref_slice %arg4[%dma_wait3A_1462] : memref<327680xi32, #tpu.memory_space<hbm>> -> memref<32xi32, #tpu.memory_space<hbm>>
        tpu.wait_dma2 semaphore(%arg19 : memref<!tpu.dma_semaphore, #tpu.memory_space<semaphore_mem>>) src(%dma_wait3A_1463 : memref<32xi32, #tpu.memory_space<hbm>>) dst(%dma_wait3A_1461 : memref<32xi32, #tpu.memory_space<vmem>>)
        %dma_start3A_1464 = arith.constant 1 : i32
        %dma_start3A_1465 = arith.constant 4 : i32
        %dma_start3A_1466 = arith.constant 4 : i32
        %dma_start3A_1467 = arith.constant 0 : i32
        %dma_start3A_1468 = arith.constant 0 : i32
        %dma_start3A_1469 = tpu.memref_slice %arg11[%dma_start3A_1466, %dma_start3A_1467, %dma_start3A_1468] : memref<8x32x128xf32, #tpu.memory_space<vmem>> -> memref<1x32x128xf32, #tpu.memory_space<vmem>>
        %dma_start3A_1470 = tpu.memref_squeeze %dma_start3A_1469 : memref<1x32x128xf32, #tpu.memory_space<vmem>> -> memref<32x128xf32, #tpu.memory_space<vmem>>
        %dma_start3A_1471 = arith.constant 0 : i32
        %dma_start3A_1472 = tpu.memref_slice %arg9[%dma_start3A_1464, %dma_start3A_1465, %dma_start3A_1471] : memref<2x8x32xi32, #tpu.memory_space<vmem>> -> memref<1x1x32xi32, #tpu.memory_space<vmem>>
        %dma_start3A_1473 = tpu.memref_squeeze %dma_start3A_1472 : memref<1x1x32xi32, #tpu.memory_space<vmem>> -> memref<32xi32, #tpu.memory_space<vmem>>
        %dma_start3A_1474 = arith.constant 0 : i32
        %dma_start3A_1475 = arith.constant 0 : i32
        %dma_start3A_1476 = tpu.memref_slice %arg2[%dma_start3A_1474, %dma_start3A_1475] : memref<10000x128xf32, #tpu.memory_space<hbm>> -> memref<10000x128xf32, #tpu.memory_space<hbm>>
        tpu.enqueue_indirect_dma source(%dma_start3A_1476 : memref<10000x128xf32, #tpu.memory_space<hbm>>) target(%dma_start3A_1470 : memref<32x128xf32, #tpu.memory_space<vmem>>) offsets(%dma_start3A_1473 : memref<32xi32, #tpu.memory_space<vmem>>) semaphore(%arg27 : memref<!tpu.dma_semaphore, #tpu.memory_space<semaphore_mem>>)
      } else {
      }
      %add3A_1019 = arith.constant 1 : i32
      %add3A_1020 = arith.addi %mul3A_666, %add3A_1019 : i32
      %lt3A_1021 = arith.constant 40 : i32
      %lt3A_1022 = arith.cmpi slt, %add3A_1020, %lt3A_1021 : i32
      %convert_element_type3A_1023 = arith.extui %lt3A_1022 : i1 to i32
      %cond3A_1024 = arith.constant 0 : i32
      %cond3A_1025 = arith.cmpi ne, %convert_element_type3A_1023, %cond3A_1024 : i32
      scf.if %cond3A_1025 {
        %dma_wait3A_1420 = arith.constant 5 : i32
        %dma_wait3A_1421 = arith.constant 0 : i32
        %dma_wait3A_1422 = arith.constant 5 : i32
        %dma_wait3A_1423 = arith.constant 0 : i32
        %dma_wait3A_1424 = arith.constant 0 : i32
        %dma_wait3A_1425 = tpu.memref_slice %arg11[%dma_wait3A_1420, %dma_wait3A_1423, %dma_wait3A_1424] : memref<8x32x128xf32, #tpu.memory_space<vmem>> -> memref<1x32x128xf32, #tpu.memory_space<vmem>>
        %dma_wait3A_1426 = tpu.memref_squeeze %dma_wait3A_1425 : memref<1x32x128xf32, #tpu.memory_space<vmem>> -> memref<32x128xf32, #tpu.memory_space<vmem>>
        %dma_wait3A_1427 = arith.constant 0 : i32
        %dma_wait3A_1428 = tpu.memref_slice %arg10[%dma_wait3A_1421, %dma_wait3A_1422, %dma_wait3A_1427] : memref<2x8x32xi32, #tpu.memory_space<vmem>> -> memref<1x1x32xi32, #tpu.memory_space<vmem>>
        %dma_wait3A_1429 = tpu.memref_squeeze %dma_wait3A_1428 : memref<1x1x32xi32, #tpu.memory_space<vmem>> -> memref<32xi32, #tpu.memory_space<vmem>>
        %dma_wait3A_1430 = arith.constant 0 : i32
        %dma_wait3A_1431 = arith.constant 0 : i32
        %dma_wait3A_1432 = tpu.memref_slice %arg13[%dma_wait3A_1430, %dma_wait3A_1431] : memref<10240x128xf32, #tpu.memory_space<vmem_shared>> -> memref<10240x128xf32, #tpu.memory_space<vmem_shared>>
        tpu.wait_indirect_dma semaphore(%arg36 : memref<!tpu.dma_semaphore, #tpu.memory_space<semaphore_mem>>) src(%dma_wait3A_1426 : memref<32x128xf32, #tpu.memory_space<vmem>>) dst(%dma_wait3A_1432 : memref<10240x128xf32, #tpu.memory_space<vmem_shared>>)
        %dma_wait3A_1433 = arith.constant 0 : i32
        %dma_wait3A_1434 = arith.constant 5 : i32
        %dma_wait3A_1435 = arith.constant 0 : i32
        %dma_wait3A_1436 = tpu.memref_slice %arg10[%dma_wait3A_1433, %dma_wait3A_1434, %dma_wait3A_1435] : memref<2x8x32xi32, #tpu.memory_space<vmem>> -> memref<1x1x32xi32, #tpu.memory_space<vmem>>
        %dma_wait3A_1437 = tpu.memref_squeeze %dma_wait3A_1436 : memref<1x1x32xi32, #tpu.memory_space<vmem>> -> memref<32xi32, #tpu.memory_space<vmem>>
        %dma_wait3A_1438 = arith.constant 0 : i32
        %dma_wait3A_1439 = tpu.memref_slice %arg14[%dma_wait3A_1438] : memref<10240xf32, #tpu.memory_space<vmem_shared>> -> memref<10240xf32, #tpu.memory_space<vmem_shared>>
        tpu.wait_indirect_dma semaphore(%arg36 : memref<!tpu.dma_semaphore, #tpu.memory_space<semaphore_mem>>) src(%arg12 : memref<32xf32, #tpu.memory_space<vmem>>) dst(%dma_wait3A_1439 : memref<10240xf32, #tpu.memory_space<vmem_shared>>)
        %dma_wait3A_1440 = arith.constant 1 : i32
        %dma_wait3A_1441 = arith.constant 5 : i32
        %dma_wait3A_1442 = arith.constant 0 : i32
        %dma_wait3A_1443 = tpu.memref_slice %arg9[%dma_wait3A_1440, %dma_wait3A_1441, %dma_wait3A_1442] : memref<2x8x32xi32, #tpu.memory_space<vmem>> -> memref<1x1x32xi32, #tpu.memory_space<vmem>>
        %dma_wait3A_1444 = tpu.memref_squeeze %dma_wait3A_1443 : memref<1x1x32xi32, #tpu.memory_space<vmem>> -> memref<32xi32, #tpu.memory_space<vmem>>
        %dma_wait3A_1445 = arith.constant 0 : i32
        %dma_wait3A_1446 = tpu.memref_slice %arg3[%dma_wait3A_1445] : memref<327680xi32, #tpu.memory_space<hbm>> -> memref<32xi32, #tpu.memory_space<hbm>>
        %dma_wait3A_1447 = arith.constant 0 : i32
        %dma_wait3A_1448 = tpu.memref_slice %arg9[%dma_wait3A_1440, %dma_wait3A_1441, %dma_wait3A_1447] : memref<2x8x32xi32, #tpu.memory_space<vmem>> -> memref<1x1x32xi32, #tpu.memory_space<vmem>>
        %dma_wait3A_1449 = tpu.memref_squeeze %dma_wait3A_1448 : memref<1x1x32xi32, #tpu.memory_space<vmem>> -> memref<32xi32, #tpu.memory_space<vmem>>
        %dma_wait3A_1450 = arith.constant 0 : i32
        %dma_wait3A_1451 = tpu.memref_slice %arg3[%dma_wait3A_1450] : memref<327680xi32, #tpu.memory_space<hbm>> -> memref<32xi32, #tpu.memory_space<hbm>>
        tpu.wait_dma2 semaphore(%arg20 : memref<!tpu.dma_semaphore, #tpu.memory_space<semaphore_mem>>) src(%dma_wait3A_1451 : memref<32xi32, #tpu.memory_space<hbm>>) dst(%dma_wait3A_1449 : memref<32xi32, #tpu.memory_space<vmem>>)
        %dma_wait3A_1452 = arith.constant 1 : i32
        %dma_wait3A_1453 = arith.constant 5 : i32
        %dma_wait3A_1454 = arith.constant 0 : i32
        %dma_wait3A_1455 = tpu.memref_slice %arg10[%dma_wait3A_1452, %dma_wait3A_1453, %dma_wait3A_1454] : memref<2x8x32xi32, #tpu.memory_space<vmem>> -> memref<1x1x32xi32, #tpu.memory_space<vmem>>
        %dma_wait3A_1456 = tpu.memref_squeeze %dma_wait3A_1455 : memref<1x1x32xi32, #tpu.memory_space<vmem>> -> memref<32xi32, #tpu.memory_space<vmem>>
        %dma_wait3A_1457 = arith.constant 0 : i32
        %dma_wait3A_1458 = tpu.memref_slice %arg4[%dma_wait3A_1457] : memref<327680xi32, #tpu.memory_space<hbm>> -> memref<32xi32, #tpu.memory_space<hbm>>
        %dma_wait3A_1459 = arith.constant 0 : i32
        %dma_wait3A_1460 = tpu.memref_slice %arg10[%dma_wait3A_1452, %dma_wait3A_1453, %dma_wait3A_1459] : memref<2x8x32xi32, #tpu.memory_space<vmem>> -> memref<1x1x32xi32, #tpu.memory_space<vmem>>
        %dma_wait3A_1461 = tpu.memref_squeeze %dma_wait3A_1460 : memref<1x1x32xi32, #tpu.memory_space<vmem>> -> memref<32xi32, #tpu.memory_space<vmem>>
        %dma_wait3A_1462 = arith.constant 0 : i32
        %dma_wait3A_1463 = tpu.memref_slice %arg4[%dma_wait3A_1462] : memref<327680xi32, #tpu.memory_space<hbm>> -> memref<32xi32, #tpu.memory_space<hbm>>
        tpu.wait_dma2 semaphore(%arg20 : memref<!tpu.dma_semaphore, #tpu.memory_space<semaphore_mem>>) src(%dma_wait3A_1463 : memref<32xi32, #tpu.memory_space<hbm>>) dst(%dma_wait3A_1461 : memref<32xi32, #tpu.memory_space<vmem>>)
        %dma_start3A_1464 = arith.constant 1 : i32
        %dma_start3A_1465 = arith.constant 5 : i32
        %dma_start3A_1466 = arith.constant 5 : i32
        %dma_start3A_1467 = arith.constant 0 : i32
        %dma_start3A_1468 = arith.constant 0 : i32
        %dma_start3A_1469 = tpu.memref_slice %arg11[%dma_start3A_1466, %dma_start3A_1467, %dma_start3A_1468] : memref<8x32x128xf32, #tpu.memory_space<vmem>> -> memref<1x32x128xf32, #tpu.memory_space<vmem>>
        %dma_start3A_1470 = tpu.memref_squeeze %dma_start3A_1469 : memref<1x32x128xf32, #tpu.memory_space<vmem>> -> memref<32x128xf32, #tpu.memory_space<vmem>>
        %dma_start3A_1471 = arith.constant 0 : i32
        %dma_start3A_1472 = tpu.memref_slice %arg9[%dma_start3A_1464, %dma_start3A_1465, %dma_start3A_1471] : memref<2x8x32xi32, #tpu.memory_space<vmem>> -> memref<1x1x32xi32, #tpu.memory_space<vmem>>
        %dma_start3A_1473 = tpu.memref_squeeze %dma_start3A_1472 : memref<1x1x32xi32, #tpu.memory_space<vmem>> -> memref<32xi32, #tpu.memory_space<vmem>>
        %dma_start3A_1474 = arith.constant 0 : i32
        %dma_start3A_1475 = arith.constant 0 : i32
        %dma_start3A_1476 = tpu.memref_slice %arg2[%dma_start3A_1474, %dma_start3A_1475] : memref<10000x128xf32, #tpu.memory_space<hbm>> -> memref<10000x128xf32, #tpu.memory_space<hbm>>
        tpu.enqueue_indirect_dma source(%dma_start3A_1476 : memref<10000x128xf32, #tpu.memory_space<hbm>>) target(%dma_start3A_1470 : memref<32x128xf32, #tpu.memory_space<vmem>>) offsets(%dma_start3A_1473 : memref<32xi32, #tpu.memory_space<vmem>>) semaphore(%arg28 : memref<!tpu.dma_semaphore, #tpu.memory_space<semaphore_mem>>)
      } else {
      }
      %add3A_1026 = arith.constant 1 : i32
      %add3A_1027 = arith.addi %mul3A_666, %add3A_1026 : i32
      %lt3A_1028 = arith.constant 40 : i32
      %lt3A_1029 = arith.cmpi slt, %add3A_1027, %lt3A_1028 : i32
      %convert_element_type3A_1030 = arith.extui %lt3A_1029 : i1 to i32
      %cond3A_1031 = arith.constant 0 : i32
      %cond3A_1032 = arith.cmpi ne, %convert_element_type3A_1030, %cond3A_1031 : i32
      scf.if %cond3A_1032 {
        %dma_wait3A_1420 = arith.constant 6 : i32
        %dma_wait3A_1421 = arith.constant 0 : i32
        %dma_wait3A_1422 = arith.constant 6 : i32
        %dma_wait3A_1423 = arith.constant 0 : i32
        %dma_wait3A_1424 = arith.constant 0 : i32
        %dma_wait3A_1425 = tpu.memref_slice %arg11[%dma_wait3A_1420, %dma_wait3A_1423, %dma_wait3A_1424] : memref<8x32x128xf32, #tpu.memory_space<vmem>> -> memref<1x32x128xf32, #tpu.memory_space<vmem>>
        %dma_wait3A_1426 = tpu.memref_squeeze %dma_wait3A_1425 : memref<1x32x128xf32, #tpu.memory_space<vmem>> -> memref<32x128xf32, #tpu.memory_space<vmem>>
        %dma_wait3A_1427 = arith.constant 0 : i32
        %dma_wait3A_1428 = tpu.memref_slice %arg10[%dma_wait3A_1421, %dma_wait3A_1422, %dma_wait3A_1427] : memref<2x8x32xi32, #tpu.memory_space<vmem>> -> memref<1x1x32xi32, #tpu.memory_space<vmem>>
        %dma_wait3A_1429 = tpu.memref_squeeze %dma_wait3A_1428 : memref<1x1x32xi32, #tpu.memory_space<vmem>> -> memref<32xi32, #tpu.memory_space<vmem>>
        %dma_wait3A_1430 = arith.constant 0 : i32
        %dma_wait3A_1431 = arith.constant 0 : i32
        %dma_wait3A_1432 = tpu.memref_slice %arg13[%dma_wait3A_1430, %dma_wait3A_1431] : memref<10240x128xf32, #tpu.memory_space<vmem_shared>> -> memref<10240x128xf32, #tpu.memory_space<vmem_shared>>
        tpu.wait_indirect_dma semaphore(%arg37 : memref<!tpu.dma_semaphore, #tpu.memory_space<semaphore_mem>>) src(%dma_wait3A_1426 : memref<32x128xf32, #tpu.memory_space<vmem>>) dst(%dma_wait3A_1432 : memref<10240x128xf32, #tpu.memory_space<vmem_shared>>)
        %dma_wait3A_1433 = arith.constant 0 : i32
        %dma_wait3A_1434 = arith.constant 6 : i32
        %dma_wait3A_1435 = arith.constant 0 : i32
        %dma_wait3A_1436 = tpu.memref_slice %arg10[%dma_wait3A_1433, %dma_wait3A_1434, %dma_wait3A_1435] : memref<2x8x32xi32, #tpu.memory_space<vmem>> -> memref<1x1x32xi32, #tpu.memory_space<vmem>>
        %dma_wait3A_1437 = tpu.memref_squeeze %dma_wait3A_1436 : memref<1x1x32xi32, #tpu.memory_space<vmem>> -> memref<32xi32, #tpu.memory_space<vmem>>
        %dma_wait3A_1438 = arith.constant 0 : i32
        %dma_wait3A_1439 = tpu.memref_slice %arg14[%dma_wait3A_1438] : memref<10240xf32, #tpu.memory_space<vmem_shared>> -> memref<10240xf32, #tpu.memory_space<vmem_shared>>
        tpu.wait_indirect_dma semaphore(%arg37 : memref<!tpu.dma_semaphore, #tpu.memory_space<semaphore_mem>>) src(%arg12 : memref<32xf32, #tpu.memory_space<vmem>>) dst(%dma_wait3A_1439 : memref<10240xf32, #tpu.memory_space<vmem_shared>>)
        %dma_wait3A_1440 = arith.constant 1 : i32
        %dma_wait3A_1441 = arith.constant 6 : i32
        %dma_wait3A_1442 = arith.constant 0 : i32
        %dma_wait3A_1443 = tpu.memref_slice %arg9[%dma_wait3A_1440, %dma_wait3A_1441, %dma_wait3A_1442] : memref<2x8x32xi32, #tpu.memory_space<vmem>> -> memref<1x1x32xi32, #tpu.memory_space<vmem>>
        %dma_wait3A_1444 = tpu.memref_squeeze %dma_wait3A_1443 : memref<1x1x32xi32, #tpu.memory_space<vmem>> -> memref<32xi32, #tpu.memory_space<vmem>>
        %dma_wait3A_1445 = arith.constant 0 : i32
        %dma_wait3A_1446 = tpu.memref_slice %arg3[%dma_wait3A_1445] : memref<327680xi32, #tpu.memory_space<hbm>> -> memref<32xi32, #tpu.memory_space<hbm>>
        %dma_wait3A_1447 = arith.constant 0 : i32
        %dma_wait3A_1448 = tpu.memref_slice %arg9[%dma_wait3A_1440, %dma_wait3A_1441, %dma_wait3A_1447] : memref<2x8x32xi32, #tpu.memory_space<vmem>> -> memref<1x1x32xi32, #tpu.memory_space<vmem>>
        %dma_wait3A_1449 = tpu.memref_squeeze %dma_wait3A_1448 : memref<1x1x32xi32, #tpu.memory_space<vmem>> -> memref<32xi32, #tpu.memory_space<vmem>>
        %dma_wait3A_1450 = arith.constant 0 : i32
        %dma_wait3A_1451 = tpu.memref_slice %arg3[%dma_wait3A_1450] : memref<327680xi32, #tpu.memory_space<hbm>> -> memref<32xi32, #tpu.memory_space<hbm>>
        tpu.wait_dma2 semaphore(%arg21 : memref<!tpu.dma_semaphore, #tpu.memory_space<semaphore_mem>>) src(%dma_wait3A_1451 : memref<32xi32, #tpu.memory_space<hbm>>) dst(%dma_wait3A_1449 : memref<32xi32, #tpu.memory_space<vmem>>)
        %dma_wait3A_1452 = arith.constant 1 : i32
        %dma_wait3A_1453 = arith.constant 6 : i32
        %dma_wait3A_1454 = arith.constant 0 : i32
        %dma_wait3A_1455 = tpu.memref_slice %arg10[%dma_wait3A_1452, %dma_wait3A_1453, %dma_wait3A_1454] : memref<2x8x32xi32, #tpu.memory_space<vmem>> -> memref<1x1x32xi32, #tpu.memory_space<vmem>>
        %dma_wait3A_1456 = tpu.memref_squeeze %dma_wait3A_1455 : memref<1x1x32xi32, #tpu.memory_space<vmem>> -> memref<32xi32, #tpu.memory_space<vmem>>
        %dma_wait3A_1457 = arith.constant 0 : i32
        %dma_wait3A_1458 = tpu.memref_slice %arg4[%dma_wait3A_1457] : memref<327680xi32, #tpu.memory_space<hbm>> -> memref<32xi32, #tpu.memory_space<hbm>>
        %dma_wait3A_1459 = arith.constant 0 : i32
        %dma_wait3A_1460 = tpu.memref_slice %arg10[%dma_wait3A_1452, %dma_wait3A_1453, %dma_wait3A_1459] : memref<2x8x32xi32, #tpu.memory_space<vmem>> -> memref<1x1x32xi32, #tpu.memory_space<vmem>>
        %dma_wait3A_1461 = tpu.memref_squeeze %dma_wait3A_1460 : memref<1x1x32xi32, #tpu.memory_space<vmem>> -> memref<32xi32, #tpu.memory_space<vmem>>
        %dma_wait3A_1462 = arith.constant 0 : i32
        %dma_wait3A_1463 = tpu.memref_slice %arg4[%dma_wait3A_1462] : memref<327680xi32, #tpu.memory_space<hbm>> -> memref<32xi32, #tpu.memory_space<hbm>>
        tpu.wait_dma2 semaphore(%arg21 : memref<!tpu.dma_semaphore, #tpu.memory_space<semaphore_mem>>) src(%dma_wait3A_1463 : memref<32xi32, #tpu.memory_space<hbm>>) dst(%dma_wait3A_1461 : memref<32xi32, #tpu.memory_space<vmem>>)
        %dma_start3A_1464 = arith.constant 1 : i32
        %dma_start3A_1465 = arith.constant 6 : i32
        %dma_start3A_1466 = arith.constant 6 : i32
        %dma_start3A_1467 = arith.constant 0 : i32
        %dma_start3A_1468 = arith.constant 0 : i32
        %dma_start3A_1469 = tpu.memref_slice %arg11[%dma_start3A_1466, %dma_start3A_1467, %dma_start3A_1468] : memref<8x32x128xf32, #tpu.memory_space<vmem>> -> memref<1x32x128xf32, #tpu.memory_space<vmem>>
        %dma_start3A_1470 = tpu.memref_squeeze %dma_start3A_1469 : memref<1x32x128xf32, #tpu.memory_space<vmem>> -> memref<32x128xf32, #tpu.memory_space<vmem>>
        %dma_start3A_1471 = arith.constant 0 : i32
        %dma_start3A_1472 = tpu.memref_slice %arg9[%dma_start3A_1464, %dma_start3A_1465, %dma_start3A_1471] : memref<2x8x32xi32, #tpu.memory_space<vmem>> -> memref<1x1x32xi32, #tpu.memory_space<vmem>>
        %dma_start3A_1473 = tpu.memref_squeeze %dma_start3A_1472 : memref<1x1x32xi32, #tpu.memory_space<vmem>> -> memref<32xi32, #tpu.memory_space<vmem>>
        %dma_start3A_1474 = arith.constant 0 : i32
        %dma_start3A_1475 = arith.constant 0 : i32
        %dma_start3A_1476 = tpu.memref_slice %arg2[%dma_start3A_1474, %dma_start3A_1475] : memref<10000x128xf32, #tpu.memory_space<hbm>> -> memref<10000x128xf32, #tpu.memory_space<hbm>>
        tpu.enqueue_indirect_dma source(%dma_start3A_1476 : memref<10000x128xf32, #tpu.memory_space<hbm>>) target(%dma_start3A_1470 : memref<32x128xf32, #tpu.memory_space<vmem>>) offsets(%dma_start3A_1473 : memref<32xi32, #tpu.memory_space<vmem>>) semaphore(%arg29 : memref<!tpu.dma_semaphore, #tpu.memory_space<semaphore_mem>>)
      } else {
      }
      %add3A_1033 = arith.constant 1 : i32
      %add3A_1034 = arith.addi %mul3A_666, %add3A_1033 : i32
      %lt3A_1035 = arith.constant 40 : i32
      %lt3A_1036 = arith.cmpi slt, %add3A_1034, %lt3A_1035 : i32
      %convert_element_type3A_1037 = arith.extui %lt3A_1036 : i1 to i32
      %cond3A_1038 = arith.constant 0 : i32
      %cond3A_1039 = arith.cmpi ne, %convert_element_type3A_1037, %cond3A_1038 : i32
      scf.if %cond3A_1039 {
        %dma_wait3A_1420 = arith.constant 7 : i32
        %dma_wait3A_1421 = arith.constant 0 : i32
        %dma_wait3A_1422 = arith.constant 7 : i32
        %dma_wait3A_1423 = arith.constant 0 : i32
        %dma_wait3A_1424 = arith.constant 0 : i32
        %dma_wait3A_1425 = tpu.memref_slice %arg11[%dma_wait3A_1420, %dma_wait3A_1423, %dma_wait3A_1424] : memref<8x32x128xf32, #tpu.memory_space<vmem>> -> memref<1x32x128xf32, #tpu.memory_space<vmem>>
        %dma_wait3A_1426 = tpu.memref_squeeze %dma_wait3A_1425 : memref<1x32x128xf32, #tpu.memory_space<vmem>> -> memref<32x128xf32, #tpu.memory_space<vmem>>
        %dma_wait3A_1427 = arith.constant 0 : i32
        %dma_wait3A_1428 = tpu.memref_slice %arg10[%dma_wait3A_1421, %dma_wait3A_1422, %dma_wait3A_1427] : memref<2x8x32xi32, #tpu.memory_space<vmem>> -> memref<1x1x32xi32, #tpu.memory_space<vmem>>
        %dma_wait3A_1429 = tpu.memref_squeeze %dma_wait3A_1428 : memref<1x1x32xi32, #tpu.memory_space<vmem>> -> memref<32xi32, #tpu.memory_space<vmem>>
        %dma_wait3A_1430 = arith.constant 0 : i32
        %dma_wait3A_1431 = arith.constant 0 : i32
        %dma_wait3A_1432 = tpu.memref_slice %arg13[%dma_wait3A_1430, %dma_wait3A_1431] : memref<10240x128xf32, #tpu.memory_space<vmem_shared>> -> memref<10240x128xf32, #tpu.memory_space<vmem_shared>>
        tpu.wait_indirect_dma semaphore(%arg38 : memref<!tpu.dma_semaphore, #tpu.memory_space<semaphore_mem>>) src(%dma_wait3A_1426 : memref<32x128xf32, #tpu.memory_space<vmem>>) dst(%dma_wait3A_1432 : memref<10240x128xf32, #tpu.memory_space<vmem_shared>>)
        %dma_wait3A_1433 = arith.constant 0 : i32
        %dma_wait3A_1434 = arith.constant 7 : i32
        %dma_wait3A_1435 = arith.constant 0 : i32
        %dma_wait3A_1436 = tpu.memref_slice %arg10[%dma_wait3A_1433, %dma_wait3A_1434, %dma_wait3A_1435] : memref<2x8x32xi32, #tpu.memory_space<vmem>> -> memref<1x1x32xi32, #tpu.memory_space<vmem>>
        %dma_wait3A_1437 = tpu.memref_squeeze %dma_wait3A_1436 : memref<1x1x32xi32, #tpu.memory_space<vmem>> -> memref<32xi32, #tpu.memory_space<vmem>>
        %dma_wait3A_1438 = arith.constant 0 : i32
        %dma_wait3A_1439 = tpu.memref_slice %arg14[%dma_wait3A_1438] : memref<10240xf32, #tpu.memory_space<vmem_shared>> -> memref<10240xf32, #tpu.memory_space<vmem_shared>>
        tpu.wait_indirect_dma semaphore(%arg38 : memref<!tpu.dma_semaphore, #tpu.memory_space<semaphore_mem>>) src(%arg12 : memref<32xf32, #tpu.memory_space<vmem>>) dst(%dma_wait3A_1439 : memref<10240xf32, #tpu.memory_space<vmem_shared>>)
        %dma_wait3A_1440 = arith.constant 1 : i32
        %dma_wait3A_1441 = arith.constant 7 : i32
        %dma_wait3A_1442 = arith.constant 0 : i32
        %dma_wait3A_1443 = tpu.memref_slice %arg9[%dma_wait3A_1440, %dma_wait3A_1441, %dma_wait3A_1442] : memref<2x8x32xi32, #tpu.memory_space<vmem>> -> memref<1x1x32xi32, #tpu.memory_space<vmem>>
        %dma_wait3A_1444 = tpu.memref_squeeze %dma_wait3A_1443 : memref<1x1x32xi32, #tpu.memory_space<vmem>> -> memref<32xi32, #tpu.memory_space<vmem>>
        %dma_wait3A_1445 = arith.constant 0 : i32
        %dma_wait3A_1446 = tpu.memref_slice %arg3[%dma_wait3A_1445] : memref<327680xi32, #tpu.memory_space<hbm>> -> memref<32xi32, #tpu.memory_space<hbm>>
        %dma_wait3A_1447 = arith.constant 0 : i32
        %dma_wait3A_1448 = tpu.memref_slice %arg9[%dma_wait3A_1440, %dma_wait3A_1441, %dma_wait3A_1447] : memref<2x8x32xi32, #tpu.memory_space<vmem>> -> memref<1x1x32xi32, #tpu.memory_space<vmem>>
        %dma_wait3A_1449 = tpu.memref_squeeze %dma_wait3A_1448 : memref<1x1x32xi32, #tpu.memory_space<vmem>> -> memref<32xi32, #tpu.memory_space<vmem>>
        %dma_wait3A_1450 = arith.constant 0 : i32
        %dma_wait3A_1451 = tpu.memref_slice %arg3[%dma_wait3A_1450] : memref<327680xi32, #tpu.memory_space<hbm>> -> memref<32xi32, #tpu.memory_space<hbm>>
        tpu.wait_dma2 semaphore(%arg22 : memref<!tpu.dma_semaphore, #tpu.memory_space<semaphore_mem>>) src(%dma_wait3A_1451 : memref<32xi32, #tpu.memory_space<hbm>>) dst(%dma_wait3A_1449 : memref<32xi32, #tpu.memory_space<vmem>>)
        %dma_wait3A_1452 = arith.constant 1 : i32
        %dma_wait3A_1453 = arith.constant 7 : i32
        %dma_wait3A_1454 = arith.constant 0 : i32
        %dma_wait3A_1455 = tpu.memref_slice %arg10[%dma_wait3A_1452, %dma_wait3A_1453, %dma_wait3A_1454] : memref<2x8x32xi32, #tpu.memory_space<vmem>> -> memref<1x1x32xi32, #tpu.memory_space<vmem>>
        %dma_wait3A_1456 = tpu.memref_squeeze %dma_wait3A_1455 : memref<1x1x32xi32, #tpu.memory_space<vmem>> -> memref<32xi32, #tpu.memory_space<vmem>>
        %dma_wait3A_1457 = arith.constant 0 : i32
        %dma_wait3A_1458 = tpu.memref_slice %arg4[%dma_wait3A_1457] : memref<327680xi32, #tpu.memory_space<hbm>> -> memref<32xi32, #tpu.memory_space<hbm>>
        %dma_wait3A_1459 = arith.constant 0 : i32
        %dma_wait3A_1460 = tpu.memref_slice %arg10[%dma_wait3A_1452, %dma_wait3A_1453, %dma_wait3A_1459] : memref<2x8x32xi32, #tpu.memory_space<vmem>> -> memref<1x1x32xi32, #tpu.memory_space<vmem>>
        %dma_wait3A_1461 = tpu.memref_squeeze %dma_wait3A_1460 : memref<1x1x32xi32, #tpu.memory_space<vmem>> -> memref<32xi32, #tpu.memory_space<vmem>>
        %dma_wait3A_1462 = arith.constant 0 : i32
        %dma_wait3A_1463 = tpu.memref_slice %arg4[%dma_wait3A_1462] : memref<327680xi32, #tpu.memory_space<hbm>> -> memref<32xi32, #tpu.memory_space<hbm>>
        tpu.wait_dma2 semaphore(%arg22 : memref<!tpu.dma_semaphore, #tpu.memory_space<semaphore_mem>>) src(%dma_wait3A_1463 : memref<32xi32, #tpu.memory_space<hbm>>) dst(%dma_wait3A_1461 : memref<32xi32, #tpu.memory_space<vmem>>)
        %dma_start3A_1464 = arith.constant 1 : i32
        %dma_start3A_1465 = arith.constant 7 : i32
        %dma_start3A_1466 = arith.constant 7 : i32
        %dma_start3A_1467 = arith.constant 0 : i32
        %dma_start3A_1468 = arith.constant 0 : i32
        %dma_start3A_1469 = tpu.memref_slice %arg11[%dma_start3A_1466, %dma_start3A_1467, %dma_start3A_1468] : memref<8x32x128xf32, #tpu.memory_space<vmem>> -> memref<1x32x128xf32, #tpu.memory_space<vmem>>
        %dma_start3A_1470 = tpu.memref_squeeze %dma_start3A_1469 : memref<1x32x128xf32, #tpu.memory_space<vmem>> -> memref<32x128xf32, #tpu.memory_space<vmem>>
        %dma_start3A_1471 = arith.constant 0 : i32
        %dma_start3A_1472 = tpu.memref_slice %arg9[%dma_start3A_1464, %dma_start3A_1465, %dma_start3A_1471] : memref<2x8x32xi32, #tpu.memory_space<vmem>> -> memref<1x1x32xi32, #tpu.memory_space<vmem>>
        %dma_start3A_1473 = tpu.memref_squeeze %dma_start3A_1472 : memref<1x1x32xi32, #tpu.memory_space<vmem>> -> memref<32xi32, #tpu.memory_space<vmem>>
        %dma_start3A_1474 = arith.constant 0 : i32
        %dma_start3A_1475 = arith.constant 0 : i32
        %dma_start3A_1476 = tpu.memref_slice %arg2[%dma_start3A_1474, %dma_start3A_1475] : memref<10000x128xf32, #tpu.memory_space<hbm>> -> memref<10000x128xf32, #tpu.memory_space<hbm>>
        tpu.enqueue_indirect_dma source(%dma_start3A_1476 : memref<10000x128xf32, #tpu.memory_space<hbm>>) target(%dma_start3A_1470 : memref<32x128xf32, #tpu.memory_space<vmem>>) offsets(%dma_start3A_1473 : memref<32xi32, #tpu.memory_space<vmem>>) semaphore(%arg30 : memref<!tpu.dma_semaphore, #tpu.memory_space<semaphore_mem>>)
      } else {
      }
      %mul3A_1040 = arith.constant 2 : i32
      %mul3A_1041 = arith.muli %mul3A_1040, %scan3A_664 : i32
      %add3A_1042 = arith.constant 1 : i32
      %add3A_1043 = arith.addi %mul3A_1041, %add3A_1042 : i32
      %dma_wait3A_1044 = arith.constant 1 : i32
      %dma_wait3A_1045 = arith.constant 0 : i32
      %dma_wait3A_1046 = arith.constant 0 : i32
      %dma_wait3A_1047 = arith.constant 0 : i32
      %dma_wait3A_1048 = arith.constant 0 : i32
      %dma_wait3A_1049 = tpu.memref_slice %arg11[%dma_wait3A_1046, %dma_wait3A_1047, %dma_wait3A_1048] : memref<8x32x128xf32, #tpu.memory_space<vmem>> -> memref<1x32x128xf32, #tpu.memory_space<vmem>>
      %dma_wait3A_1050 = tpu.memref_squeeze %dma_wait3A_1049 : memref<1x32x128xf32, #tpu.memory_space<vmem>> -> memref<32x128xf32, #tpu.memory_space<vmem>>
      %dma_wait3A_1051 = arith.constant 0 : i32
      %dma_wait3A_1052 = tpu.memref_slice %arg9[%dma_wait3A_1044, %dma_wait3A_1045, %dma_wait3A_1051] : memref<2x8x32xi32, #tpu.memory_space<vmem>> -> memref<1x1x32xi32, #tpu.memory_space<vmem>>
      %dma_wait3A_1053 = tpu.memref_squeeze %dma_wait3A_1052 : memref<1x1x32xi32, #tpu.memory_space<vmem>> -> memref<32xi32, #tpu.memory_space<vmem>>
      %dma_wait3A_1054 = arith.constant 0 : i32
      %dma_wait3A_1055 = arith.constant 0 : i32
      %dma_wait3A_1056 = tpu.memref_slice %arg2[%dma_wait3A_1054, %dma_wait3A_1055] : memref<10000x128xf32, #tpu.memory_space<hbm>> -> memref<10000x128xf32, #tpu.memory_space<hbm>>
      tpu.wait_indirect_dma semaphore(%arg23 : memref<!tpu.dma_semaphore, #tpu.memory_space<semaphore_mem>>) src(%dma_wait3A_1056 : memref<10000x128xf32, #tpu.memory_space<hbm>>) dst(%dma_wait3A_1050 : memref<32x128xf32, #tpu.memory_space<vmem>>)
      %dma_start3A_1057 = arith.constant 0 : i32
      %dma_start3A_1058 = arith.constant 1 : i32
      %dma_start3A_1059 = arith.constant 0 : i32
      %dma_start3A_1060 = arith.constant 0 : i32
      %dma_start3A_1061 = arith.constant 0 : i32
      %dma_start3A_1062 = tpu.memref_slice %arg11[%dma_start3A_1057, %dma_start3A_1060, %dma_start3A_1061] : memref<8x32x128xf32, #tpu.memory_space<vmem>> -> memref<1x32x128xf32, #tpu.memory_space<vmem>>
      %dma_start3A_1063 = tpu.memref_squeeze %dma_start3A_1062 : memref<1x32x128xf32, #tpu.memory_space<vmem>> -> memref<32x128xf32, #tpu.memory_space<vmem>>
      %dma_start3A_1064 = arith.constant 0 : i32
      %dma_start3A_1065 = tpu.memref_slice %arg10[%dma_start3A_1058, %dma_start3A_1059, %dma_start3A_1064] : memref<2x8x32xi32, #tpu.memory_space<vmem>> -> memref<1x1x32xi32, #tpu.memory_space<vmem>>
      %dma_start3A_1066 = tpu.memref_squeeze %dma_start3A_1065 : memref<1x1x32xi32, #tpu.memory_space<vmem>> -> memref<32xi32, #tpu.memory_space<vmem>>
      %dma_start3A_1067 = arith.constant 0 : i32
      %dma_start3A_1068 = arith.constant 0 : i32
      %dma_start3A_1069 = tpu.memref_slice %arg13[%dma_start3A_1067, %dma_start3A_1068] : memref<10240x128xf32, #tpu.memory_space<vmem_shared>> -> memref<10240x128xf32, #tpu.memory_space<vmem_shared>>
      tpu.enqueue_indirect_dma source(%dma_start3A_1063 : memref<32x128xf32, #tpu.memory_space<vmem>>) target(%dma_start3A_1069 : memref<10240x128xf32, #tpu.memory_space<vmem_shared>>) offsets(%dma_start3A_1066 : memref<32xi32, #tpu.memory_space<vmem>>) semaphore(%arg31 : memref<!tpu.dma_semaphore, #tpu.memory_space<semaphore_mem>>) {add = true}
      %dma_start3A_1070 = arith.constant 1 : i32
      %dma_start3A_1071 = arith.constant 0 : i32
      %dma_start3A_1072 = arith.constant 0 : i32
      %dma_start3A_1073 = tpu.memref_slice %arg10[%dma_start3A_1070, %dma_start3A_1071, %dma_start3A_1072] : memref<2x8x32xi32, #tpu.memory_space<vmem>> -> memref<1x1x32xi32, #tpu.memory_space<vmem>>
      %dma_start3A_1074 = tpu.memref_squeeze %dma_start3A_1073 : memref<1x1x32xi32, #tpu.memory_space<vmem>> -> memref<32xi32, #tpu.memory_space<vmem>>
      %dma_start3A_1075 = arith.constant 0 : i32
      %dma_start3A_1076 = tpu.memref_slice %arg14[%dma_start3A_1075] : memref<10240xf32, #tpu.memory_space<vmem_shared>> -> memref<10240xf32, #tpu.memory_space<vmem_shared>>
      tpu.enqueue_indirect_dma source(%arg12 : memref<32xf32, #tpu.memory_space<vmem>>) target(%dma_start3A_1076 : memref<10240xf32, #tpu.memory_space<vmem_shared>>) offsets(%dma_start3A_1074 : memref<32xi32, #tpu.memory_space<vmem>>) semaphore(%arg31 : memref<!tpu.dma_semaphore, #tpu.memory_space<semaphore_mem>>) {add = true}
      %add3A_1077 = arith.constant 1 : i32
      %add3A_1078 = arith.addi %add3A_1043, %add3A_1077 : i32
      %lt3A_1079 = arith.constant 40 : i32
      %lt3A_1080 = arith.cmpi slt, %add3A_1078, %lt3A_1079 : i32
      %convert_element_type3A_1081 = arith.extui %lt3A_1080 : i1 to i32
      %cond3A_1082 = arith.constant 0 : i32
      %cond3A_1083 = arith.cmpi ne, %convert_element_type3A_1081, %cond3A_1082 : i32
      scf.if %cond3A_1083 {
        %add3A_1420 = arith.constant 1 : i32
        %add3A_1421 = arith.addi %add3A_1043, %add3A_1420 : i32
        %mul3A_1422 = arith.constant 8 : i32
        %mul3A_1423 = arith.muli %add3A_1421, %mul3A_1422 : i32
        %add3A_1424 = arith.constant 0 : i32
        %add3A_1425 = arith.addi %mul3A_1423, %add3A_1424 : i32
        %mul3A_1426 = arith.constant 32 : i32
        %mul3A_1427 = arith.muli %add3A_1425, %mul3A_1426 : i32
        %add3A_1428 = arith.addi %mul3A_1427, %add3A : i32
        %mul3A_1429 = arith.constant 32 : i32
        %mul3A_1430 = arith.muli %add3A_1428, %mul3A_1429 : i32
        %dma_start3A_1431 = arith.constant 0 : i32
        %dma_start3A_1432 = arith.constant 0 : i32
        %dma_start3A_1433 = arith.constant 0 : i32
        %dma_start3A_1434 = tpu.memref_slice %arg9[%dma_start3A_1431, %dma_start3A_1432, %dma_start3A_1433] : memref<2x8x32xi32, #tpu.memory_space<vmem>> -> memref<1x1x32xi32, #tpu.memory_space<vmem>>
        %dma_start3A_1435 = tpu.memref_squeeze %dma_start3A_1434 : memref<1x1x32xi32, #tpu.memory_space<vmem>> -> memref<32xi32, #tpu.memory_space<vmem>>
        %dma_start3A_1436 = tpu.memref_slice %arg3[%mul3A_1430] : memref<327680xi32, #tpu.memory_space<hbm>> -> memref<32xi32, #tpu.memory_space<hbm>>
        %dma_start3A_1437 = arith.constant 0 : i32
        %dma_start3A_1438 = tpu.memref_slice %arg9[%dma_start3A_1431, %dma_start3A_1432, %dma_start3A_1437] : memref<2x8x32xi32, #tpu.memory_space<vmem>> -> memref<1x1x32xi32, #tpu.memory_space<vmem>>
        %dma_start3A_1439 = tpu.memref_squeeze %dma_start3A_1438 : memref<1x1x32xi32, #tpu.memory_space<vmem>> -> memref<32xi32, #tpu.memory_space<vmem>>
        %dma_start3A_1440 = tpu.memref_slice %arg3[%mul3A_1430] : memref<327680xi32, #tpu.memory_space<hbm>> -> memref<32xi32, #tpu.memory_space<hbm>>
        tpu.enqueue_dma source(%dma_start3A_1440 : memref<32xi32, #tpu.memory_space<hbm>>) target(%dma_start3A_1439 : memref<32xi32, #tpu.memory_space<vmem>>) target_semaphore(%arg15 : memref<!tpu.dma_semaphore, #tpu.memory_space<semaphore_mem>>)
        %dma_start3A_1441 = arith.constant 0 : i32
        %dma_start3A_1442 = arith.constant 0 : i32
        %dma_start3A_1443 = arith.constant 0 : i32
        %dma_start3A_1444 = tpu.memref_slice %arg10[%dma_start3A_1441, %dma_start3A_1442, %dma_start3A_1443] : memref<2x8x32xi32, #tpu.memory_space<vmem>> -> memref<1x1x32xi32, #tpu.memory_space<vmem>>
        %dma_start3A_1445 = tpu.memref_squeeze %dma_start3A_1444 : memref<1x1x32xi32, #tpu.memory_space<vmem>> -> memref<32xi32, #tpu.memory_space<vmem>>
        %dma_start3A_1446 = tpu.memref_slice %arg4[%mul3A_1430] : memref<327680xi32, #tpu.memory_space<hbm>> -> memref<32xi32, #tpu.memory_space<hbm>>
        %dma_start3A_1447 = arith.constant 0 : i32
        %dma_start3A_1448 = tpu.memref_slice %arg10[%dma_start3A_1441, %dma_start3A_1442, %dma_start3A_1447] : memref<2x8x32xi32, #tpu.memory_space<vmem>> -> memref<1x1x32xi32, #tpu.memory_space<vmem>>
        %dma_start3A_1449 = tpu.memref_squeeze %dma_start3A_1448 : memref<1x1x32xi32, #tpu.memory_space<vmem>> -> memref<32xi32, #tpu.memory_space<vmem>>
        %dma_start3A_1450 = tpu.memref_slice %arg4[%mul3A_1430] : memref<327680xi32, #tpu.memory_space<hbm>> -> memref<32xi32, #tpu.memory_space<hbm>>
        tpu.enqueue_dma source(%dma_start3A_1450 : memref<32xi32, #tpu.memory_space<hbm>>) target(%dma_start3A_1449 : memref<32xi32, #tpu.memory_space<vmem>>) target_semaphore(%arg15 : memref<!tpu.dma_semaphore, #tpu.memory_space<semaphore_mem>>)
      } else {
      }
      %dma_wait3A_1084 = arith.constant 1 : i32
      %dma_wait3A_1085 = arith.constant 1 : i32
      %dma_wait3A_1086 = arith.constant 1 : i32
      %dma_wait3A_1087 = arith.constant 0 : i32
      %dma_wait3A_1088 = arith.constant 0 : i32
      %dma_wait3A_1089 = tpu.memref_slice %arg11[%dma_wait3A_1086, %dma_wait3A_1087, %dma_wait3A_1088] : memref<8x32x128xf32, #tpu.memory_space<vmem>> -> memref<1x32x128xf32, #tpu.memory_space<vmem>>
      %dma_wait3A_1090 = tpu.memref_squeeze %dma_wait3A_1089 : memref<1x32x128xf32, #tpu.memory_space<vmem>> -> memref<32x128xf32, #tpu.memory_space<vmem>>
      %dma_wait3A_1091 = arith.constant 0 : i32
      %dma_wait3A_1092 = tpu.memref_slice %arg9[%dma_wait3A_1084, %dma_wait3A_1085, %dma_wait3A_1091] : memref<2x8x32xi32, #tpu.memory_space<vmem>> -> memref<1x1x32xi32, #tpu.memory_space<vmem>>
      %dma_wait3A_1093 = tpu.memref_squeeze %dma_wait3A_1092 : memref<1x1x32xi32, #tpu.memory_space<vmem>> -> memref<32xi32, #tpu.memory_space<vmem>>
      %dma_wait3A_1094 = arith.constant 0 : i32
      %dma_wait3A_1095 = arith.constant 0 : i32
      %dma_wait3A_1096 = tpu.memref_slice %arg2[%dma_wait3A_1094, %dma_wait3A_1095] : memref<10000x128xf32, #tpu.memory_space<hbm>> -> memref<10000x128xf32, #tpu.memory_space<hbm>>
      tpu.wait_indirect_dma semaphore(%arg24 : memref<!tpu.dma_semaphore, #tpu.memory_space<semaphore_mem>>) src(%dma_wait3A_1096 : memref<10000x128xf32, #tpu.memory_space<hbm>>) dst(%dma_wait3A_1090 : memref<32x128xf32, #tpu.memory_space<vmem>>)
      %dma_start3A_1097 = arith.constant 1 : i32
      %dma_start3A_1098 = arith.constant 1 : i32
      %dma_start3A_1099 = arith.constant 1 : i32
      %dma_start3A_1100 = arith.constant 0 : i32
      %dma_start3A_1101 = arith.constant 0 : i32
      %dma_start3A_1102 = tpu.memref_slice %arg11[%dma_start3A_1097, %dma_start3A_1100, %dma_start3A_1101] : memref<8x32x128xf32, #tpu.memory_space<vmem>> -> memref<1x32x128xf32, #tpu.memory_space<vmem>>
      %dma_start3A_1103 = tpu.memref_squeeze %dma_start3A_1102 : memref<1x32x128xf32, #tpu.memory_space<vmem>> -> memref<32x128xf32, #tpu.memory_space<vmem>>
      %dma_start3A_1104 = arith.constant 0 : i32
      %dma_start3A_1105 = tpu.memref_slice %arg10[%dma_start3A_1098, %dma_start3A_1099, %dma_start3A_1104] : memref<2x8x32xi32, #tpu.memory_space<vmem>> -> memref<1x1x32xi32, #tpu.memory_space<vmem>>
      %dma_start3A_1106 = tpu.memref_squeeze %dma_start3A_1105 : memref<1x1x32xi32, #tpu.memory_space<vmem>> -> memref<32xi32, #tpu.memory_space<vmem>>
      %dma_start3A_1107 = arith.constant 0 : i32
      %dma_start3A_1108 = arith.constant 0 : i32
      %dma_start3A_1109 = tpu.memref_slice %arg13[%dma_start3A_1107, %dma_start3A_1108] : memref<10240x128xf32, #tpu.memory_space<vmem_shared>> -> memref<10240x128xf32, #tpu.memory_space<vmem_shared>>
      tpu.enqueue_indirect_dma source(%dma_start3A_1103 : memref<32x128xf32, #tpu.memory_space<vmem>>) target(%dma_start3A_1109 : memref<10240x128xf32, #tpu.memory_space<vmem_shared>>) offsets(%dma_start3A_1106 : memref<32xi32, #tpu.memory_space<vmem>>) semaphore(%arg32 : memref<!tpu.dma_semaphore, #tpu.memory_space<semaphore_mem>>) {add = true}
      %dma_start3A_1110 = arith.constant 1 : i32
      %dma_start3A_1111 = arith.constant 1 : i32
      %dma_start3A_1112 = arith.constant 0 : i32
      %dma_start3A_1113 = tpu.memref_slice %arg10[%dma_start3A_1110, %dma_start3A_1111, %dma_start3A_1112] : memref<2x8x32xi32, #tpu.memory_space<vmem>> -> memref<1x1x32xi32, #tpu.memory_space<vmem>>
      %dma_start3A_1114 = tpu.memref_squeeze %dma_start3A_1113 : memref<1x1x32xi32, #tpu.memory_space<vmem>> -> memref<32xi32, #tpu.memory_space<vmem>>
      %dma_start3A_1115 = arith.constant 0 : i32
      %dma_start3A_1116 = tpu.memref_slice %arg14[%dma_start3A_1115] : memref<10240xf32, #tpu.memory_space<vmem_shared>> -> memref<10240xf32, #tpu.memory_space<vmem_shared>>
      tpu.enqueue_indirect_dma source(%arg12 : memref<32xf32, #tpu.memory_space<vmem>>) target(%dma_start3A_1116 : memref<10240xf32, #tpu.memory_space<vmem_shared>>) offsets(%dma_start3A_1114 : memref<32xi32, #tpu.memory_space<vmem>>) semaphore(%arg32 : memref<!tpu.dma_semaphore, #tpu.memory_space<semaphore_mem>>) {add = true}
      %add3A_1117 = arith.constant 1 : i32
      %add3A_1118 = arith.addi %add3A_1043, %add3A_1117 : i32
      %lt3A_1119 = arith.constant 40 : i32
      %lt3A_1120 = arith.cmpi slt, %add3A_1118, %lt3A_1119 : i32
      %convert_element_type3A_1121 = arith.extui %lt3A_1120 : i1 to i32
      %cond3A_1122 = arith.constant 0 : i32
      %cond3A_1123 = arith.cmpi ne, %convert_element_type3A_1121, %cond3A_1122 : i32
      scf.if %cond3A_1123 {
        %add3A_1420 = arith.constant 1 : i32
        %add3A_1421 = arith.addi %add3A_1043, %add3A_1420 : i32
        %mul3A_1422 = arith.constant 8 : i32
        %mul3A_1423 = arith.muli %add3A_1421, %mul3A_1422 : i32
        %add3A_1424 = arith.constant 1 : i32
        %add3A_1425 = arith.addi %mul3A_1423, %add3A_1424 : i32
        %mul3A_1426 = arith.constant 32 : i32
        %mul3A_1427 = arith.muli %add3A_1425, %mul3A_1426 : i32
        %add3A_1428 = arith.addi %mul3A_1427, %add3A : i32
        %mul3A_1429 = arith.constant 32 : i32
        %mul3A_1430 = arith.muli %add3A_1428, %mul3A_1429 : i32
        %dma_start3A_1431 = arith.constant 0 : i32
        %dma_start3A_1432 = arith.constant 1 : i32
        %dma_start3A_1433 = arith.constant 0 : i32
        %dma_start3A_1434 = tpu.memref_slice %arg9[%dma_start3A_1431, %dma_start3A_1432, %dma_start3A_1433] : memref<2x8x32xi32, #tpu.memory_space<vmem>> -> memref<1x1x32xi32, #tpu.memory_space<vmem>>
        %dma_start3A_1435 = tpu.memref_squeeze %dma_start3A_1434 : memref<1x1x32xi32, #tpu.memory_space<vmem>> -> memref<32xi32, #tpu.memory_space<vmem>>
        %dma_start3A_1436 = tpu.memref_slice %arg3[%mul3A_1430] : memref<327680xi32, #tpu.memory_space<hbm>> -> memref<32xi32, #tpu.memory_space<hbm>>
        %dma_start3A_1437 = arith.constant 0 : i32
        %dma_start3A_1438 = tpu.memref_slice %arg9[%dma_start3A_1431, %dma_start3A_1432, %dma_start3A_1437] : memref<2x8x32xi32, #tpu.memory_space<vmem>> -> memref<1x1x32xi32, #tpu.memory_space<vmem>>
        %dma_start3A_1439 = tpu.memref_squeeze %dma_start3A_1438 : memref<1x1x32xi32, #tpu.memory_space<vmem>> -> memref<32xi32, #tpu.memory_space<vmem>>
        %dma_start3A_1440 = tpu.memref_slice %arg3[%mul3A_1430] : memref<327680xi32, #tpu.memory_space<hbm>> -> memref<32xi32, #tpu.memory_space<hbm>>
        tpu.enqueue_dma source(%dma_start3A_1440 : memref<32xi32, #tpu.memory_space<hbm>>) target(%dma_start3A_1439 : memref<32xi32, #tpu.memory_space<vmem>>) target_semaphore(%arg16 : memref<!tpu.dma_semaphore, #tpu.memory_space<semaphore_mem>>)
        %dma_start3A_1441 = arith.constant 0 : i32
        %dma_start3A_1442 = arith.constant 1 : i32
        %dma_start3A_1443 = arith.constant 0 : i32
        %dma_start3A_1444 = tpu.memref_slice %arg10[%dma_start3A_1441, %dma_start3A_1442, %dma_start3A_1443] : memref<2x8x32xi32, #tpu.memory_space<vmem>> -> memref<1x1x32xi32, #tpu.memory_space<vmem>>
        %dma_start3A_1445 = tpu.memref_squeeze %dma_start3A_1444 : memref<1x1x32xi32, #tpu.memory_space<vmem>> -> memref<32xi32, #tpu.memory_space<vmem>>
        %dma_start3A_1446 = tpu.memref_slice %arg4[%mul3A_1430] : memref<327680xi32, #tpu.memory_space<hbm>> -> memref<32xi32, #tpu.memory_space<hbm>>
        %dma_start3A_1447 = arith.constant 0 : i32
        %dma_start3A_1448 = tpu.memref_slice %arg10[%dma_start3A_1441, %dma_start3A_1442, %dma_start3A_1447] : memref<2x8x32xi32, #tpu.memory_space<vmem>> -> memref<1x1x32xi32, #tpu.memory_space<vmem>>
        %dma_start3A_1449 = tpu.memref_squeeze %dma_start3A_1448 : memref<1x1x32xi32, #tpu.memory_space<vmem>> -> memref<32xi32, #tpu.memory_space<vmem>>
        %dma_start3A_1450 = tpu.memref_slice %arg4[%mul3A_1430] : memref<327680xi32, #tpu.memory_space<hbm>> -> memref<32xi32, #tpu.memory_space<hbm>>
        tpu.enqueue_dma source(%dma_start3A_1450 : memref<32xi32, #tpu.memory_space<hbm>>) target(%dma_start3A_1449 : memref<32xi32, #tpu.memory_space<vmem>>) target_semaphore(%arg16 : memref<!tpu.dma_semaphore, #tpu.memory_space<semaphore_mem>>)
      } else {
      }
      %dma_wait3A_1124 = arith.constant 1 : i32
      %dma_wait3A_1125 = arith.constant 2 : i32
      %dma_wait3A_1126 = arith.constant 2 : i32
      %dma_wait3A_1127 = arith.constant 0 : i32
      %dma_wait3A_1128 = arith.constant 0 : i32
      %dma_wait3A_1129 = tpu.memref_slice %arg11[%dma_wait3A_1126, %dma_wait3A_1127, %dma_wait3A_1128] : memref<8x32x128xf32, #tpu.memory_space<vmem>> -> memref<1x32x128xf32, #tpu.memory_space<vmem>>
      %dma_wait3A_1130 = tpu.memref_squeeze %dma_wait3A_1129 : memref<1x32x128xf32, #tpu.memory_space<vmem>> -> memref<32x128xf32, #tpu.memory_space<vmem>>
      %dma_wait3A_1131 = arith.constant 0 : i32
      %dma_wait3A_1132 = tpu.memref_slice %arg9[%dma_wait3A_1124, %dma_wait3A_1125, %dma_wait3A_1131] : memref<2x8x32xi32, #tpu.memory_space<vmem>> -> memref<1x1x32xi32, #tpu.memory_space<vmem>>
      %dma_wait3A_1133 = tpu.memref_squeeze %dma_wait3A_1132 : memref<1x1x32xi32, #tpu.memory_space<vmem>> -> memref<32xi32, #tpu.memory_space<vmem>>
      %dma_wait3A_1134 = arith.constant 0 : i32
      %dma_wait3A_1135 = arith.constant 0 : i32
      %dma_wait3A_1136 = tpu.memref_slice %arg2[%dma_wait3A_1134, %dma_wait3A_1135] : memref<10000x128xf32, #tpu.memory_space<hbm>> -> memref<10000x128xf32, #tpu.memory_space<hbm>>
      tpu.wait_indirect_dma semaphore(%arg25 : memref<!tpu.dma_semaphore, #tpu.memory_space<semaphore_mem>>) src(%dma_wait3A_1136 : memref<10000x128xf32, #tpu.memory_space<hbm>>) dst(%dma_wait3A_1130 : memref<32x128xf32, #tpu.memory_space<vmem>>)
      %dma_start3A_1137 = arith.constant 2 : i32
      %dma_start3A_1138 = arith.constant 1 : i32
      %dma_start3A_1139 = arith.constant 2 : i32
      %dma_start3A_1140 = arith.constant 0 : i32
      %dma_start3A_1141 = arith.constant 0 : i32
      %dma_start3A_1142 = tpu.memref_slice %arg11[%dma_start3A_1137, %dma_start3A_1140, %dma_start3A_1141] : memref<8x32x128xf32, #tpu.memory_space<vmem>> -> memref<1x32x128xf32, #tpu.memory_space<vmem>>
      %dma_start3A_1143 = tpu.memref_squeeze %dma_start3A_1142 : memref<1x32x128xf32, #tpu.memory_space<vmem>> -> memref<32x128xf32, #tpu.memory_space<vmem>>
      %dma_start3A_1144 = arith.constant 0 : i32
      %dma_start3A_1145 = tpu.memref_slice %arg10[%dma_start3A_1138, %dma_start3A_1139, %dma_start3A_1144] : memref<2x8x32xi32, #tpu.memory_space<vmem>> -> memref<1x1x32xi32, #tpu.memory_space<vmem>>
      %dma_start3A_1146 = tpu.memref_squeeze %dma_start3A_1145 : memref<1x1x32xi32, #tpu.memory_space<vmem>> -> memref<32xi32, #tpu.memory_space<vmem>>
      %dma_start3A_1147 = arith.constant 0 : i32
      %dma_start3A_1148 = arith.constant 0 : i32
      %dma_start3A_1149 = tpu.memref_slice %arg13[%dma_start3A_1147, %dma_start3A_1148] : memref<10240x128xf32, #tpu.memory_space<vmem_shared>> -> memref<10240x128xf32, #tpu.memory_space<vmem_shared>>
      tpu.enqueue_indirect_dma source(%dma_start3A_1143 : memref<32x128xf32, #tpu.memory_space<vmem>>) target(%dma_start3A_1149 : memref<10240x128xf32, #tpu.memory_space<vmem_shared>>) offsets(%dma_start3A_1146 : memref<32xi32, #tpu.memory_space<vmem>>) semaphore(%arg33 : memref<!tpu.dma_semaphore, #tpu.memory_space<semaphore_mem>>) {add = true}
      %dma_start3A_1150 = arith.constant 1 : i32
      %dma_start3A_1151 = arith.constant 2 : i32
      %dma_start3A_1152 = arith.constant 0 : i32
      %dma_start3A_1153 = tpu.memref_slice %arg10[%dma_start3A_1150, %dma_start3A_1151, %dma_start3A_1152] : memref<2x8x32xi32, #tpu.memory_space<vmem>> -> memref<1x1x32xi32, #tpu.memory_space<vmem>>
      %dma_start3A_1154 = tpu.memref_squeeze %dma_start3A_1153 : memref<1x1x32xi32, #tpu.memory_space<vmem>> -> memref<32xi32, #tpu.memory_space<vmem>>
      %dma_start3A_1155 = arith.constant 0 : i32
      %dma_start3A_1156 = tpu.memref_slice %arg14[%dma_start3A_1155] : memref<10240xf32, #tpu.memory_space<vmem_shared>> -> memref<10240xf32, #tpu.memory_space<vmem_shared>>
      tpu.enqueue_indirect_dma source(%arg12 : memref<32xf32, #tpu.memory_space<vmem>>) target(%dma_start3A_1156 : memref<10240xf32, #tpu.memory_space<vmem_shared>>) offsets(%dma_start3A_1154 : memref<32xi32, #tpu.memory_space<vmem>>) semaphore(%arg33 : memref<!tpu.dma_semaphore, #tpu.memory_space<semaphore_mem>>) {add = true}
      %add3A_1157 = arith.constant 1 : i32
      %add3A_1158 = arith.addi %add3A_1043, %add3A_1157 : i32
      %lt3A_1159 = arith.constant 40 : i32
      %lt3A_1160 = arith.cmpi slt, %add3A_1158, %lt3A_1159 : i32
      %convert_element_type3A_1161 = arith.extui %lt3A_1160 : i1 to i32
      %cond3A_1162 = arith.constant 0 : i32
      %cond3A_1163 = arith.cmpi ne, %convert_element_type3A_1161, %cond3A_1162 : i32
      scf.if %cond3A_1163 {
        %add3A_1420 = arith.constant 1 : i32
        %add3A_1421 = arith.addi %add3A_1043, %add3A_1420 : i32
        %mul3A_1422 = arith.constant 8 : i32
        %mul3A_1423 = arith.muli %add3A_1421, %mul3A_1422 : i32
        %add3A_1424 = arith.constant 2 : i32
        %add3A_1425 = arith.addi %mul3A_1423, %add3A_1424 : i32
        %mul3A_1426 = arith.constant 32 : i32
        %mul3A_1427 = arith.muli %add3A_1425, %mul3A_1426 : i32
        %add3A_1428 = arith.addi %mul3A_1427, %add3A : i32
        %mul3A_1429 = arith.constant 32 : i32
        %mul3A_1430 = arith.muli %add3A_1428, %mul3A_1429 : i32
        %dma_start3A_1431 = arith.constant 0 : i32
        %dma_start3A_1432 = arith.constant 2 : i32
        %dma_start3A_1433 = arith.constant 0 : i32
        %dma_start3A_1434 = tpu.memref_slice %arg9[%dma_start3A_1431, %dma_start3A_1432, %dma_start3A_1433] : memref<2x8x32xi32, #tpu.memory_space<vmem>> -> memref<1x1x32xi32, #tpu.memory_space<vmem>>
        %dma_start3A_1435 = tpu.memref_squeeze %dma_start3A_1434 : memref<1x1x32xi32, #tpu.memory_space<vmem>> -> memref<32xi32, #tpu.memory_space<vmem>>
        %dma_start3A_1436 = tpu.memref_slice %arg3[%mul3A_1430] : memref<327680xi32, #tpu.memory_space<hbm>> -> memref<32xi32, #tpu.memory_space<hbm>>
        %dma_start3A_1437 = arith.constant 0 : i32
        %dma_start3A_1438 = tpu.memref_slice %arg9[%dma_start3A_1431, %dma_start3A_1432, %dma_start3A_1437] : memref<2x8x32xi32, #tpu.memory_space<vmem>> -> memref<1x1x32xi32, #tpu.memory_space<vmem>>
        %dma_start3A_1439 = tpu.memref_squeeze %dma_start3A_1438 : memref<1x1x32xi32, #tpu.memory_space<vmem>> -> memref<32xi32, #tpu.memory_space<vmem>>
        %dma_start3A_1440 = tpu.memref_slice %arg3[%mul3A_1430] : memref<327680xi32, #tpu.memory_space<hbm>> -> memref<32xi32, #tpu.memory_space<hbm>>
        tpu.enqueue_dma source(%dma_start3A_1440 : memref<32xi32, #tpu.memory_space<hbm>>) target(%dma_start3A_1439 : memref<32xi32, #tpu.memory_space<vmem>>) target_semaphore(%arg17 : memref<!tpu.dma_semaphore, #tpu.memory_space<semaphore_mem>>)
        %dma_start3A_1441 = arith.constant 0 : i32
        %dma_start3A_1442 = arith.constant 2 : i32
        %dma_start3A_1443 = arith.constant 0 : i32
        %dma_start3A_1444 = tpu.memref_slice %arg10[%dma_start3A_1441, %dma_start3A_1442, %dma_start3A_1443] : memref<2x8x32xi32, #tpu.memory_space<vmem>> -> memref<1x1x32xi32, #tpu.memory_space<vmem>>
        %dma_start3A_1445 = tpu.memref_squeeze %dma_start3A_1444 : memref<1x1x32xi32, #tpu.memory_space<vmem>> -> memref<32xi32, #tpu.memory_space<vmem>>
        %dma_start3A_1446 = tpu.memref_slice %arg4[%mul3A_1430] : memref<327680xi32, #tpu.memory_space<hbm>> -> memref<32xi32, #tpu.memory_space<hbm>>
        %dma_start3A_1447 = arith.constant 0 : i32
        %dma_start3A_1448 = tpu.memref_slice %arg10[%dma_start3A_1441, %dma_start3A_1442, %dma_start3A_1447] : memref<2x8x32xi32, #tpu.memory_space<vmem>> -> memref<1x1x32xi32, #tpu.memory_space<vmem>>
        %dma_start3A_1449 = tpu.memref_squeeze %dma_start3A_1448 : memref<1x1x32xi32, #tpu.memory_space<vmem>> -> memref<32xi32, #tpu.memory_space<vmem>>
        %dma_start3A_1450 = tpu.memref_slice %arg4[%mul3A_1430] : memref<327680xi32, #tpu.memory_space<hbm>> -> memref<32xi32, #tpu.memory_space<hbm>>
        tpu.enqueue_dma source(%dma_start3A_1450 : memref<32xi32, #tpu.memory_space<hbm>>) target(%dma_start3A_1449 : memref<32xi32, #tpu.memory_space<vmem>>) target_semaphore(%arg17 : memref<!tpu.dma_semaphore, #tpu.memory_space<semaphore_mem>>)
      } else {
      }
      %dma_wait3A_1164 = arith.constant 1 : i32
      %dma_wait3A_1165 = arith.constant 3 : i32
      %dma_wait3A_1166 = arith.constant 3 : i32
      %dma_wait3A_1167 = arith.constant 0 : i32
      %dma_wait3A_1168 = arith.constant 0 : i32
      %dma_wait3A_1169 = tpu.memref_slice %arg11[%dma_wait3A_1166, %dma_wait3A_1167, %dma_wait3A_1168] : memref<8x32x128xf32, #tpu.memory_space<vmem>> -> memref<1x32x128xf32, #tpu.memory_space<vmem>>
      %dma_wait3A_1170 = tpu.memref_squeeze %dma_wait3A_1169 : memref<1x32x128xf32, #tpu.memory_space<vmem>> -> memref<32x128xf32, #tpu.memory_space<vmem>>
      %dma_wait3A_1171 = arith.constant 0 : i32
      %dma_wait3A_1172 = tpu.memref_slice %arg9[%dma_wait3A_1164, %dma_wait3A_1165, %dma_wait3A_1171] : memref<2x8x32xi32, #tpu.memory_space<vmem>> -> memref<1x1x32xi32, #tpu.memory_space<vmem>>
      %dma_wait3A_1173 = tpu.memref_squeeze %dma_wait3A_1172 : memref<1x1x32xi32, #tpu.memory_space<vmem>> -> memref<32xi32, #tpu.memory_space<vmem>>
      %dma_wait3A_1174 = arith.constant 0 : i32
      %dma_wait3A_1175 = arith.constant 0 : i32
      %dma_wait3A_1176 = tpu.memref_slice %arg2[%dma_wait3A_1174, %dma_wait3A_1175] : memref<10000x128xf32, #tpu.memory_space<hbm>> -> memref<10000x128xf32, #tpu.memory_space<hbm>>
      tpu.wait_indirect_dma semaphore(%arg26 : memref<!tpu.dma_semaphore, #tpu.memory_space<semaphore_mem>>) src(%dma_wait3A_1176 : memref<10000x128xf32, #tpu.memory_space<hbm>>) dst(%dma_wait3A_1170 : memref<32x128xf32, #tpu.memory_space<vmem>>)
      %dma_start3A_1177 = arith.constant 3 : i32
      %dma_start3A_1178 = arith.constant 1 : i32
      %dma_start3A_1179 = arith.constant 3 : i32
      %dma_start3A_1180 = arith.constant 0 : i32
      %dma_start3A_1181 = arith.constant 0 : i32
      %dma_start3A_1182 = tpu.memref_slice %arg11[%dma_start3A_1177, %dma_start3A_1180, %dma_start3A_1181] : memref<8x32x128xf32, #tpu.memory_space<vmem>> -> memref<1x32x128xf32, #tpu.memory_space<vmem>>
      %dma_start3A_1183 = tpu.memref_squeeze %dma_start3A_1182 : memref<1x32x128xf32, #tpu.memory_space<vmem>> -> memref<32x128xf32, #tpu.memory_space<vmem>>
      %dma_start3A_1184 = arith.constant 0 : i32
      %dma_start3A_1185 = tpu.memref_slice %arg10[%dma_start3A_1178, %dma_start3A_1179, %dma_start3A_1184] : memref<2x8x32xi32, #tpu.memory_space<vmem>> -> memref<1x1x32xi32, #tpu.memory_space<vmem>>
      %dma_start3A_1186 = tpu.memref_squeeze %dma_start3A_1185 : memref<1x1x32xi32, #tpu.memory_space<vmem>> -> memref<32xi32, #tpu.memory_space<vmem>>
      %dma_start3A_1187 = arith.constant 0 : i32
      %dma_start3A_1188 = arith.constant 0 : i32
      %dma_start3A_1189 = tpu.memref_slice %arg13[%dma_start3A_1187, %dma_start3A_1188] : memref<10240x128xf32, #tpu.memory_space<vmem_shared>> -> memref<10240x128xf32, #tpu.memory_space<vmem_shared>>
      tpu.enqueue_indirect_dma source(%dma_start3A_1183 : memref<32x128xf32, #tpu.memory_space<vmem>>) target(%dma_start3A_1189 : memref<10240x128xf32, #tpu.memory_space<vmem_shared>>) offsets(%dma_start3A_1186 : memref<32xi32, #tpu.memory_space<vmem>>) semaphore(%arg34 : memref<!tpu.dma_semaphore, #tpu.memory_space<semaphore_mem>>) {add = true}
      %dma_start3A_1190 = arith.constant 1 : i32
      %dma_start3A_1191 = arith.constant 3 : i32
      %dma_start3A_1192 = arith.constant 0 : i32
      %dma_start3A_1193 = tpu.memref_slice %arg10[%dma_start3A_1190, %dma_start3A_1191, %dma_start3A_1192] : memref<2x8x32xi32, #tpu.memory_space<vmem>> -> memref<1x1x32xi32, #tpu.memory_space<vmem>>
      %dma_start3A_1194 = tpu.memref_squeeze %dma_start3A_1193 : memref<1x1x32xi32, #tpu.memory_space<vmem>> -> memref<32xi32, #tpu.memory_space<vmem>>
      %dma_start3A_1195 = arith.constant 0 : i32
      %dma_start3A_1196 = tpu.memref_slice %arg14[%dma_start3A_1195] : memref<10240xf32, #tpu.memory_space<vmem_shared>> -> memref<10240xf32, #tpu.memory_space<vmem_shared>>
      tpu.enqueue_indirect_dma source(%arg12 : memref<32xf32, #tpu.memory_space<vmem>>) target(%dma_start3A_1196 : memref<10240xf32, #tpu.memory_space<vmem_shared>>) offsets(%dma_start3A_1194 : memref<32xi32, #tpu.memory_space<vmem>>) semaphore(%arg34 : memref<!tpu.dma_semaphore, #tpu.memory_space<semaphore_mem>>) {add = true}
      %add3A_1197 = arith.constant 1 : i32
      %add3A_1198 = arith.addi %add3A_1043, %add3A_1197 : i32
      %lt3A_1199 = arith.constant 40 : i32
      %lt3A_1200 = arith.cmpi slt, %add3A_1198, %lt3A_1199 : i32
      %convert_element_type3A_1201 = arith.extui %lt3A_1200 : i1 to i32
      %cond3A_1202 = arith.constant 0 : i32
      %cond3A_1203 = arith.cmpi ne, %convert_element_type3A_1201, %cond3A_1202 : i32
      scf.if %cond3A_1203 {
        %add3A_1420 = arith.constant 1 : i32
        %add3A_1421 = arith.addi %add3A_1043, %add3A_1420 : i32
        %mul3A_1422 = arith.constant 8 : i32
        %mul3A_1423 = arith.muli %add3A_1421, %mul3A_1422 : i32
        %add3A_1424 = arith.constant 3 : i32
        %add3A_1425 = arith.addi %mul3A_1423, %add3A_1424 : i32
        %mul3A_1426 = arith.constant 32 : i32
        %mul3A_1427 = arith.muli %add3A_1425, %mul3A_1426 : i32
        %add3A_1428 = arith.addi %mul3A_1427, %add3A : i32
        %mul3A_1429 = arith.constant 32 : i32
        %mul3A_1430 = arith.muli %add3A_1428, %mul3A_1429 : i32
        %dma_start3A_1431 = arith.constant 0 : i32
        %dma_start3A_1432 = arith.constant 3 : i32
        %dma_start3A_1433 = arith.constant 0 : i32
        %dma_start3A_1434 = tpu.memref_slice %arg9[%dma_start3A_1431, %dma_start3A_1432, %dma_start3A_1433] : memref<2x8x32xi32, #tpu.memory_space<vmem>> -> memref<1x1x32xi32, #tpu.memory_space<vmem>>
        %dma_start3A_1435 = tpu.memref_squeeze %dma_start3A_1434 : memref<1x1x32xi32, #tpu.memory_space<vmem>> -> memref<32xi32, #tpu.memory_space<vmem>>
        %dma_start3A_1436 = tpu.memref_slice %arg3[%mul3A_1430] : memref<327680xi32, #tpu.memory_space<hbm>> -> memref<32xi32, #tpu.memory_space<hbm>>
        %dma_start3A_1437 = arith.constant 0 : i32
        %dma_start3A_1438 = tpu.memref_slice %arg9[%dma_start3A_1431, %dma_start3A_1432, %dma_start3A_1437] : memref<2x8x32xi32, #tpu.memory_space<vmem>> -> memref<1x1x32xi32, #tpu.memory_space<vmem>>
        %dma_start3A_1439 = tpu.memref_squeeze %dma_start3A_1438 : memref<1x1x32xi32, #tpu.memory_space<vmem>> -> memref<32xi32, #tpu.memory_space<vmem>>
        %dma_start3A_1440 = tpu.memref_slice %arg3[%mul3A_1430] : memref<327680xi32, #tpu.memory_space<hbm>> -> memref<32xi32, #tpu.memory_space<hbm>>
        tpu.enqueue_dma source(%dma_start3A_1440 : memref<32xi32, #tpu.memory_space<hbm>>) target(%dma_start3A_1439 : memref<32xi32, #tpu.memory_space<vmem>>) target_semaphore(%arg18 : memref<!tpu.dma_semaphore, #tpu.memory_space<semaphore_mem>>)
        %dma_start3A_1441 = arith.constant 0 : i32
        %dma_start3A_1442 = arith.constant 3 : i32
        %dma_start3A_1443 = arith.constant 0 : i32
        %dma_start3A_1444 = tpu.memref_slice %arg10[%dma_start3A_1441, %dma_start3A_1442, %dma_start3A_1443] : memref<2x8x32xi32, #tpu.memory_space<vmem>> -> memref<1x1x32xi32, #tpu.memory_space<vmem>>
        %dma_start3A_1445 = tpu.memref_squeeze %dma_start3A_1444 : memref<1x1x32xi32, #tpu.memory_space<vmem>> -> memref<32xi32, #tpu.memory_space<vmem>>
        %dma_start3A_1446 = tpu.memref_slice %arg4[%mul3A_1430] : memref<327680xi32, #tpu.memory_space<hbm>> -> memref<32xi32, #tpu.memory_space<hbm>>
        %dma_start3A_1447 = arith.constant 0 : i32
        %dma_start3A_1448 = tpu.memref_slice %arg10[%dma_start3A_1441, %dma_start3A_1442, %dma_start3A_1447] : memref<2x8x32xi32, #tpu.memory_space<vmem>> -> memref<1x1x32xi32, #tpu.memory_space<vmem>>
        %dma_start3A_1449 = tpu.memref_squeeze %dma_start3A_1448 : memref<1x1x32xi32, #tpu.memory_space<vmem>> -> memref<32xi32, #tpu.memory_space<vmem>>
        %dma_start3A_1450 = tpu.memref_slice %arg4[%mul3A_1430] : memref<327680xi32, #tpu.memory_space<hbm>> -> memref<32xi32, #tpu.memory_space<hbm>>
        tpu.enqueue_dma source(%dma_start3A_1450 : memref<32xi32, #tpu.memory_space<hbm>>) target(%dma_start3A_1449 : memref<32xi32, #tpu.memory_space<vmem>>) target_semaphore(%arg18 : memref<!tpu.dma_semaphore, #tpu.memory_space<semaphore_mem>>)
      } else {
      }
      %dma_wait3A_1204 = arith.constant 1 : i32
      %dma_wait3A_1205 = arith.constant 4 : i32
      %dma_wait3A_1206 = arith.constant 4 : i32
      %dma_wait3A_1207 = arith.constant 0 : i32
      %dma_wait3A_1208 = arith.constant 0 : i32
      %dma_wait3A_1209 = tpu.memref_slice %arg11[%dma_wait3A_1206, %dma_wait3A_1207, %dma_wait3A_1208] : memref<8x32x128xf32, #tpu.memory_space<vmem>> -> memref<1x32x128xf32, #tpu.memory_space<vmem>>
      %dma_wait3A_1210 = tpu.memref_squeeze %dma_wait3A_1209 : memref<1x32x128xf32, #tpu.memory_space<vmem>> -> memref<32x128xf32, #tpu.memory_space<vmem>>
      %dma_wait3A_1211 = arith.constant 0 : i32
      %dma_wait3A_1212 = tpu.memref_slice %arg9[%dma_wait3A_1204, %dma_wait3A_1205, %dma_wait3A_1211] : memref<2x8x32xi32, #tpu.memory_space<vmem>> -> memref<1x1x32xi32, #tpu.memory_space<vmem>>
      %dma_wait3A_1213 = tpu.memref_squeeze %dma_wait3A_1212 : memref<1x1x32xi32, #tpu.memory_space<vmem>> -> memref<32xi32, #tpu.memory_space<vmem>>
      %dma_wait3A_1214 = arith.constant 0 : i32
      %dma_wait3A_1215 = arith.constant 0 : i32
      %dma_wait3A_1216 = tpu.memref_slice %arg2[%dma_wait3A_1214, %dma_wait3A_1215] : memref<10000x128xf32, #tpu.memory_space<hbm>> -> memref<10000x128xf32, #tpu.memory_space<hbm>>
      tpu.wait_indirect_dma semaphore(%arg27 : memref<!tpu.dma_semaphore, #tpu.memory_space<semaphore_mem>>) src(%dma_wait3A_1216 : memref<10000x128xf32, #tpu.memory_space<hbm>>) dst(%dma_wait3A_1210 : memref<32x128xf32, #tpu.memory_space<vmem>>)
      %dma_start3A_1217 = arith.constant 4 : i32
      %dma_start3A_1218 = arith.constant 1 : i32
      %dma_start3A_1219 = arith.constant 4 : i32
      %dma_start3A_1220 = arith.constant 0 : i32
      %dma_start3A_1221 = arith.constant 0 : i32
      %dma_start3A_1222 = tpu.memref_slice %arg11[%dma_start3A_1217, %dma_start3A_1220, %dma_start3A_1221] : memref<8x32x128xf32, #tpu.memory_space<vmem>> -> memref<1x32x128xf32, #tpu.memory_space<vmem>>
      %dma_start3A_1223 = tpu.memref_squeeze %dma_start3A_1222 : memref<1x32x128xf32, #tpu.memory_space<vmem>> -> memref<32x128xf32, #tpu.memory_space<vmem>>
      %dma_start3A_1224 = arith.constant 0 : i32
      %dma_start3A_1225 = tpu.memref_slice %arg10[%dma_start3A_1218, %dma_start3A_1219, %dma_start3A_1224] : memref<2x8x32xi32, #tpu.memory_space<vmem>> -> memref<1x1x32xi32, #tpu.memory_space<vmem>>
      %dma_start3A_1226 = tpu.memref_squeeze %dma_start3A_1225 : memref<1x1x32xi32, #tpu.memory_space<vmem>> -> memref<32xi32, #tpu.memory_space<vmem>>
      %dma_start3A_1227 = arith.constant 0 : i32
      %dma_start3A_1228 = arith.constant 0 : i32
      %dma_start3A_1229 = tpu.memref_slice %arg13[%dma_start3A_1227, %dma_start3A_1228] : memref<10240x128xf32, #tpu.memory_space<vmem_shared>> -> memref<10240x128xf32, #tpu.memory_space<vmem_shared>>
      tpu.enqueue_indirect_dma source(%dma_start3A_1223 : memref<32x128xf32, #tpu.memory_space<vmem>>) target(%dma_start3A_1229 : memref<10240x128xf32, #tpu.memory_space<vmem_shared>>) offsets(%dma_start3A_1226 : memref<32xi32, #tpu.memory_space<vmem>>) semaphore(%arg35 : memref<!tpu.dma_semaphore, #tpu.memory_space<semaphore_mem>>) {add = true}
      %dma_start3A_1230 = arith.constant 1 : i32
      %dma_start3A_1231 = arith.constant 4 : i32
      %dma_start3A_1232 = arith.constant 0 : i32
      %dma_start3A_1233 = tpu.memref_slice %arg10[%dma_start3A_1230, %dma_start3A_1231, %dma_start3A_1232] : memref<2x8x32xi32, #tpu.memory_space<vmem>> -> memref<1x1x32xi32, #tpu.memory_space<vmem>>
      %dma_start3A_1234 = tpu.memref_squeeze %dma_start3A_1233 : memref<1x1x32xi32, #tpu.memory_space<vmem>> -> memref<32xi32, #tpu.memory_space<vmem>>
      %dma_start3A_1235 = arith.constant 0 : i32
      %dma_start3A_1236 = tpu.memref_slice %arg14[%dma_start3A_1235] : memref<10240xf32, #tpu.memory_space<vmem_shared>> -> memref<10240xf32, #tpu.memory_space<vmem_shared>>
      tpu.enqueue_indirect_dma source(%arg12 : memref<32xf32, #tpu.memory_space<vmem>>) target(%dma_start3A_1236 : memref<10240xf32, #tpu.memory_space<vmem_shared>>) offsets(%dma_start3A_1234 : memref<32xi32, #tpu.memory_space<vmem>>) semaphore(%arg35 : memref<!tpu.dma_semaphore, #tpu.memory_space<semaphore_mem>>) {add = true}
      %add3A_1237 = arith.constant 1 : i32
      %add3A_1238 = arith.addi %add3A_1043, %add3A_1237 : i32
      %lt3A_1239 = arith.constant 40 : i32
      %lt3A_1240 = arith.cmpi slt, %add3A_1238, %lt3A_1239 : i32
      %convert_element_type3A_1241 = arith.extui %lt3A_1240 : i1 to i32
      %cond3A_1242 = arith.constant 0 : i32
      %cond3A_1243 = arith.cmpi ne, %convert_element_type3A_1241, %cond3A_1242 : i32
      scf.if %cond3A_1243 {
        %add3A_1420 = arith.constant 1 : i32
        %add3A_1421 = arith.addi %add3A_1043, %add3A_1420 : i32
        %mul3A_1422 = arith.constant 8 : i32
        %mul3A_1423 = arith.muli %add3A_1421, %mul3A_1422 : i32
        %add3A_1424 = arith.constant 4 : i32
        %add3A_1425 = arith.addi %mul3A_1423, %add3A_1424 : i32
        %mul3A_1426 = arith.constant 32 : i32
        %mul3A_1427 = arith.muli %add3A_1425, %mul3A_1426 : i32
        %add3A_1428 = arith.addi %mul3A_1427, %add3A : i32
        %mul3A_1429 = arith.constant 32 : i32
        %mul3A_1430 = arith.muli %add3A_1428, %mul3A_1429 : i32
        %dma_start3A_1431 = arith.constant 0 : i32
        %dma_start3A_1432 = arith.constant 4 : i32
        %dma_start3A_1433 = arith.constant 0 : i32
        %dma_start3A_1434 = tpu.memref_slice %arg9[%dma_start3A_1431, %dma_start3A_1432, %dma_start3A_1433] : memref<2x8x32xi32, #tpu.memory_space<vmem>> -> memref<1x1x32xi32, #tpu.memory_space<vmem>>
        %dma_start3A_1435 = tpu.memref_squeeze %dma_start3A_1434 : memref<1x1x32xi32, #tpu.memory_space<vmem>> -> memref<32xi32, #tpu.memory_space<vmem>>
        %dma_start3A_1436 = tpu.memref_slice %arg3[%mul3A_1430] : memref<327680xi32, #tpu.memory_space<hbm>> -> memref<32xi32, #tpu.memory_space<hbm>>
        %dma_start3A_1437 = arith.constant 0 : i32
        %dma_start3A_1438 = tpu.memref_slice %arg9[%dma_start3A_1431, %dma_start3A_1432, %dma_start3A_1437] : memref<2x8x32xi32, #tpu.memory_space<vmem>> -> memref<1x1x32xi32, #tpu.memory_space<vmem>>
        %dma_start3A_1439 = tpu.memref_squeeze %dma_start3A_1438 : memref<1x1x32xi32, #tpu.memory_space<vmem>> -> memref<32xi32, #tpu.memory_space<vmem>>
        %dma_start3A_1440 = tpu.memref_slice %arg3[%mul3A_1430] : memref<327680xi32, #tpu.memory_space<hbm>> -> memref<32xi32, #tpu.memory_space<hbm>>
        tpu.enqueue_dma source(%dma_start3A_1440 : memref<32xi32, #tpu.memory_space<hbm>>) target(%dma_start3A_1439 : memref<32xi32, #tpu.memory_space<vmem>>) target_semaphore(%arg19 : memref<!tpu.dma_semaphore, #tpu.memory_space<semaphore_mem>>)
        %dma_start3A_1441 = arith.constant 0 : i32
        %dma_start3A_1442 = arith.constant 4 : i32
        %dma_start3A_1443 = arith.constant 0 : i32
        %dma_start3A_1444 = tpu.memref_slice %arg10[%dma_start3A_1441, %dma_start3A_1442, %dma_start3A_1443] : memref<2x8x32xi32, #tpu.memory_space<vmem>> -> memref<1x1x32xi32, #tpu.memory_space<vmem>>
        %dma_start3A_1445 = tpu.memref_squeeze %dma_start3A_1444 : memref<1x1x32xi32, #tpu.memory_space<vmem>> -> memref<32xi32, #tpu.memory_space<vmem>>
        %dma_start3A_1446 = tpu.memref_slice %arg4[%mul3A_1430] : memref<327680xi32, #tpu.memory_space<hbm>> -> memref<32xi32, #tpu.memory_space<hbm>>
        %dma_start3A_1447 = arith.constant 0 : i32
        %dma_start3A_1448 = tpu.memref_slice %arg10[%dma_start3A_1441, %dma_start3A_1442, %dma_start3A_1447] : memref<2x8x32xi32, #tpu.memory_space<vmem>> -> memref<1x1x32xi32, #tpu.memory_space<vmem>>
        %dma_start3A_1449 = tpu.memref_squeeze %dma_start3A_1448 : memref<1x1x32xi32, #tpu.memory_space<vmem>> -> memref<32xi32, #tpu.memory_space<vmem>>
        %dma_start3A_1450 = tpu.memref_slice %arg4[%mul3A_1430] : memref<327680xi32, #tpu.memory_space<hbm>> -> memref<32xi32, #tpu.memory_space<hbm>>
        tpu.enqueue_dma source(%dma_start3A_1450 : memref<32xi32, #tpu.memory_space<hbm>>) target(%dma_start3A_1449 : memref<32xi32, #tpu.memory_space<vmem>>) target_semaphore(%arg19 : memref<!tpu.dma_semaphore, #tpu.memory_space<semaphore_mem>>)
      } else {
      }
      %dma_wait3A_1244 = arith.constant 1 : i32
      %dma_wait3A_1245 = arith.constant 5 : i32
      %dma_wait3A_1246 = arith.constant 5 : i32
      %dma_wait3A_1247 = arith.constant 0 : i32
      %dma_wait3A_1248 = arith.constant 0 : i32
      %dma_wait3A_1249 = tpu.memref_slice %arg11[%dma_wait3A_1246, %dma_wait3A_1247, %dma_wait3A_1248] : memref<8x32x128xf32, #tpu.memory_space<vmem>> -> memref<1x32x128xf32, #tpu.memory_space<vmem>>
      %dma_wait3A_1250 = tpu.memref_squeeze %dma_wait3A_1249 : memref<1x32x128xf32, #tpu.memory_space<vmem>> -> memref<32x128xf32, #tpu.memory_space<vmem>>
      %dma_wait3A_1251 = arith.constant 0 : i32
      %dma_wait3A_1252 = tpu.memref_slice %arg9[%dma_wait3A_1244, %dma_wait3A_1245, %dma_wait3A_1251] : memref<2x8x32xi32, #tpu.memory_space<vmem>> -> memref<1x1x32xi32, #tpu.memory_space<vmem>>
      %dma_wait3A_1253 = tpu.memref_squeeze %dma_wait3A_1252 : memref<1x1x32xi32, #tpu.memory_space<vmem>> -> memref<32xi32, #tpu.memory_space<vmem>>
      %dma_wait3A_1254 = arith.constant 0 : i32
      %dma_wait3A_1255 = arith.constant 0 : i32
      %dma_wait3A_1256 = tpu.memref_slice %arg2[%dma_wait3A_1254, %dma_wait3A_1255] : memref<10000x128xf32, #tpu.memory_space<hbm>> -> memref<10000x128xf32, #tpu.memory_space<hbm>>
      tpu.wait_indirect_dma semaphore(%arg28 : memref<!tpu.dma_semaphore, #tpu.memory_space<semaphore_mem>>) src(%dma_wait3A_1256 : memref<10000x128xf32, #tpu.memory_space<hbm>>) dst(%dma_wait3A_1250 : memref<32x128xf32, #tpu.memory_space<vmem>>)
      %dma_start3A_1257 = arith.constant 5 : i32
      %dma_start3A_1258 = arith.constant 1 : i32
      %dma_start3A_1259 = arith.constant 5 : i32
      %dma_start3A_1260 = arith.constant 0 : i32
      %dma_start3A_1261 = arith.constant 0 : i32
      %dma_start3A_1262 = tpu.memref_slice %arg11[%dma_start3A_1257, %dma_start3A_1260, %dma_start3A_1261] : memref<8x32x128xf32, #tpu.memory_space<vmem>> -> memref<1x32x128xf32, #tpu.memory_space<vmem>>
      %dma_start3A_1263 = tpu.memref_squeeze %dma_start3A_1262 : memref<1x32x128xf32, #tpu.memory_space<vmem>> -> memref<32x128xf32, #tpu.memory_space<vmem>>
      %dma_start3A_1264 = arith.constant 0 : i32
      %dma_start3A_1265 = tpu.memref_slice %arg10[%dma_start3A_1258, %dma_start3A_1259, %dma_start3A_1264] : memref<2x8x32xi32, #tpu.memory_space<vmem>> -> memref<1x1x32xi32, #tpu.memory_space<vmem>>
      %dma_start3A_1266 = tpu.memref_squeeze %dma_start3A_1265 : memref<1x1x32xi32, #tpu.memory_space<vmem>> -> memref<32xi32, #tpu.memory_space<vmem>>
      %dma_start3A_1267 = arith.constant 0 : i32
      %dma_start3A_1268 = arith.constant 0 : i32
      %dma_start3A_1269 = tpu.memref_slice %arg13[%dma_start3A_1267, %dma_start3A_1268] : memref<10240x128xf32, #tpu.memory_space<vmem_shared>> -> memref<10240x128xf32, #tpu.memory_space<vmem_shared>>
      tpu.enqueue_indirect_dma source(%dma_start3A_1263 : memref<32x128xf32, #tpu.memory_space<vmem>>) target(%dma_start3A_1269 : memref<10240x128xf32, #tpu.memory_space<vmem_shared>>) offsets(%dma_start3A_1266 : memref<32xi32, #tpu.memory_space<vmem>>) semaphore(%arg36 : memref<!tpu.dma_semaphore, #tpu.memory_space<semaphore_mem>>) {add = true}
      %dma_start3A_1270 = arith.constant 1 : i32
      %dma_start3A_1271 = arith.constant 5 : i32
      %dma_start3A_1272 = arith.constant 0 : i32
      %dma_start3A_1273 = tpu.memref_slice %arg10[%dma_start3A_1270, %dma_start3A_1271, %dma_start3A_1272] : memref<2x8x32xi32, #tpu.memory_space<vmem>> -> memref<1x1x32xi32, #tpu.memory_space<vmem>>
      %dma_start3A_1274 = tpu.memref_squeeze %dma_start3A_1273 : memref<1x1x32xi32, #tpu.memory_space<vmem>> -> memref<32xi32, #tpu.memory_space<vmem>>
      %dma_start3A_1275 = arith.constant 0 : i32
      %dma_start3A_1276 = tpu.memref_slice %arg14[%dma_start3A_1275] : memref<10240xf32, #tpu.memory_space<vmem_shared>> -> memref<10240xf32, #tpu.memory_space<vmem_shared>>
      tpu.enqueue_indirect_dma source(%arg12 : memref<32xf32, #tpu.memory_space<vmem>>) target(%dma_start3A_1276 : memref<10240xf32, #tpu.memory_space<vmem_shared>>) offsets(%dma_start3A_1274 : memref<32xi32, #tpu.memory_space<vmem>>) semaphore(%arg36 : memref<!tpu.dma_semaphore, #tpu.memory_space<semaphore_mem>>) {add = true}
      %add3A_1277 = arith.constant 1 : i32
      %add3A_1278 = arith.addi %add3A_1043, %add3A_1277 : i32
      %lt3A_1279 = arith.constant 40 : i32
      %lt3A_1280 = arith.cmpi slt, %add3A_1278, %lt3A_1279 : i32
      %convert_element_type3A_1281 = arith.extui %lt3A_1280 : i1 to i32
      %cond3A_1282 = arith.constant 0 : i32
      %cond3A_1283 = arith.cmpi ne, %convert_element_type3A_1281, %cond3A_1282 : i32
      scf.if %cond3A_1283 {
        %add3A_1420 = arith.constant 1 : i32
        %add3A_1421 = arith.addi %add3A_1043, %add3A_1420 : i32
        %mul3A_1422 = arith.constant 8 : i32
        %mul3A_1423 = arith.muli %add3A_1421, %mul3A_1422 : i32
        %add3A_1424 = arith.constant 5 : i32
        %add3A_1425 = arith.addi %mul3A_1423, %add3A_1424 : i32
        %mul3A_1426 = arith.constant 32 : i32
        %mul3A_1427 = arith.muli %add3A_1425, %mul3A_1426 : i32
        %add3A_1428 = arith.addi %mul3A_1427, %add3A : i32
        %mul3A_1429 = arith.constant 32 : i32
        %mul3A_1430 = arith.muli %add3A_1428, %mul3A_1429 : i32
        %dma_start3A_1431 = arith.constant 0 : i32
        %dma_start3A_1432 = arith.constant 5 : i32
        %dma_start3A_1433 = arith.constant 0 : i32
        %dma_start3A_1434 = tpu.memref_slice %arg9[%dma_start3A_1431, %dma_start3A_1432, %dma_start3A_1433] : memref<2x8x32xi32, #tpu.memory_space<vmem>> -> memref<1x1x32xi32, #tpu.memory_space<vmem>>
        %dma_start3A_1435 = tpu.memref_squeeze %dma_start3A_1434 : memref<1x1x32xi32, #tpu.memory_space<vmem>> -> memref<32xi32, #tpu.memory_space<vmem>>
        %dma_start3A_1436 = tpu.memref_slice %arg3[%mul3A_1430] : memref<327680xi32, #tpu.memory_space<hbm>> -> memref<32xi32, #tpu.memory_space<hbm>>
        %dma_start3A_1437 = arith.constant 0 : i32
        %dma_start3A_1438 = tpu.memref_slice %arg9[%dma_start3A_1431, %dma_start3A_1432, %dma_start3A_1437] : memref<2x8x32xi32, #tpu.memory_space<vmem>> -> memref<1x1x32xi32, #tpu.memory_space<vmem>>
        %dma_start3A_1439 = tpu.memref_squeeze %dma_start3A_1438 : memref<1x1x32xi32, #tpu.memory_space<vmem>> -> memref<32xi32, #tpu.memory_space<vmem>>
        %dma_start3A_1440 = tpu.memref_slice %arg3[%mul3A_1430] : memref<327680xi32, #tpu.memory_space<hbm>> -> memref<32xi32, #tpu.memory_space<hbm>>
        tpu.enqueue_dma source(%dma_start3A_1440 : memref<32xi32, #tpu.memory_space<hbm>>) target(%dma_start3A_1439 : memref<32xi32, #tpu.memory_space<vmem>>) target_semaphore(%arg20 : memref<!tpu.dma_semaphore, #tpu.memory_space<semaphore_mem>>)
        %dma_start3A_1441 = arith.constant 0 : i32
        %dma_start3A_1442 = arith.constant 5 : i32
        %dma_start3A_1443 = arith.constant 0 : i32
        %dma_start3A_1444 = tpu.memref_slice %arg10[%dma_start3A_1441, %dma_start3A_1442, %dma_start3A_1443] : memref<2x8x32xi32, #tpu.memory_space<vmem>> -> memref<1x1x32xi32, #tpu.memory_space<vmem>>
        %dma_start3A_1445 = tpu.memref_squeeze %dma_start3A_1444 : memref<1x1x32xi32, #tpu.memory_space<vmem>> -> memref<32xi32, #tpu.memory_space<vmem>>
        %dma_start3A_1446 = tpu.memref_slice %arg4[%mul3A_1430] : memref<327680xi32, #tpu.memory_space<hbm>> -> memref<32xi32, #tpu.memory_space<hbm>>
        %dma_start3A_1447 = arith.constant 0 : i32
        %dma_start3A_1448 = tpu.memref_slice %arg10[%dma_start3A_1441, %dma_start3A_1442, %dma_start3A_1447] : memref<2x8x32xi32, #tpu.memory_space<vmem>> -> memref<1x1x32xi32, #tpu.memory_space<vmem>>
        %dma_start3A_1449 = tpu.memref_squeeze %dma_start3A_1448 : memref<1x1x32xi32, #tpu.memory_space<vmem>> -> memref<32xi32, #tpu.memory_space<vmem>>
        %dma_start3A_1450 = tpu.memref_slice %arg4[%mul3A_1430] : memref<327680xi32, #tpu.memory_space<hbm>> -> memref<32xi32, #tpu.memory_space<hbm>>
        tpu.enqueue_dma source(%dma_start3A_1450 : memref<32xi32, #tpu.memory_space<hbm>>) target(%dma_start3A_1449 : memref<32xi32, #tpu.memory_space<vmem>>) target_semaphore(%arg20 : memref<!tpu.dma_semaphore, #tpu.memory_space<semaphore_mem>>)
      } else {
      }
      %dma_wait3A_1284 = arith.constant 1 : i32
      %dma_wait3A_1285 = arith.constant 6 : i32
      %dma_wait3A_1286 = arith.constant 6 : i32
      %dma_wait3A_1287 = arith.constant 0 : i32
      %dma_wait3A_1288 = arith.constant 0 : i32
      %dma_wait3A_1289 = tpu.memref_slice %arg11[%dma_wait3A_1286, %dma_wait3A_1287, %dma_wait3A_1288] : memref<8x32x128xf32, #tpu.memory_space<vmem>> -> memref<1x32x128xf32, #tpu.memory_space<vmem>>
      %dma_wait3A_1290 = tpu.memref_squeeze %dma_wait3A_1289 : memref<1x32x128xf32, #tpu.memory_space<vmem>> -> memref<32x128xf32, #tpu.memory_space<vmem>>
      %dma_wait3A_1291 = arith.constant 0 : i32
      %dma_wait3A_1292 = tpu.memref_slice %arg9[%dma_wait3A_1284, %dma_wait3A_1285, %dma_wait3A_1291] : memref<2x8x32xi32, #tpu.memory_space<vmem>> -> memref<1x1x32xi32, #tpu.memory_space<vmem>>
      %dma_wait3A_1293 = tpu.memref_squeeze %dma_wait3A_1292 : memref<1x1x32xi32, #tpu.memory_space<vmem>> -> memref<32xi32, #tpu.memory_space<vmem>>
      %dma_wait3A_1294 = arith.constant 0 : i32
      %dma_wait3A_1295 = arith.constant 0 : i32
      %dma_wait3A_1296 = tpu.memref_slice %arg2[%dma_wait3A_1294, %dma_wait3A_1295] : memref<10000x128xf32, #tpu.memory_space<hbm>> -> memref<10000x128xf32, #tpu.memory_space<hbm>>
      tpu.wait_indirect_dma semaphore(%arg29 : memref<!tpu.dma_semaphore, #tpu.memory_space<semaphore_mem>>) src(%dma_wait3A_1296 : memref<10000x128xf32, #tpu.memory_space<hbm>>) dst(%dma_wait3A_1290 : memref<32x128xf32, #tpu.memory_space<vmem>>)
      %dma_start3A_1297 = arith.constant 6 : i32
      %dma_start3A_1298 = arith.constant 1 : i32
      %dma_start3A_1299 = arith.constant 6 : i32
      %dma_start3A_1300 = arith.constant 0 : i32
      %dma_start3A_1301 = arith.constant 0 : i32
      %dma_start3A_1302 = tpu.memref_slice %arg11[%dma_start3A_1297, %dma_start3A_1300, %dma_start3A_1301] : memref<8x32x128xf32, #tpu.memory_space<vmem>> -> memref<1x32x128xf32, #tpu.memory_space<vmem>>
      %dma_start3A_1303 = tpu.memref_squeeze %dma_start3A_1302 : memref<1x32x128xf32, #tpu.memory_space<vmem>> -> memref<32x128xf32, #tpu.memory_space<vmem>>
      %dma_start3A_1304 = arith.constant 0 : i32
      %dma_start3A_1305 = tpu.memref_slice %arg10[%dma_start3A_1298, %dma_start3A_1299, %dma_start3A_1304] : memref<2x8x32xi32, #tpu.memory_space<vmem>> -> memref<1x1x32xi32, #tpu.memory_space<vmem>>
      %dma_start3A_1306 = tpu.memref_squeeze %dma_start3A_1305 : memref<1x1x32xi32, #tpu.memory_space<vmem>> -> memref<32xi32, #tpu.memory_space<vmem>>
      %dma_start3A_1307 = arith.constant 0 : i32
      %dma_start3A_1308 = arith.constant 0 : i32
      %dma_start3A_1309 = tpu.memref_slice %arg13[%dma_start3A_1307, %dma_start3A_1308] : memref<10240x128xf32, #tpu.memory_space<vmem_shared>> -> memref<10240x128xf32, #tpu.memory_space<vmem_shared>>
      tpu.enqueue_indirect_dma source(%dma_start3A_1303 : memref<32x128xf32, #tpu.memory_space<vmem>>) target(%dma_start3A_1309 : memref<10240x128xf32, #tpu.memory_space<vmem_shared>>) offsets(%dma_start3A_1306 : memref<32xi32, #tpu.memory_space<vmem>>) semaphore(%arg37 : memref<!tpu.dma_semaphore, #tpu.memory_space<semaphore_mem>>) {add = true}
      %dma_start3A_1310 = arith.constant 1 : i32
      %dma_start3A_1311 = arith.constant 6 : i32
      %dma_start3A_1312 = arith.constant 0 : i32
      %dma_start3A_1313 = tpu.memref_slice %arg10[%dma_start3A_1310, %dma_start3A_1311, %dma_start3A_1312] : memref<2x8x32xi32, #tpu.memory_space<vmem>> -> memref<1x1x32xi32, #tpu.memory_space<vmem>>
      %dma_start3A_1314 = tpu.memref_squeeze %dma_start3A_1313 : memref<1x1x32xi32, #tpu.memory_space<vmem>> -> memref<32xi32, #tpu.memory_space<vmem>>
      %dma_start3A_1315 = arith.constant 0 : i32
      %dma_start3A_1316 = tpu.memref_slice %arg14[%dma_start3A_1315] : memref<10240xf32, #tpu.memory_space<vmem_shared>> -> memref<10240xf32, #tpu.memory_space<vmem_shared>>
      tpu.enqueue_indirect_dma source(%arg12 : memref<32xf32, #tpu.memory_space<vmem>>) target(%dma_start3A_1316 : memref<10240xf32, #tpu.memory_space<vmem_shared>>) offsets(%dma_start3A_1314 : memref<32xi32, #tpu.memory_space<vmem>>) semaphore(%arg37 : memref<!tpu.dma_semaphore, #tpu.memory_space<semaphore_mem>>) {add = true}
      %add3A_1317 = arith.constant 1 : i32
      %add3A_1318 = arith.addi %add3A_1043, %add3A_1317 : i32
      %lt3A_1319 = arith.constant 40 : i32
      %lt3A_1320 = arith.cmpi slt, %add3A_1318, %lt3A_1319 : i32
      %convert_element_type3A_1321 = arith.extui %lt3A_1320 : i1 to i32
      %cond3A_1322 = arith.constant 0 : i32
      %cond3A_1323 = arith.cmpi ne, %convert_element_type3A_1321, %cond3A_1322 : i32
      scf.if %cond3A_1323 {
        %add3A_1420 = arith.constant 1 : i32
        %add3A_1421 = arith.addi %add3A_1043, %add3A_1420 : i32
        %mul3A_1422 = arith.constant 8 : i32
        %mul3A_1423 = arith.muli %add3A_1421, %mul3A_1422 : i32
        %add3A_1424 = arith.constant 6 : i32
        %add3A_1425 = arith.addi %mul3A_1423, %add3A_1424 : i32
        %mul3A_1426 = arith.constant 32 : i32
        %mul3A_1427 = arith.muli %add3A_1425, %mul3A_1426 : i32
        %add3A_1428 = arith.addi %mul3A_1427, %add3A : i32
        %mul3A_1429 = arith.constant 32 : i32
        %mul3A_1430 = arith.muli %add3A_1428, %mul3A_1429 : i32
        %dma_start3A_1431 = arith.constant 0 : i32
        %dma_start3A_1432 = arith.constant 6 : i32
        %dma_start3A_1433 = arith.constant 0 : i32
        %dma_start3A_1434 = tpu.memref_slice %arg9[%dma_start3A_1431, %dma_start3A_1432, %dma_start3A_1433] : memref<2x8x32xi32, #tpu.memory_space<vmem>> -> memref<1x1x32xi32, #tpu.memory_space<vmem>>
        %dma_start3A_1435 = tpu.memref_squeeze %dma_start3A_1434 : memref<1x1x32xi32, #tpu.memory_space<vmem>> -> memref<32xi32, #tpu.memory_space<vmem>>
        %dma_start3A_1436 = tpu.memref_slice %arg3[%mul3A_1430] : memref<327680xi32, #tpu.memory_space<hbm>> -> memref<32xi32, #tpu.memory_space<hbm>>
        %dma_start3A_1437 = arith.constant 0 : i32
        %dma_start3A_1438 = tpu.memref_slice %arg9[%dma_start3A_1431, %dma_start3A_1432, %dma_start3A_1437] : memref<2x8x32xi32, #tpu.memory_space<vmem>> -> memref<1x1x32xi32, #tpu.memory_space<vmem>>
        %dma_start3A_1439 = tpu.memref_squeeze %dma_start3A_1438 : memref<1x1x32xi32, #tpu.memory_space<vmem>> -> memref<32xi32, #tpu.memory_space<vmem>>
        %dma_start3A_1440 = tpu.memref_slice %arg3[%mul3A_1430] : memref<327680xi32, #tpu.memory_space<hbm>> -> memref<32xi32, #tpu.memory_space<hbm>>
        tpu.enqueue_dma source(%dma_start3A_1440 : memref<32xi32, #tpu.memory_space<hbm>>) target(%dma_start3A_1439 : memref<32xi32, #tpu.memory_space<vmem>>) target_semaphore(%arg21 : memref<!tpu.dma_semaphore, #tpu.memory_space<semaphore_mem>>)
        %dma_start3A_1441 = arith.constant 0 : i32
        %dma_start3A_1442 = arith.constant 6 : i32
        %dma_start3A_1443 = arith.constant 0 : i32
        %dma_start3A_1444 = tpu.memref_slice %arg10[%dma_start3A_1441, %dma_start3A_1442, %dma_start3A_1443] : memref<2x8x32xi32, #tpu.memory_space<vmem>> -> memref<1x1x32xi32, #tpu.memory_space<vmem>>
        %dma_start3A_1445 = tpu.memref_squeeze %dma_start3A_1444 : memref<1x1x32xi32, #tpu.memory_space<vmem>> -> memref<32xi32, #tpu.memory_space<vmem>>
        %dma_start3A_1446 = tpu.memref_slice %arg4[%mul3A_1430] : memref<327680xi32, #tpu.memory_space<hbm>> -> memref<32xi32, #tpu.memory_space<hbm>>
        %dma_start3A_1447 = arith.constant 0 : i32
        %dma_start3A_1448 = tpu.memref_slice %arg10[%dma_start3A_1441, %dma_start3A_1442, %dma_start3A_1447] : memref<2x8x32xi32, #tpu.memory_space<vmem>> -> memref<1x1x32xi32, #tpu.memory_space<vmem>>
        %dma_start3A_1449 = tpu.memref_squeeze %dma_start3A_1448 : memref<1x1x32xi32, #tpu.memory_space<vmem>> -> memref<32xi32, #tpu.memory_space<vmem>>
        %dma_start3A_1450 = tpu.memref_slice %arg4[%mul3A_1430] : memref<327680xi32, #tpu.memory_space<hbm>> -> memref<32xi32, #tpu.memory_space<hbm>>
        tpu.enqueue_dma source(%dma_start3A_1450 : memref<32xi32, #tpu.memory_space<hbm>>) target(%dma_start3A_1449 : memref<32xi32, #tpu.memory_space<vmem>>) target_semaphore(%arg21 : memref<!tpu.dma_semaphore, #tpu.memory_space<semaphore_mem>>)
      } else {
      }
      %dma_wait3A_1324 = arith.constant 1 : i32
      %dma_wait3A_1325 = arith.constant 7 : i32
      %dma_wait3A_1326 = arith.constant 7 : i32
      %dma_wait3A_1327 = arith.constant 0 : i32
      %dma_wait3A_1328 = arith.constant 0 : i32
      %dma_wait3A_1329 = tpu.memref_slice %arg11[%dma_wait3A_1326, %dma_wait3A_1327, %dma_wait3A_1328] : memref<8x32x128xf32, #tpu.memory_space<vmem>> -> memref<1x32x128xf32, #tpu.memory_space<vmem>>
      %dma_wait3A_1330 = tpu.memref_squeeze %dma_wait3A_1329 : memref<1x32x128xf32, #tpu.memory_space<vmem>> -> memref<32x128xf32, #tpu.memory_space<vmem>>
      %dma_wait3A_1331 = arith.constant 0 : i32
      %dma_wait3A_1332 = tpu.memref_slice %arg9[%dma_wait3A_1324, %dma_wait3A_1325, %dma_wait3A_1331] : memref<2x8x32xi32, #tpu.memory_space<vmem>> -> memref<1x1x32xi32, #tpu.memory_space<vmem>>
      %dma_wait3A_1333 = tpu.memref_squeeze %dma_wait3A_1332 : memref<1x1x32xi32, #tpu.memory_space<vmem>> -> memref<32xi32, #tpu.memory_space<vmem>>
      %dma_wait3A_1334 = arith.constant 0 : i32
      %dma_wait3A_1335 = arith.constant 0 : i32
      %dma_wait3A_1336 = tpu.memref_slice %arg2[%dma_wait3A_1334, %dma_wait3A_1335] : memref<10000x128xf32, #tpu.memory_space<hbm>> -> memref<10000x128xf32, #tpu.memory_space<hbm>>
      tpu.wait_indirect_dma semaphore(%arg30 : memref<!tpu.dma_semaphore, #tpu.memory_space<semaphore_mem>>) src(%dma_wait3A_1336 : memref<10000x128xf32, #tpu.memory_space<hbm>>) dst(%dma_wait3A_1330 : memref<32x128xf32, #tpu.memory_space<vmem>>)
      %dma_start3A_1337 = arith.constant 7 : i32
      %dma_start3A_1338 = arith.constant 1 : i32
      %dma_start3A_1339 = arith.constant 7 : i32
      %dma_start3A_1340 = arith.constant 0 : i32
      %dma_start3A_1341 = arith.constant 0 : i32
      %dma_start3A_1342 = tpu.memref_slice %arg11[%dma_start3A_1337, %dma_start3A_1340, %dma_start3A_1341] : memref<8x32x128xf32, #tpu.memory_space<vmem>> -> memref<1x32x128xf32, #tpu.memory_space<vmem>>
      %dma_start3A_1343 = tpu.memref_squeeze %dma_start3A_1342 : memref<1x32x128xf32, #tpu.memory_space<vmem>> -> memref<32x128xf32, #tpu.memory_space<vmem>>
      %dma_start3A_1344 = arith.constant 0 : i32
      %dma_start3A_1345 = tpu.memref_slice %arg10[%dma_start3A_1338, %dma_start3A_1339, %dma_start3A_1344] : memref<2x8x32xi32, #tpu.memory_space<vmem>> -> memref<1x1x32xi32, #tpu.memory_space<vmem>>
      %dma_start3A_1346 = tpu.memref_squeeze %dma_start3A_1345 : memref<1x1x32xi32, #tpu.memory_space<vmem>> -> memref<32xi32, #tpu.memory_space<vmem>>
      %dma_start3A_1347 = arith.constant 0 : i32
      %dma_start3A_1348 = arith.constant 0 : i32
      %dma_start3A_1349 = tpu.memref_slice %arg13[%dma_start3A_1347, %dma_start3A_1348] : memref<10240x128xf32, #tpu.memory_space<vmem_shared>> -> memref<10240x128xf32, #tpu.memory_space<vmem_shared>>
      tpu.enqueue_indirect_dma source(%dma_start3A_1343 : memref<32x128xf32, #tpu.memory_space<vmem>>) target(%dma_start3A_1349 : memref<10240x128xf32, #tpu.memory_space<vmem_shared>>) offsets(%dma_start3A_1346 : memref<32xi32, #tpu.memory_space<vmem>>) semaphore(%arg38 : memref<!tpu.dma_semaphore, #tpu.memory_space<semaphore_mem>>) {add = true}
      %dma_start3A_1350 = arith.constant 1 : i32
      %dma_start3A_1351 = arith.constant 7 : i32
      %dma_start3A_1352 = arith.constant 0 : i32
      %dma_start3A_1353 = tpu.memref_slice %arg10[%dma_start3A_1350, %dma_start3A_1351, %dma_start3A_1352] : memref<2x8x32xi32, #tpu.memory_space<vmem>> -> memref<1x1x32xi32, #tpu.memory_space<vmem>>
      %dma_start3A_1354 = tpu.memref_squeeze %dma_start3A_1353 : memref<1x1x32xi32, #tpu.memory_space<vmem>> -> memref<32xi32, #tpu.memory_space<vmem>>
      %dma_start3A_1355 = arith.constant 0 : i32
      %dma_start3A_1356 = tpu.memref_slice %arg14[%dma_start3A_1355] : memref<10240xf32, #tpu.memory_space<vmem_shared>> -> memref<10240xf32, #tpu.memory_space<vmem_shared>>
      tpu.enqueue_indirect_dma source(%arg12 : memref<32xf32, #tpu.memory_space<vmem>>) target(%dma_start3A_1356 : memref<10240xf32, #tpu.memory_space<vmem_shared>>) offsets(%dma_start3A_1354 : memref<32xi32, #tpu.memory_space<vmem>>) semaphore(%arg38 : memref<!tpu.dma_semaphore, #tpu.memory_space<semaphore_mem>>) {add = true}
      %add3A_1357 = arith.constant 1 : i32
      %add3A_1358 = arith.addi %add3A_1043, %add3A_1357 : i32
      %lt3A_1359 = arith.constant 40 : i32
      %lt3A_1360 = arith.cmpi slt, %add3A_1358, %lt3A_1359 : i32
      %convert_element_type3A_1361 = arith.extui %lt3A_1360 : i1 to i32
      %cond3A_1362 = arith.constant 0 : i32
      %cond3A_1363 = arith.cmpi ne, %convert_element_type3A_1361, %cond3A_1362 : i32
      scf.if %cond3A_1363 {
        %add3A_1420 = arith.constant 1 : i32
        %add3A_1421 = arith.addi %add3A_1043, %add3A_1420 : i32
        %mul3A_1422 = arith.constant 8 : i32
        %mul3A_1423 = arith.muli %add3A_1421, %mul3A_1422 : i32
        %add3A_1424 = arith.constant 7 : i32
        %add3A_1425 = arith.addi %mul3A_1423, %add3A_1424 : i32
        %mul3A_1426 = arith.constant 32 : i32
        %mul3A_1427 = arith.muli %add3A_1425, %mul3A_1426 : i32
        %add3A_1428 = arith.addi %mul3A_1427, %add3A : i32
        %mul3A_1429 = arith.constant 32 : i32
        %mul3A_1430 = arith.muli %add3A_1428, %mul3A_1429 : i32
        %dma_start3A_1431 = arith.constant 0 : i32
        %dma_start3A_1432 = arith.constant 7 : i32
        %dma_start3A_1433 = arith.constant 0 : i32
        %dma_start3A_1434 = tpu.memref_slice %arg9[%dma_start3A_1431, %dma_start3A_1432, %dma_start3A_1433] : memref<2x8x32xi32, #tpu.memory_space<vmem>> -> memref<1x1x32xi32, #tpu.memory_space<vmem>>
        %dma_start3A_1435 = tpu.memref_squeeze %dma_start3A_1434 : memref<1x1x32xi32, #tpu.memory_space<vmem>> -> memref<32xi32, #tpu.memory_space<vmem>>
        %dma_start3A_1436 = tpu.memref_slice %arg3[%mul3A_1430] : memref<327680xi32, #tpu.memory_space<hbm>> -> memref<32xi32, #tpu.memory_space<hbm>>
        %dma_start3A_1437 = arith.constant 0 : i32
        %dma_start3A_1438 = tpu.memref_slice %arg9[%dma_start3A_1431, %dma_start3A_1432, %dma_start3A_1437] : memref<2x8x32xi32, #tpu.memory_space<vmem>> -> memref<1x1x32xi32, #tpu.memory_space<vmem>>
        %dma_start3A_1439 = tpu.memref_squeeze %dma_start3A_1438 : memref<1x1x32xi32, #tpu.memory_space<vmem>> -> memref<32xi32, #tpu.memory_space<vmem>>
        %dma_start3A_1440 = tpu.memref_slice %arg3[%mul3A_1430] : memref<327680xi32, #tpu.memory_space<hbm>> -> memref<32xi32, #tpu.memory_space<hbm>>
        tpu.enqueue_dma source(%dma_start3A_1440 : memref<32xi32, #tpu.memory_space<hbm>>) target(%dma_start3A_1439 : memref<32xi32, #tpu.memory_space<vmem>>) target_semaphore(%arg22 : memref<!tpu.dma_semaphore, #tpu.memory_space<semaphore_mem>>)
        %dma_start3A_1441 = arith.constant 0 : i32
        %dma_start3A_1442 = arith.constant 7 : i32
        %dma_start3A_1443 = arith.constant 0 : i32
        %dma_start3A_1444 = tpu.memref_slice %arg10[%dma_start3A_1441, %dma_start3A_1442, %dma_start3A_1443] : memref<2x8x32xi32, #tpu.memory_space<vmem>> -> memref<1x1x32xi32, #tpu.memory_space<vmem>>
        %dma_start3A_1445 = tpu.memref_squeeze %dma_start3A_1444 : memref<1x1x32xi32, #tpu.memory_space<vmem>> -> memref<32xi32, #tpu.memory_space<vmem>>
        %dma_start3A_1446 = tpu.memref_slice %arg4[%mul3A_1430] : memref<327680xi32, #tpu.memory_space<hbm>> -> memref<32xi32, #tpu.memory_space<hbm>>
        %dma_start3A_1447 = arith.constant 0 : i32
        %dma_start3A_1448 = tpu.memref_slice %arg10[%dma_start3A_1441, %dma_start3A_1442, %dma_start3A_1447] : memref<2x8x32xi32, #tpu.memory_space<vmem>> -> memref<1x1x32xi32, #tpu.memory_space<vmem>>
        %dma_start3A_1449 = tpu.memref_squeeze %dma_start3A_1448 : memref<1x1x32xi32, #tpu.memory_space<vmem>> -> memref<32xi32, #tpu.memory_space<vmem>>
        %dma_start3A_1450 = tpu.memref_slice %arg4[%mul3A_1430] : memref<327680xi32, #tpu.memory_space<hbm>> -> memref<32xi32, #tpu.memory_space<hbm>>
        tpu.enqueue_dma source(%dma_start3A_1450 : memref<32xi32, #tpu.memory_space<hbm>>) target(%dma_start3A_1449 : memref<32xi32, #tpu.memory_space<vmem>>) target_semaphore(%arg22 : memref<!tpu.dma_semaphore, #tpu.memory_space<semaphore_mem>>)
      } else {
      }
      %add3A_1364 = arith.constant 1 : i32
      %add3A_1365 = arith.addi %add3A_1043, %add3A_1364 : i32
      %lt3A_1366 = arith.constant 40 : i32
      %lt3A_1367 = arith.cmpi slt, %add3A_1365, %lt3A_1366 : i32
      %convert_element_type3A_1368 = arith.extui %lt3A_1367 : i1 to i32
      %cond3A_1369 = arith.constant 0 : i32
      %cond3A_1370 = arith.cmpi ne, %convert_element_type3A_1368, %cond3A_1369 : i32
      scf.if %cond3A_1370 {
        %dma_wait3A_1420 = arith.constant 0 : i32
        %dma_wait3A_1421 = arith.constant 1 : i32
        %dma_wait3A_1422 = arith.constant 0 : i32
        %dma_wait3A_1423 = arith.constant 0 : i32
        %dma_wait3A_1424 = arith.constant 0 : i32
        %dma_wait3A_1425 = tpu.memref_slice %arg11[%dma_wait3A_1420, %dma_wait3A_1423, %dma_wait3A_1424] : memref<8x32x128xf32, #tpu.memory_space<vmem>> -> memref<1x32x128xf32, #tpu.memory_space<vmem>>
        %dma_wait3A_1426 = tpu.memref_squeeze %dma_wait3A_1425 : memref<1x32x128xf32, #tpu.memory_space<vmem>> -> memref<32x128xf32, #tpu.memory_space<vmem>>
        %dma_wait3A_1427 = arith.constant 0 : i32
        %dma_wait3A_1428 = tpu.memref_slice %arg10[%dma_wait3A_1421, %dma_wait3A_1422, %dma_wait3A_1427] : memref<2x8x32xi32, #tpu.memory_space<vmem>> -> memref<1x1x32xi32, #tpu.memory_space<vmem>>
        %dma_wait3A_1429 = tpu.memref_squeeze %dma_wait3A_1428 : memref<1x1x32xi32, #tpu.memory_space<vmem>> -> memref<32xi32, #tpu.memory_space<vmem>>
        %dma_wait3A_1430 = arith.constant 0 : i32
        %dma_wait3A_1431 = arith.constant 0 : i32
        %dma_wait3A_1432 = tpu.memref_slice %arg13[%dma_wait3A_1430, %dma_wait3A_1431] : memref<10240x128xf32, #tpu.memory_space<vmem_shared>> -> memref<10240x128xf32, #tpu.memory_space<vmem_shared>>
        tpu.wait_indirect_dma semaphore(%arg31 : memref<!tpu.dma_semaphore, #tpu.memory_space<semaphore_mem>>) src(%dma_wait3A_1426 : memref<32x128xf32, #tpu.memory_space<vmem>>) dst(%dma_wait3A_1432 : memref<10240x128xf32, #tpu.memory_space<vmem_shared>>)
        %dma_wait3A_1433 = arith.constant 1 : i32
        %dma_wait3A_1434 = arith.constant 0 : i32
        %dma_wait3A_1435 = arith.constant 0 : i32
        %dma_wait3A_1436 = tpu.memref_slice %arg10[%dma_wait3A_1433, %dma_wait3A_1434, %dma_wait3A_1435] : memref<2x8x32xi32, #tpu.memory_space<vmem>> -> memref<1x1x32xi32, #tpu.memory_space<vmem>>
        %dma_wait3A_1437 = tpu.memref_squeeze %dma_wait3A_1436 : memref<1x1x32xi32, #tpu.memory_space<vmem>> -> memref<32xi32, #tpu.memory_space<vmem>>
        %dma_wait3A_1438 = arith.constant 0 : i32
        %dma_wait3A_1439 = tpu.memref_slice %arg14[%dma_wait3A_1438] : memref<10240xf32, #tpu.memory_space<vmem_shared>> -> memref<10240xf32, #tpu.memory_space<vmem_shared>>
        tpu.wait_indirect_dma semaphore(%arg31 : memref<!tpu.dma_semaphore, #tpu.memory_space<semaphore_mem>>) src(%arg12 : memref<32xf32, #tpu.memory_space<vmem>>) dst(%dma_wait3A_1439 : memref<10240xf32, #tpu.memory_space<vmem_shared>>)
        %dma_wait3A_1440 = arith.constant 0 : i32
        %dma_wait3A_1441 = arith.constant 0 : i32
        %dma_wait3A_1442 = arith.constant 0 : i32
        %dma_wait3A_1443 = tpu.memref_slice %arg9[%dma_wait3A_1440, %dma_wait3A_1441, %dma_wait3A_1442] : memref<2x8x32xi32, #tpu.memory_space<vmem>> -> memref<1x1x32xi32, #tpu.memory_space<vmem>>
        %dma_wait3A_1444 = tpu.memref_squeeze %dma_wait3A_1443 : memref<1x1x32xi32, #tpu.memory_space<vmem>> -> memref<32xi32, #tpu.memory_space<vmem>>
        %dma_wait3A_1445 = arith.constant 0 : i32
        %dma_wait3A_1446 = tpu.memref_slice %arg3[%dma_wait3A_1445] : memref<327680xi32, #tpu.memory_space<hbm>> -> memref<32xi32, #tpu.memory_space<hbm>>
        %dma_wait3A_1447 = arith.constant 0 : i32
        %dma_wait3A_1448 = tpu.memref_slice %arg9[%dma_wait3A_1440, %dma_wait3A_1441, %dma_wait3A_1447] : memref<2x8x32xi32, #tpu.memory_space<vmem>> -> memref<1x1x32xi32, #tpu.memory_space<vmem>>
        %dma_wait3A_1449 = tpu.memref_squeeze %dma_wait3A_1448 : memref<1x1x32xi32, #tpu.memory_space<vmem>> -> memref<32xi32, #tpu.memory_space<vmem>>
        %dma_wait3A_1450 = arith.constant 0 : i32
        %dma_wait3A_1451 = tpu.memref_slice %arg3[%dma_wait3A_1450] : memref<327680xi32, #tpu.memory_space<hbm>> -> memref<32xi32, #tpu.memory_space<hbm>>
        tpu.wait_dma2 semaphore(%arg15 : memref<!tpu.dma_semaphore, #tpu.memory_space<semaphore_mem>>) src(%dma_wait3A_1451 : memref<32xi32, #tpu.memory_space<hbm>>) dst(%dma_wait3A_1449 : memref<32xi32, #tpu.memory_space<vmem>>)
        %dma_wait3A_1452 = arith.constant 0 : i32
        %dma_wait3A_1453 = arith.constant 0 : i32
        %dma_wait3A_1454 = arith.constant 0 : i32
        %dma_wait3A_1455 = tpu.memref_slice %arg10[%dma_wait3A_1452, %dma_wait3A_1453, %dma_wait3A_1454] : memref<2x8x32xi32, #tpu.memory_space<vmem>> -> memref<1x1x32xi32, #tpu.memory_space<vmem>>
        %dma_wait3A_1456 = tpu.memref_squeeze %dma_wait3A_1455 : memref<1x1x32xi32, #tpu.memory_space<vmem>> -> memref<32xi32, #tpu.memory_space<vmem>>
        %dma_wait3A_1457 = arith.constant 0 : i32
        %dma_wait3A_1458 = tpu.memref_slice %arg4[%dma_wait3A_1457] : memref<327680xi32, #tpu.memory_space<hbm>> -> memref<32xi32, #tpu.memory_space<hbm>>
        %dma_wait3A_1459 = arith.constant 0 : i32
        %dma_wait3A_1460 = tpu.memref_slice %arg10[%dma_wait3A_1452, %dma_wait3A_1453, %dma_wait3A_1459] : memref<2x8x32xi32, #tpu.memory_space<vmem>> -> memref<1x1x32xi32, #tpu.memory_space<vmem>>
        %dma_wait3A_1461 = tpu.memref_squeeze %dma_wait3A_1460 : memref<1x1x32xi32, #tpu.memory_space<vmem>> -> memref<32xi32, #tpu.memory_space<vmem>>
        %dma_wait3A_1462 = arith.constant 0 : i32
        %dma_wait3A_1463 = tpu.memref_slice %arg4[%dma_wait3A_1462] : memref<327680xi32, #tpu.memory_space<hbm>> -> memref<32xi32, #tpu.memory_space<hbm>>
        tpu.wait_dma2 semaphore(%arg15 : memref<!tpu.dma_semaphore, #tpu.memory_space<semaphore_mem>>) src(%dma_wait3A_1463 : memref<32xi32, #tpu.memory_space<hbm>>) dst(%dma_wait3A_1461 : memref<32xi32, #tpu.memory_space<vmem>>)
        %dma_start3A_1464 = arith.constant 0 : i32
        %dma_start3A_1465 = arith.constant 0 : i32
        %dma_start3A_1466 = arith.constant 0 : i32
        %dma_start3A_1467 = arith.constant 0 : i32
        %dma_start3A_1468 = arith.constant 0 : i32
        %dma_start3A_1469 = tpu.memref_slice %arg11[%dma_start3A_1466, %dma_start3A_1467, %dma_start3A_1468] : memref<8x32x128xf32, #tpu.memory_space<vmem>> -> memref<1x32x128xf32, #tpu.memory_space<vmem>>
        %dma_start3A_1470 = tpu.memref_squeeze %dma_start3A_1469 : memref<1x32x128xf32, #tpu.memory_space<vmem>> -> memref<32x128xf32, #tpu.memory_space<vmem>>
        %dma_start3A_1471 = arith.constant 0 : i32
        %dma_start3A_1472 = tpu.memref_slice %arg9[%dma_start3A_1464, %dma_start3A_1465, %dma_start3A_1471] : memref<2x8x32xi32, #tpu.memory_space<vmem>> -> memref<1x1x32xi32, #tpu.memory_space<vmem>>
        %dma_start3A_1473 = tpu.memref_squeeze %dma_start3A_1472 : memref<1x1x32xi32, #tpu.memory_space<vmem>> -> memref<32xi32, #tpu.memory_space<vmem>>
        %dma_start3A_1474 = arith.constant 0 : i32
        %dma_start3A_1475 = arith.constant 0 : i32
        %dma_start3A_1476 = tpu.memref_slice %arg2[%dma_start3A_1474, %dma_start3A_1475] : memref<10000x128xf32, #tpu.memory_space<hbm>> -> memref<10000x128xf32, #tpu.memory_space<hbm>>
        tpu.enqueue_indirect_dma source(%dma_start3A_1476 : memref<10000x128xf32, #tpu.memory_space<hbm>>) target(%dma_start3A_1470 : memref<32x128xf32, #tpu.memory_space<vmem>>) offsets(%dma_start3A_1473 : memref<32xi32, #tpu.memory_space<vmem>>) semaphore(%arg23 : memref<!tpu.dma_semaphore, #tpu.memory_space<semaphore_mem>>)
      } else {
      }
      %add3A_1371 = arith.constant 1 : i32
      %add3A_1372 = arith.addi %add3A_1043, %add3A_1371 : i32
      %lt3A_1373 = arith.constant 40 : i32
      %lt3A_1374 = arith.cmpi slt, %add3A_1372, %lt3A_1373 : i32
      %convert_element_type3A_1375 = arith.extui %lt3A_1374 : i1 to i32
      %cond3A_1376 = arith.constant 0 : i32
      %cond3A_1377 = arith.cmpi ne, %convert_element_type3A_1375, %cond3A_1376 : i32
      scf.if %cond3A_1377 {
        %dma_wait3A_1420 = arith.constant 1 : i32
        %dma_wait3A_1421 = arith.constant 1 : i32
        %dma_wait3A_1422 = arith.constant 1 : i32
        %dma_wait3A_1423 = arith.constant 0 : i32
        %dma_wait3A_1424 = arith.constant 0 : i32
        %dma_wait3A_1425 = tpu.memref_slice %arg11[%dma_wait3A_1420, %dma_wait3A_1423, %dma_wait3A_1424] : memref<8x32x128xf32, #tpu.memory_space<vmem>> -> memref<1x32x128xf32, #tpu.memory_space<vmem>>
        %dma_wait3A_1426 = tpu.memref_squeeze %dma_wait3A_1425 : memref<1x32x128xf32, #tpu.memory_space<vmem>> -> memref<32x128xf32, #tpu.memory_space<vmem>>
        %dma_wait3A_1427 = arith.constant 0 : i32
        %dma_wait3A_1428 = tpu.memref_slice %arg10[%dma_wait3A_1421, %dma_wait3A_1422, %dma_wait3A_1427] : memref<2x8x32xi32, #tpu.memory_space<vmem>> -> memref<1x1x32xi32, #tpu.memory_space<vmem>>
        %dma_wait3A_1429 = tpu.memref_squeeze %dma_wait3A_1428 : memref<1x1x32xi32, #tpu.memory_space<vmem>> -> memref<32xi32, #tpu.memory_space<vmem>>
        %dma_wait3A_1430 = arith.constant 0 : i32
        %dma_wait3A_1431 = arith.constant 0 : i32
        %dma_wait3A_1432 = tpu.memref_slice %arg13[%dma_wait3A_1430, %dma_wait3A_1431] : memref<10240x128xf32, #tpu.memory_space<vmem_shared>> -> memref<10240x128xf32, #tpu.memory_space<vmem_shared>>
        tpu.wait_indirect_dma semaphore(%arg32 : memref<!tpu.dma_semaphore, #tpu.memory_space<semaphore_mem>>) src(%dma_wait3A_1426 : memref<32x128xf32, #tpu.memory_space<vmem>>) dst(%dma_wait3A_1432 : memref<10240x128xf32, #tpu.memory_space<vmem_shared>>)
        %dma_wait3A_1433 = arith.constant 1 : i32
        %dma_wait3A_1434 = arith.constant 1 : i32
        %dma_wait3A_1435 = arith.constant 0 : i32
        %dma_wait3A_1436 = tpu.memref_slice %arg10[%dma_wait3A_1433, %dma_wait3A_1434, %dma_wait3A_1435] : memref<2x8x32xi32, #tpu.memory_space<vmem>> -> memref<1x1x32xi32, #tpu.memory_space<vmem>>
        %dma_wait3A_1437 = tpu.memref_squeeze %dma_wait3A_1436 : memref<1x1x32xi32, #tpu.memory_space<vmem>> -> memref<32xi32, #tpu.memory_space<vmem>>
        %dma_wait3A_1438 = arith.constant 0 : i32
        %dma_wait3A_1439 = tpu.memref_slice %arg14[%dma_wait3A_1438] : memref<10240xf32, #tpu.memory_space<vmem_shared>> -> memref<10240xf32, #tpu.memory_space<vmem_shared>>
        tpu.wait_indirect_dma semaphore(%arg32 : memref<!tpu.dma_semaphore, #tpu.memory_space<semaphore_mem>>) src(%arg12 : memref<32xf32, #tpu.memory_space<vmem>>) dst(%dma_wait3A_1439 : memref<10240xf32, #tpu.memory_space<vmem_shared>>)
        %dma_wait3A_1440 = arith.constant 0 : i32
        %dma_wait3A_1441 = arith.constant 1 : i32
        %dma_wait3A_1442 = arith.constant 0 : i32
        %dma_wait3A_1443 = tpu.memref_slice %arg9[%dma_wait3A_1440, %dma_wait3A_1441, %dma_wait3A_1442] : memref<2x8x32xi32, #tpu.memory_space<vmem>> -> memref<1x1x32xi32, #tpu.memory_space<vmem>>
        %dma_wait3A_1444 = tpu.memref_squeeze %dma_wait3A_1443 : memref<1x1x32xi32, #tpu.memory_space<vmem>> -> memref<32xi32, #tpu.memory_space<vmem>>
        %dma_wait3A_1445 = arith.constant 0 : i32
        %dma_wait3A_1446 = tpu.memref_slice %arg3[%dma_wait3A_1445] : memref<327680xi32, #tpu.memory_space<hbm>> -> memref<32xi32, #tpu.memory_space<hbm>>
        %dma_wait3A_1447 = arith.constant 0 : i32
        %dma_wait3A_1448 = tpu.memref_slice %arg9[%dma_wait3A_1440, %dma_wait3A_1441, %dma_wait3A_1447] : memref<2x8x32xi32, #tpu.memory_space<vmem>> -> memref<1x1x32xi32, #tpu.memory_space<vmem>>
        %dma_wait3A_1449 = tpu.memref_squeeze %dma_wait3A_1448 : memref<1x1x32xi32, #tpu.memory_space<vmem>> -> memref<32xi32, #tpu.memory_space<vmem>>
        %dma_wait3A_1450 = arith.constant 0 : i32
        %dma_wait3A_1451 = tpu.memref_slice %arg3[%dma_wait3A_1450] : memref<327680xi32, #tpu.memory_space<hbm>> -> memref<32xi32, #tpu.memory_space<hbm>>
        tpu.wait_dma2 semaphore(%arg16 : memref<!tpu.dma_semaphore, #tpu.memory_space<semaphore_mem>>) src(%dma_wait3A_1451 : memref<32xi32, #tpu.memory_space<hbm>>) dst(%dma_wait3A_1449 : memref<32xi32, #tpu.memory_space<vmem>>)
        %dma_wait3A_1452 = arith.constant 0 : i32
        %dma_wait3A_1453 = arith.constant 1 : i32
        %dma_wait3A_1454 = arith.constant 0 : i32
        %dma_wait3A_1455 = tpu.memref_slice %arg10[%dma_wait3A_1452, %dma_wait3A_1453, %dma_wait3A_1454] : memref<2x8x32xi32, #tpu.memory_space<vmem>> -> memref<1x1x32xi32, #tpu.memory_space<vmem>>
        %dma_wait3A_1456 = tpu.memref_squeeze %dma_wait3A_1455 : memref<1x1x32xi32, #tpu.memory_space<vmem>> -> memref<32xi32, #tpu.memory_space<vmem>>
        %dma_wait3A_1457 = arith.constant 0 : i32
        %dma_wait3A_1458 = tpu.memref_slice %arg4[%dma_wait3A_1457] : memref<327680xi32, #tpu.memory_space<hbm>> -> memref<32xi32, #tpu.memory_space<hbm>>
        %dma_wait3A_1459 = arith.constant 0 : i32
        %dma_wait3A_1460 = tpu.memref_slice %arg10[%dma_wait3A_1452, %dma_wait3A_1453, %dma_wait3A_1459] : memref<2x8x32xi32, #tpu.memory_space<vmem>> -> memref<1x1x32xi32, #tpu.memory_space<vmem>>
        %dma_wait3A_1461 = tpu.memref_squeeze %dma_wait3A_1460 : memref<1x1x32xi32, #tpu.memory_space<vmem>> -> memref<32xi32, #tpu.memory_space<vmem>>
        %dma_wait3A_1462 = arith.constant 0 : i32
        %dma_wait3A_1463 = tpu.memref_slice %arg4[%dma_wait3A_1462] : memref<327680xi32, #tpu.memory_space<hbm>> -> memref<32xi32, #tpu.memory_space<hbm>>
        tpu.wait_dma2 semaphore(%arg16 : memref<!tpu.dma_semaphore, #tpu.memory_space<semaphore_mem>>) src(%dma_wait3A_1463 : memref<32xi32, #tpu.memory_space<hbm>>) dst(%dma_wait3A_1461 : memref<32xi32, #tpu.memory_space<vmem>>)
        %dma_start3A_1464 = arith.constant 0 : i32
        %dma_start3A_1465 = arith.constant 1 : i32
        %dma_start3A_1466 = arith.constant 1 : i32
        %dma_start3A_1467 = arith.constant 0 : i32
        %dma_start3A_1468 = arith.constant 0 : i32
        %dma_start3A_1469 = tpu.memref_slice %arg11[%dma_start3A_1466, %dma_start3A_1467, %dma_start3A_1468] : memref<8x32x128xf32, #tpu.memory_space<vmem>> -> memref<1x32x128xf32, #tpu.memory_space<vmem>>
        %dma_start3A_1470 = tpu.memref_squeeze %dma_start3A_1469 : memref<1x32x128xf32, #tpu.memory_space<vmem>> -> memref<32x128xf32, #tpu.memory_space<vmem>>
        %dma_start3A_1471 = arith.constant 0 : i32
        %dma_start3A_1472 = tpu.memref_slice %arg9[%dma_start3A_1464, %dma_start3A_1465, %dma_start3A_1471] : memref<2x8x32xi32, #tpu.memory_space<vmem>> -> memref<1x1x32xi32, #tpu.memory_space<vmem>>
        %dma_start3A_1473 = tpu.memref_squeeze %dma_start3A_1472 : memref<1x1x32xi32, #tpu.memory_space<vmem>> -> memref<32xi32, #tpu.memory_space<vmem>>
        %dma_start3A_1474 = arith.constant 0 : i32
        %dma_start3A_1475 = arith.constant 0 : i32
        %dma_start3A_1476 = tpu.memref_slice %arg2[%dma_start3A_1474, %dma_start3A_1475] : memref<10000x128xf32, #tpu.memory_space<hbm>> -> memref<10000x128xf32, #tpu.memory_space<hbm>>
        tpu.enqueue_indirect_dma source(%dma_start3A_1476 : memref<10000x128xf32, #tpu.memory_space<hbm>>) target(%dma_start3A_1470 : memref<32x128xf32, #tpu.memory_space<vmem>>) offsets(%dma_start3A_1473 : memref<32xi32, #tpu.memory_space<vmem>>) semaphore(%arg24 : memref<!tpu.dma_semaphore, #tpu.memory_space<semaphore_mem>>)
      } else {
      }
      %add3A_1378 = arith.constant 1 : i32
      %add3A_1379 = arith.addi %add3A_1043, %add3A_1378 : i32
      %lt3A_1380 = arith.constant 40 : i32
      %lt3A_1381 = arith.cmpi slt, %add3A_1379, %lt3A_1380 : i32
      %convert_element_type3A_1382 = arith.extui %lt3A_1381 : i1 to i32
      %cond3A_1383 = arith.constant 0 : i32
      %cond3A_1384 = arith.cmpi ne, %convert_element_type3A_1382, %cond3A_1383 : i32
      scf.if %cond3A_1384 {
        %dma_wait3A_1420 = arith.constant 2 : i32
        %dma_wait3A_1421 = arith.constant 1 : i32
        %dma_wait3A_1422 = arith.constant 2 : i32
        %dma_wait3A_1423 = arith.constant 0 : i32
        %dma_wait3A_1424 = arith.constant 0 : i32
        %dma_wait3A_1425 = tpu.memref_slice %arg11[%dma_wait3A_1420, %dma_wait3A_1423, %dma_wait3A_1424] : memref<8x32x128xf32, #tpu.memory_space<vmem>> -> memref<1x32x128xf32, #tpu.memory_space<vmem>>
        %dma_wait3A_1426 = tpu.memref_squeeze %dma_wait3A_1425 : memref<1x32x128xf32, #tpu.memory_space<vmem>> -> memref<32x128xf32, #tpu.memory_space<vmem>>
        %dma_wait3A_1427 = arith.constant 0 : i32
        %dma_wait3A_1428 = tpu.memref_slice %arg10[%dma_wait3A_1421, %dma_wait3A_1422, %dma_wait3A_1427] : memref<2x8x32xi32, #tpu.memory_space<vmem>> -> memref<1x1x32xi32, #tpu.memory_space<vmem>>
        %dma_wait3A_1429 = tpu.memref_squeeze %dma_wait3A_1428 : memref<1x1x32xi32, #tpu.memory_space<vmem>> -> memref<32xi32, #tpu.memory_space<vmem>>
        %dma_wait3A_1430 = arith.constant 0 : i32
        %dma_wait3A_1431 = arith.constant 0 : i32
        %dma_wait3A_1432 = tpu.memref_slice %arg13[%dma_wait3A_1430, %dma_wait3A_1431] : memref<10240x128xf32, #tpu.memory_space<vmem_shared>> -> memref<10240x128xf32, #tpu.memory_space<vmem_shared>>
        tpu.wait_indirect_dma semaphore(%arg33 : memref<!tpu.dma_semaphore, #tpu.memory_space<semaphore_mem>>) src(%dma_wait3A_1426 : memref<32x128xf32, #tpu.memory_space<vmem>>) dst(%dma_wait3A_1432 : memref<10240x128xf32, #tpu.memory_space<vmem_shared>>)
        %dma_wait3A_1433 = arith.constant 1 : i32
        %dma_wait3A_1434 = arith.constant 2 : i32
        %dma_wait3A_1435 = arith.constant 0 : i32
        %dma_wait3A_1436 = tpu.memref_slice %arg10[%dma_wait3A_1433, %dma_wait3A_1434, %dma_wait3A_1435] : memref<2x8x32xi32, #tpu.memory_space<vmem>> -> memref<1x1x32xi32, #tpu.memory_space<vmem>>
        %dma_wait3A_1437 = tpu.memref_squeeze %dma_wait3A_1436 : memref<1x1x32xi32, #tpu.memory_space<vmem>> -> memref<32xi32, #tpu.memory_space<vmem>>
        %dma_wait3A_1438 = arith.constant 0 : i32
        %dma_wait3A_1439 = tpu.memref_slice %arg14[%dma_wait3A_1438] : memref<10240xf32, #tpu.memory_space<vmem_shared>> -> memref<10240xf32, #tpu.memory_space<vmem_shared>>
        tpu.wait_indirect_dma semaphore(%arg33 : memref<!tpu.dma_semaphore, #tpu.memory_space<semaphore_mem>>) src(%arg12 : memref<32xf32, #tpu.memory_space<vmem>>) dst(%dma_wait3A_1439 : memref<10240xf32, #tpu.memory_space<vmem_shared>>)
        %dma_wait3A_1440 = arith.constant 0 : i32
        %dma_wait3A_1441 = arith.constant 2 : i32
        %dma_wait3A_1442 = arith.constant 0 : i32
        %dma_wait3A_1443 = tpu.memref_slice %arg9[%dma_wait3A_1440, %dma_wait3A_1441, %dma_wait3A_1442] : memref<2x8x32xi32, #tpu.memory_space<vmem>> -> memref<1x1x32xi32, #tpu.memory_space<vmem>>
        %dma_wait3A_1444 = tpu.memref_squeeze %dma_wait3A_1443 : memref<1x1x32xi32, #tpu.memory_space<vmem>> -> memref<32xi32, #tpu.memory_space<vmem>>
        %dma_wait3A_1445 = arith.constant 0 : i32
        %dma_wait3A_1446 = tpu.memref_slice %arg3[%dma_wait3A_1445] : memref<327680xi32, #tpu.memory_space<hbm>> -> memref<32xi32, #tpu.memory_space<hbm>>
        %dma_wait3A_1447 = arith.constant 0 : i32
        %dma_wait3A_1448 = tpu.memref_slice %arg9[%dma_wait3A_1440, %dma_wait3A_1441, %dma_wait3A_1447] : memref<2x8x32xi32, #tpu.memory_space<vmem>> -> memref<1x1x32xi32, #tpu.memory_space<vmem>>
        %dma_wait3A_1449 = tpu.memref_squeeze %dma_wait3A_1448 : memref<1x1x32xi32, #tpu.memory_space<vmem>> -> memref<32xi32, #tpu.memory_space<vmem>>
        %dma_wait3A_1450 = arith.constant 0 : i32
        %dma_wait3A_1451 = tpu.memref_slice %arg3[%dma_wait3A_1450] : memref<327680xi32, #tpu.memory_space<hbm>> -> memref<32xi32, #tpu.memory_space<hbm>>
        tpu.wait_dma2 semaphore(%arg17 : memref<!tpu.dma_semaphore, #tpu.memory_space<semaphore_mem>>) src(%dma_wait3A_1451 : memref<32xi32, #tpu.memory_space<hbm>>) dst(%dma_wait3A_1449 : memref<32xi32, #tpu.memory_space<vmem>>)
        %dma_wait3A_1452 = arith.constant 0 : i32
        %dma_wait3A_1453 = arith.constant 2 : i32
        %dma_wait3A_1454 = arith.constant 0 : i32
        %dma_wait3A_1455 = tpu.memref_slice %arg10[%dma_wait3A_1452, %dma_wait3A_1453, %dma_wait3A_1454] : memref<2x8x32xi32, #tpu.memory_space<vmem>> -> memref<1x1x32xi32, #tpu.memory_space<vmem>>
        %dma_wait3A_1456 = tpu.memref_squeeze %dma_wait3A_1455 : memref<1x1x32xi32, #tpu.memory_space<vmem>> -> memref<32xi32, #tpu.memory_space<vmem>>
        %dma_wait3A_1457 = arith.constant 0 : i32
        %dma_wait3A_1458 = tpu.memref_slice %arg4[%dma_wait3A_1457] : memref<327680xi32, #tpu.memory_space<hbm>> -> memref<32xi32, #tpu.memory_space<hbm>>
        %dma_wait3A_1459 = arith.constant 0 : i32
        %dma_wait3A_1460 = tpu.memref_slice %arg10[%dma_wait3A_1452, %dma_wait3A_1453, %dma_wait3A_1459] : memref<2x8x32xi32, #tpu.memory_space<vmem>> -> memref<1x1x32xi32, #tpu.memory_space<vmem>>
        %dma_wait3A_1461 = tpu.memref_squeeze %dma_wait3A_1460 : memref<1x1x32xi32, #tpu.memory_space<vmem>> -> memref<32xi32, #tpu.memory_space<vmem>>
        %dma_wait3A_1462 = arith.constant 0 : i32
        %dma_wait3A_1463 = tpu.memref_slice %arg4[%dma_wait3A_1462] : memref<327680xi32, #tpu.memory_space<hbm>> -> memref<32xi32, #tpu.memory_space<hbm>>
        tpu.wait_dma2 semaphore(%arg17 : memref<!tpu.dma_semaphore, #tpu.memory_space<semaphore_mem>>) src(%dma_wait3A_1463 : memref<32xi32, #tpu.memory_space<hbm>>) dst(%dma_wait3A_1461 : memref<32xi32, #tpu.memory_space<vmem>>)
        %dma_start3A_1464 = arith.constant 0 : i32
        %dma_start3A_1465 = arith.constant 2 : i32
        %dma_start3A_1466 = arith.constant 2 : i32
        %dma_start3A_1467 = arith.constant 0 : i32
        %dma_start3A_1468 = arith.constant 0 : i32
        %dma_start3A_1469 = tpu.memref_slice %arg11[%dma_start3A_1466, %dma_start3A_1467, %dma_start3A_1468] : memref<8x32x128xf32, #tpu.memory_space<vmem>> -> memref<1x32x128xf32, #tpu.memory_space<vmem>>
        %dma_start3A_1470 = tpu.memref_squeeze %dma_start3A_1469 : memref<1x32x128xf32, #tpu.memory_space<vmem>> -> memref<32x128xf32, #tpu.memory_space<vmem>>
        %dma_start3A_1471 = arith.constant 0 : i32
        %dma_start3A_1472 = tpu.memref_slice %arg9[%dma_start3A_1464, %dma_start3A_1465, %dma_start3A_1471] : memref<2x8x32xi32, #tpu.memory_space<vmem>> -> memref<1x1x32xi32, #tpu.memory_space<vmem>>
        %dma_start3A_1473 = tpu.memref_squeeze %dma_start3A_1472 : memref<1x1x32xi32, #tpu.memory_space<vmem>> -> memref<32xi32, #tpu.memory_space<vmem>>
        %dma_start3A_1474 = arith.constant 0 : i32
        %dma_start3A_1475 = arith.constant 0 : i32
        %dma_start3A_1476 = tpu.memref_slice %arg2[%dma_start3A_1474, %dma_start3A_1475] : memref<10000x128xf32, #tpu.memory_space<hbm>> -> memref<10000x128xf32, #tpu.memory_space<hbm>>
        tpu.enqueue_indirect_dma source(%dma_start3A_1476 : memref<10000x128xf32, #tpu.memory_space<hbm>>) target(%dma_start3A_1470 : memref<32x128xf32, #tpu.memory_space<vmem>>) offsets(%dma_start3A_1473 : memref<32xi32, #tpu.memory_space<vmem>>) semaphore(%arg25 : memref<!tpu.dma_semaphore, #tpu.memory_space<semaphore_mem>>)
      } else {
      }
      %add3A_1385 = arith.constant 1 : i32
      %add3A_1386 = arith.addi %add3A_1043, %add3A_1385 : i32
      %lt3A_1387 = arith.constant 40 : i32
      %lt3A_1388 = arith.cmpi slt, %add3A_1386, %lt3A_1387 : i32
      %convert_element_type3A_1389 = arith.extui %lt3A_1388 : i1 to i32
      %cond3A_1390 = arith.constant 0 : i32
      %cond3A_1391 = arith.cmpi ne, %convert_element_type3A_1389, %cond3A_1390 : i32
      scf.if %cond3A_1391 {
        %dma_wait3A_1420 = arith.constant 3 : i32
        %dma_wait3A_1421 = arith.constant 1 : i32
        %dma_wait3A_1422 = arith.constant 3 : i32
        %dma_wait3A_1423 = arith.constant 0 : i32
        %dma_wait3A_1424 = arith.constant 0 : i32
        %dma_wait3A_1425 = tpu.memref_slice %arg11[%dma_wait3A_1420, %dma_wait3A_1423, %dma_wait3A_1424] : memref<8x32x128xf32, #tpu.memory_space<vmem>> -> memref<1x32x128xf32, #tpu.memory_space<vmem>>
        %dma_wait3A_1426 = tpu.memref_squeeze %dma_wait3A_1425 : memref<1x32x128xf32, #tpu.memory_space<vmem>> -> memref<32x128xf32, #tpu.memory_space<vmem>>
        %dma_wait3A_1427 = arith.constant 0 : i32
        %dma_wait3A_1428 = tpu.memref_slice %arg10[%dma_wait3A_1421, %dma_wait3A_1422, %dma_wait3A_1427] : memref<2x8x32xi32, #tpu.memory_space<vmem>> -> memref<1x1x32xi32, #tpu.memory_space<vmem>>
        %dma_wait3A_1429 = tpu.memref_squeeze %dma_wait3A_1428 : memref<1x1x32xi32, #tpu.memory_space<vmem>> -> memref<32xi32, #tpu.memory_space<vmem>>
        %dma_wait3A_1430 = arith.constant 0 : i32
        %dma_wait3A_1431 = arith.constant 0 : i32
        %dma_wait3A_1432 = tpu.memref_slice %arg13[%dma_wait3A_1430, %dma_wait3A_1431] : memref<10240x128xf32, #tpu.memory_space<vmem_shared>> -> memref<10240x128xf32, #tpu.memory_space<vmem_shared>>
        tpu.wait_indirect_dma semaphore(%arg34 : memref<!tpu.dma_semaphore, #tpu.memory_space<semaphore_mem>>) src(%dma_wait3A_1426 : memref<32x128xf32, #tpu.memory_space<vmem>>) dst(%dma_wait3A_1432 : memref<10240x128xf32, #tpu.memory_space<vmem_shared>>)
        %dma_wait3A_1433 = arith.constant 1 : i32
        %dma_wait3A_1434 = arith.constant 3 : i32
        %dma_wait3A_1435 = arith.constant 0 : i32
        %dma_wait3A_1436 = tpu.memref_slice %arg10[%dma_wait3A_1433, %dma_wait3A_1434, %dma_wait3A_1435] : memref<2x8x32xi32, #tpu.memory_space<vmem>> -> memref<1x1x32xi32, #tpu.memory_space<vmem>>
        %dma_wait3A_1437 = tpu.memref_squeeze %dma_wait3A_1436 : memref<1x1x32xi32, #tpu.memory_space<vmem>> -> memref<32xi32, #tpu.memory_space<vmem>>
        %dma_wait3A_1438 = arith.constant 0 : i32
        %dma_wait3A_1439 = tpu.memref_slice %arg14[%dma_wait3A_1438] : memref<10240xf32, #tpu.memory_space<vmem_shared>> -> memref<10240xf32, #tpu.memory_space<vmem_shared>>
        tpu.wait_indirect_dma semaphore(%arg34 : memref<!tpu.dma_semaphore, #tpu.memory_space<semaphore_mem>>) src(%arg12 : memref<32xf32, #tpu.memory_space<vmem>>) dst(%dma_wait3A_1439 : memref<10240xf32, #tpu.memory_space<vmem_shared>>)
        %dma_wait3A_1440 = arith.constant 0 : i32
        %dma_wait3A_1441 = arith.constant 3 : i32
        %dma_wait3A_1442 = arith.constant 0 : i32
        %dma_wait3A_1443 = tpu.memref_slice %arg9[%dma_wait3A_1440, %dma_wait3A_1441, %dma_wait3A_1442] : memref<2x8x32xi32, #tpu.memory_space<vmem>> -> memref<1x1x32xi32, #tpu.memory_space<vmem>>
        %dma_wait3A_1444 = tpu.memref_squeeze %dma_wait3A_1443 : memref<1x1x32xi32, #tpu.memory_space<vmem>> -> memref<32xi32, #tpu.memory_space<vmem>>
        %dma_wait3A_1445 = arith.constant 0 : i32
        %dma_wait3A_1446 = tpu.memref_slice %arg3[%dma_wait3A_1445] : memref<327680xi32, #tpu.memory_space<hbm>> -> memref<32xi32, #tpu.memory_space<hbm>>
        %dma_wait3A_1447 = arith.constant 0 : i32
        %dma_wait3A_1448 = tpu.memref_slice %arg9[%dma_wait3A_1440, %dma_wait3A_1441, %dma_wait3A_1447] : memref<2x8x32xi32, #tpu.memory_space<vmem>> -> memref<1x1x32xi32, #tpu.memory_space<vmem>>
        %dma_wait3A_1449 = tpu.memref_squeeze %dma_wait3A_1448 : memref<1x1x32xi32, #tpu.memory_space<vmem>> -> memref<32xi32, #tpu.memory_space<vmem>>
        %dma_wait3A_1450 = arith.constant 0 : i32
        %dma_wait3A_1451 = tpu.memref_slice %arg3[%dma_wait3A_1450] : memref<327680xi32, #tpu.memory_space<hbm>> -> memref<32xi32, #tpu.memory_space<hbm>>
        tpu.wait_dma2 semaphore(%arg18 : memref<!tpu.dma_semaphore, #tpu.memory_space<semaphore_mem>>) src(%dma_wait3A_1451 : memref<32xi32, #tpu.memory_space<hbm>>) dst(%dma_wait3A_1449 : memref<32xi32, #tpu.memory_space<vmem>>)
        %dma_wait3A_1452 = arith.constant 0 : i32
        %dma_wait3A_1453 = arith.constant 3 : i32
        %dma_wait3A_1454 = arith.constant 0 : i32
        %dma_wait3A_1455 = tpu.memref_slice %arg10[%dma_wait3A_1452, %dma_wait3A_1453, %dma_wait3A_1454] : memref<2x8x32xi32, #tpu.memory_space<vmem>> -> memref<1x1x32xi32, #tpu.memory_space<vmem>>
        %dma_wait3A_1456 = tpu.memref_squeeze %dma_wait3A_1455 : memref<1x1x32xi32, #tpu.memory_space<vmem>> -> memref<32xi32, #tpu.memory_space<vmem>>
        %dma_wait3A_1457 = arith.constant 0 : i32
        %dma_wait3A_1458 = tpu.memref_slice %arg4[%dma_wait3A_1457] : memref<327680xi32, #tpu.memory_space<hbm>> -> memref<32xi32, #tpu.memory_space<hbm>>
        %dma_wait3A_1459 = arith.constant 0 : i32
        %dma_wait3A_1460 = tpu.memref_slice %arg10[%dma_wait3A_1452, %dma_wait3A_1453, %dma_wait3A_1459] : memref<2x8x32xi32, #tpu.memory_space<vmem>> -> memref<1x1x32xi32, #tpu.memory_space<vmem>>
        %dma_wait3A_1461 = tpu.memref_squeeze %dma_wait3A_1460 : memref<1x1x32xi32, #tpu.memory_space<vmem>> -> memref<32xi32, #tpu.memory_space<vmem>>
        %dma_wait3A_1462 = arith.constant 0 : i32
        %dma_wait3A_1463 = tpu.memref_slice %arg4[%dma_wait3A_1462] : memref<327680xi32, #tpu.memory_space<hbm>> -> memref<32xi32, #tpu.memory_space<hbm>>
        tpu.wait_dma2 semaphore(%arg18 : memref<!tpu.dma_semaphore, #tpu.memory_space<semaphore_mem>>) src(%dma_wait3A_1463 : memref<32xi32, #tpu.memory_space<hbm>>) dst(%dma_wait3A_1461 : memref<32xi32, #tpu.memory_space<vmem>>)
        %dma_start3A_1464 = arith.constant 0 : i32
        %dma_start3A_1465 = arith.constant 3 : i32
        %dma_start3A_1466 = arith.constant 3 : i32
        %dma_start3A_1467 = arith.constant 0 : i32
        %dma_start3A_1468 = arith.constant 0 : i32
        %dma_start3A_1469 = tpu.memref_slice %arg11[%dma_start3A_1466, %dma_start3A_1467, %dma_start3A_1468] : memref<8x32x128xf32, #tpu.memory_space<vmem>> -> memref<1x32x128xf32, #tpu.memory_space<vmem>>
        %dma_start3A_1470 = tpu.memref_squeeze %dma_start3A_1469 : memref<1x32x128xf32, #tpu.memory_space<vmem>> -> memref<32x128xf32, #tpu.memory_space<vmem>>
        %dma_start3A_1471 = arith.constant 0 : i32
        %dma_start3A_1472 = tpu.memref_slice %arg9[%dma_start3A_1464, %dma_start3A_1465, %dma_start3A_1471] : memref<2x8x32xi32, #tpu.memory_space<vmem>> -> memref<1x1x32xi32, #tpu.memory_space<vmem>>
        %dma_start3A_1473 = tpu.memref_squeeze %dma_start3A_1472 : memref<1x1x32xi32, #tpu.memory_space<vmem>> -> memref<32xi32, #tpu.memory_space<vmem>>
        %dma_start3A_1474 = arith.constant 0 : i32
        %dma_start3A_1475 = arith.constant 0 : i32
        %dma_start3A_1476 = tpu.memref_slice %arg2[%dma_start3A_1474, %dma_start3A_1475] : memref<10000x128xf32, #tpu.memory_space<hbm>> -> memref<10000x128xf32, #tpu.memory_space<hbm>>
        tpu.enqueue_indirect_dma source(%dma_start3A_1476 : memref<10000x128xf32, #tpu.memory_space<hbm>>) target(%dma_start3A_1470 : memref<32x128xf32, #tpu.memory_space<vmem>>) offsets(%dma_start3A_1473 : memref<32xi32, #tpu.memory_space<vmem>>) semaphore(%arg26 : memref<!tpu.dma_semaphore, #tpu.memory_space<semaphore_mem>>)
      } else {
      }
      %add3A_1392 = arith.constant 1 : i32
      %add3A_1393 = arith.addi %add3A_1043, %add3A_1392 : i32
      %lt3A_1394 = arith.constant 40 : i32
      %lt3A_1395 = arith.cmpi slt, %add3A_1393, %lt3A_1394 : i32
      %convert_element_type3A_1396 = arith.extui %lt3A_1395 : i1 to i32
      %cond3A_1397 = arith.constant 0 : i32
      %cond3A_1398 = arith.cmpi ne, %convert_element_type3A_1396, %cond3A_1397 : i32
      scf.if %cond3A_1398 {
        %dma_wait3A_1420 = arith.constant 4 : i32
        %dma_wait3A_1421 = arith.constant 1 : i32
        %dma_wait3A_1422 = arith.constant 4 : i32
        %dma_wait3A_1423 = arith.constant 0 : i32
        %dma_wait3A_1424 = arith.constant 0 : i32
        %dma_wait3A_1425 = tpu.memref_slice %arg11[%dma_wait3A_1420, %dma_wait3A_1423, %dma_wait3A_1424] : memref<8x32x128xf32, #tpu.memory_space<vmem>> -> memref<1x32x128xf32, #tpu.memory_space<vmem>>
        %dma_wait3A_1426 = tpu.memref_squeeze %dma_wait3A_1425 : memref<1x32x128xf32, #tpu.memory_space<vmem>> -> memref<32x128xf32, #tpu.memory_space<vmem>>
        %dma_wait3A_1427 = arith.constant 0 : i32
        %dma_wait3A_1428 = tpu.memref_slice %arg10[%dma_wait3A_1421, %dma_wait3A_1422, %dma_wait3A_1427] : memref<2x8x32xi32, #tpu.memory_space<vmem>> -> memref<1x1x32xi32, #tpu.memory_space<vmem>>
        %dma_wait3A_1429 = tpu.memref_squeeze %dma_wait3A_1428 : memref<1x1x32xi32, #tpu.memory_space<vmem>> -> memref<32xi32, #tpu.memory_space<vmem>>
        %dma_wait3A_1430 = arith.constant 0 : i32
        %dma_wait3A_1431 = arith.constant 0 : i32
        %dma_wait3A_1432 = tpu.memref_slice %arg13[%dma_wait3A_1430, %dma_wait3A_1431] : memref<10240x128xf32, #tpu.memory_space<vmem_shared>> -> memref<10240x128xf32, #tpu.memory_space<vmem_shared>>
        tpu.wait_indirect_dma semaphore(%arg35 : memref<!tpu.dma_semaphore, #tpu.memory_space<semaphore_mem>>) src(%dma_wait3A_1426 : memref<32x128xf32, #tpu.memory_space<vmem>>) dst(%dma_wait3A_1432 : memref<10240x128xf32, #tpu.memory_space<vmem_shared>>)
        %dma_wait3A_1433 = arith.constant 1 : i32
        %dma_wait3A_1434 = arith.constant 4 : i32
        %dma_wait3A_1435 = arith.constant 0 : i32
        %dma_wait3A_1436 = tpu.memref_slice %arg10[%dma_wait3A_1433, %dma_wait3A_1434, %dma_wait3A_1435] : memref<2x8x32xi32, #tpu.memory_space<vmem>> -> memref<1x1x32xi32, #tpu.memory_space<vmem>>
        %dma_wait3A_1437 = tpu.memref_squeeze %dma_wait3A_1436 : memref<1x1x32xi32, #tpu.memory_space<vmem>> -> memref<32xi32, #tpu.memory_space<vmem>>
        %dma_wait3A_1438 = arith.constant 0 : i32
        %dma_wait3A_1439 = tpu.memref_slice %arg14[%dma_wait3A_1438] : memref<10240xf32, #tpu.memory_space<vmem_shared>> -> memref<10240xf32, #tpu.memory_space<vmem_shared>>
        tpu.wait_indirect_dma semaphore(%arg35 : memref<!tpu.dma_semaphore, #tpu.memory_space<semaphore_mem>>) src(%arg12 : memref<32xf32, #tpu.memory_space<vmem>>) dst(%dma_wait3A_1439 : memref<10240xf32, #tpu.memory_space<vmem_shared>>)
        %dma_wait3A_1440 = arith.constant 0 : i32
        %dma_wait3A_1441 = arith.constant 4 : i32
        %dma_wait3A_1442 = arith.constant 0 : i32
        %dma_wait3A_1443 = tpu.memref_slice %arg9[%dma_wait3A_1440, %dma_wait3A_1441, %dma_wait3A_1442] : memref<2x8x32xi32, #tpu.memory_space<vmem>> -> memref<1x1x32xi32, #tpu.memory_space<vmem>>
        %dma_wait3A_1444 = tpu.memref_squeeze %dma_wait3A_1443 : memref<1x1x32xi32, #tpu.memory_space<vmem>> -> memref<32xi32, #tpu.memory_space<vmem>>
        %dma_wait3A_1445 = arith.constant 0 : i32
        %dma_wait3A_1446 = tpu.memref_slice %arg3[%dma_wait3A_1445] : memref<327680xi32, #tpu.memory_space<hbm>> -> memref<32xi32, #tpu.memory_space<hbm>>
        %dma_wait3A_1447 = arith.constant 0 : i32
        %dma_wait3A_1448 = tpu.memref_slice %arg9[%dma_wait3A_1440, %dma_wait3A_1441, %dma_wait3A_1447] : memref<2x8x32xi32, #tpu.memory_space<vmem>> -> memref<1x1x32xi32, #tpu.memory_space<vmem>>
        %dma_wait3A_1449 = tpu.memref_squeeze %dma_wait3A_1448 : memref<1x1x32xi32, #tpu.memory_space<vmem>> -> memref<32xi32, #tpu.memory_space<vmem>>
        %dma_wait3A_1450 = arith.constant 0 : i32
        %dma_wait3A_1451 = tpu.memref_slice %arg3[%dma_wait3A_1450] : memref<327680xi32, #tpu.memory_space<hbm>> -> memref<32xi32, #tpu.memory_space<hbm>>
        tpu.wait_dma2 semaphore(%arg19 : memref<!tpu.dma_semaphore, #tpu.memory_space<semaphore_mem>>) src(%dma_wait3A_1451 : memref<32xi32, #tpu.memory_space<hbm>>) dst(%dma_wait3A_1449 : memref<32xi32, #tpu.memory_space<vmem>>)
        %dma_wait3A_1452 = arith.constant 0 : i32
        %dma_wait3A_1453 = arith.constant 4 : i32
        %dma_wait3A_1454 = arith.constant 0 : i32
        %dma_wait3A_1455 = tpu.memref_slice %arg10[%dma_wait3A_1452, %dma_wait3A_1453, %dma_wait3A_1454] : memref<2x8x32xi32, #tpu.memory_space<vmem>> -> memref<1x1x32xi32, #tpu.memory_space<vmem>>
        %dma_wait3A_1456 = tpu.memref_squeeze %dma_wait3A_1455 : memref<1x1x32xi32, #tpu.memory_space<vmem>> -> memref<32xi32, #tpu.memory_space<vmem>>
        %dma_wait3A_1457 = arith.constant 0 : i32
        %dma_wait3A_1458 = tpu.memref_slice %arg4[%dma_wait3A_1457] : memref<327680xi32, #tpu.memory_space<hbm>> -> memref<32xi32, #tpu.memory_space<hbm>>
        %dma_wait3A_1459 = arith.constant 0 : i32
        %dma_wait3A_1460 = tpu.memref_slice %arg10[%dma_wait3A_1452, %dma_wait3A_1453, %dma_wait3A_1459] : memref<2x8x32xi32, #tpu.memory_space<vmem>> -> memref<1x1x32xi32, #tpu.memory_space<vmem>>
        %dma_wait3A_1461 = tpu.memref_squeeze %dma_wait3A_1460 : memref<1x1x32xi32, #tpu.memory_space<vmem>> -> memref<32xi32, #tpu.memory_space<vmem>>
        %dma_wait3A_1462 = arith.constant 0 : i32
        %dma_wait3A_1463 = tpu.memref_slice %arg4[%dma_wait3A_1462] : memref<327680xi32, #tpu.memory_space<hbm>> -> memref<32xi32, #tpu.memory_space<hbm>>
        tpu.wait_dma2 semaphore(%arg19 : memref<!tpu.dma_semaphore, #tpu.memory_space<semaphore_mem>>) src(%dma_wait3A_1463 : memref<32xi32, #tpu.memory_space<hbm>>) dst(%dma_wait3A_1461 : memref<32xi32, #tpu.memory_space<vmem>>)
        %dma_start3A_1464 = arith.constant 0 : i32
        %dma_start3A_1465 = arith.constant 4 : i32
        %dma_start3A_1466 = arith.constant 4 : i32
        %dma_start3A_1467 = arith.constant 0 : i32
        %dma_start3A_1468 = arith.constant 0 : i32
        %dma_start3A_1469 = tpu.memref_slice %arg11[%dma_start3A_1466, %dma_start3A_1467, %dma_start3A_1468] : memref<8x32x128xf32, #tpu.memory_space<vmem>> -> memref<1x32x128xf32, #tpu.memory_space<vmem>>
        %dma_start3A_1470 = tpu.memref_squeeze %dma_start3A_1469 : memref<1x32x128xf32, #tpu.memory_space<vmem>> -> memref<32x128xf32, #tpu.memory_space<vmem>>
        %dma_start3A_1471 = arith.constant 0 : i32
        %dma_start3A_1472 = tpu.memref_slice %arg9[%dma_start3A_1464, %dma_start3A_1465, %dma_start3A_1471] : memref<2x8x32xi32, #tpu.memory_space<vmem>> -> memref<1x1x32xi32, #tpu.memory_space<vmem>>
        %dma_start3A_1473 = tpu.memref_squeeze %dma_start3A_1472 : memref<1x1x32xi32, #tpu.memory_space<vmem>> -> memref<32xi32, #tpu.memory_space<vmem>>
        %dma_start3A_1474 = arith.constant 0 : i32
        %dma_start3A_1475 = arith.constant 0 : i32
        %dma_start3A_1476 = tpu.memref_slice %arg2[%dma_start3A_1474, %dma_start3A_1475] : memref<10000x128xf32, #tpu.memory_space<hbm>> -> memref<10000x128xf32, #tpu.memory_space<hbm>>
        tpu.enqueue_indirect_dma source(%dma_start3A_1476 : memref<10000x128xf32, #tpu.memory_space<hbm>>) target(%dma_start3A_1470 : memref<32x128xf32, #tpu.memory_space<vmem>>) offsets(%dma_start3A_1473 : memref<32xi32, #tpu.memory_space<vmem>>) semaphore(%arg27 : memref<!tpu.dma_semaphore, #tpu.memory_space<semaphore_mem>>)
      } else {
      }
      %add3A_1399 = arith.constant 1 : i32
      %add3A_1400 = arith.addi %add3A_1043, %add3A_1399 : i32
      %lt3A_1401 = arith.constant 40 : i32
      %lt3A_1402 = arith.cmpi slt, %add3A_1400, %lt3A_1401 : i32
      %convert_element_type3A_1403 = arith.extui %lt3A_1402 : i1 to i32
      %cond3A_1404 = arith.constant 0 : i32
      %cond3A_1405 = arith.cmpi ne, %convert_element_type3A_1403, %cond3A_1404 : i32
      scf.if %cond3A_1405 {
        %dma_wait3A_1420 = arith.constant 5 : i32
        %dma_wait3A_1421 = arith.constant 1 : i32
        %dma_wait3A_1422 = arith.constant 5 : i32
        %dma_wait3A_1423 = arith.constant 0 : i32
        %dma_wait3A_1424 = arith.constant 0 : i32
        %dma_wait3A_1425 = tpu.memref_slice %arg11[%dma_wait3A_1420, %dma_wait3A_1423, %dma_wait3A_1424] : memref<8x32x128xf32, #tpu.memory_space<vmem>> -> memref<1x32x128xf32, #tpu.memory_space<vmem>>
        %dma_wait3A_1426 = tpu.memref_squeeze %dma_wait3A_1425 : memref<1x32x128xf32, #tpu.memory_space<vmem>> -> memref<32x128xf32, #tpu.memory_space<vmem>>
        %dma_wait3A_1427 = arith.constant 0 : i32
        %dma_wait3A_1428 = tpu.memref_slice %arg10[%dma_wait3A_1421, %dma_wait3A_1422, %dma_wait3A_1427] : memref<2x8x32xi32, #tpu.memory_space<vmem>> -> memref<1x1x32xi32, #tpu.memory_space<vmem>>
        %dma_wait3A_1429 = tpu.memref_squeeze %dma_wait3A_1428 : memref<1x1x32xi32, #tpu.memory_space<vmem>> -> memref<32xi32, #tpu.memory_space<vmem>>
        %dma_wait3A_1430 = arith.constant 0 : i32
        %dma_wait3A_1431 = arith.constant 0 : i32
        %dma_wait3A_1432 = tpu.memref_slice %arg13[%dma_wait3A_1430, %dma_wait3A_1431] : memref<10240x128xf32, #tpu.memory_space<vmem_shared>> -> memref<10240x128xf32, #tpu.memory_space<vmem_shared>>
        tpu.wait_indirect_dma semaphore(%arg36 : memref<!tpu.dma_semaphore, #tpu.memory_space<semaphore_mem>>) src(%dma_wait3A_1426 : memref<32x128xf32, #tpu.memory_space<vmem>>) dst(%dma_wait3A_1432 : memref<10240x128xf32, #tpu.memory_space<vmem_shared>>)
        %dma_wait3A_1433 = arith.constant 1 : i32
        %dma_wait3A_1434 = arith.constant 5 : i32
        %dma_wait3A_1435 = arith.constant 0 : i32
        %dma_wait3A_1436 = tpu.memref_slice %arg10[%dma_wait3A_1433, %dma_wait3A_1434, %dma_wait3A_1435] : memref<2x8x32xi32, #tpu.memory_space<vmem>> -> memref<1x1x32xi32, #tpu.memory_space<vmem>>
        %dma_wait3A_1437 = tpu.memref_squeeze %dma_wait3A_1436 : memref<1x1x32xi32, #tpu.memory_space<vmem>> -> memref<32xi32, #tpu.memory_space<vmem>>
        %dma_wait3A_1438 = arith.constant 0 : i32
        %dma_wait3A_1439 = tpu.memref_slice %arg14[%dma_wait3A_1438] : memref<10240xf32, #tpu.memory_space<vmem_shared>> -> memref<10240xf32, #tpu.memory_space<vmem_shared>>
        tpu.wait_indirect_dma semaphore(%arg36 : memref<!tpu.dma_semaphore, #tpu.memory_space<semaphore_mem>>) src(%arg12 : memref<32xf32, #tpu.memory_space<vmem>>) dst(%dma_wait3A_1439 : memref<10240xf32, #tpu.memory_space<vmem_shared>>)
        %dma_wait3A_1440 = arith.constant 0 : i32
        %dma_wait3A_1441 = arith.constant 5 : i32
        %dma_wait3A_1442 = arith.constant 0 : i32
        %dma_wait3A_1443 = tpu.memref_slice %arg9[%dma_wait3A_1440, %dma_wait3A_1441, %dma_wait3A_1442] : memref<2x8x32xi32, #tpu.memory_space<vmem>> -> memref<1x1x32xi32, #tpu.memory_space<vmem>>
        %dma_wait3A_1444 = tpu.memref_squeeze %dma_wait3A_1443 : memref<1x1x32xi32, #tpu.memory_space<vmem>> -> memref<32xi32, #tpu.memory_space<vmem>>
        %dma_wait3A_1445 = arith.constant 0 : i32
        %dma_wait3A_1446 = tpu.memref_slice %arg3[%dma_wait3A_1445] : memref<327680xi32, #tpu.memory_space<hbm>> -> memref<32xi32, #tpu.memory_space<hbm>>
        %dma_wait3A_1447 = arith.constant 0 : i32
        %dma_wait3A_1448 = tpu.memref_slice %arg9[%dma_wait3A_1440, %dma_wait3A_1441, %dma_wait3A_1447] : memref<2x8x32xi32, #tpu.memory_space<vmem>> -> memref<1x1x32xi32, #tpu.memory_space<vmem>>
        %dma_wait3A_1449 = tpu.memref_squeeze %dma_wait3A_1448 : memref<1x1x32xi32, #tpu.memory_space<vmem>> -> memref<32xi32, #tpu.memory_space<vmem>>
        %dma_wait3A_1450 = arith.constant 0 : i32
        %dma_wait3A_1451 = tpu.memref_slice %arg3[%dma_wait3A_1450] : memref<327680xi32, #tpu.memory_space<hbm>> -> memref<32xi32, #tpu.memory_space<hbm>>
        tpu.wait_dma2 semaphore(%arg20 : memref<!tpu.dma_semaphore, #tpu.memory_space<semaphore_mem>>) src(%dma_wait3A_1451 : memref<32xi32, #tpu.memory_space<hbm>>) dst(%dma_wait3A_1449 : memref<32xi32, #tpu.memory_space<vmem>>)
        %dma_wait3A_1452 = arith.constant 0 : i32
        %dma_wait3A_1453 = arith.constant 5 : i32
        %dma_wait3A_1454 = arith.constant 0 : i32
        %dma_wait3A_1455 = tpu.memref_slice %arg10[%dma_wait3A_1452, %dma_wait3A_1453, %dma_wait3A_1454] : memref<2x8x32xi32, #tpu.memory_space<vmem>> -> memref<1x1x32xi32, #tpu.memory_space<vmem>>
        %dma_wait3A_1456 = tpu.memref_squeeze %dma_wait3A_1455 : memref<1x1x32xi32, #tpu.memory_space<vmem>> -> memref<32xi32, #tpu.memory_space<vmem>>
        %dma_wait3A_1457 = arith.constant 0 : i32
        %dma_wait3A_1458 = tpu.memref_slice %arg4[%dma_wait3A_1457] : memref<327680xi32, #tpu.memory_space<hbm>> -> memref<32xi32, #tpu.memory_space<hbm>>
        %dma_wait3A_1459 = arith.constant 0 : i32
        %dma_wait3A_1460 = tpu.memref_slice %arg10[%dma_wait3A_1452, %dma_wait3A_1453, %dma_wait3A_1459] : memref<2x8x32xi32, #tpu.memory_space<vmem>> -> memref<1x1x32xi32, #tpu.memory_space<vmem>>
        %dma_wait3A_1461 = tpu.memref_squeeze %dma_wait3A_1460 : memref<1x1x32xi32, #tpu.memory_space<vmem>> -> memref<32xi32, #tpu.memory_space<vmem>>
        %dma_wait3A_1462 = arith.constant 0 : i32
        %dma_wait3A_1463 = tpu.memref_slice %arg4[%dma_wait3A_1462] : memref<327680xi32, #tpu.memory_space<hbm>> -> memref<32xi32, #tpu.memory_space<hbm>>
        tpu.wait_dma2 semaphore(%arg20 : memref<!tpu.dma_semaphore, #tpu.memory_space<semaphore_mem>>) src(%dma_wait3A_1463 : memref<32xi32, #tpu.memory_space<hbm>>) dst(%dma_wait3A_1461 : memref<32xi32, #tpu.memory_space<vmem>>)
        %dma_start3A_1464 = arith.constant 0 : i32
        %dma_start3A_1465 = arith.constant 5 : i32
        %dma_start3A_1466 = arith.constant 5 : i32
        %dma_start3A_1467 = arith.constant 0 : i32
        %dma_start3A_1468 = arith.constant 0 : i32
        %dma_start3A_1469 = tpu.memref_slice %arg11[%dma_start3A_1466, %dma_start3A_1467, %dma_start3A_1468] : memref<8x32x128xf32, #tpu.memory_space<vmem>> -> memref<1x32x128xf32, #tpu.memory_space<vmem>>
        %dma_start3A_1470 = tpu.memref_squeeze %dma_start3A_1469 : memref<1x32x128xf32, #tpu.memory_space<vmem>> -> memref<32x128xf32, #tpu.memory_space<vmem>>
        %dma_start3A_1471 = arith.constant 0 : i32
        %dma_start3A_1472 = tpu.memref_slice %arg9[%dma_start3A_1464, %dma_start3A_1465, %dma_start3A_1471] : memref<2x8x32xi32, #tpu.memory_space<vmem>> -> memref<1x1x32xi32, #tpu.memory_space<vmem>>
        %dma_start3A_1473 = tpu.memref_squeeze %dma_start3A_1472 : memref<1x1x32xi32, #tpu.memory_space<vmem>> -> memref<32xi32, #tpu.memory_space<vmem>>
        %dma_start3A_1474 = arith.constant 0 : i32
        %dma_start3A_1475 = arith.constant 0 : i32
        %dma_start3A_1476 = tpu.memref_slice %arg2[%dma_start3A_1474, %dma_start3A_1475] : memref<10000x128xf32, #tpu.memory_space<hbm>> -> memref<10000x128xf32, #tpu.memory_space<hbm>>
        tpu.enqueue_indirect_dma source(%dma_start3A_1476 : memref<10000x128xf32, #tpu.memory_space<hbm>>) target(%dma_start3A_1470 : memref<32x128xf32, #tpu.memory_space<vmem>>) offsets(%dma_start3A_1473 : memref<32xi32, #tpu.memory_space<vmem>>) semaphore(%arg28 : memref<!tpu.dma_semaphore, #tpu.memory_space<semaphore_mem>>)
      } else {
      }
      %add3A_1406 = arith.constant 1 : i32
      %add3A_1407 = arith.addi %add3A_1043, %add3A_1406 : i32
      %lt3A_1408 = arith.constant 40 : i32
      %lt3A_1409 = arith.cmpi slt, %add3A_1407, %lt3A_1408 : i32
      %convert_element_type3A_1410 = arith.extui %lt3A_1409 : i1 to i32
      %cond3A_1411 = arith.constant 0 : i32
      %cond3A_1412 = arith.cmpi ne, %convert_element_type3A_1410, %cond3A_1411 : i32
      scf.if %cond3A_1412 {
        %dma_wait3A_1420 = arith.constant 6 : i32
        %dma_wait3A_1421 = arith.constant 1 : i32
        %dma_wait3A_1422 = arith.constant 6 : i32
        %dma_wait3A_1423 = arith.constant 0 : i32
        %dma_wait3A_1424 = arith.constant 0 : i32
        %dma_wait3A_1425 = tpu.memref_slice %arg11[%dma_wait3A_1420, %dma_wait3A_1423, %dma_wait3A_1424] : memref<8x32x128xf32, #tpu.memory_space<vmem>> -> memref<1x32x128xf32, #tpu.memory_space<vmem>>
        %dma_wait3A_1426 = tpu.memref_squeeze %dma_wait3A_1425 : memref<1x32x128xf32, #tpu.memory_space<vmem>> -> memref<32x128xf32, #tpu.memory_space<vmem>>
        %dma_wait3A_1427 = arith.constant 0 : i32
        %dma_wait3A_1428 = tpu.memref_slice %arg10[%dma_wait3A_1421, %dma_wait3A_1422, %dma_wait3A_1427] : memref<2x8x32xi32, #tpu.memory_space<vmem>> -> memref<1x1x32xi32, #tpu.memory_space<vmem>>
        %dma_wait3A_1429 = tpu.memref_squeeze %dma_wait3A_1428 : memref<1x1x32xi32, #tpu.memory_space<vmem>> -> memref<32xi32, #tpu.memory_space<vmem>>
        %dma_wait3A_1430 = arith.constant 0 : i32
        %dma_wait3A_1431 = arith.constant 0 : i32
        %dma_wait3A_1432 = tpu.memref_slice %arg13[%dma_wait3A_1430, %dma_wait3A_1431] : memref<10240x128xf32, #tpu.memory_space<vmem_shared>> -> memref<10240x128xf32, #tpu.memory_space<vmem_shared>>
        tpu.wait_indirect_dma semaphore(%arg37 : memref<!tpu.dma_semaphore, #tpu.memory_space<semaphore_mem>>) src(%dma_wait3A_1426 : memref<32x128xf32, #tpu.memory_space<vmem>>) dst(%dma_wait3A_1432 : memref<10240x128xf32, #tpu.memory_space<vmem_shared>>)
        %dma_wait3A_1433 = arith.constant 1 : i32
        %dma_wait3A_1434 = arith.constant 6 : i32
        %dma_wait3A_1435 = arith.constant 0 : i32
        %dma_wait3A_1436 = tpu.memref_slice %arg10[%dma_wait3A_1433, %dma_wait3A_1434, %dma_wait3A_1435] : memref<2x8x32xi32, #tpu.memory_space<vmem>> -> memref<1x1x32xi32, #tpu.memory_space<vmem>>
        %dma_wait3A_1437 = tpu.memref_squeeze %dma_wait3A_1436 : memref<1x1x32xi32, #tpu.memory_space<vmem>> -> memref<32xi32, #tpu.memory_space<vmem>>
        %dma_wait3A_1438 = arith.constant 0 : i32
        %dma_wait3A_1439 = tpu.memref_slice %arg14[%dma_wait3A_1438] : memref<10240xf32, #tpu.memory_space<vmem_shared>> -> memref<10240xf32, #tpu.memory_space<vmem_shared>>
        tpu.wait_indirect_dma semaphore(%arg37 : memref<!tpu.dma_semaphore, #tpu.memory_space<semaphore_mem>>) src(%arg12 : memref<32xf32, #tpu.memory_space<vmem>>) dst(%dma_wait3A_1439 : memref<10240xf32, #tpu.memory_space<vmem_shared>>)
        %dma_wait3A_1440 = arith.constant 0 : i32
        %dma_wait3A_1441 = arith.constant 6 : i32
        %dma_wait3A_1442 = arith.constant 0 : i32
        %dma_wait3A_1443 = tpu.memref_slice %arg9[%dma_wait3A_1440, %dma_wait3A_1441, %dma_wait3A_1442] : memref<2x8x32xi32, #tpu.memory_space<vmem>> -> memref<1x1x32xi32, #tpu.memory_space<vmem>>
        %dma_wait3A_1444 = tpu.memref_squeeze %dma_wait3A_1443 : memref<1x1x32xi32, #tpu.memory_space<vmem>> -> memref<32xi32, #tpu.memory_space<vmem>>
        %dma_wait3A_1445 = arith.constant 0 : i32
        %dma_wait3A_1446 = tpu.memref_slice %arg3[%dma_wait3A_1445] : memref<327680xi32, #tpu.memory_space<hbm>> -> memref<32xi32, #tpu.memory_space<hbm>>
        %dma_wait3A_1447 = arith.constant 0 : i32
        %dma_wait3A_1448 = tpu.memref_slice %arg9[%dma_wait3A_1440, %dma_wait3A_1441, %dma_wait3A_1447] : memref<2x8x32xi32, #tpu.memory_space<vmem>> -> memref<1x1x32xi32, #tpu.memory_space<vmem>>
        %dma_wait3A_1449 = tpu.memref_squeeze %dma_wait3A_1448 : memref<1x1x32xi32, #tpu.memory_space<vmem>> -> memref<32xi32, #tpu.memory_space<vmem>>
        %dma_wait3A_1450 = arith.constant 0 : i32
        %dma_wait3A_1451 = tpu.memref_slice %arg3[%dma_wait3A_1450] : memref<327680xi32, #tpu.memory_space<hbm>> -> memref<32xi32, #tpu.memory_space<hbm>>
        tpu.wait_dma2 semaphore(%arg21 : memref<!tpu.dma_semaphore, #tpu.memory_space<semaphore_mem>>) src(%dma_wait3A_1451 : memref<32xi32, #tpu.memory_space<hbm>>) dst(%dma_wait3A_1449 : memref<32xi32, #tpu.memory_space<vmem>>)
        %dma_wait3A_1452 = arith.constant 0 : i32
        %dma_wait3A_1453 = arith.constant 6 : i32
        %dma_wait3A_1454 = arith.constant 0 : i32
        %dma_wait3A_1455 = tpu.memref_slice %arg10[%dma_wait3A_1452, %dma_wait3A_1453, %dma_wait3A_1454] : memref<2x8x32xi32, #tpu.memory_space<vmem>> -> memref<1x1x32xi32, #tpu.memory_space<vmem>>
        %dma_wait3A_1456 = tpu.memref_squeeze %dma_wait3A_1455 : memref<1x1x32xi32, #tpu.memory_space<vmem>> -> memref<32xi32, #tpu.memory_space<vmem>>
        %dma_wait3A_1457 = arith.constant 0 : i32
        %dma_wait3A_1458 = tpu.memref_slice %arg4[%dma_wait3A_1457] : memref<327680xi32, #tpu.memory_space<hbm>> -> memref<32xi32, #tpu.memory_space<hbm>>
        %dma_wait3A_1459 = arith.constant 0 : i32
        %dma_wait3A_1460 = tpu.memref_slice %arg10[%dma_wait3A_1452, %dma_wait3A_1453, %dma_wait3A_1459] : memref<2x8x32xi32, #tpu.memory_space<vmem>> -> memref<1x1x32xi32, #tpu.memory_space<vmem>>
        %dma_wait3A_1461 = tpu.memref_squeeze %dma_wait3A_1460 : memref<1x1x32xi32, #tpu.memory_space<vmem>> -> memref<32xi32, #tpu.memory_space<vmem>>
        %dma_wait3A_1462 = arith.constant 0 : i32
        %dma_wait3A_1463 = tpu.memref_slice %arg4[%dma_wait3A_1462] : memref<327680xi32, #tpu.memory_space<hbm>> -> memref<32xi32, #tpu.memory_space<hbm>>
        tpu.wait_dma2 semaphore(%arg21 : memref<!tpu.dma_semaphore, #tpu.memory_space<semaphore_mem>>) src(%dma_wait3A_1463 : memref<32xi32, #tpu.memory_space<hbm>>) dst(%dma_wait3A_1461 : memref<32xi32, #tpu.memory_space<vmem>>)
        %dma_start3A_1464 = arith.constant 0 : i32
        %dma_start3A_1465 = arith.constant 6 : i32
        %dma_start3A_1466 = arith.constant 6 : i32
        %dma_start3A_1467 = arith.constant 0 : i32
        %dma_start3A_1468 = arith.constant 0 : i32
        %dma_start3A_1469 = tpu.memref_slice %arg11[%dma_start3A_1466, %dma_start3A_1467, %dma_start3A_1468] : memref<8x32x128xf32, #tpu.memory_space<vmem>> -> memref<1x32x128xf32, #tpu.memory_space<vmem>>
        %dma_start3A_1470 = tpu.memref_squeeze %dma_start3A_1469 : memref<1x32x128xf32, #tpu.memory_space<vmem>> -> memref<32x128xf32, #tpu.memory_space<vmem>>
        %dma_start3A_1471 = arith.constant 0 : i32
        %dma_start3A_1472 = tpu.memref_slice %arg9[%dma_start3A_1464, %dma_start3A_1465, %dma_start3A_1471] : memref<2x8x32xi32, #tpu.memory_space<vmem>> -> memref<1x1x32xi32, #tpu.memory_space<vmem>>
        %dma_start3A_1473 = tpu.memref_squeeze %dma_start3A_1472 : memref<1x1x32xi32, #tpu.memory_space<vmem>> -> memref<32xi32, #tpu.memory_space<vmem>>
        %dma_start3A_1474 = arith.constant 0 : i32
        %dma_start3A_1475 = arith.constant 0 : i32
        %dma_start3A_1476 = tpu.memref_slice %arg2[%dma_start3A_1474, %dma_start3A_1475] : memref<10000x128xf32, #tpu.memory_space<hbm>> -> memref<10000x128xf32, #tpu.memory_space<hbm>>
        tpu.enqueue_indirect_dma source(%dma_start3A_1476 : memref<10000x128xf32, #tpu.memory_space<hbm>>) target(%dma_start3A_1470 : memref<32x128xf32, #tpu.memory_space<vmem>>) offsets(%dma_start3A_1473 : memref<32xi32, #tpu.memory_space<vmem>>) semaphore(%arg29 : memref<!tpu.dma_semaphore, #tpu.memory_space<semaphore_mem>>)
      } else {
      }
      %add3A_1413 = arith.constant 1 : i32
      %add3A_1414 = arith.addi %add3A_1043, %add3A_1413 : i32
      %lt3A_1415 = arith.constant 40 : i32
      %lt3A_1416 = arith.cmpi slt, %add3A_1414, %lt3A_1415 : i32
      %convert_element_type3A_1417 = arith.extui %lt3A_1416 : i1 to i32
      %cond3A_1418 = arith.constant 0 : i32
      %cond3A_1419 = arith.cmpi ne, %convert_element_type3A_1417, %cond3A_1418 : i32
      scf.if %cond3A_1419 {
        %dma_wait3A_1420 = arith.constant 7 : i32
        %dma_wait3A_1421 = arith.constant 1 : i32
        %dma_wait3A_1422 = arith.constant 7 : i32
        %dma_wait3A_1423 = arith.constant 0 : i32
        %dma_wait3A_1424 = arith.constant 0 : i32
        %dma_wait3A_1425 = tpu.memref_slice %arg11[%dma_wait3A_1420, %dma_wait3A_1423, %dma_wait3A_1424] : memref<8x32x128xf32, #tpu.memory_space<vmem>> -> memref<1x32x128xf32, #tpu.memory_space<vmem>>
        %dma_wait3A_1426 = tpu.memref_squeeze %dma_wait3A_1425 : memref<1x32x128xf32, #tpu.memory_space<vmem>> -> memref<32x128xf32, #tpu.memory_space<vmem>>
        %dma_wait3A_1427 = arith.constant 0 : i32
        %dma_wait3A_1428 = tpu.memref_slice %arg10[%dma_wait3A_1421, %dma_wait3A_1422, %dma_wait3A_1427] : memref<2x8x32xi32, #tpu.memory_space<vmem>> -> memref<1x1x32xi32, #tpu.memory_space<vmem>>
        %dma_wait3A_1429 = tpu.memref_squeeze %dma_wait3A_1428 : memref<1x1x32xi32, #tpu.memory_space<vmem>> -> memref<32xi32, #tpu.memory_space<vmem>>
        %dma_wait3A_1430 = arith.constant 0 : i32
        %dma_wait3A_1431 = arith.constant 0 : i32
        %dma_wait3A_1432 = tpu.memref_slice %arg13[%dma_wait3A_1430, %dma_wait3A_1431] : memref<10240x128xf32, #tpu.memory_space<vmem_shared>> -> memref<10240x128xf32, #tpu.memory_space<vmem_shared>>
        tpu.wait_indirect_dma semaphore(%arg38 : memref<!tpu.dma_semaphore, #tpu.memory_space<semaphore_mem>>) src(%dma_wait3A_1426 : memref<32x128xf32, #tpu.memory_space<vmem>>) dst(%dma_wait3A_1432 : memref<10240x128xf32, #tpu.memory_space<vmem_shared>>)
        %dma_wait3A_1433 = arith.constant 1 : i32
        %dma_wait3A_1434 = arith.constant 7 : i32
        %dma_wait3A_1435 = arith.constant 0 : i32
        %dma_wait3A_1436 = tpu.memref_slice %arg10[%dma_wait3A_1433, %dma_wait3A_1434, %dma_wait3A_1435] : memref<2x8x32xi32, #tpu.memory_space<vmem>> -> memref<1x1x32xi32, #tpu.memory_space<vmem>>
        %dma_wait3A_1437 = tpu.memref_squeeze %dma_wait3A_1436 : memref<1x1x32xi32, #tpu.memory_space<vmem>> -> memref<32xi32, #tpu.memory_space<vmem>>
        %dma_wait3A_1438 = arith.constant 0 : i32
        %dma_wait3A_1439 = tpu.memref_slice %arg14[%dma_wait3A_1438] : memref<10240xf32, #tpu.memory_space<vmem_shared>> -> memref<10240xf32, #tpu.memory_space<vmem_shared>>
        tpu.wait_indirect_dma semaphore(%arg38 : memref<!tpu.dma_semaphore, #tpu.memory_space<semaphore_mem>>) src(%arg12 : memref<32xf32, #tpu.memory_space<vmem>>) dst(%dma_wait3A_1439 : memref<10240xf32, #tpu.memory_space<vmem_shared>>)
        %dma_wait3A_1440 = arith.constant 0 : i32
        %dma_wait3A_1441 = arith.constant 7 : i32
        %dma_wait3A_1442 = arith.constant 0 : i32
        %dma_wait3A_1443 = tpu.memref_slice %arg9[%dma_wait3A_1440, %dma_wait3A_1441, %dma_wait3A_1442] : memref<2x8x32xi32, #tpu.memory_space<vmem>> -> memref<1x1x32xi32, #tpu.memory_space<vmem>>
        %dma_wait3A_1444 = tpu.memref_squeeze %dma_wait3A_1443 : memref<1x1x32xi32, #tpu.memory_space<vmem>> -> memref<32xi32, #tpu.memory_space<vmem>>
        %dma_wait3A_1445 = arith.constant 0 : i32
        %dma_wait3A_1446 = tpu.memref_slice %arg3[%dma_wait3A_1445] : memref<327680xi32, #tpu.memory_space<hbm>> -> memref<32xi32, #tpu.memory_space<hbm>>
        %dma_wait3A_1447 = arith.constant 0 : i32
        %dma_wait3A_1448 = tpu.memref_slice %arg9[%dma_wait3A_1440, %dma_wait3A_1441, %dma_wait3A_1447] : memref<2x8x32xi32, #tpu.memory_space<vmem>> -> memref<1x1x32xi32, #tpu.memory_space<vmem>>
        %dma_wait3A_1449 = tpu.memref_squeeze %dma_wait3A_1448 : memref<1x1x32xi32, #tpu.memory_space<vmem>> -> memref<32xi32, #tpu.memory_space<vmem>>
        %dma_wait3A_1450 = arith.constant 0 : i32
        %dma_wait3A_1451 = tpu.memref_slice %arg3[%dma_wait3A_1450] : memref<327680xi32, #tpu.memory_space<hbm>> -> memref<32xi32, #tpu.memory_space<hbm>>
        tpu.wait_dma2 semaphore(%arg22 : memref<!tpu.dma_semaphore, #tpu.memory_space<semaphore_mem>>) src(%dma_wait3A_1451 : memref<32xi32, #tpu.memory_space<hbm>>) dst(%dma_wait3A_1449 : memref<32xi32, #tpu.memory_space<vmem>>)
        %dma_wait3A_1452 = arith.constant 0 : i32
        %dma_wait3A_1453 = arith.constant 7 : i32
        %dma_wait3A_1454 = arith.constant 0 : i32
        %dma_wait3A_1455 = tpu.memref_slice %arg10[%dma_wait3A_1452, %dma_wait3A_1453, %dma_wait3A_1454] : memref<2x8x32xi32, #tpu.memory_space<vmem>> -> memref<1x1x32xi32, #tpu.memory_space<vmem>>
        %dma_wait3A_1456 = tpu.memref_squeeze %dma_wait3A_1455 : memref<1x1x32xi32, #tpu.memory_space<vmem>> -> memref<32xi32, #tpu.memory_space<vmem>>
        %dma_wait3A_1457 = arith.constant 0 : i32
        %dma_wait3A_1458 = tpu.memref_slice %arg4[%dma_wait3A_1457] : memref<327680xi32, #tpu.memory_space<hbm>> -> memref<32xi32, #tpu.memory_space<hbm>>
        %dma_wait3A_1459 = arith.constant 0 : i32
        %dma_wait3A_1460 = tpu.memref_slice %arg10[%dma_wait3A_1452, %dma_wait3A_1453, %dma_wait3A_1459] : memref<2x8x32xi32, #tpu.memory_space<vmem>> -> memref<1x1x32xi32, #tpu.memory_space<vmem>>
        %dma_wait3A_1461 = tpu.memref_squeeze %dma_wait3A_1460 : memref<1x1x32xi32, #tpu.memory_space<vmem>> -> memref<32xi32, #tpu.memory_space<vmem>>
        %dma_wait3A_1462 = arith.constant 0 : i32
        %dma_wait3A_1463 = tpu.memref_slice %arg4[%dma_wait3A_1462] : memref<327680xi32, #tpu.memory_space<hbm>> -> memref<32xi32, #tpu.memory_space<hbm>>
        tpu.wait_dma2 semaphore(%arg22 : memref<!tpu.dma_semaphore, #tpu.memory_space<semaphore_mem>>) src(%dma_wait3A_1463 : memref<32xi32, #tpu.memory_space<hbm>>) dst(%dma_wait3A_1461 : memref<32xi32, #tpu.memory_space<vmem>>)
        %dma_start3A_1464 = arith.constant 0 : i32
        %dma_start3A_1465 = arith.constant 7 : i32
        %dma_start3A_1466 = arith.constant 7 : i32
        %dma_start3A_1467 = arith.constant 0 : i32
        %dma_start3A_1468 = arith.constant 0 : i32
        %dma_start3A_1469 = tpu.memref_slice %arg11[%dma_start3A_1466, %dma_start3A_1467, %dma_start3A_1468] : memref<8x32x128xf32, #tpu.memory_space<vmem>> -> memref<1x32x128xf32, #tpu.memory_space<vmem>>
        %dma_start3A_1470 = tpu.memref_squeeze %dma_start3A_1469 : memref<1x32x128xf32, #tpu.memory_space<vmem>> -> memref<32x128xf32, #tpu.memory_space<vmem>>
        %dma_start3A_1471 = arith.constant 0 : i32
        %dma_start3A_1472 = tpu.memref_slice %arg9[%dma_start3A_1464, %dma_start3A_1465, %dma_start3A_1471] : memref<2x8x32xi32, #tpu.memory_space<vmem>> -> memref<1x1x32xi32, #tpu.memory_space<vmem>>
        %dma_start3A_1473 = tpu.memref_squeeze %dma_start3A_1472 : memref<1x1x32xi32, #tpu.memory_space<vmem>> -> memref<32xi32, #tpu.memory_space<vmem>>
        %dma_start3A_1474 = arith.constant 0 : i32
        %dma_start3A_1475 = arith.constant 0 : i32
        %dma_start3A_1476 = tpu.memref_slice %arg2[%dma_start3A_1474, %dma_start3A_1475] : memref<10000x128xf32, #tpu.memory_space<hbm>> -> memref<10000x128xf32, #tpu.memory_space<hbm>>
        tpu.enqueue_indirect_dma source(%dma_start3A_1476 : memref<10000x128xf32, #tpu.memory_space<hbm>>) target(%dma_start3A_1470 : memref<32x128xf32, #tpu.memory_space<vmem>>) offsets(%dma_start3A_1473 : memref<32xi32, #tpu.memory_space<vmem>>) semaphore(%arg30 : memref<!tpu.dma_semaphore, #tpu.memory_space<semaphore_mem>>)
      } else {
      }
    }
    %scan3A_502 = arith.constant 20 : i32
    %dma_wait3A_503 = arith.constant 0 : i32
    %dma_wait3A_504 = arith.constant 1 : i32
    %dma_wait3A_505 = arith.constant 0 : i32
    %dma_wait3A_506 = arith.constant 0 : i32
    %dma_wait3A_507 = arith.constant 0 : i32
    %dma_wait3A_508 = tpu.memref_slice %arg11[%dma_wait3A_503, %dma_wait3A_506, %dma_wait3A_507] : memref<8x32x128xf32, #tpu.memory_space<vmem>> -> memref<1x32x128xf32, #tpu.memory_space<vmem>>
    %dma_wait3A_509 = tpu.memref_squeeze %dma_wait3A_508 : memref<1x32x128xf32, #tpu.memory_space<vmem>> -> memref<32x128xf32, #tpu.memory_space<vmem>>
    %dma_wait3A_510 = arith.constant 0 : i32
    %dma_wait3A_511 = tpu.memref_slice %arg10[%dma_wait3A_504, %dma_wait3A_505, %dma_wait3A_510] : memref<2x8x32xi32, #tpu.memory_space<vmem>> -> memref<1x1x32xi32, #tpu.memory_space<vmem>>
    %dma_wait3A_512 = tpu.memref_squeeze %dma_wait3A_511 : memref<1x1x32xi32, #tpu.memory_space<vmem>> -> memref<32xi32, #tpu.memory_space<vmem>>
    %dma_wait3A_513 = arith.constant 0 : i32
    %dma_wait3A_514 = arith.constant 0 : i32
    %dma_wait3A_515 = tpu.memref_slice %arg13[%dma_wait3A_513, %dma_wait3A_514] : memref<10240x128xf32, #tpu.memory_space<vmem_shared>> -> memref<10240x128xf32, #tpu.memory_space<vmem_shared>>
    tpu.wait_indirect_dma semaphore(%arg31 : memref<!tpu.dma_semaphore, #tpu.memory_space<semaphore_mem>>) src(%dma_wait3A_509 : memref<32x128xf32, #tpu.memory_space<vmem>>) dst(%dma_wait3A_515 : memref<10240x128xf32, #tpu.memory_space<vmem_shared>>)
    %dma_wait3A_516 = arith.constant 1 : i32
    %dma_wait3A_517 = arith.constant 0 : i32
    %dma_wait3A_518 = arith.constant 0 : i32
    %dma_wait3A_519 = tpu.memref_slice %arg10[%dma_wait3A_516, %dma_wait3A_517, %dma_wait3A_518] : memref<2x8x32xi32, #tpu.memory_space<vmem>> -> memref<1x1x32xi32, #tpu.memory_space<vmem>>
    %dma_wait3A_520 = tpu.memref_squeeze %dma_wait3A_519 : memref<1x1x32xi32, #tpu.memory_space<vmem>> -> memref<32xi32, #tpu.memory_space<vmem>>
    %dma_wait3A_521 = arith.constant 0 : i32
    %dma_wait3A_522 = tpu.memref_slice %arg14[%dma_wait3A_521] : memref<10240xf32, #tpu.memory_space<vmem_shared>> -> memref<10240xf32, #tpu.memory_space<vmem_shared>>
    tpu.wait_indirect_dma semaphore(%arg31 : memref<!tpu.dma_semaphore, #tpu.memory_space<semaphore_mem>>) src(%arg12 : memref<32xf32, #tpu.memory_space<vmem>>) dst(%dma_wait3A_522 : memref<10240xf32, #tpu.memory_space<vmem_shared>>)
    %dma_wait3A_523 = arith.constant 1 : i32
    %dma_wait3A_524 = arith.constant 1 : i32
    %dma_wait3A_525 = arith.constant 1 : i32
    %dma_wait3A_526 = arith.constant 0 : i32
    %dma_wait3A_527 = arith.constant 0 : i32
    %dma_wait3A_528 = tpu.memref_slice %arg11[%dma_wait3A_523, %dma_wait3A_526, %dma_wait3A_527] : memref<8x32x128xf32, #tpu.memory_space<vmem>> -> memref<1x32x128xf32, #tpu.memory_space<vmem>>
    %dma_wait3A_529 = tpu.memref_squeeze %dma_wait3A_528 : memref<1x32x128xf32, #tpu.memory_space<vmem>> -> memref<32x128xf32, #tpu.memory_space<vmem>>
    %dma_wait3A_530 = arith.constant 0 : i32
    %dma_wait3A_531 = tpu.memref_slice %arg10[%dma_wait3A_524, %dma_wait3A_525, %dma_wait3A_530] : memref<2x8x32xi32, #tpu.memory_space<vmem>> -> memref<1x1x32xi32, #tpu.memory_space<vmem>>
    %dma_wait3A_532 = tpu.memref_squeeze %dma_wait3A_531 : memref<1x1x32xi32, #tpu.memory_space<vmem>> -> memref<32xi32, #tpu.memory_space<vmem>>
    %dma_wait3A_533 = arith.constant 0 : i32
    %dma_wait3A_534 = arith.constant 0 : i32
    %dma_wait3A_535 = tpu.memref_slice %arg13[%dma_wait3A_533, %dma_wait3A_534] : memref<10240x128xf32, #tpu.memory_space<vmem_shared>> -> memref<10240x128xf32, #tpu.memory_space<vmem_shared>>
    tpu.wait_indirect_dma semaphore(%arg32 : memref<!tpu.dma_semaphore, #tpu.memory_space<semaphore_mem>>) src(%dma_wait3A_529 : memref<32x128xf32, #tpu.memory_space<vmem>>) dst(%dma_wait3A_535 : memref<10240x128xf32, #tpu.memory_space<vmem_shared>>)
    %dma_wait3A_536 = arith.constant 1 : i32
    %dma_wait3A_537 = arith.constant 1 : i32
    %dma_wait3A_538 = arith.constant 0 : i32
    %dma_wait3A_539 = tpu.memref_slice %arg10[%dma_wait3A_536, %dma_wait3A_537, %dma_wait3A_538] : memref<2x8x32xi32, #tpu.memory_space<vmem>> -> memref<1x1x32xi32, #tpu.memory_space<vmem>>
    %dma_wait3A_540 = tpu.memref_squeeze %dma_wait3A_539 : memref<1x1x32xi32, #tpu.memory_space<vmem>> -> memref<32xi32, #tpu.memory_space<vmem>>
    %dma_wait3A_541 = arith.constant 0 : i32
    %dma_wait3A_542 = tpu.memref_slice %arg14[%dma_wait3A_541] : memref<10240xf32, #tpu.memory_space<vmem_shared>> -> memref<10240xf32, #tpu.memory_space<vmem_shared>>
    tpu.wait_indirect_dma semaphore(%arg32 : memref<!tpu.dma_semaphore, #tpu.memory_space<semaphore_mem>>) src(%arg12 : memref<32xf32, #tpu.memory_space<vmem>>) dst(%dma_wait3A_542 : memref<10240xf32, #tpu.memory_space<vmem_shared>>)
    %dma_wait3A_543 = arith.constant 2 : i32
    %dma_wait3A_544 = arith.constant 1 : i32
    %dma_wait3A_545 = arith.constant 2 : i32
    %dma_wait3A_546 = arith.constant 0 : i32
    %dma_wait3A_547 = arith.constant 0 : i32
    %dma_wait3A_548 = tpu.memref_slice %arg11[%dma_wait3A_543, %dma_wait3A_546, %dma_wait3A_547] : memref<8x32x128xf32, #tpu.memory_space<vmem>> -> memref<1x32x128xf32, #tpu.memory_space<vmem>>
    %dma_wait3A_549 = tpu.memref_squeeze %dma_wait3A_548 : memref<1x32x128xf32, #tpu.memory_space<vmem>> -> memref<32x128xf32, #tpu.memory_space<vmem>>
    %dma_wait3A_550 = arith.constant 0 : i32
    %dma_wait3A_551 = tpu.memref_slice %arg10[%dma_wait3A_544, %dma_wait3A_545, %dma_wait3A_550] : memref<2x8x32xi32, #tpu.memory_space<vmem>> -> memref<1x1x32xi32, #tpu.memory_space<vmem>>
    %dma_wait3A_552 = tpu.memref_squeeze %dma_wait3A_551 : memref<1x1x32xi32, #tpu.memory_space<vmem>> -> memref<32xi32, #tpu.memory_space<vmem>>
    %dma_wait3A_553 = arith.constant 0 : i32
    %dma_wait3A_554 = arith.constant 0 : i32
    %dma_wait3A_555 = tpu.memref_slice %arg13[%dma_wait3A_553, %dma_wait3A_554] : memref<10240x128xf32, #tpu.memory_space<vmem_shared>> -> memref<10240x128xf32, #tpu.memory_space<vmem_shared>>
    tpu.wait_indirect_dma semaphore(%arg33 : memref<!tpu.dma_semaphore, #tpu.memory_space<semaphore_mem>>) src(%dma_wait3A_549 : memref<32x128xf32, #tpu.memory_space<vmem>>) dst(%dma_wait3A_555 : memref<10240x128xf32, #tpu.memory_space<vmem_shared>>)
    %dma_wait3A_556 = arith.constant 1 : i32
    %dma_wait3A_557 = arith.constant 2 : i32
    %dma_wait3A_558 = arith.constant 0 : i32
    %dma_wait3A_559 = tpu.memref_slice %arg10[%dma_wait3A_556, %dma_wait3A_557, %dma_wait3A_558] : memref<2x8x32xi32, #tpu.memory_space<vmem>> -> memref<1x1x32xi32, #tpu.memory_space<vmem>>
    %dma_wait3A_560 = tpu.memref_squeeze %dma_wait3A_559 : memref<1x1x32xi32, #tpu.memory_space<vmem>> -> memref<32xi32, #tpu.memory_space<vmem>>
    %dma_wait3A_561 = arith.constant 0 : i32
    %dma_wait3A_562 = tpu.memref_slice %arg14[%dma_wait3A_561] : memref<10240xf32, #tpu.memory_space<vmem_shared>> -> memref<10240xf32, #tpu.memory_space<vmem_shared>>
    tpu.wait_indirect_dma semaphore(%arg33 : memref<!tpu.dma_semaphore, #tpu.memory_space<semaphore_mem>>) src(%arg12 : memref<32xf32, #tpu.memory_space<vmem>>) dst(%dma_wait3A_562 : memref<10240xf32, #tpu.memory_space<vmem_shared>>)
    %dma_wait3A_563 = arith.constant 3 : i32
    %dma_wait3A_564 = arith.constant 1 : i32
    %dma_wait3A_565 = arith.constant 3 : i32
    %dma_wait3A_566 = arith.constant 0 : i32
    %dma_wait3A_567 = arith.constant 0 : i32
    %dma_wait3A_568 = tpu.memref_slice %arg11[%dma_wait3A_563, %dma_wait3A_566, %dma_wait3A_567] : memref<8x32x128xf32, #tpu.memory_space<vmem>> -> memref<1x32x128xf32, #tpu.memory_space<vmem>>
    %dma_wait3A_569 = tpu.memref_squeeze %dma_wait3A_568 : memref<1x32x128xf32, #tpu.memory_space<vmem>> -> memref<32x128xf32, #tpu.memory_space<vmem>>
    %dma_wait3A_570 = arith.constant 0 : i32
    %dma_wait3A_571 = tpu.memref_slice %arg10[%dma_wait3A_564, %dma_wait3A_565, %dma_wait3A_570] : memref<2x8x32xi32, #tpu.memory_space<vmem>> -> memref<1x1x32xi32, #tpu.memory_space<vmem>>
    %dma_wait3A_572 = tpu.memref_squeeze %dma_wait3A_571 : memref<1x1x32xi32, #tpu.memory_space<vmem>> -> memref<32xi32, #tpu.memory_space<vmem>>
    %dma_wait3A_573 = arith.constant 0 : i32
    %dma_wait3A_574 = arith.constant 0 : i32
    %dma_wait3A_575 = tpu.memref_slice %arg13[%dma_wait3A_573, %dma_wait3A_574] : memref<10240x128xf32, #tpu.memory_space<vmem_shared>> -> memref<10240x128xf32, #tpu.memory_space<vmem_shared>>
    tpu.wait_indirect_dma semaphore(%arg34 : memref<!tpu.dma_semaphore, #tpu.memory_space<semaphore_mem>>) src(%dma_wait3A_569 : memref<32x128xf32, #tpu.memory_space<vmem>>) dst(%dma_wait3A_575 : memref<10240x128xf32, #tpu.memory_space<vmem_shared>>)
    %dma_wait3A_576 = arith.constant 1 : i32
    %dma_wait3A_577 = arith.constant 3 : i32
    %dma_wait3A_578 = arith.constant 0 : i32
    %dma_wait3A_579 = tpu.memref_slice %arg10[%dma_wait3A_576, %dma_wait3A_577, %dma_wait3A_578] : memref<2x8x32xi32, #tpu.memory_space<vmem>> -> memref<1x1x32xi32, #tpu.memory_space<vmem>>
    %dma_wait3A_580 = tpu.memref_squeeze %dma_wait3A_579 : memref<1x1x32xi32, #tpu.memory_space<vmem>> -> memref<32xi32, #tpu.memory_space<vmem>>
    %dma_wait3A_581 = arith.constant 0 : i32
    %dma_wait3A_582 = tpu.memref_slice %arg14[%dma_wait3A_581] : memref<10240xf32, #tpu.memory_space<vmem_shared>> -> memref<10240xf32, #tpu.memory_space<vmem_shared>>
    tpu.wait_indirect_dma semaphore(%arg34 : memref<!tpu.dma_semaphore, #tpu.memory_space<semaphore_mem>>) src(%arg12 : memref<32xf32, #tpu.memory_space<vmem>>) dst(%dma_wait3A_582 : memref<10240xf32, #tpu.memory_space<vmem_shared>>)
    %dma_wait3A_583 = arith.constant 4 : i32
    %dma_wait3A_584 = arith.constant 1 : i32
    %dma_wait3A_585 = arith.constant 4 : i32
    %dma_wait3A_586 = arith.constant 0 : i32
    %dma_wait3A_587 = arith.constant 0 : i32
    %dma_wait3A_588 = tpu.memref_slice %arg11[%dma_wait3A_583, %dma_wait3A_586, %dma_wait3A_587] : memref<8x32x128xf32, #tpu.memory_space<vmem>> -> memref<1x32x128xf32, #tpu.memory_space<vmem>>
    %dma_wait3A_589 = tpu.memref_squeeze %dma_wait3A_588 : memref<1x32x128xf32, #tpu.memory_space<vmem>> -> memref<32x128xf32, #tpu.memory_space<vmem>>
    %dma_wait3A_590 = arith.constant 0 : i32
    %dma_wait3A_591 = tpu.memref_slice %arg10[%dma_wait3A_584, %dma_wait3A_585, %dma_wait3A_590] : memref<2x8x32xi32, #tpu.memory_space<vmem>> -> memref<1x1x32xi32, #tpu.memory_space<vmem>>
    %dma_wait3A_592 = tpu.memref_squeeze %dma_wait3A_591 : memref<1x1x32xi32, #tpu.memory_space<vmem>> -> memref<32xi32, #tpu.memory_space<vmem>>
    %dma_wait3A_593 = arith.constant 0 : i32
    %dma_wait3A_594 = arith.constant 0 : i32
    %dma_wait3A_595 = tpu.memref_slice %arg13[%dma_wait3A_593, %dma_wait3A_594] : memref<10240x128xf32, #tpu.memory_space<vmem_shared>> -> memref<10240x128xf32, #tpu.memory_space<vmem_shared>>
    tpu.wait_indirect_dma semaphore(%arg35 : memref<!tpu.dma_semaphore, #tpu.memory_space<semaphore_mem>>) src(%dma_wait3A_589 : memref<32x128xf32, #tpu.memory_space<vmem>>) dst(%dma_wait3A_595 : memref<10240x128xf32, #tpu.memory_space<vmem_shared>>)
    %dma_wait3A_596 = arith.constant 1 : i32
    %dma_wait3A_597 = arith.constant 4 : i32
    %dma_wait3A_598 = arith.constant 0 : i32
    %dma_wait3A_599 = tpu.memref_slice %arg10[%dma_wait3A_596, %dma_wait3A_597, %dma_wait3A_598] : memref<2x8x32xi32, #tpu.memory_space<vmem>> -> memref<1x1x32xi32, #tpu.memory_space<vmem>>
    %dma_wait3A_600 = tpu.memref_squeeze %dma_wait3A_599 : memref<1x1x32xi32, #tpu.memory_space<vmem>> -> memref<32xi32, #tpu.memory_space<vmem>>
    %dma_wait3A_601 = arith.constant 0 : i32
    %dma_wait3A_602 = tpu.memref_slice %arg14[%dma_wait3A_601] : memref<10240xf32, #tpu.memory_space<vmem_shared>> -> memref<10240xf32, #tpu.memory_space<vmem_shared>>
    tpu.wait_indirect_dma semaphore(%arg35 : memref<!tpu.dma_semaphore, #tpu.memory_space<semaphore_mem>>) src(%arg12 : memref<32xf32, #tpu.memory_space<vmem>>) dst(%dma_wait3A_602 : memref<10240xf32, #tpu.memory_space<vmem_shared>>)
    %dma_wait3A_603 = arith.constant 5 : i32
    %dma_wait3A_604 = arith.constant 1 : i32
    %dma_wait3A_605 = arith.constant 5 : i32
    %dma_wait3A_606 = arith.constant 0 : i32
    %dma_wait3A_607 = arith.constant 0 : i32
    %dma_wait3A_608 = tpu.memref_slice %arg11[%dma_wait3A_603, %dma_wait3A_606, %dma_wait3A_607] : memref<8x32x128xf32, #tpu.memory_space<vmem>> -> memref<1x32x128xf32, #tpu.memory_space<vmem>>
    %dma_wait3A_609 = tpu.memref_squeeze %dma_wait3A_608 : memref<1x32x128xf32, #tpu.memory_space<vmem>> -> memref<32x128xf32, #tpu.memory_space<vmem>>
    %dma_wait3A_610 = arith.constant 0 : i32
    %dma_wait3A_611 = tpu.memref_slice %arg10[%dma_wait3A_604, %dma_wait3A_605, %dma_wait3A_610] : memref<2x8x32xi32, #tpu.memory_space<vmem>> -> memref<1x1x32xi32, #tpu.memory_space<vmem>>
    %dma_wait3A_612 = tpu.memref_squeeze %dma_wait3A_611 : memref<1x1x32xi32, #tpu.memory_space<vmem>> -> memref<32xi32, #tpu.memory_space<vmem>>
    %dma_wait3A_613 = arith.constant 0 : i32
    %dma_wait3A_614 = arith.constant 0 : i32
    %dma_wait3A_615 = tpu.memref_slice %arg13[%dma_wait3A_613, %dma_wait3A_614] : memref<10240x128xf32, #tpu.memory_space<vmem_shared>> -> memref<10240x128xf32, #tpu.memory_space<vmem_shared>>
    tpu.wait_indirect_dma semaphore(%arg36 : memref<!tpu.dma_semaphore, #tpu.memory_space<semaphore_mem>>) src(%dma_wait3A_609 : memref<32x128xf32, #tpu.memory_space<vmem>>) dst(%dma_wait3A_615 : memref<10240x128xf32, #tpu.memory_space<vmem_shared>>)
    %dma_wait3A_616 = arith.constant 1 : i32
    %dma_wait3A_617 = arith.constant 5 : i32
    %dma_wait3A_618 = arith.constant 0 : i32
    %dma_wait3A_619 = tpu.memref_slice %arg10[%dma_wait3A_616, %dma_wait3A_617, %dma_wait3A_618] : memref<2x8x32xi32, #tpu.memory_space<vmem>> -> memref<1x1x32xi32, #tpu.memory_space<vmem>>
    %dma_wait3A_620 = tpu.memref_squeeze %dma_wait3A_619 : memref<1x1x32xi32, #tpu.memory_space<vmem>> -> memref<32xi32, #tpu.memory_space<vmem>>
    %dma_wait3A_621 = arith.constant 0 : i32
    %dma_wait3A_622 = tpu.memref_slice %arg14[%dma_wait3A_621] : memref<10240xf32, #tpu.memory_space<vmem_shared>> -> memref<10240xf32, #tpu.memory_space<vmem_shared>>
    tpu.wait_indirect_dma semaphore(%arg36 : memref<!tpu.dma_semaphore, #tpu.memory_space<semaphore_mem>>) src(%arg12 : memref<32xf32, #tpu.memory_space<vmem>>) dst(%dma_wait3A_622 : memref<10240xf32, #tpu.memory_space<vmem_shared>>)
    %dma_wait3A_623 = arith.constant 6 : i32
    %dma_wait3A_624 = arith.constant 1 : i32
    %dma_wait3A_625 = arith.constant 6 : i32
    %dma_wait3A_626 = arith.constant 0 : i32
    %dma_wait3A_627 = arith.constant 0 : i32
    %dma_wait3A_628 = tpu.memref_slice %arg11[%dma_wait3A_623, %dma_wait3A_626, %dma_wait3A_627] : memref<8x32x128xf32, #tpu.memory_space<vmem>> -> memref<1x32x128xf32, #tpu.memory_space<vmem>>
    %dma_wait3A_629 = tpu.memref_squeeze %dma_wait3A_628 : memref<1x32x128xf32, #tpu.memory_space<vmem>> -> memref<32x128xf32, #tpu.memory_space<vmem>>
    %dma_wait3A_630 = arith.constant 0 : i32
    %dma_wait3A_631 = tpu.memref_slice %arg10[%dma_wait3A_624, %dma_wait3A_625, %dma_wait3A_630] : memref<2x8x32xi32, #tpu.memory_space<vmem>> -> memref<1x1x32xi32, #tpu.memory_space<vmem>>
    %dma_wait3A_632 = tpu.memref_squeeze %dma_wait3A_631 : memref<1x1x32xi32, #tpu.memory_space<vmem>> -> memref<32xi32, #tpu.memory_space<vmem>>
    %dma_wait3A_633 = arith.constant 0 : i32
    %dma_wait3A_634 = arith.constant 0 : i32
    %dma_wait3A_635 = tpu.memref_slice %arg13[%dma_wait3A_633, %dma_wait3A_634] : memref<10240x128xf32, #tpu.memory_space<vmem_shared>> -> memref<10240x128xf32, #tpu.memory_space<vmem_shared>>
    tpu.wait_indirect_dma semaphore(%arg37 : memref<!tpu.dma_semaphore, #tpu.memory_space<semaphore_mem>>) src(%dma_wait3A_629 : memref<32x128xf32, #tpu.memory_space<vmem>>) dst(%dma_wait3A_635 : memref<10240x128xf32, #tpu.memory_space<vmem_shared>>)
    %dma_wait3A_636 = arith.constant 1 : i32
    %dma_wait3A_637 = arith.constant 6 : i32
    %dma_wait3A_638 = arith.constant 0 : i32
    %dma_wait3A_639 = tpu.memref_slice %arg10[%dma_wait3A_636, %dma_wait3A_637, %dma_wait3A_638] : memref<2x8x32xi32, #tpu.memory_space<vmem>> -> memref<1x1x32xi32, #tpu.memory_space<vmem>>
    %dma_wait3A_640 = tpu.memref_squeeze %dma_wait3A_639 : memref<1x1x32xi32, #tpu.memory_space<vmem>> -> memref<32xi32, #tpu.memory_space<vmem>>
    %dma_wait3A_641 = arith.constant 0 : i32
    %dma_wait3A_642 = tpu.memref_slice %arg14[%dma_wait3A_641] : memref<10240xf32, #tpu.memory_space<vmem_shared>> -> memref<10240xf32, #tpu.memory_space<vmem_shared>>
    tpu.wait_indirect_dma semaphore(%arg37 : memref<!tpu.dma_semaphore, #tpu.memory_space<semaphore_mem>>) src(%arg12 : memref<32xf32, #tpu.memory_space<vmem>>) dst(%dma_wait3A_642 : memref<10240xf32, #tpu.memory_space<vmem_shared>>)
    %dma_wait3A_643 = arith.constant 7 : i32
    %dma_wait3A_644 = arith.constant 1 : i32
    %dma_wait3A_645 = arith.constant 7 : i32
    %dma_wait3A_646 = arith.constant 0 : i32
    %dma_wait3A_647 = arith.constant 0 : i32
    %dma_wait3A_648 = tpu.memref_slice %arg11[%dma_wait3A_643, %dma_wait3A_646, %dma_wait3A_647] : memref<8x32x128xf32, #tpu.memory_space<vmem>> -> memref<1x32x128xf32, #tpu.memory_space<vmem>>
    %dma_wait3A_649 = tpu.memref_squeeze %dma_wait3A_648 : memref<1x32x128xf32, #tpu.memory_space<vmem>> -> memref<32x128xf32, #tpu.memory_space<vmem>>
    %dma_wait3A_650 = arith.constant 0 : i32
    %dma_wait3A_651 = tpu.memref_slice %arg10[%dma_wait3A_644, %dma_wait3A_645, %dma_wait3A_650] : memref<2x8x32xi32, #tpu.memory_space<vmem>> -> memref<1x1x32xi32, #tpu.memory_space<vmem>>
    %dma_wait3A_652 = tpu.memref_squeeze %dma_wait3A_651 : memref<1x1x32xi32, #tpu.memory_space<vmem>> -> memref<32xi32, #tpu.memory_space<vmem>>
    %dma_wait3A_653 = arith.constant 0 : i32
    %dma_wait3A_654 = arith.constant 0 : i32
    %dma_wait3A_655 = tpu.memref_slice %arg13[%dma_wait3A_653, %dma_wait3A_654] : memref<10240x128xf32, #tpu.memory_space<vmem_shared>> -> memref<10240x128xf32, #tpu.memory_space<vmem_shared>>
    tpu.wait_indirect_dma semaphore(%arg38 : memref<!tpu.dma_semaphore, #tpu.memory_space<semaphore_mem>>) src(%dma_wait3A_649 : memref<32x128xf32, #tpu.memory_space<vmem>>) dst(%dma_wait3A_655 : memref<10240x128xf32, #tpu.memory_space<vmem_shared>>)
    %dma_wait3A_656 = arith.constant 1 : i32
    %dma_wait3A_657 = arith.constant 7 : i32
    %dma_wait3A_658 = arith.constant 0 : i32
    %dma_wait3A_659 = tpu.memref_slice %arg10[%dma_wait3A_656, %dma_wait3A_657, %dma_wait3A_658] : memref<2x8x32xi32, #tpu.memory_space<vmem>> -> memref<1x1x32xi32, #tpu.memory_space<vmem>>
    %dma_wait3A_660 = tpu.memref_squeeze %dma_wait3A_659 : memref<1x1x32xi32, #tpu.memory_space<vmem>> -> memref<32xi32, #tpu.memory_space<vmem>>
    %dma_wait3A_661 = arith.constant 0 : i32
    %dma_wait3A_662 = tpu.memref_slice %arg14[%dma_wait3A_661] : memref<10240xf32, #tpu.memory_space<vmem_shared>> -> memref<10240xf32, #tpu.memory_space<vmem_shared>>
    tpu.wait_indirect_dma semaphore(%arg38 : memref<!tpu.dma_semaphore, #tpu.memory_space<semaphore_mem>>) src(%arg12 : memref<32xf32, #tpu.memory_space<vmem>>) dst(%dma_wait3A_662 : memref<10240xf32, #tpu.memory_space<vmem_shared>>)
    %barrier3A_663 = arith.constant 0 : index
    tpu.barrier barrier_id(%barrier3A_663)
    "tpu.region"() ({
      %run_scoped3A = tpu.sem_alloc : memref<!tpu.dma_semaphore, #tpu.memory_space<semaphore_mem>>
      %dma_start3A_664 = arith.constant 0 : i32
      %dma_start3A_665 = tpu.memref_slice %arg7[%arg0, %mul3A_0, %dma_start3A_664] : memref<2x10240x128xf32, #tpu.memory_space<hbm>> -> memref<1x640x128xf32, #tpu.memory_space<hbm>>
      %dma_start3A_666 = tpu.memref_squeeze %dma_start3A_665 : memref<1x640x128xf32, #tpu.memory_space<hbm>> -> memref<640x128xf32, #tpu.memory_space<hbm>>
      %dma_start3A_667 = arith.constant 0 : i32
      %dma_start3A_668 = tpu.memref_slice %arg13[%mul3A_0, %dma_start3A_667] : memref<10240x128xf32, #tpu.memory_space<vmem_shared>> -> memref<640x128xf32, #tpu.memory_space<vmem_shared>>
      tpu.enqueue_dma source(%dma_start3A_668 : memref<640x128xf32, #tpu.memory_space<vmem_shared>>) target(%dma_start3A_666 : memref<640x128xf32, #tpu.memory_space<hbm>>) target_semaphore(%run_scoped3A : memref<!tpu.dma_semaphore, #tpu.memory_space<semaphore_mem>>)
      %dma_wait3A_669 = arith.constant 0 : i32
      %dma_wait3A_670 = tpu.memref_slice %arg7[%arg0, %mul3A_0, %dma_wait3A_669] : memref<2x10240x128xf32, #tpu.memory_space<hbm>> -> memref<1x640x128xf32, #tpu.memory_space<hbm>>
      %dma_wait3A_671 = tpu.memref_squeeze %dma_wait3A_670 : memref<1x640x128xf32, #tpu.memory_space<hbm>> -> memref<640x128xf32, #tpu.memory_space<hbm>>
      %dma_wait3A_672 = arith.constant 0 : i32
      %dma_wait3A_673 = tpu.memref_slice %arg13[%mul3A_0, %dma_wait3A_672] : memref<10240x128xf32, #tpu.memory_space<vmem_shared>> -> memref<640x128xf32, #tpu.memory_space<vmem_shared>>
      tpu.wait_dma2 semaphore(%run_scoped3A : memref<!tpu.dma_semaphore, #tpu.memory_space<semaphore_mem>>) src(%dma_wait3A_673 : memref<640x128xf32, #tpu.memory_space<vmem_shared>>) dst(%dma_wait3A_671 : memref<640x128xf32, #tpu.memory_space<hbm>>)
      tpu.yield
    }) : () -> ()
    "tpu.region"() ({
      %run_scoped3A = tpu.sem_alloc : memref<!tpu.dma_semaphore, #tpu.memory_space<semaphore_mem>>
      %dma_start3A_664 = tpu.memref_slice %arg8[%arg0, %mul3A_0] : memref<2x10240xf32, #tpu.memory_space<hbm>> -> memref<1x640xf32, #tpu.memory_space<hbm>>
      %dma_start3A_665 = tpu.memref_squeeze %dma_start3A_664 : memref<1x640xf32, #tpu.memory_space<hbm>> -> memref<640xf32, #tpu.memory_space<hbm>>
      %dma_start3A_666 = tpu.memref_slice %arg14[%mul3A_0] : memref<10240xf32, #tpu.memory_space<vmem_shared>> -> memref<640xf32, #tpu.memory_space<vmem_shared>>
      tpu.enqueue_dma source(%dma_start3A_666 : memref<640xf32, #tpu.memory_space<vmem_shared>>) target(%dma_start3A_665 : memref<640xf32, #tpu.memory_space<hbm>>) target_semaphore(%run_scoped3A : memref<!tpu.dma_semaphore, #tpu.memory_space<semaphore_mem>>)
      %dma_wait3A_667 = tpu.memref_slice %arg8[%arg0, %mul3A_0] : memref<2x10240xf32, #tpu.memory_space<hbm>> -> memref<1x640xf32, #tpu.memory_space<hbm>>
      %dma_wait3A_668 = tpu.memref_squeeze %dma_wait3A_667 : memref<1x640xf32, #tpu.memory_space<hbm>> -> memref<640xf32, #tpu.memory_space<hbm>>
      %dma_wait3A_669 = tpu.memref_slice %arg14[%mul3A_0] : memref<10240xf32, #tpu.memory_space<vmem_shared>> -> memref<640xf32, #tpu.memory_space<vmem_shared>>
      tpu.wait_dma2 semaphore(%run_scoped3A : memref<!tpu.dma_semaphore, #tpu.memory_space<semaphore_mem>>) src(%dma_wait3A_669 : memref<640xf32, #tpu.memory_space<vmem_shared>>) dst(%dma_wait3A_668 : memref<640xf32, #tpu.memory_space<hbm>>)
      tpu.yield
    }) : () -> ()
    return
  }
}

</mosaic_0001>

<sc_bundles>
// kernel: _sc_agg_layer1.3.cloned.1.call-start
scs
__scs_entry_jumppad:
0x0: {  	(pc) =	sbr.rel $0x88, $3  }
0x1: {  	(tag) =	ssettag $0x0;
	lr =	simm.s32 $0x1  }
0x2: {  	[smem:$0x3F9C] =	sst lr;
	_ =	strace $0xD0000000  }
0x3: {  	_ = 	snop  }
0x4: {  	_ = 	snop  }
0x5: {  	_ = 	snop  }
0x6: {  	_ = 	snop  }
0x7: {  	_ = 	snop  }
__scs_overlays_trampoline_lowered:
0x8: {  	[smem:$0x3FAB] =	sst s0  }
0x9: {  	[smem:$0x3FAC] =	sst s1  }
0xa: {  	[smem:$0x3FAD] =	sst s2  }
0xb: {  	[smem:$0x3FAE] =	sst s3  }
0xc: {  	[smem:$0x3FAF] =	sst s4  }
0xd: {  	[smem:$0x3FB0] =	sst s5  }
0xe: {  	[smem:$0x3FB1] =	sst s6  }
0xf: {  	[smem:$0x3FB2] =	sst s7  }
0x10: {  	[smem:$0x3FB3] =	sst s8  }
0x11: {  	[smem:$0x3FB4] =	sst s9;
	s0 =	simm.s32 @!p0 $0x0  }
0x12: {  	s1 =	sld [smem:$0x3F9A];
	s0 =	simm.s32 @p0 $0x1  }
0x13: {  	[smem:$0x3FB5] =	sst s0;
	s0 =	simm.s32 @!p1 $0x0  }
0x14: {  	s2 =	sld [smem:$0x3F99];
	s0 =	simm.s32 @p1 $0x1  }
0x15: {  	[smem:$0x3FB6] =	sst s0;
	s0 =	simm.s32 @!p2 $0x0  }
0x16: {  	s3 =	sld [smem:$0x3FDB];
	s0 =	simm.s32 @p2 $0x1  }
0x17: {  	s4 =	simm.s32 $0x1BF5;
	[smem:$0x3FB8] =	sst s0  }
0x18: {  	s0 =	sld [smem:$0x3F9B];
	_ =	swait.ge [sflag:s4], $0x0  }
0x19: {  	s7 =	sld [smem:$0x3F9C]  }
0x1a: {  	s8 =	sadd.s32 $0xFFFFE003, lr  }
0x1b: {  	s9 =	sadd.s32 $0xFFFFFEF7, lr;
	s5 =	simm.s32 $0xFFFFFFFF;
	p2 =	slt.u32 s8, $0xFFFFF086  }
0x1c: {  	p1 =	slt.u32 s9, $0xF7A;
	s5 =	simm.s32 @!p2 $0x0  }
0x1d: {  	s5 =	simm.s32 @p1 $0x1;
	p0 =	seq.s32 s7, s2  }
0x1e: {  	s7 =	smul.u32 @!p0 $0xF7A, s2;
	p2 =	seq.s32 @!p0 s5, $0x0  }
0x1f: {  	s9 =	smul.u32 $0xF7A, s1;
	s8 =	simm.s32 @!p0 $0x1BF5;
	p2 =	por !p2, p0  }
0x20: {  	[sflag:s8] =	ssyncset.s32 @!p0 $0xFFFFF086;
	s6 =	sadd.s32 @!p0 s3, s7;
	s7 =	simm.s32 @!p0 $0x108  }
0x21: {  	s3 =	sadd.s32 s3, s9;
	s6 =	sadd.s32 @!p0 $0x88, s6;
	s7 =	simm.s32 @p2 $0x1082  }
0x22: {  	[simem:s7], [sflag:s8] =	dma.local @!p0 [hbm:s6], $0xF7A  }
0x23: {  	s9 =	sor.u32 $0xD0000000, s2;
	s6 =	simm.s32 $0x108;
	_ =	swait.ge @!p0 [sflag:s8], $0x0  }
0x24: {  	s3 =	sadd.s32 $0x88, s3;
	s6 =	simm.s32 @!p1 $0x1082;
	[sflag:s4] =	ssyncset.s32 $0xFFFFF086  }
0x25: {  	[simem:s6], [sflag:s4] =	dma.local [hbm:s3], $0xF7A  }
0x26: {  	[smem:$0x3F9C] =	sst s1;
	(tag) =	ssettag s2;
	_ =	strace s9  }
0x27: {  	s1 =	sld [smem:$0x3FAC]  }
0x28: {  	s2 =	sld [smem:$0x3FAD]  }
0x29: {  	s4 =	sld [smem:$0x3FAF]  }
0x2a: {  	p0 =	seq.s32 s5, $0x0;
	s5 =	sld [smem:$0x3FB0]  }
0x2b: {  	s6 =	sld [smem:$0x3FB1]  }
0x2c: {  	s7 =	sld [smem:$0x3FB2]  }
0x2d: {  	s3 =	simm.s32 $0x108;
	s8 =	sld [smem:$0x3FB3]  }
0x2e: {  	s3 =	simm.s32 @!p0 $0x1082;
	s9 =	sld [smem:$0x3FB4]  }
0x2f: {  	lr =	sadd.s32 s0, s3;
	s0 =	sld [smem:$0x3FAB]  }
0x30: {  	s3 =	sld [smem:$0x3FAE]  }
0x31: {  	[smem:$0x3FB7] =	sst s10  }
0x32: {  	s10 =	sld [smem:$0x3FB5];
	_ =	sdelay $0x3  }
0x33: {  	p0 =	seq.s32 s10, $0x1;
	s10 =	sld [smem:$0x3FB7];
	_ =	sdelay $0x3  }
0x34: {  	[smem:$0x3FB7] =	sst s10  }
0x35: {  	s10 =	sld [smem:$0x3FB6];
	_ =	sdelay $0x3  }
0x36: {  	p1 =	seq.s32 s10, $0x1;
	s10 =	sld [smem:$0x3FB7];
	_ =	sdelay $0x3  }
0x37: {  	[smem:$0x3FB7] =	sst s10  }
0x38: {  	s10 =	sld [smem:$0x3FB8]  }
0x39: {  	_ = 	snop;
	(pc) =	sbr.ind lr, $3  }
0x3a: {  	_ = 	snop  }
0x3b: {  	_ = 	snop  }
0x3c: {  	p2 =	seq.s32 s10, $0x1;
	s10 =	sld [smem:$0x3FB7]  }
0x3d: {  	_ =	shalt  }
0x3e: {  	_ =	shalt  }
0x3f: {  	_ =	shalt  }
0x40: {  	_ =	shalt  }
0x41: {  	_ =	shalt  }
0x42: {  	_ =	shalt  }
0x43: {  	_ =	shalt  }
0x44: {  	_ =	shalt  }
0x45: {  	_ =	shalt  }
0x46: {  	_ =	shalt  }
0x47: {  	_ =	shalt  }
0x48: {  	_ =	shalt  }
0x49: {  	_ =	shalt  }
0x4a: {  	_ =	shalt  }
0x4b: {  	_ =	shalt  }
0x4c: {  	_ =	shalt  }
0x4d: {  	_ =	shalt  }
0x4e: {  	_ =	shalt  }
0x4f: {  	_ =	shalt  }
0x50: {  	_ =	shalt  }
0x51: {  	_ =	shalt  }
0x52: {  	_ =	shalt  }
0x53: {  	_ =	shalt  }
0x54: {  	_ =	shalt  }
0x55: {  	_ =	shalt  }
0x56: {  	_ =	shalt  }
0x57: {  	_ =	shalt  }
0x58: {  	_ =	shalt  }
0x59: {  	_ =	shalt  }
0x5a: {  	_ =	shalt  }
0x5b: {  	_ =	shalt  }
0x5c: {  	_ =	shalt  }
0x5d: {  	_ =	shalt  }
0x5e: {  	_ =	shalt  }
0x5f: {  	_ =	shalt  }
0x60: {  	_ =	shalt  }
0x61: {  	_ =	shalt  }
0x62: {  	_ =	shalt  }
0x63: {  	_ =	shalt  }
0x64: {  	_ =	shalt  }
0x65: {  	_ =	shalt  }
0x66: {  	_ =	shalt  }
0x67: {  	_ =	shalt  }
0x68: {  	_ =	shalt  }
0x69: {  	_ =	shalt  }
0x6a: {  	_ =	shalt  }
0x6b: {  	_ =	shalt  }
0x6c: {  	_ =	shalt  }
0x6d: {  	_ =	shalt  }
0x6e: {  	_ =	shalt  }
0x6f: {  	_ =	shalt  }
0x70: {  	_ =	shalt  }
0x71: {  	_ =	shalt  }
0x72: {  	_ =	shalt  }
0x73: {  	_ =	shalt  }
0x74: {  	_ =	shalt  }
0x75: {  	_ =	shalt  }
0x76: {  	_ =	shalt  }
0x77: {  	_ =	shalt  }
0x78: {  	_ =	shalt  }
0x79: {  	_ =	shalt  }
0x7a: {  	_ =	shalt  }
0x7b: {  	_ =	shalt  }
0x7c: {  	_ =	shalt  }
0x7d: {  	_ =	shalt  }
0x7e: {  	_ =	shalt  }
0x7f: {  	_ =	shalt  }
0x80: {  	_ =	shalt  }
0x81: {  	_ =	shalt  }
0x82: {  	_ =	shalt  }
0x83: {  	_ =	shalt  }
0x84: {  	_ =	shalt  }
0x85: {  	_ =	shalt  }
0x86: {  	_ =	shalt  }
0x87: {  	_ =	shalt  }
.Lfunc_end0:
.L_simem_size_0:
called_computation_lowered:
.L_overlay_start_0:
0x88: {  	s2 =	sld [smem:$0x3FD9]  }
0x89: {  	s3 =	sld [smem:$0x3FFE];
	_ =	sdelay $0x1  }
0x8a: {  	s1 =	srdreg.scid  }
0x8b: {  	s0 =	sand.u32 $0x1, s1  }
0x8c: {  	s15 =	sshll.u32 s0, $0xA;
	s2 =	sadd.s32 s3, s2  }
0x8d: {  	s2 =	sadd.s32 s2, s15  }
0x8e: {  	[smem:$0x3FC3] =	sst s2  }
0x8f: {  	_ = 	snop  }
0x90: {  	s2 =	sld [smem:$0x3FC9]  }
0x91: {  	s16 =	sld [smem:$0x3FC8]  }
0x92: {  	s4 =	sld [smem:$0x3FD0]  }
0x93: {  	s5 =	sld [smem:$0x3FC7]  }
0x94: {  	s6 =	sld [smem:$0x3FC6]  }
0x95: {  	s8 =	simm.s32 $0xA;
	s9 =	simm.s32 $0x10;
	s7 =	sld [smem:$0x3FC5]  }
0x96: {  	[smem:s9], [sflag:s8] =	dma.local [hbm:s4], $0x1  }
0x97: {  	_ =	swait.eq [sflag:s8], $0x1  }
0x98: {  	[sflag:s8] =	ssyncset.done $0x0  }
0x99: {  	s17 =	sld [smem:$0x10];
	[sflag:s8] =	ssyncadd.s32 $0xFFFFFFFF  }
0x9a: {  	s18 =	sld [smem:$0x11];
	(tm) =	ssettm $0x1  }
0x9b: {  	s19 =	sld [smem:$0x3FFB];
	_ =	sdelay $0x3  }
0x9c: {  	_ =	strace s19  }
0x9d: {  	s9 =	sld [smem:$0x3FFC];
	_ =	sdelay $0x3  }
0x9e: {  	_ =	strace s9  }
0x9f: {  	s9 =	sld [smem:$0x3FFD];
	_ =	sdelay $0x3  }
0xa0: {  	_ =	strace s9  }
0xa1: {  	_ =	strace $0x8FFFFFFF  }
0xa2: {  	s20 =	sld [smem:$0x3FDB];
	_ =	sdelay $0x1  }
0xa3: {  	s10 =	simm.s32 $_scs_section_size  }
0xa4: {  	s11 =	simm.s32 $_size__tile_overlayer_lowered;
	s12 =	simm.s32 $_tile_overlayer_lowered  }
0xa5: {  	s23 =	simm.s32 $0x1BFF;
	s22 =	sshll.u32 s12, $0x1;
	s9 =	sadd.s32 s10, s20  }
0xa6: {  	s13 =	simm.s32 $0x0;
	s21 =	sshll.u32 s11, $0x1;
	s11 =	sadd.s32 s22, s9  }
0xa7: {  	[timem:s13], [sflag:s23] =	dma.local [hbm:s11], s21  }
0xa8: {  	_ =	swait.ge [sflag:s23], s21  }
0xa9: {  	s10 =	ssub.s32 $0x0, s21;
	[sflag:s23] =	ssyncset.done $0x0  }
0xaa: {  	[sflag:s23] =	ssyncadd.s32 s10;
	_ =	sdelay $0x1  }
0xab: {  	s24 =	simm.s32 $0x1B8B  }
0xac: {  	_ =	swait.ge [sflag:s24], $0x1  }
0xad: {  	[sflag:s24] =	ssyncset.done $0x0  }
0xae: {  	s25 =	simm.s32 $0x1B8E;
	[sflag:s24] =	ssyncadd.s32 $0xFFFFFFFF  }
0xaf: {  	s26 =	simm.s32 $execute0_lowered;
	[smem:$0x3FD2] =	sst s25  }
0xb0: {  	s10 =	sshll.u32 s26, $0x1;
	_ =	strace $0x80000046;
	[dreg:$0x1] =	wrdreg $0xFFFFFFFF  }
0xb1: {  	s28 =	simm.s32 $_size_execute0_lowered;
	s9 =	sadd.s32 s9, s10;
	[dreg:$0x0] =	wrdreg $0x0  }
0xb2: {  	s10 =	sshll.u32 s28, $0x1;
	[dreg:$0x2] =	wrdreg s9  }
0xb3: {  	[dreg:$0x3] =	wrdreg s10  }
0xb4: {  	[dreg:$0x4] =	wrdreg $0xC0  }
0xb5: {  	_ =	task [dreg:s13], $0x5FFFF  }
0xb6: {  	[dreg:$0x1] =	wrdreg $0xFFFFFFFF  }
0xb7: {  	[dreg:$0x0] =	wrdreg $0x60  }
0xb8: {  	[dreg:$0x2] =	wrdreg s2  }
0xb9: {  	[dreg:$0x3] =	wrdreg s16  }
0xba: {  	[dreg:$0x4] =	wrdreg s5  }
0xbb: {  	[dreg:$0x5] =	wrdreg s6  }
0xbc: {  	[dreg:$0x6] =	wrdreg s7  }
0xbd: {  	[dreg:$0x7] =	wrdreg s17  }
0xbe: {  	[dreg:$0x8] =	wrdreg s18  }
0xbf: {  	[dreg:$0x9] =	wrdreg $0x90800  }
0xc0: {  	[dreg:$0xa] =	wrdreg $0x1D0800  }
0xc1: {  	[dreg:$0xb] =	wrdreg $0x9  }
0xc2: {  	_ =	task.clear_ibuf [dreg:s13], $0xCFFFF;
	_ =	strace $0x90000046  }
0xc3: {  	s29 =	simm.s32 $0x9;
	_ =	strace $0x80000048  }
0xc4: {  	_ =	swait.ge [sflag:s29], $0x1  }
0xc5: {  	[sflag:s29] =	ssyncadd.s32 $0xFFFFFFFF  }
0xc6: {  	_ =	strace $0x90000048  }
0xc7: {  	_ =	sfence  }
0xc8: {  	s30 =	sld [smem:$0x0];
	_ =	sdelay $0x2  }
0xc9: {  	s31 =	sshll.u32 s1, $0xD;
	s1 =	sshrl.u32 s1, $0x2  }
0xca: {  	s3 =	sand.u32 $0x4000, s31;
	s1 =	sadd.s32 s1, s30  }
0xcb: {  	s0 =	sor.u32 s3, s0;
	s1 =	sshll.u32 s1, $0x11  }
0xcc: {  	s0 =	sor.u32 s1, s0  }
0xcd: {  	s0 =	sadd.s32 $0x8F2B, s0  }
0xce: {  	[sflag:s0] =	ssyncadd.remote.s32 $0x1  }
0xcf: {  	_ =	sfence.sel $0xFFFF  }
0xd0: {  	[dreg:$0x0] =	wrdreg $0xFFFFFFFF;
	(pc) =	sbr.abs _section_cstart, $3  }
0xd1: {  	[dreg:$0x1] =	wrdreg $0xFFFFFFFF  }
0xd2: {  	_ =	task.clear_ibuf [dreg:s13], $0x2FFFF;
	_ =	strace $0x9FFFFFFF  }
0xd3: {  	(tm) =	ssettm $0x7FFFFFFF  }
tec
execute0_lowered:
.L_overlay_start_1:
0x0: {  	(tag) =	ssettag $0x1  }
0x1: {  	s1 =	rddreg [dreg:$0x1]  }
0x2: {  	s2 =	rddreg [dreg:$0x2]  }
0x3: {  	s4 =	rddreg [dreg:$0x5]  }
0x4: {  	s3 =	srdreg.scid;
	s5 =	rddreg [dreg:$0x6]  }
0x5: {  	s15 =	stileid.u32;
	s0 =	simm.s32 $0x0;
	s30 =	simm.s32 $0xB80  }
0x6: {  	s29 =	simm.s32 $0x1000;
	s28 =	simm.s32 $0x4000;
	s6 =	sand.u32 $0x1, s3  }
0x7: {  	s8 =	sshll.u32 s15, $0x3;
	[smem:$0x7FF] =	sst s0;
	s14 =	smul.u32 $0x14000, s15  }
0x8: {  	s3 =	smul.u32 $0x500, s15;
	s7 =	ssub.s32 $0x2, s6;
	s9 =	sshll.u32 s6, $0x2  }
0x9: {  	s24 =	smul.u32 $0x140000, s6;
	s6 =	sshll.u32 s6, $0x7;
	s10 =	sshrl.u32 s7, $0x1  }
0xa: {  	s11 =	sor.u32 s9, s8;
	s6 =	sor.u32 s6, s3;
	s3 =	simm.s32 $0x0  }
0xb: {  	s7 =	ssub.s32 s7, s10;
	s18 =	sadd.s32 s1, s11;
	s19 =	sadd.s32 s2, s11  }
0xc: {  	s20 =	sor.u32 $0x80, s11;
	s12 =	sor.u32 $0x100, s11;
	[dreg:$0xa] =	wrdreg s18  }
0xd: {  	s16 =	sor.u32 $0x280, s11;
	[dreg:$0xb] =	wrdreg s19;
	s13 =	sadd.s32 s1, s20  }
0xe: {  	s17 =	sadd.s32 s1, s16;
	s18 =	sadd.s32 s2, s16;
	s16 =	rddreg [dreg:$0x8]  }
0xf: {  	s23 =	sor.u32 $0x180, s11;
	s10 =	sadd.s32 s2, s20;
	[dreg:$0xc] =	wrdreg s13  }
0x10: {  	s26 =	sor.u32 $0x200, s11;
	s21 =	sadd.s32 s1, s12;
	[dreg:$0xd] =	wrdreg s10  }
0x11: {  	s6 =	sshrl.u32 s6, $0x3;
	s22 =	sadd.s32 s2, s12;
	[dreg:$0xe] =	wrdreg s21  }
0x12: {  	s25 =	sadd.s32 s1, s23;
	s31 =	sadd.s32 s1, s26;
	[dreg:$0xf] =	wrdreg s22  }
0x13: {  	s12 =	sadd.s32 s14, s24;
	s20 =	sor.u32 $0x300, s11;
	[dreg:$0x10] =	wrdreg s25  }
0x14: {  	s5 =	sadd.s32 s5, s6;
	s24 =	smul.u32 $0x50000, s15;
	[dreg:$0x12] =	wrdreg s31  }
0x15: {  	s14 =	simm.s32 $0x3000;
	s10 =	sadd.s32 s2, s23;
	[dreg:$0x14] =	wrdreg s17  }
0x16: {  	s13 =	sadd.s32 s2, s26;
	[dreg:$0x15] =	wrdreg s18;
	s19 =	sshrl.u32 s12, $0x3  }
0x17: {  	[dreg:$0x17] =	wrdreg s5;
	s21 =	sadd.s32 s1, s20;
	s22 =	sor.u32 $0x380, s11  }
0x18: {  	s25 =	smul.u32 $0xA00, s15;
	s26 =	sshll.u32 s15, $0x6;
	s31 =	smax.u32 s7, $0x1  }
0x19: {  	s7 =	simm.s32 $0x19;
	s17 =	simm.s32 $0xB00;
	[dreg:$0x11] =	wrdreg s10  }
0x1a: {  	s18 =	simm.s32 $0x20;
	s5 =	simm.s32 $0x2;
	[dreg:$0x13] =	wrdreg s13  }
0x1b: {  	s4 =	sadd.s32 s4, s19;
	[dreg:$0x18] =	wrdreg s21;
	s23 =	sadd.s32 s1, s22  }
0x1c: {  	s1 =	sadd.s32 s8, s1;
	s13 =	rddreg [dreg:$0x7];
	s6 =	sor.u32 $0x1C19, s26  }
0x1d: {  	s21 =	simm.s32 $0x4;
	s19 =	simm.s32 $0x7;
	[dreg:$0x16] =	wrdreg s4  }
0x1e: {  	s4 =	sadd.s32 s2, s20;
	[dreg:$0x1a] =	wrdreg s23;
	s1 =	sadd.s32 s9, s1  }
0x1f: {  	s23 =	simm.s32 $0x5000;
	[dreg:$0x19] =	wrdreg s4;
	s4 =	sadd.s32 s2, s22  }
0x20: {  	s2 =	sadd.s32 s8, s2;
	[dreg:$0x1d] =	wrdreg s1;
	s1 =	sshrl.u32 s25, $0x2  }
0x21: {  	s8 =	simm.s32 $0x5;
	[dreg:$0x1b] =	wrdreg s4;
	s2 =	sadd.s32 s9, s2  }
.Ltmp0:
0x22: {  	s1 =	sadd.s32 s1, s16;
	[dreg:$0x1c] =	wrdreg s2;
	(pc) =	sbr.rel .LBB2_1-.Ltmp0, $4  }
0x23: {  	s25 =	simm.s32 $0x6;
	_ =	strace $0x80000047;
	[smem:$0x7FC] =	sst s1  }
0x24: {  	s22 =	simm.s32 $0x6000;
	s2 =	sshrl.u32 s24, $0x2;
	[smem:$0x7FD] =	sst s31  }
0x25: {  	s9 =	simm.s32 $0x2000;
	s2 =	sadd.s32 s2, s13;
	[dreg:$0x1f] =	wrdreg s6  }
0x26: {  	v0 =	vimm.f32 $1.000000000e+00;
	s1 =	simm.s32 $0x1;
	[dreg:$0x1e] =	wrdreg s2;
	s2 =	simm.s32 $0x3  }
.LBB2_4:
0x27: {  	s2 =	simm.s32 $0x10  }
0x28: {  	_ =	swait.ge [sflag:s2], $0x1000  }
0x29: {  	[sflag:s2] =	ssyncset.done $0x0  }
0x2a: {  	s1 =	simm.s32 $0x8000;
	s3 =	simm.s32 $0xF80;
	[sflag:s2] =	ssyncadd.s32 $0xFFFFF000  }
0x2b: {  	[spmem:s13] =	stream.indirect.scatter.add.f32 [tilespmem:s1], [sflag:$0x18], $0x80, s3, s18, $0xb8;
	[tilespmem:$0x1D300] =	vst v63  }
0x2c: {  	s12 =	simm.s32 $0x11  }
0x2d: {  	[spmem:s16] =	stream.indirect.scatter.add.f32 [tilespmem:s0], [sflag:$0x18], $0x1, s3, s18, $0xb8;
	[tilespmem:$0x1D300] =	vst v63  }
0x2e: {  	_ =	swait.ge [sflag:s12], $0x1000  }
0x2f: {  	[sflag:s12] =	ssyncset.done $0x0  }
0x30: {  	[sflag:s12] =	ssyncadd.s32 $0xFFFFF000  }
0x31: {  	_ =	swait.ge [sflag:s12], $0x20  }
0x32: {  	[sflag:s12] =	ssyncset.done $0x0  }
0x33: {  	s14 =	simm.s32 $0x12;
	[sflag:s12] =	ssyncadd.s32 $0xFFFFFFE0  }
0x34: {  	_ =	swait.ge [sflag:s14], $0x1000  }
0x35: {  	[sflag:s14] =	ssyncset.done $0x0  }
0x36: {  	[sflag:s14] =	ssyncadd.s32 $0xFFFFF000  }
0x37: {  	_ =	swait.ge [sflag:s14], $0x20  }
0x38: {  	[sflag:s14] =	ssyncset.done $0x0  }
0x39: {  	s15 =	simm.s32 $0x13;
	[sflag:s14] =	ssyncadd.s32 $0xFFFFFFE0  }
0x3a: {  	_ =	swait.ge [sflag:s15], $0x1000  }
0x3b: {  	[sflag:s15] =	ssyncset.done $0x0  }
0x3c: {  	[sflag:s15] =	ssyncadd.s32 $0xFFFFF000  }
0x3d: {  	_ =	swait.ge [sflag:s15], $0x20  }
0x3e: {  	[sflag:s15] =	ssyncset.done $0x0  }
0x3f: {  	s17 =	simm.s32 $0x14;
	[sflag:s15] =	ssyncadd.s32 $0xFFFFFFE0  }
0x40: {  	_ =	swait.ge [sflag:s17], $0x1000  }
0x41: {  	[sflag:s17] =	ssyncset.done $0x0  }
0x42: {  	[sflag:s17] =	ssyncadd.s32 $0xFFFFF000  }
0x43: {  	_ =	swait.ge [sflag:s17], $0x20  }
0x44: {  	[sflag:s17] =	ssyncset.done $0x0  }
0x45: {  	s19 =	simm.s32 $0x15;
	[sflag:s17] =	ssyncadd.s32 $0xFFFFFFE0  }
0x46: {  	_ =	swait.ge [sflag:s19], $0x1000  }
0x47: {  	[sflag:s19] =	ssyncset.done $0x0  }
0x48: {  	[sflag:s19] =	ssyncadd.s32 $0xFFFFF000  }
0x49: {  	_ =	swait.ge [sflag:s19], $0x20  }
0x4a: {  	[sflag:s19] =	ssyncset.done $0x0  }
0x4b: {  	s20 =	simm.s32 $0x16;
	[sflag:s19] =	ssyncadd.s32 $0xFFFFFFE0  }
0x4c: {  	_ =	swait.ge [sflag:s20], $0x1000  }
0x4d: {  	[sflag:s20] =	ssyncset.done $0x0  }
0x4e: {  	[sflag:s20] =	ssyncadd.s32 $0xFFFFF000  }
0x4f: {  	_ =	swait.ge [sflag:s20], $0x20  }
0x50: {  	[sflag:s20] =	ssyncset.done $0x0  }
0x51: {  	s21 =	simm.s32 $0x17;
	[sflag:s20] =	ssyncadd.s32 $0xFFFFFFE0  }
0x52: {  	_ =	swait.ge [sflag:s21], $0x1000  }
0x53: {  	[sflag:s21] =	ssyncset.done $0x0  }
0x54: {  	[sflag:s21] =	ssyncadd.s32 $0xFFFFF000  }
0x55: {  	_ =	swait.ge [sflag:s21], $0x20  }
0x56: {  	[sflag:s21] =	ssyncset.done $0x0  }
0x57: {  	s22 =	simm.s32 $0x18;
	[sflag:s21] =	ssyncadd.s32 $0xFFFFFFE0  }
0x58: {  	_ =	swait.ge [sflag:s22], $0x1000  }
0x59: {  	[sflag:s22] =	ssyncset.done $0x0  }
0x5a: {  	[sflag:s22] =	ssyncadd.s32 $0xFFFFF000  }
0x5b: {  	_ =	swait.ge [sflag:s22], $0x20  }
0x5c: {  	[sflag:s22] =	ssyncset.done $0x0  }
0x5d: {  	[sflag:s22] =	ssyncadd.s32 $0xFFFFFFE0  }
0x5e: {  	[bflag:$0x0] =	sbarrier.arrive $0xFFFF  }
0x5f: {  	s23 =	sld [smem:$0x7FA]  }
0x60: {  	s4 =	rddreg [dreg:$0x16]  }
0x61: {  	s7 =	simm.s32 $0x19;
	s6 =	rddreg [dreg:$0x1f]  }
0x62: {  	[hbm:s4], [sflag:s6] =	dma.local [spmem:s23], $0x2800  }
0x63: {  	_ =	swait.ge [sflag:s7], $0x2800  }
0x64: {  	s25 =	sld [smem:$0x7FB]  }
0x65: {  	[sflag:s7] =	ssyncset.done $0x0  }
0x66: {  	s1 =	simm.s32 $0x1;
	s24 =	rddreg [dreg:$0x17];
	[sflag:s7] =	ssyncadd.s32 $0xFFFFD800  }
0x67: {  	[hbm:s24@s18], [sflag:s6] =	dma.strided [spmem:s25@s2], $0x50, s1, $0x10   }
0x68: {  	_ =	swait.ge [sflag:s7], $0x50  }
0x69: {  	s26 =	sld [smem:$0x7F9]  }
0x6a: {  	s31 =	sld [smem:$0x7FD];
	_ =	sdelay $0x1  }
0x6b: {  	s30 =	simm.s32 $0xB80;
	s3 =	sadd.s32 $0x1, s26  }
0x6c: {  	s29 =	simm.s32 $0x1000;
	s5 =	simm.s32 $0x2;
	p0 =	sne.s32 s3, s31  }
.Ltmp1:
0x6d: {  	s9 =	simm.s32 $0x2000;
	s28 =	simm.s32 $0x4000;
	(pc) =	sbr.rel @!p0 .LBB2_5-.Ltmp1, $4  }
0x6e: {  	s8 =	simm.s32 $0x5;
	s0 =	simm.s32 $0x0;
	s14 =	simm.s32 $0x3000  }
0x6f: {  	s17 =	simm.s32 $0xB00;
	s19 =	simm.s32 $0x7;
	s21 =	simm.s32 $0x4  }
0x70: {  	s22 =	simm.s32 $0x6000;
	s23 =	simm.s32 $0x5000;
	[sflag:s7] =	ssyncset.done $0x0  }
0x71: {  	s2 =	simm.s32 $0x3;
	s25 =	simm.s32 $0x6;
	[sflag:s7] =	ssyncadd.s32 $0xFFFFFFB0  }
.LBB2_1:
0x72: {  	[smem:$0x7F9] =	sst s3  }
0x73: {  	s4 =	rddreg [dreg:$0x1e]  }
0x74: {  	s15 =	rddreg [dreg:$0x3];
	s12 =	sshrl.u32 s4, $0x3  }
0x75: {  	[smem:$0x7FA] =	sst s12  }
0x76: {  	[spmem:s12], [sflag:s6] =	dma.local [hbm:s15], $0x2800  }
0x77: {  	_ =	swait.ge [sflag:s7], $0x2800  }
0x78: {  	s20 =	sld [smem:$0x7FC]  }
0x79: {  	[sflag:s7] =	ssyncset.done $0x0  }
0x7a: {  	[sflag:s7] =	ssyncadd.s32 $0xFFFFD800  }
0x7b: {  	s26 =	rddreg [dreg:$0x4];
	s24 =	sshrl.u32 s20, $0x3  }
0x7c: {  	[smem:$0x7FB] =	sst s24  }
0x7d: {  	[spmem:s24], [sflag:s6] =	dma.local [hbm:s26], $0x50  }
0x7e: {  	_ =	swait.ge [sflag:s7], $0x50  }
0x7f: {  	[sflag:s7] =	ssyncset.done $0x0  }
0x80: {  	[sflag:s7] =	ssyncadd.s32 $0xFFFFFFB0  }
0x81: {  	[tilespmem:$0x9000] =	vst v0  }
0x82: {  	[tilespmem:$0x9010] =	vst v0  }
0x83: {  	[bflag:$0x0] =	sbarrier.arrive $0xFFFF  }
0x84: {  	s10 =	rddreg [dreg:$0xa]  }
0x85: {  	[tilespmem:s0], [sflag:$0x1] =	stream.linear.gather [hbm4b:s10+s0], $0x20, $0x38;
	[tilespmem:$0x1D300] =	vst v63  }
0x86: {  	s12 =	simm.s32 $0x800;
	s11 =	rddreg [dreg:$0xb]  }
0x87: {  	[tilespmem:s12], [sflag:$0x1] =	stream.linear.gather [hbm4b:s11+s0], $0x20, $0x38;
	[tilespmem:$0x1D300] =	vst v63  }
0x88: {  	s6 =	simm.s32 $0x80;
	s15 =	rddreg [dreg:$0xc]  }
0x89: {  	[tilespmem:s6], [sflag:$0x2] =	stream.linear.gather [hbm4b:s15+s0], $0x20, $0x38;
	[tilespmem:$0x1D300] =	vst v63  }
0x8a: {  	s24 =	simm.s32 $0x880;
	s20 =	rddreg [dreg:$0xd]  }
0x8b: {  	[tilespmem:s24], [sflag:$0x2] =	stream.linear.gather [hbm4b:s20+s0], $0x20, $0x38;
	[tilespmem:$0x1D300] =	vst v63  }
0x8c: {  	s7 =	simm.s32 $0x100;
	s26 =	rddreg [dreg:$0xe]  }
0x8d: {  	[tilespmem:s7], [sflag:$0x3] =	stream.linear.gather [hbm4b:s26+s0], $0x20, $0x38;
	[tilespmem:$0x1D300] =	vst v63  }
0x8e: {  	s3 =	rddreg [dreg:$0xf];
	s10 =	simm.s32 $0x900  }
0x8f: {  	[tilespmem:s10], [sflag:$0x3] =	stream.linear.gather [hbm4b:s3+s0], $0x20, $0x38;
	[tilespmem:$0x1D300] =	vst v63  }
0x90: {  	s11 =	rddreg [dreg:$0x10];
	s10 =	simm.s32 $0x180  }
0x91: {  	[tilespmem:s10], [sflag:$0x4] =	stream.linear.gather [hbm4b:s11+s0], $0x20, $0x38;
	[tilespmem:$0x1D300] =	vst v63  }
0x92: {  	s12 =	rddreg [dreg:$0x11];
	s11 =	simm.s32 $0x980  }
0x93: {  	[tilespmem:s11], [sflag:$0x4] =	stream.linear.gather [hbm4b:s12+s0], $0x20, $0x38;
	[tilespmem:$0x1D300] =	vst v63  }
0x94: {  	s15 =	rddreg [dreg:$0x12];
	s11 =	simm.s32 $0x200  }
0x95: {  	[tilespmem:s11], [sflag:$0x5] =	stream.linear.gather [hbm4b:s15+s0], $0x20, $0x38;
	[tilespmem:$0x1D300] =	vst v63  }
0x96: {  	s20 =	rddreg [dreg:$0x13];
	s24 =	simm.s32 $0xA00  }
0x97: {  	[tilespmem:s24], [sflag:$0x5] =	stream.linear.gather [hbm4b:s20+s0], $0x20, $0x38;
	[tilespmem:$0x1D300] =	vst v63  }
0x98: {  	s26 =	smov.u32 s13;
	s13 =	simm.s32 $0x280;
	s3 =	rddreg [dreg:$0x14]  }
0x99: {  	[tilespmem:s13], [sflag:$0x6] =	stream.linear.gather [hbm4b:s3+s0], $0x20, $0x38;
	[tilespmem:$0x1D300] =	vst v63  }
0x9a: {  	s12 =	rddreg [dreg:$0x15];
	s15 =	simm.s32 $0xA80  }
0x9b: {  	[tilespmem:s15], [sflag:$0x6] =	stream.linear.gather [hbm4b:s12+s0], $0x20, $0x38;
	[tilespmem:$0x1D300] =	vst v63  }
0x9c: {  	s20 =	rddreg [dreg:$0x18];
	s3 =	smov.u32 s16;
	s16 =	simm.s32 $0x300  }
0x9d: {  	[tilespmem:s16], [sflag:$0x7] =	stream.linear.gather [hbm4b:s20+s0], $0x20, $0x38;
	[tilespmem:$0x1D300] =	vst v63  }
0x9e: {  	s24 =	rddreg [dreg:$0x19]  }
0x9f: {  	[tilespmem:s17], [sflag:$0x7] =	stream.linear.gather [hbm4b:s24+s0], $0x20, $0x38;
	[tilespmem:$0x1D300] =	vst v63  }
0xa0: {  	s12 =	rddreg [dreg:$0x1a];
	s15 =	simm.s32 $0x0;
	s20 =	simm.s32 $0x380  }
0xa1: {  	[tilespmem:s20], [sflag:$0x8] =	stream.linear.gather [hbm4b:s12+s15], $0x20, $0x38;
	[tilespmem:$0x1D300] =	vst v63  }
0xa2: {  	s24 =	rddreg [dreg:$0x1b]  }
0xa3: {  	[tilespmem:s30], [sflag:$0x8] =	stream.linear.gather [hbm4b:s24+s15], $0x20, $0x38;
	[tilespmem:$0x1D300] =	vst v63  }
0xa4: {  	_ =	swait.ge [sflag:s1], $0x20  }
0xa5: {  	[sflag:s1] =	ssyncset.done $0x0  }
0xa6: {  	[sflag:s1] =	ssyncadd.s32 $0xFFFFFFE0  }
0xa7: {  	_ =	swait.ge [sflag:s1], $0x20  }
0xa8: {  	[sflag:s1] =	ssyncset.done $0x0  }
0xa9: {  	[sflag:s1] =	ssyncadd.s32 $0xFFFFFFE0  }
0xaa: {  	s24 =	rddreg [dreg:$0x0]  }
0xab: {  	[tilespmem:s29], [sflag:$0x9] =	stream.indirect.gather [hbm4b:s24+s18], $0x80, s15, s18, $0xb8;
	[tilespmem:$0x1D300] =	vst v63  }
0xac: {  	_ =	swait.ge [sflag:s5], $0x20  }
0xad: {  	[sflag:s5] =	ssyncset.done $0x0  }
0xae: {  	[sflag:s5] =	ssyncadd.s32 $0xFFFFFFE0  }
0xaf: {  	_ =	swait.ge [sflag:s5], $0x20  }
0xb0: {  	[sflag:s5] =	ssyncset.done $0x0  }
0xb1: {  	[sflag:s5] =	ssyncadd.s32 $0xFFFFFFE0  }
0xb2: {  	[tilespmem:s9], [sflag:$0xA] =	stream.indirect.gather [hbm4b:s24+s18], $0x80, s6, s18, $0xb8;
	[tilespmem:$0x1D300] =	vst v63  }
0xb3: {  	_ =	swait.ge [sflag:s2], $0x20  }
0xb4: {  	[sflag:s2] =	ssyncset.done $0x0  }
0xb5: {  	[sflag:s2] =	ssyncadd.s32 $0xFFFFFFE0  }
0xb6: {  	_ =	swait.ge [sflag:s2], $0x20  }
0xb7: {  	[sflag:s2] =	ssyncset.done $0x0  }
0xb8: {  	[sflag:s2] =	ssyncadd.s32 $0xFFFFFFE0  }
0xb9: {  	[tilespmem:s14], [sflag:$0xB] =	stream.indirect.gather [hbm4b:s24+s18], $0x80, s7, s18, $0xb8;
	[tilespmem:$0x1D300] =	vst v63  }
0xba: {  	_ =	swait.ge [sflag:s21], $0x20  }
0xbb: {  	[sflag:s21] =	ssyncset.done $0x0  }
0xbc: {  	[sflag:s21] =	ssyncadd.s32 $0xFFFFFFE0  }
0xbd: {  	_ =	swait.ge [sflag:s21], $0x20  }
0xbe: {  	[sflag:s21] =	ssyncset.done $0x0  }
0xbf: {  	[sflag:s21] =	ssyncadd.s32 $0xFFFFFFE0  }
0xc0: {  	[tilespmem:s28], [sflag:$0xC] =	stream.indirect.gather [hbm4b:s24+s18], $0x80, s10, s18, $0xb8;
	[tilespmem:$0x1D300] =	vst v63  }
0xc1: {  	_ =	swait.ge [sflag:s8], $0x20  }
0xc2: {  	[sflag:s8] =	ssyncset.done $0x0  }
0xc3: {  	[sflag:s8] =	ssyncadd.s32 $0xFFFFFFE0  }
0xc4: {  	_ =	swait.ge [sflag:s8], $0x20  }
0xc5: {  	[sflag:s8] =	ssyncset.done $0x0  }
0xc6: {  	[sflag:s8] =	ssyncadd.s32 $0xFFFFFFE0  }
0xc7: {  	[tilespmem:s23], [sflag:$0xD] =	stream.indirect.gather [hbm4b:s24+s18], $0x80, s11, s18, $0xb8;
	[tilespmem:$0x1D300] =	vst v63  }
0xc8: {  	_ =	swait.ge [sflag:s25], $0x20  }
0xc9: {  	[sflag:s25] =	ssyncset.done $0x0  }
0xca: {  	[sflag:s25] =	ssyncadd.s32 $0xFFFFFFE0  }
0xcb: {  	_ =	swait.ge [sflag:s25], $0x20  }
0xcc: {  	[sflag:s25] =	ssyncset.done $0x0  }
0xcd: {  	[sflag:s25] =	ssyncadd.s32 $0xFFFFFFE0  }
0xce: {  	[tilespmem:s22], [sflag:$0xE] =	stream.indirect.gather [hbm4b:s24+s18], $0x80, s13, s18, $0xb8;
	[tilespmem:$0x1D300] =	vst v63  }
0xcf: {  	_ =	swait.ge [sflag:s19], $0x20  }
0xd0: {  	[sflag:s19] =	ssyncset.done $0x0  }
0xd1: {  	[sflag:s19] =	ssyncadd.s32 $0xFFFFFFE0  }
0xd2: {  	_ =	swait.ge [sflag:s19], $0x20  }
0xd3: {  	[sflag:s19] =	ssyncset.done $0x0  }
0xd4: {  	s6 =	simm.s32 $0x8;
	s10 =	simm.s32 $0x7000;
	[sflag:s19] =	ssyncadd.s32 $0xFFFFFFE0  }
0xd5: {  	[tilespmem:s10], [sflag:$0xF] =	stream.indirect.gather [hbm4b:s24+s18], $0x80, s16, s18, $0xb8;
	[tilespmem:$0x1D300] =	vst v63  }
0xd6: {  	_ =	swait.ge [sflag:s6], $0x20  }
0xd7: {  	[sflag:s6] =	ssyncset.done $0x0  }
0xd8: {  	[sflag:s6] =	ssyncadd.s32 $0xFFFFFFE0  }
0xd9: {  	s31 =	simm.s32 $0x0;
	s0 =	simm.s32 $0x9000;
	_ =	swait.ge [sflag:s6], $0x20  }
0xda: {  	s29 =	simm.s32 $0x8000;
	s15 =	simm.s32 $0x0;
	[sflag:s6] =	ssyncset.done $0x0  }
0xdb: {  	s13 =	smov.u32 s26;
	s16 =	smov.u32 s3;
	[sflag:s6] =	ssyncadd.s32 $0xFFFFFFE0  }
0xdc: {  	[tilespmem:s29], [sflag:$0x10] =	stream.indirect.gather [hbm4b:s24+s18], $0x80, s20, s18, $0xb8;
	[tilespmem:$0x1D300] =	vst v63  }
.LBB2_2:
0xdd: {  	s20 =	simm.s32 $0x9  }
0xde: {  	_ =	swait.ge [sflag:s20], $0x1000  }
0xdf: {  	[sflag:s20] =	ssyncset.done $0x0  }
0xe0: {  	s4 =	simm.s32 $0x800;
	s7 =	simm.s32 $0x1000;
	[sflag:s20] =	ssyncadd.s32 $0xFFFFF000  }
0xe1: {  	[spmem:s13] =	stream.indirect.scatter.add.f32 [tilespmem:s7], [sflag:$0x11], $0x80, s4, s18, $0xb8;
	[tilespmem:$0x1D300] =	vst v63  }
0xe2: {  	s13 =	rddreg [dreg:$0x1d]  }
0xe3: {  	s22 =	sadd.s32 s31, s13  }
0xe4: {  	[spmem:s16] =	stream.indirect.scatter.add.f32 [tilespmem:s0], [sflag:$0x11], $0x1, s4, s18, $0xb8;
	[tilespmem:$0x1D300] =	vst v63  }
0xe5: {  	s28 =	simm.s32 $0x400;
	s7 =	rddreg [dreg:$0x1c];
	s11 =	sadd.s32 $0x400, s22  }
0xe6: {  	[tilespmem:s28], [sflag:$0x1] =	stream.linear.gather [hbm4b:s11+s15], $0x20, $0x38;
	[tilespmem:$0x1D300] =	vst v63  }
0xe7: {  	s11 =	sadd.s32 s31, s7  }
0xe8: {  	s9 =	simm.s32 $0xC00;
	s14 =	simm.s32 $0xA;
	s12 =	sadd.s32 $0x400, s11  }
0xe9: {  	[tilespmem:s9], [sflag:$0x1] =	stream.linear.gather [hbm4b:s12+s15], $0x20, $0x38;
	[tilespmem:$0x1D300] =	vst v63  }
0xea: {  	_ =	swait.ge [sflag:s14], $0x1000  }
0xeb: {  	[sflag:s14] =	ssyncset.done $0x0  }
0xec: {  	s23 =	simm.s32 $0x880;
	s29 =	simm.s32 $0x2000;
	[sflag:s14] =	ssyncadd.s32 $0xFFFFF000  }
0xed: {  	[spmem:s26] =	stream.indirect.scatter.add.f32 [tilespmem:s29], [sflag:$0x12], $0x80, s23, s18, $0xb8;
	[tilespmem:$0x1D300] =	vst v63  }
0xee: {  	s0 =	simm.s32 $0x9000  }
0xef: {  	[spmem:s16] =	stream.indirect.scatter.add.f32 [tilespmem:s0], [sflag:$0x12], $0x1, s23, s18, $0xb8;
	[tilespmem:$0x1D300] =	vst v63  }
0xf0: {  	s9 =	sadd.s32 $0x480, s22;
	s23 =	simm.s32 $0x480  }
0xf1: {  	[tilespmem:s23], [sflag:$0x2] =	stream.linear.gather [hbm4b:s9+s15], $0x20, $0x38;
	[tilespmem:$0x1D300] =	vst v63  }
0xf2: {  	s12 =	sadd.s32 $0x480, s11;
	s14 =	simm.s32 $0xC80;
	s9 =	simm.s32 $0xB  }
0xf3: {  	[tilespmem:s14], [sflag:$0x2] =	stream.linear.gather [hbm4b:s12+s15], $0x20, $0x38;
	[tilespmem:$0x1D300] =	vst v63  }
0xf4: {  	_ =	swait.ge [sflag:s9], $0x1000  }
0xf5: {  	[sflag:s9] =	ssyncset.done $0x0  }
0xf6: {  	s12 =	simm.s32 $0x900;
	[sflag:s9] =	ssyncadd.s32 $0xFFFFF000;
	s9 =	simm.s32 $0x3000  }
0xf7: {  	[spmem:s26] =	stream.indirect.scatter.add.f32 [tilespmem:s9], [sflag:$0x13], $0x80, s12, s18, $0xb8;
	[tilespmem:$0x1D300] =	vst v63  }
0xf8: {  	_ = 	snop  }
0xf9: {  	[spmem:s16] =	stream.indirect.scatter.add.f32 [tilespmem:s0], [sflag:$0x13], $0x1, s12, s18, $0xb8;
	[tilespmem:$0x1D300] =	vst v63  }
0xfa: {  	s14 =	sadd.s32 $0x500, s22;
	s12 =	simm.s32 $0x500  }
0xfb: {  	[tilespmem:s12], [sflag:$0x3] =	stream.linear.gather [hbm4b:s14+s15], $0x20, $0x38;
	[tilespmem:$0x1D300] =	vst v63  }
0xfc: {  	s4 =	sadd.s32 $0x500, s11;
	s14 =	simm.s32 $0xD00  }
0xfd: {  	[tilespmem:s14], [sflag:$0x3] =	stream.linear.gather [hbm4b:s4+s15], $0x20, $0x38;
	[tilespmem:$0x1D300] =	vst v63  }
0xfe: {  	s14 =	simm.s32 $0xC  }
0xff: {  	_ =	swait.ge [sflag:s14], $0x1000  }
0x100: {  	[sflag:s14] =	ssyncset.done $0x0  }
0x101: {  	s4 =	simm.s32 $0x980;
	[sflag:s14] =	ssyncadd.s32 $0xFFFFF000;
	s14 =	simm.s32 $0x4000  }
0x102: {  	[spmem:s26] =	stream.indirect.scatter.add.f32 [tilespmem:s14], [sflag:$0x14], $0x80, s4, s18, $0xb8;
	[tilespmem:$0x1D300] =	vst v63  }
0x103: {  	_ = 	snop  }
0x104: {  	[spmem:s16] =	stream.indirect.scatter.add.f32 [tilespmem:s0], [sflag:$0x14], $0x1, s4, s18, $0xb8;
	[tilespmem:$0x1D300] =	vst v63  }
0x105: {  	s14 =	simm.s32 $0x580;
	s4 =	sadd.s32 $0x580, s22  }
0x106: {  	[tilespmem:s14], [sflag:$0x4] =	stream.linear.gather [hbm4b:s4+s15], $0x20, $0x38;
	[tilespmem:$0x1D300] =	vst v63  }
0x107: {  	s4 =	sadd.s32 $0x580, s11;
	s14 =	simm.s32 $0xD80  }
0x108: {  	[tilespmem:s14], [sflag:$0x4] =	stream.linear.gather [hbm4b:s4+s15], $0x20, $0x38;
	[tilespmem:$0x1D300] =	vst v63  }
0x109: {  	s14 =	simm.s32 $0xD  }
0x10a: {  	_ =	swait.ge [sflag:s14], $0x1000  }
0x10b: {  	[sflag:s14] =	ssyncset.done $0x0  }
0x10c: {  	s4 =	simm.s32 $0xA00;
	[sflag:s14] =	ssyncadd.s32 $0xFFFFF000;
	s14 =	simm.s32 $0x5000  }
0x10d: {  	[spmem:s26] =	stream.indirect.scatter.add.f32 [tilespmem:s14], [sflag:$0x15], $0x80, s4, s18, $0xb8;
	[tilespmem:$0x1D300] =	vst v63  }
0x10e: {  	_ = 	snop  }
0x10f: {  	[spmem:s16] =	stream.indirect.scatter.add.f32 [tilespmem:s0], [sflag:$0x15], $0x1, s4, s18, $0xb8;
	[tilespmem:$0x1D300] =	vst v63  }
0x110: {  	s14 =	simm.s32 $0x600;
	s4 =	sadd.s32 $0x600, s22  }
0x111: {  	[tilespmem:s14], [sflag:$0x5] =	stream.linear.gather [hbm4b:s4+s15], $0x20, $0x38;
	[tilespmem:$0x1D300] =	vst v63  }
0x112: {  	s4 =	sadd.s32 $0x600, s11;
	s14 =	simm.s32 $0xE00  }
0x113: {  	[tilespmem:s14], [sflag:$0x5] =	stream.linear.gather [hbm4b:s4+s15], $0x20, $0x38;
	[tilespmem:$0x1D300] =	vst v63  }
0x114: {  	s14 =	simm.s32 $0xE  }
0x115: {  	_ =	swait.ge [sflag:s14], $0x1000  }
0x116: {  	[sflag:s14] =	ssyncset.done $0x0  }
0x117: {  	s4 =	simm.s32 $0xA80;
	[sflag:s14] =	ssyncadd.s32 $0xFFFFF000;
	s14 =	simm.s32 $0x6000  }
0x118: {  	[spmem:s26] =	stream.indirect.scatter.add.f32 [tilespmem:s14], [sflag:$0x16], $0x80, s4, s18, $0xb8;
	[tilespmem:$0x1D300] =	vst v63  }
0x119: {  	_ = 	snop  }
0x11a: {  	[spmem:s16] =	stream.indirect.scatter.add.f32 [tilespmem:s0], [sflag:$0x16], $0x1, s4, s18, $0xb8;
	[tilespmem:$0x1D300] =	vst v63  }
0x11b: {  	s14 =	simm.s32 $0x680;
	s4 =	sadd.s32 $0x680, s22  }
0x11c: {  	[tilespmem:s14], [sflag:$0x6] =	stream.linear.gather [hbm4b:s4+s15], $0x20, $0x38;
	[tilespmem:$0x1D300] =	vst v63  }
0x11d: {  	s4 =	sadd.s32 $0x680, s11;
	s14 =	simm.s32 $0xE80  }
0x11e: {  	[tilespmem:s14], [sflag:$0x6] =	stream.linear.gather [hbm4b:s4+s15], $0x20, $0x38;
	[tilespmem:$0x1D300] =	vst v63  }
0x11f: {  	s14 =	simm.s32 $0xF  }
0x120: {  	_ =	swait.ge [sflag:s14], $0x1000  }
0x121: {  	[sflag:s14] =	ssyncset.done $0x0  }
0x122: {  	[sflag:s14] =	ssyncadd.s32 $0xFFFFF000  }
0x123: {  	[spmem:s26] =	stream.indirect.scatter.add.f32 [tilespmem:s10], [sflag:$0x17], $0x80, s17, s18, $0xb8;
	[tilespmem:$0x1D300] =	vst v63  }
0x124: {  	_ = 	snop  }
0x125: {  	[spmem:s16] =	stream.indirect.scatter.add.f32 [tilespmem:s0], [sflag:$0x17], $0x1, s17, s18, $0xb8;
	[tilespmem:$0x1D300] =	vst v63  }
0x126: {  	s14 =	simm.s32 $0x700;
	s17 =	sadd.s32 $0x700, s22  }
0x127: {  	[tilespmem:s14], [sflag:$0x7] =	stream.linear.gather [hbm4b:s17+s15], $0x20, $0x38;
	[tilespmem:$0x1D300] =	vst v63  }
0x128: {  	s4 =	sadd.s32 $0x700, s11;
	s17 =	simm.s32 $0xF00  }
0x129: {  	[tilespmem:s17], [sflag:$0x7] =	stream.linear.gather [hbm4b:s4+s15], $0x20, $0x38;
	[tilespmem:$0x1D300] =	vst v63  }
0x12a: {  	s17 =	simm.s32 $0x10  }
0x12b: {  	_ =	swait.ge [sflag:s17], $0x1000  }
0x12c: {  	[sflag:s17] =	ssyncset.done $0x0  }
0x12d: {  	[sflag:s17] =	ssyncadd.s32 $0xFFFFF000;
	s17 =	simm.s32 $0x8000  }
0x12e: {  	[spmem:s26] =	stream.indirect.scatter.add.f32 [tilespmem:s17], [sflag:$0x18], $0x80, s30, s18, $0xb8;
	[tilespmem:$0x1D300] =	vst v63  }
0x12f: {  	_ = 	snop  }
0x130: {  	[spmem:s16] =	stream.indirect.scatter.add.f32 [tilespmem:s0], [sflag:$0x18], $0x1, s30, s18, $0xb8;
	[tilespmem:$0x1D300] =	vst v63  }
0x131: {  	s17 =	sadd.s32 $0x780, s22;
	s30 =	simm.s32 $0x780  }
0x132: {  	[tilespmem:s30], [sflag:$0x8] =	stream.linear.gather [hbm4b:s17+s15], $0x20, $0x38;
	[tilespmem:$0x1D300] =	vst v63  }
0x133: {  	s4 =	sadd.s32 $0x780, s11;
	s17 =	simm.s32 $0xF80  }
0x134: {  	[tilespmem:s17], [sflag:$0x8] =	stream.linear.gather [hbm4b:s4+s15], $0x20, $0x38;
	[tilespmem:$0x1D300] =	vst v63  }
0x135: {  	s15 =	simm.s32 $0x11  }
0x136: {  	_ =	swait.ge [sflag:s15], $0x1000  }
0x137: {  	[sflag:s15] =	ssyncset.done $0x0  }
0x138: {  	[sflag:s15] =	ssyncadd.s32 $0xFFFFF000  }
0x139: {  	_ =	swait.ge [sflag:s15], $0x20  }
0x13a: {  	[sflag:s15] =	ssyncset.done $0x0  }
0x13b: {  	[sflag:s15] =	ssyncadd.s32 $0xFFFFFFE0  }
0x13c: {  	_ =	swait.ge [sflag:s1], $0x20  }
0x13d: {  	[sflag:s1] =	ssyncset.done $0x0  }
0x13e: {  	[sflag:s1] =	ssyncadd.s32 $0xFFFFFFE0  }
0x13f: {  	_ =	swait.ge [sflag:s1], $0x20  }
0x140: {  	[sflag:s1] =	ssyncset.done $0x0  }
0x141: {  	s4 =	simm.s32 $0x1000;
	s17 =	simm.s32 $0x12;
	[sflag:s1] =	ssyncadd.s32 $0xFFFFFFE0  }
0x142: {  	[tilespmem:s4], [sflag:$0x9] =	stream.indirect.gather [hbm4b:s24+s18], $0x80, s28, s18, $0xb8;
	[tilespmem:$0x1D300] =	vst v63  }
0x143: {  	_ =	swait.ge [sflag:s17], $0x1000  }
0x144: {  	[sflag:s17] =	ssyncset.done $0x0  }
0x145: {  	[sflag:s17] =	ssyncadd.s32 $0xFFFFF000  }
0x146: {  	_ =	swait.ge [sflag:s17], $0x20  }
0x147: {  	[sflag:s17] =	ssyncset.done $0x0  }
0x148: {  	[sflag:s17] =	ssyncadd.s32 $0xFFFFFFE0  }
0x149: {  	_ =	swait.ge [sflag:s5], $0x20  }
0x14a: {  	[sflag:s5] =	ssyncset.done $0x0  }
0x14b: {  	[sflag:s5] =	ssyncadd.s32 $0xFFFFFFE0  }
0x14c: {  	_ =	swait.ge [sflag:s5], $0x20  }
0x14d: {  	[sflag:s5] =	ssyncset.done $0x0  }
0x14e: {  	s15 =	simm.s32 $0x13;
	[sflag:s5] =	ssyncadd.s32 $0xFFFFFFE0  }
0x14f: {  	[tilespmem:s29], [sflag:$0xA] =	stream.indirect.gather [hbm4b:s24+s18], $0x80, s23, s18, $0xb8;
	[tilespmem:$0x1D300] =	vst v63  }
0x150: {  	_ =	swait.ge [sflag:s15], $0x1000  }
0x151: {  	[sflag:s15] =	ssyncset.done $0x0  }
0x152: {  	[sflag:s15] =	ssyncadd.s32 $0xFFFFF000  }
0x153: {  	_ =	swait.ge [sflag:s15], $0x20  }
0x154: {  	[sflag:s15] =	ssyncset.done $0x0  }
0x155: {  	[sflag:s15] =	ssyncadd.s32 $0xFFFFFFE0  }
0x156: {  	_ =	swait.ge [sflag:s2], $0x20  }
0x157: {  	[sflag:s2] =	ssyncset.done $0x0  }
0x158: {  	[sflag:s2] =	ssyncadd.s32 $0xFFFFFFE0  }
0x159: {  	_ =	swait.ge [sflag:s2], $0x20  }
0x15a: {  	[sflag:s2] =	ssyncset.done $0x0  }
0x15b: {  	s17 =	simm.s32 $0x14;
	[sflag:s2] =	ssyncadd.s32 $0xFFFFFFE0  }
0x15c: {  	[tilespmem:s9], [sflag:$0xB] =	stream.indirect.gather [hbm4b:s24+s18], $0x80, s12, s18, $0xb8;
	[tilespmem:$0x1D300] =	vst v63  }
0x15d: {  	_ =	swait.ge [sflag:s17], $0x1000  }
0x15e: {  	[sflag:s17] =	ssyncset.done $0x0  }
0x15f: {  	[sflag:s17] =	ssyncadd.s32 $0xFFFFF000  }
0x160: {  	_ =	swait.ge [sflag:s17], $0x20  }
0x161: {  	[sflag:s17] =	ssyncset.done $0x0  }
0x162: {  	[sflag:s17] =	ssyncadd.s32 $0xFFFFFFE0  }
0x163: {  	_ =	swait.ge [sflag:s21], $0x20  }
0x164: {  	[sflag:s21] =	ssyncset.done $0x0  }
0x165: {  	[sflag:s21] =	ssyncadd.s32 $0xFFFFFFE0  }
0x166: {  	_ =	swait.ge [sflag:s21], $0x20  }
0x167: {  	s23 =	simm.s32 $0x4000;
	[sflag:s21] =	ssyncset.done $0x0  }
0x168: {  	s29 =	simm.s32 $0x580;
	s2 =	simm.s32 $0x15;
	[sflag:s21] =	ssyncadd.s32 $0xFFFFFFE0  }
0x169: {  	[tilespmem:s23], [sflag:$0xC] =	stream.indirect.gather [hbm4b:s24+s18], $0x80, s29, s18, $0xb8;
	[tilespmem:$0x1D300] =	vst v63  }
0x16a: {  	_ =	swait.ge [sflag:s2], $0x1000  }
0x16b: {  	[sflag:s2] =	ssyncset.done $0x0  }
0x16c: {  	[sflag:s2] =	ssyncadd.s32 $0xFFFFF000  }
0x16d: {  	_ =	swait.ge [sflag:s2], $0x20  }
0x16e: {  	[sflag:s2] =	ssyncset.done $0x0  }
0x16f: {  	[sflag:s2] =	ssyncadd.s32 $0xFFFFFFE0  }
0x170: {  	_ =	swait.ge [sflag:s8], $0x20  }
0x171: {  	[sflag:s8] =	ssyncset.done $0x0  }
0x172: {  	[sflag:s8] =	ssyncadd.s32 $0xFFFFFFE0  }
0x173: {  	_ =	swait.ge [sflag:s8], $0x20  }
0x174: {  	s5 =	simm.s32 $0x5000;
	[sflag:s8] =	ssyncset.done $0x0  }
0x175: {  	s9 =	simm.s32 $0x16;
	[sflag:s8] =	ssyncadd.s32 $0xFFFFFFE0;
	s8 =	simm.s32 $0x600  }
0x176: {  	[tilespmem:s5], [sflag:$0xD] =	stream.indirect.gather [hbm4b:s24+s18], $0x80, s8, s18, $0xb8;
	[tilespmem:$0x1D300] =	vst v63  }
0x177: {  	_ =	swait.ge [sflag:s9], $0x1000  }
0x178: {  	[sflag:s9] =	ssyncset.done $0x0  }
0x179: {  	[sflag:s9] =	ssyncadd.s32 $0xFFFFF000  }
0x17a: {  	_ =	swait.ge [sflag:s9], $0x20  }
0x17b: {  	[sflag:s9] =	ssyncset.done $0x0  }
0x17c: {  	[sflag:s9] =	ssyncadd.s32 $0xFFFFFFE0  }
0x17d: {  	_ =	swait.ge [sflag:s25], $0x20  }
0x17e: {  	[sflag:s25] =	ssyncset.done $0x0  }
0x17f: {  	[sflag:s25] =	ssyncadd.s32 $0xFFFFFFE0  }
0x180: {  	_ =	swait.ge [sflag:s25], $0x20  }
0x181: {  	s15 =	simm.s32 $0x680;
	[sflag:s25] =	ssyncset.done $0x0  }
0x182: {  	s12 =	simm.s32 $0x6000;
	s17 =	simm.s32 $0x17;
	[sflag:s25] =	ssyncadd.s32 $0xFFFFFFE0  }
0x183: {  	[tilespmem:s12], [sflag:$0xE] =	stream.indirect.gather [hbm4b:s24+s18], $0x80, s15, s18, $0xb8;
	[tilespmem:$0x1D300] =	vst v63  }
0x184: {  	_ =	swait.ge [sflag:s17], $0x1000  }
0x185: {  	[sflag:s17] =	ssyncset.done $0x0  }
0x186: {  	[sflag:s17] =	ssyncadd.s32 $0xFFFFF000  }
0x187: {  	_ =	swait.ge [sflag:s17], $0x20  }
0x188: {  	[sflag:s17] =	ssyncset.done $0x0  }
0x189: {  	[sflag:s17] =	ssyncadd.s32 $0xFFFFFFE0  }
0x18a: {  	_ =	swait.ge [sflag:s19], $0x20  }
0x18b: {  	[sflag:s19] =	ssyncset.done $0x0  }
0x18c: {  	[sflag:s19] =	ssyncadd.s32 $0xFFFFFFE0  }
0x18d: {  	_ =	swait.ge [sflag:s19], $0x20  }
0x18e: {  	[sflag:s19] =	ssyncset.done $0x0  }
0x18f: {  	s21 =	simm.s32 $0x18;
	[sflag:s19] =	ssyncadd.s32 $0xFFFFFFE0  }
0x190: {  	[tilespmem:s10], [sflag:$0xF] =	stream.indirect.gather [hbm4b:s24+s18], $0x80, s14, s18, $0xb8;
	[tilespmem:$0x1D300] =	vst v63  }
0x191: {  	_ =	swait.ge [sflag:s21], $0x1000  }
0x192: {  	[sflag:s21] =	ssyncset.done $0x0  }
0x193: {  	[sflag:s21] =	ssyncadd.s32 $0xFFFFF000  }
0x194: {  	_ =	swait.ge [sflag:s21], $0x20  }
0x195: {  	[sflag:s21] =	ssyncset.done $0x0  }
0x196: {  	[sflag:s21] =	ssyncadd.s32 $0xFFFFFFE0  }
0x197: {  	_ =	swait.ge [sflag:s6], $0x20  }
0x198: {  	[sflag:s6] =	ssyncset.done $0x0  }
0x199: {  	[sflag:s6] =	ssyncadd.s32 $0xFFFFFFE0  }
0x19a: {  	_ =	swait.ge [sflag:s6], $0x20  }
0x19b: {  	[sflag:s6] =	ssyncset.done $0x0  }
0x19c: {  	s23 =	simm.s32 $0x8000;
	[sflag:s6] =	ssyncadd.s32 $0xFFFFFFE0  }
0x19d: {  	[tilespmem:s23], [sflag:$0x10] =	stream.indirect.gather [hbm4b:s24+s18], $0x80, s30, s18, $0xb8;
	[tilespmem:$0x1D300] =	vst v63  }
0x19e: {  	_ =	swait.ge [sflag:s20], $0x1000  }
0x19f: {  	[sflag:s20] =	ssyncset.done $0x0  }
0x1a0: {  	p0 =	seq.s32 s31, $0x9800;
	s25 =	simm.s32 $0xC00;
	[sflag:s20] =	ssyncadd.s32 $0xFFFFF000  }
0x1a1: {  	[spmem:s26] =	stream.indirect.scatter.add.f32 [tilespmem:s4], [sflag:$0x11], $0x80, s25, s18, $0xb8;
	[tilespmem:$0x1D300] =	vst v63  }
0x1a2: {  	s4 =	simm.s32 @p0 $0xA  }
0x1a3: {  	[spmem:s16] =	stream.indirect.scatter.add.f32 [tilespmem:s0], [sflag:$0x11], $0x1, s25, s18, $0xb8;
	[tilespmem:$0x1D300] =	vst v63  }
0x1a4: {  	_ =	swait.ge @p0 [sflag:s4], $0x1000  }
0x1a5: {  	s6 =	simm.s32 @p0 $0x2000;
	[sflag:s4] =	ssyncset.done @p0 $0x0  }
0x1a6: {  	s16 =	simm.s32 @p0 $0x20;
	[sflag:s4] =	ssyncadd.s32 @p0 $0xFFFFF000;
	s4 =	simm.s32 @p0 $0xC80  }
0x1a7: {  	[spmem:s26] =	stream.indirect.scatter.add.f32 @p0 [tilespmem:s6], [sflag:$0x12], $0x80, s4, s16, $0xb8;
	[tilespmem:$0x1D300] =	vst v63  }
0x1a8: {  	s10 =	simm.s32 @p0 $0x9000  }
0x1a9: {  	[spmem:s3] =	stream.indirect.scatter.add.f32 @p0 [tilespmem:s10], [sflag:$0x12], $0x1, s4, s16, $0xb8;
	[tilespmem:$0x1D300] =	vst v63  }
0x1aa: {  	s4 =	sadd.s32 @!p0 s31, s13  }
0x1ab: {  	s13 =	simm.s32 @!p0 $0x0;
	s6 =	sadd.s32 @!p0 $0x800, s4  }
0x1ac: {  	[tilespmem:s13], [sflag:$0x1] =	stream.linear.gather @!p0 [hbm4b:s6+s13], $0x20, $0x38;
	[tilespmem:$0x1D300] =	vst v63  }
0x1ad: {  	s6 =	sadd.s32 @!p0 s31, s7  }
0x1ae: {  	s17 =	simm.s32 @!p0 $0x800;
	s7 =	sadd.s32 @!p0 $0x800, s6  }
0x1af: {  	[tilespmem:s17], [sflag:$0x1] =	stream.linear.gather @!p0 [hbm4b:s7+s13], $0x20, $0x38;
	[tilespmem:$0x1D300] =	vst v63  }
0x1b0: {  	s7 =	simm.s32 @!p0 $0xA  }
0x1b1: {  	_ =	swait.ge @!p0 [sflag:s7], $0x1000  }
0x1b2: {  	s20 =	simm.s32 @!p0 $0xC80;
	[sflag:s7] =	ssyncset.done @!p0 $0x0  }
0x1b3: {  	s17 =	simm.s32 @!p0 $0x2000;
	[sflag:s7] =	ssyncadd.s32 @!p0 $0xFFFFF000;
	s7 =	simm.s32 @!p0 $0x20  }
0x1b4: {  	[spmem:s26] =	stream.indirect.scatter.add.f32 @!p0 [tilespmem:s17], [sflag:$0x12], $0x80, s20, s7, $0xb8;
	[tilespmem:$0x1D300] =	vst v63  }
0x1b5: {  	s17 =	simm.s32 @!p0 $0x9000  }
0x1b6: {  	[spmem:s3] =	stream.indirect.scatter.add.f32 @!p0 [tilespmem:s17], [sflag:$0x12], $0x1, s20, s7, $0xb8;
	[tilespmem:$0x1D300] =	vst v63  }
0x1b7: {  	s29 =	simm.s32 @!p0 $0x80;
	s20 =	sadd.s32 @!p0 $0x880, s4  }
0x1b8: {  	[tilespmem:s29], [sflag:$0x2] =	stream.linear.gather @!p0 [hbm4b:s20+s13], $0x20, $0x38;
	[tilespmem:$0x1D300] =	vst v63  }
0x1b9: {  	s20 =	sadd.s32 @!p0 $0x880, s6;
	s29 =	simm.s32 @!p0 $0x880  }
0x1ba: {  	[tilespmem:s29], [sflag:$0x2] =	stream.linear.gather @!p0 [hbm4b:s20+s13], $0x20, $0x38;
	[tilespmem:$0x1D300] =	vst v63  }
0x1bb: {  	s29 =	simm.s32 $0xB  }
0x1bc: {  	_ =	swait.ge [sflag:s29], $0x1000  }
0x1bd: {  	[sflag:s29] =	ssyncset.done $0x0  }
0x1be: {  	s21 =	simm.s32 $0x3000;
	[sflag:s29] =	ssyncadd.s32 $0xFFFFF000;
	s29 =	simm.s32 $0xD00  }
0x1bf: {  	[spmem:s26] =	stream.indirect.scatter.add.f32 [tilespmem:s21], [sflag:$0x13], $0x80, s29, s18, $0xb8;
	[tilespmem:$0x1D300] =	vst v63  }
0x1c0: {  	s20 =	simm.s32 @p0 $0xC  }
0x1c1: {  	[spmem:s3] =	stream.indirect.scatter.add.f32 [tilespmem:s0], [sflag:$0x13], $0x1, s29, s18, $0xb8;
	[tilespmem:$0x1D300] =	vst v63  }
0x1c2: {  	_ =	swait.ge @p0 [sflag:s20], $0x1000  }
0x1c3: {  	[sflag:s20] =	ssyncset.done @p0 $0x0  }
0x1c4: {  	s29 =	simm.s32 @p0 $0x4000;
	[sflag:s20] =	ssyncadd.s32 @p0 $0xFFFFF000;
	s20 =	simm.s32 @p0 $0xD80  }
0x1c5: {  	[spmem:s26] =	stream.indirect.scatter.add.f32 @p0 [tilespmem:s29], [sflag:$0x14], $0x80, s20, s16, $0xb8;
	[tilespmem:$0x1D300] =	vst v63  }
0x1c6: {  	_ = 	snop  }
0x1c7: {  	[spmem:s3] =	stream.indirect.scatter.add.f32 @p0 [tilespmem:s10], [sflag:$0x14], $0x1, s20, s16, $0xb8;
	[tilespmem:$0x1D300] =	vst v63  }
0x1c8: {  	s29 =	simm.s32 @!p0 $0x100;
	s20 =	sadd.s32 @!p0 $0x900, s4  }
0x1c9: {  	[tilespmem:s29], [sflag:$0x3] =	stream.linear.gather @!p0 [hbm4b:s20+s13], $0x20, $0x38;
	[tilespmem:$0x1D300] =	vst v63  }
0x1ca: {  	s20 =	sadd.s32 @!p0 $0x900, s6;
	s29 =	simm.s32 @!p0 $0x900  }
0x1cb: {  	[tilespmem:s29], [sflag:$0x3] =	stream.linear.gather @!p0 [hbm4b:s20+s13], $0x20, $0x38;
	[tilespmem:$0x1D300] =	vst v63  }
0x1cc: {  	s20 =	simm.s32 @!p0 $0xC  }
0x1cd: {  	_ =	swait.ge @!p0 [sflag:s20], $0x1000  }
0x1ce: {  	[sflag:s20] =	ssyncset.done @!p0 $0x0  }
0x1cf: {  	s29 =	simm.s32 @!p0 $0x4000;
	[sflag:s20] =	ssyncadd.s32 @!p0 $0xFFFFF000;
	s20 =	simm.s32 @!p0 $0xD80  }
0x1d0: {  	[spmem:s26] =	stream.indirect.scatter.add.f32 @!p0 [tilespmem:s29], [sflag:$0x14], $0x80, s20, s7, $0xb8;
	[tilespmem:$0x1D300] =	vst v63  }
0x1d1: {  	_ = 	snop  }
0x1d2: {  	[spmem:s3] =	stream.indirect.scatter.add.f32 @!p0 [tilespmem:s17], [sflag:$0x14], $0x1, s20, s7, $0xb8;
	[tilespmem:$0x1D300] =	vst v63  }
0x1d3: {  	s29 =	simm.s32 @!p0 $0x180;
	s20 =	sadd.s32 @!p0 $0x980, s4  }
0x1d4: {  	[tilespmem:s29], [sflag:$0x4] =	stream.linear.gather @!p0 [hbm4b:s20+s13], $0x20, $0x38;
	[tilespmem:$0x1D300] =	vst v63  }
0x1d5: {  	s20 =	sadd.s32 @!p0 $0x980, s6;
	s29 =	simm.s32 @!p0 $0x980  }
0x1d6: {  	[tilespmem:s29], [sflag:$0x4] =	stream.linear.gather @!p0 [hbm4b:s20+s13], $0x20, $0x38;
	[tilespmem:$0x1D300] =	vst v63  }
0x1d7: {  	s29 =	simm.s32 $0xD  }
0x1d8: {  	_ =	swait.ge [sflag:s29], $0x1000  }
0x1d9: {  	[sflag:s29] =	ssyncset.done $0x0  }
0x1da: {  	s25 =	simm.s32 $0x5000;
	[sflag:s29] =	ssyncadd.s32 $0xFFFFF000;
	s29 =	simm.s32 $0xE00  }
0x1db: {  	[spmem:s26] =	stream.indirect.scatter.add.f32 [tilespmem:s25], [sflag:$0x15], $0x80, s29, s18, $0xb8;
	[tilespmem:$0x1D300] =	vst v63  }
0x1dc: {  	s20 =	simm.s32 @p0 $0xE  }
0x1dd: {  	[spmem:s3] =	stream.indirect.scatter.add.f32 [tilespmem:s0], [sflag:$0x15], $0x1, s29, s18, $0xb8;
	[tilespmem:$0x1D300] =	vst v63  }
0x1de: {  	_ =	swait.ge @p0 [sflag:s20], $0x1000  }
0x1df: {  	[sflag:s20] =	ssyncset.done @p0 $0x0  }
0x1e0: {  	s29 =	simm.s32 @p0 $0x6000;
	[sflag:s20] =	ssyncadd.s32 @p0 $0xFFFFF000;
	s20 =	simm.s32 @p0 $0xE80  }
0x1e1: {  	[spmem:s26] =	stream.indirect.scatter.add.f32 @p0 [tilespmem:s29], [sflag:$0x16], $0x80, s20, s16, $0xb8;
	[tilespmem:$0x1D300] =	vst v63  }
0x1e2: {  	_ = 	snop  }
0x1e3: {  	[spmem:s3] =	stream.indirect.scatter.add.f32 @p0 [tilespmem:s10], [sflag:$0x16], $0x1, s20, s16, $0xb8;
	[tilespmem:$0x1D300] =	vst v63  }
0x1e4: {  	s10 =	sadd.s32 @!p0 $0xA00, s4;
	s16 =	simm.s32 @!p0 $0x200  }
0x1e5: {  	[tilespmem:s16], [sflag:$0x5] =	stream.linear.gather @!p0 [hbm4b:s10+s13], $0x20, $0x38;
	[tilespmem:$0x1D300] =	vst v63  }
0x1e6: {  	s10 =	sadd.s32 @!p0 $0xA00, s6;
	s16 =	simm.s32 @!p0 $0xA00  }
0x1e7: {  	[tilespmem:s16], [sflag:$0x5] =	stream.linear.gather @!p0 [hbm4b:s10+s13], $0x20, $0x38;
	[tilespmem:$0x1D300] =	vst v63  }
0x1e8: {  	s1 =	simm.s32 $0xB80;
	s10 =	simm.s32 @!p0 $0xE  }
0x1e9: {  	s28 =	simm.s32 $0x6;
	s2 =	simm.s32 $0x2000;
	_ =	swait.ge @!p0 [sflag:s10], $0x1000  }
0x1ea: {  	s8 =	simm.s32 $0x0;
	s5 =	simm.s32 $0x1000;
	[sflag:s10] =	ssyncset.done @!p0 $0x0  }
0x1eb: {  	s16 =	simm.s32 @!p0 $0x6000;
	[sflag:s10] =	ssyncadd.s32 @!p0 $0xFFFFF000;
	s10 =	simm.s32 @!p0 $0xE80  }
0x1ec: {  	[spmem:s26] =	stream.indirect.scatter.add.f32 @!p0 [tilespmem:s16], [sflag:$0x16], $0x80, s10, s7, $0xb8;
	[tilespmem:$0x1D300] =	vst v63  }
0x1ed: {  	s9 =	simm.s32 $0x2;
	s15 =	simm.s32 $0x8;
	s12 =	simm.s32 $0x5  }
0x1ee: {  	[spmem:s3] =	stream.indirect.scatter.add.f32 @!p0 [tilespmem:s17], [sflag:$0x16], $0x1, s10, s7, $0xb8;
	[tilespmem:$0x1D300] =	vst v63  }
0x1ef: {  	s19 =	simm.s32 $0x7;
	s4 =	sadd.s32 @!p0 $0xA80, s4;
	s7 =	simm.s32 @!p0 $0x280  }
0x1f0: {  	[tilespmem:s7], [sflag:$0x6] =	stream.linear.gather @!p0 [hbm4b:s4+s13], $0x20, $0x38;
	[tilespmem:$0x1D300] =	vst v63  }
0x1f1: {  	s20 =	simm.s32 $0xF;
	s4 =	sadd.s32 @!p0 $0xA80, s6;
	s6 =	simm.s32 @!p0 $0xA80  }
0x1f2: {  	[tilespmem:s6], [sflag:$0x6] =	stream.linear.gather @!p0 [hbm4b:s4+s13], $0x20, $0x38;
	[tilespmem:$0x1D300] =	vst v63  }
0x1f3: {  	s14 =	simm.s32 $0x3;
	s23 =	simm.s32 $0xB00;
	_ =	swait.ge [sflag:s20], $0x1000  }
.Ltmp2:
0x1f4: {  	s30 =	simm.s32 $0x4;
	[sflag:s20] =	ssyncset.done $0x0;
	(pc) =	sbr.rel @p0 .LBB2_4-.Ltmp2, $4  }
0x1f5: {  	s29 =	simm.s32 $0xF00;
	s10 =	simm.s32 $0x7000;
	[sflag:s20] =	ssyncadd.s32 $0xFFFFF000  }
0x1f6: {  	[spmem:s26] =	stream.indirect.scatter.add.f32 [tilespmem:s10], [sflag:$0x17], $0x80, s29, s18, $0xb8;
	[tilespmem:$0x1D300] =	vst v63  }
0x1f7: {  	s0 =	simm.s32 $0x9000;
	s16 =	smov.u32 s3;
	s13 =	smov.u32 s26  }
0x1f8: {  	[spmem:s3] =	stream.indirect.scatter.add.f32 [tilespmem:s0], [sflag:$0x17], $0x1, s29, s18, $0xb8;
	[tilespmem:$0x1D300] =	vst v63  }
0x1f9: {  	s4 =	sadd.s32 $0xB00, s22;
	s6 =	simm.s32 $0x300  }
0x1fa: {  	[tilespmem:s6], [sflag:$0x7] =	stream.linear.gather [hbm4b:s4+s8], $0x20, $0x38;
	[tilespmem:$0x1D300] =	vst v63  }
0x1fb: {  	s17 =	sadd.s32 $0xB00, s11;
	s20 =	simm.s32 $0x10  }
0x1fc: {  	[tilespmem:s23], [sflag:$0x7] =	stream.linear.gather [hbm4b:s17+s8], $0x20, $0x38;
	[tilespmem:$0x1D300] =	vst v63  }
0x1fd: {  	_ =	swait.ge [sflag:s20], $0x1000  }
0x1fe: {  	[sflag:s20] =	ssyncset.done $0x0  }
0x1ff: {  	s17 =	simm.s32 $0x8000;
	s23 =	simm.s32 $0xF80;
	[sflag:s20] =	ssyncadd.s32 $0xFFFFF000  }
0x200: {  	[spmem:s13] =	stream.indirect.scatter.add.f32 [tilespmem:s17], [sflag:$0x18], $0x80, s23, s18, $0xb8;
	[tilespmem:$0x1D300] =	vst v63  }
0x201: {  	_ = 	snop  }
0x202: {  	[spmem:s16] =	stream.indirect.scatter.add.f32 [tilespmem:s0], [sflag:$0x18], $0x1, s23, s18, $0xb8;
	[tilespmem:$0x1D300] =	vst v63  }
0x203: {  	s29 =	sadd.s32 $0xB80, s22;
	s7 =	simm.s32 $0x380  }
0x204: {  	[tilespmem:s7], [sflag:$0x8] =	stream.linear.gather [hbm4b:s29+s8], $0x20, $0x38;
	[tilespmem:$0x1D300] =	vst v63  }
0x205: {  	s22 =	simm.s32 $0x11;
	s20 =	sadd.s32 $0xB80, s11  }
0x206: {  	[tilespmem:s1], [sflag:$0x8] =	stream.linear.gather [hbm4b:s20+s8], $0x20, $0x38;
	[tilespmem:$0x1D300] =	vst v63  }
0x207: {  	_ =	swait.ge [sflag:s22], $0x1000  }
0x208: {  	[sflag:s22] =	ssyncset.done $0x0  }
0x209: {  	[sflag:s22] =	ssyncadd.s32 $0xFFFFF000  }
0x20a: {  	_ =	swait.ge [sflag:s22], $0x20  }
0x20b: {  	[sflag:s22] =	ssyncset.done $0x0  }
0x20c: {  	s1 =	simm.s32 $0x1;
	[sflag:s22] =	ssyncadd.s32 $0xFFFFFFE0  }
0x20d: {  	_ =	swait.ge [sflag:s1], $0x20  }
0x20e: {  	[sflag:s1] =	ssyncset.done $0x0  }
0x20f: {  	[sflag:s1] =	ssyncadd.s32 $0xFFFFFFE0  }
0x210: {  	_ =	swait.ge [sflag:s1], $0x20  }
0x211: {  	[sflag:s1] =	ssyncset.done $0x0  }
0x212: {  	s23 =	simm.s32 $0x12;
	[sflag:s1] =	ssyncadd.s32 $0xFFFFFFE0  }
0x213: {  	[tilespmem:s5], [sflag:$0x9] =	stream.indirect.gather [hbm4b:s24+s18], $0x80, s8, s18, $0xb8;
	[tilespmem:$0x1D300] =	vst v63  }
0x214: {  	_ =	swait.ge [sflag:s23], $0x1000  }
0x215: {  	[sflag:s23] =	ssyncset.done $0x0  }
0x216: {  	[sflag:s23] =	ssyncadd.s32 $0xFFFFF000  }
0x217: {  	_ =	swait.ge [sflag:s23], $0x20  }
0x218: {  	[sflag:s23] =	ssyncset.done $0x0  }
0x219: {  	[sflag:s23] =	ssyncadd.s32 $0xFFFFFFE0  }
0x21a: {  	_ =	swait.ge [sflag:s9], $0x20  }
0x21b: {  	[sflag:s9] =	ssyncset.done $0x0  }
0x21c: {  	[sflag:s9] =	ssyncadd.s32 $0xFFFFFFE0  }
0x21d: {  	_ =	swait.ge [sflag:s9], $0x20  }
0x21e: {  	[sflag:s9] =	ssyncset.done $0x0  }
0x21f: {  	s29 =	simm.s32 $0x80;
	s5 =	simm.s32 $0x13;
	[sflag:s9] =	ssyncadd.s32 $0xFFFFFFE0  }
0x220: {  	[tilespmem:s2], [sflag:$0xA] =	stream.indirect.gather [hbm4b:s24+s18], $0x80, s29, s18, $0xb8;
	[tilespmem:$0x1D300] =	vst v63  }
0x221: {  	_ =	swait.ge [sflag:s5], $0x1000  }
0x222: {  	[sflag:s5] =	ssyncset.done $0x0  }
0x223: {  	[sflag:s5] =	ssyncadd.s32 $0xFFFFF000  }
0x224: {  	_ =	swait.ge [sflag:s5], $0x20  }
0x225: {  	[sflag:s5] =	ssyncset.done $0x0  }
0x226: {  	[sflag:s5] =	ssyncadd.s32 $0xFFFFFFE0  }
0x227: {  	_ =	swait.ge [sflag:s14], $0x20  }
0x228: {  	[sflag:s14] =	ssyncset.done $0x0  }
0x229: {  	[sflag:s14] =	ssyncadd.s32 $0xFFFFFFE0  }
0x22a: {  	_ =	swait.ge [sflag:s14], $0x20  }
0x22b: {  	[sflag:s14] =	ssyncset.done $0x0  }
0x22c: {  	s8 =	simm.s32 $0x100;
	s9 =	simm.s32 $0x14;
	[sflag:s14] =	ssyncadd.s32 $0xFFFFFFE0  }
0x22d: {  	[tilespmem:s21], [sflag:$0xB] =	stream.indirect.gather [hbm4b:s24+s18], $0x80, s8, s18, $0xb8;
	[tilespmem:$0x1D300] =	vst v63  }
0x22e: {  	_ =	swait.ge [sflag:s9], $0x1000  }
0x22f: {  	[sflag:s9] =	ssyncset.done $0x0  }
0x230: {  	[sflag:s9] =	ssyncadd.s32 $0xFFFFF000  }
0x231: {  	_ =	swait.ge [sflag:s9], $0x20  }
0x232: {  	[sflag:s9] =	ssyncset.done $0x0  }
0x233: {  	[sflag:s9] =	ssyncadd.s32 $0xFFFFFFE0  }
0x234: {  	_ =	swait.ge [sflag:s30], $0x20  }
0x235: {  	[sflag:s30] =	ssyncset.done $0x0  }
0x236: {  	[sflag:s30] =	ssyncadd.s32 $0xFFFFFFE0  }
0x237: {  	_ =	swait.ge [sflag:s30], $0x20  }
0x238: {  	s11 =	simm.s32 $0x180;
	[sflag:s30] =	ssyncset.done $0x0  }
0x239: {  	s20 =	simm.s32 $0x15;
	s14 =	simm.s32 $0x4000;
	[sflag:s30] =	ssyncadd.s32 $0xFFFFFFE0  }
0x23a: {  	[tilespmem:s14], [sflag:$0xC] =	stream.indirect.gather [hbm4b:s24+s18], $0x80, s11, s18, $0xb8;
	[tilespmem:$0x1D300] =	vst v63  }
0x23b: {  	_ =	swait.ge [sflag:s20], $0x1000  }
0x23c: {  	[sflag:s20] =	ssyncset.done $0x0  }
0x23d: {  	[sflag:s20] =	ssyncadd.s32 $0xFFFFF000  }
0x23e: {  	_ =	swait.ge [sflag:s20], $0x20  }
0x23f: {  	[sflag:s20] =	ssyncset.done $0x0  }
0x240: {  	[sflag:s20] =	ssyncadd.s32 $0xFFFFFFE0  }
0x241: {  	_ =	swait.ge [sflag:s12], $0x20  }
0x242: {  	[sflag:s12] =	ssyncset.done $0x0  }
0x243: {  	[sflag:s12] =	ssyncadd.s32 $0xFFFFFFE0  }
0x244: {  	_ =	swait.ge [sflag:s12], $0x20  }
0x245: {  	[sflag:s12] =	ssyncset.done $0x0  }
0x246: {  	s22 =	simm.s32 $0x16;
	s21 =	simm.s32 $0x200;
	[sflag:s12] =	ssyncadd.s32 $0xFFFFFFE0  }
0x247: {  	[tilespmem:s25], [sflag:$0xD] =	stream.indirect.gather [hbm4b:s24+s18], $0x80, s21, s18, $0xb8;
	[tilespmem:$0x1D300] =	vst v63  }
0x248: {  	_ =	swait.ge [sflag:s22], $0x1000  }
0x249: {  	[sflag:s22] =	ssyncset.done $0x0  }
0x24a: {  	[sflag:s22] =	ssyncadd.s32 $0xFFFFF000  }
0x24b: {  	_ =	swait.ge [sflag:s22], $0x20  }
0x24c: {  	[sflag:s22] =	ssyncset.done $0x0  }
0x24d: {  	[sflag:s22] =	ssyncadd.s32 $0xFFFFFFE0  }
0x24e: {  	_ =	swait.ge [sflag:s28], $0x20  }
0x24f: {  	[sflag:s28] =	ssyncset.done $0x0  }
0x250: {  	[sflag:s28] =	ssyncadd.s32 $0xFFFFFFE0  }
0x251: {  	_ =	swait.ge [sflag:s28], $0x20  }
0x252: {  	s23 =	simm.s32 $0x280;
	[sflag:s28] =	ssyncset.done $0x0  }
0x253: {  	s25 =	simm.s32 $0x6000;
	[sflag:s28] =	ssyncadd.s32 $0xFFFFFFE0;
	s28 =	simm.s32 $0x17  }
0x254: {  	[tilespmem:s25], [sflag:$0xE] =	stream.indirect.gather [hbm4b:s24+s18], $0x80, s23, s18, $0xb8;
	[tilespmem:$0x1D300] =	vst v63  }
0x255: {  	_ =	swait.ge [sflag:s28], $0x1000  }
0x256: {  	[sflag:s28] =	ssyncset.done $0x0  }
0x257: {  	[sflag:s28] =	ssyncadd.s32 $0xFFFFF000  }
0x258: {  	_ =	swait.ge [sflag:s28], $0x20  }
0x259: {  	[sflag:s28] =	ssyncset.done $0x0  }
0x25a: {  	[sflag:s28] =	ssyncadd.s32 $0xFFFFFFE0  }
0x25b: {  	_ =	swait.ge [sflag:s19], $0x20  }
0x25c: {  	[sflag:s19] =	ssyncset.done $0x0  }
0x25d: {  	[sflag:s19] =	ssyncadd.s32 $0xFFFFFFE0  }
0x25e: {  	_ =	swait.ge [sflag:s19], $0x20  }
0x25f: {  	[sflag:s19] =	ssyncset.done $0x0  }
0x260: {  	s29 =	simm.s32 $0x18;
	[sflag:s19] =	ssyncadd.s32 $0xFFFFFFE0  }
0x261: {  	[tilespmem:s10], [sflag:$0xF] =	stream.indirect.gather [hbm4b:s24+s18], $0x80, s6, s18, $0xb8;
	[tilespmem:$0x1D300] =	vst v63  }
0x262: {  	_ =	swait.ge [sflag:s29], $0x1000  }
0x263: {  	[sflag:s29] =	ssyncset.done $0x0  }
0x264: {  	[sflag:s29] =	ssyncadd.s32 $0xFFFFF000  }
0x265: {  	_ =	swait.ge [sflag:s29], $0x20  }
0x266: {  	[sflag:s29] =	ssyncset.done $0x0  }
0x267: {  	[sflag:s29] =	ssyncadd.s32 $0xFFFFFFE0  }
0x268: {  	_ =	swait.ge [sflag:s15], $0x20  }
0x269: {  	s31 =	sadd.s32 $0x800, s31;
	[sflag:s15] =	ssyncset.done $0x0  }
0x26a: {  	s2 =	simm.s32 $0x3;
	s5 =	simm.s32 $0x2;
	[sflag:s15] =	ssyncadd.s32 $0xFFFFFFE0  }
.Ltmp3:
0x26b: {  	s8 =	simm.s32 $0x5;
	_ =	swait.ge [sflag:s15], $0x20;
	(pc) =	sbr.rel .LBB2_2-.Ltmp3, $4  }
0x26c: {  	s30 =	simm.s32 $0xB80;
	s21 =	simm.s32 $0x4;
	[sflag:s15] =	ssyncset.done $0x0  }
0x26d: {  	s25 =	simm.s32 $0x6;
	s19 =	simm.s32 $0x7;
	[sflag:s15] =	ssyncadd.s32 $0xFFFFFFE0  }
0x26e: {  	[tilespmem:s17], [sflag:$0x10] =	stream.indirect.gather [hbm4b:s24+s18], $0x80, s7, s18, $0xb8;
	[tilespmem:$0x1D300] =	vst v63  }
0x26f: {  	s6 =	simm.s32 $0x8;
	s15 =	simm.s32 $0x0;
	s17 =	simm.s32 $0xB00  }
.LBB2_5:
0x270: {  	_ =	sfence.sel $0x180000  }
0x271: {  	[bflag:$0x0] =	sbarrier.arrive $0xFFFF  }
0x272: {  	_ =	strace $0x90000047  }
0x273: {  	s0 =	stileid.u32;
	[bflag:$0x2] =	sbarrier.arrive $0xFFFF  }
0x274: {  	p0 =	sne.s32 s0, $0x0;
	s0 =	rddreg [dreg:$0x9]  }
0x275: {  	s0 =	sadd.s32 @!p0 $0x100000, s0  }
0x276: {  	[sflag:s0] =	ssyncadd.tile.s32 @!p0 $0x1;
	_ =	shalt  }
.Lfunc_end2:
_tile_overlayer_lowered:
.L_overlay_start_2:
0x277: {  	(tag) =	ssettag $0x2  }
0x278: {  	s0 =	rddreg [dreg:$0x0];
	s2 =	stileid.u32  }
0x279: {  	s1 =	rddreg [dreg:$0x1];
	p0 =	sne.s32 s2, $0x0  }
0x27a: {  	s3 =	rddreg [dreg:$0x2];
	[bflag:$0x3] =	sbarrier.arrive $0xFFFF;
	s2 =	simm.s32 @!p0 $0x1C19  }
0x27b: {  	[timem:s3], [sflag:s2] =	dma.local @!p0 [hbm:s0], s1  }
0x27c: {  	s0 =	simm.s32 @!p0 $0x19  }
0x27d: {  	_ =	swait.ge @!p0 [sflag:s0], s1  }
0x27e: {  	s1 =	ssub.s32 @!p0 $0x0, s1;
	[sflag:s0] =	ssyncset.done @!p0 $0x0  }
0x27f: {  	[sflag:s0] =	ssyncadd.s32 @!p0 s1  }
0x280: {  	[bflag:$0x3] =	sbarrier.arrive $0xFFFF  }
0x281: {  	_ =	shalt  }

</sc_bundles>
